<compile_context>
chip_gen: v7x
topology: tpu7x:2x2x1
jax: 0.10.2.dev20260603
libtpu: 0.0.44.dev20260713+nightly
codegen_flags: <defaults>
</compile_context>

<pallas_src>
import functools

import jax
import jax.numpy as jnp
from jax import lax
from jax.experimental import pallas as pl
from jax.experimental.pallas import tpu as pltpu
from jax.experimental.pallas import tpu_sc as plsc

N = 10000
E = 320000
D_IN = 128
D_EDGE = 16
H = 10
L = 3

HP = 16
NW = 32
BE = 128
NBLK = 80
EPAD = NW * NBLK * BE
NPAD = 10240
RPS = NPAD // 16
ZB = 64
NDEP = 4

ER8 = E // 8
EP8 = EPAD // 8
NR8 = N // 8
NP8 = NPAD // 8

_f32 = jnp.float32



_mesh = plsc.VectorSubcoreMesh(core_axis_name="c", subcore_axis_name="s")
_sc_params = pltpu.CompilerParams(use_tc_tiling_on_sc=False)


def _zero_acc(zbuf, acc, s):
    def zrow(i, _):
        zbuf[i] = jnp.zeros((HP,), _f32)
        return 0

    lax.fori_loop(0, ZB, zrow, 0)

    def zcp(k, _):
        pltpu.sync_copy(zbuf, acc.at[pl.ds(s * RPS + k * ZB, ZB)])
        return 0

    lax.fori_loop(0, RPS // ZB, zcp, 0)


def _flush_acc(acc, out_hbm, c, s):
    pltpu.sync_copy(
        acc.at[pl.ds(s * RPS, RPS)],
        out_hbm.at[c, pl.ds(s * RPS, RPS)],
    )


@functools.partial(
    pl.kernel,
    out_type=jax.ShapeDtypeStruct((2, NPAD, HP), _f32),
    mesh=_mesh,
    compiler_params=_sc_params,
    scratch_types=[
        pltpu.VMEM((NBLK, BE), jnp.int32),
        pltpu.VMEM((NBLK, BE), jnp.int32),
        pltpu.VMEM((NDEP, BE, HP), _f32),
        pltpu.VMEM((ZB, HP), _f32),
        pltpu.VMEM_SHARED((NPAD, HP), _f32),
    ] + [pltpu.SemaphoreType.DMA] * (NDEP + 2),
)
def _seg_gather(r_hbm, sd_hbm, out_hbm, sidx, didx, rows, zbuf, acc,
                g0, g1, g2, g3, sc0, sc1):
    c = lax.axis_index("c")
    s = lax.axis_index("s")
    wid = s * 2 + c
    gsem = (g0, g1, g2, g3)
    ssem = (sc0, sc1)
    _zero_acc(zbuf, acc, s)
    pltpu.sync_copy(sd_hbm.at[0, wid], sidx)
    pltpu.sync_copy(sd_hbm.at[1, wid], didx)
    plsc.subcore_barrier()

    def gath(g, j):
        pltpu.async_copy(r_hbm.at[sidx.at[g]], rows.at[j], gsem[j])

    def wait_gath(g, j):
        pltpu.make_async_copy(r_hbm.at[sidx.at[g]], rows.at[j], gsem[j]).wait()

    def scat(g, j, p):
        pltpu.async_copy(rows.at[j], acc.at[didx.at[g]], ssem[p], add=True)

    def wait_scat(g, j, p):
        pltpu.make_async_copy(rows.at[j], acc.at[didx.at[g]], ssem[p]).wait()

    gath(0, 0)
    gath(1, 1)
    for j in range(NDEP):
        g = j
        wait_gath(g, j)
        if j >= 2:
            wait_scat(g - 2, j - 2, j % 2)
        scat(g, j, j % 2)
        gath(g + 2, (g + 2) % NDEP)

    def quad(k, _):
        for j in range(NDEP):
            g = k * NDEP + j
            wait_gath(g, j)
            wait_scat(g - 2, (j + 2) % NDEP, j % 2)
            scat(g, j, j % 2)
            gath(g + 2, (j + 2) % NDEP)
        return 0

    lax.fori_loop(1, NBLK // NDEP - 1, quad, 0)
    for j in range(NDEP):
        g = NBLK - NDEP + j
        wait_gath(g, j)
        wait_scat(g - 2, (j + 2) % NDEP, j % 2)
        scat(g, j, j % 2)
        if j < 2:
            gath(g + 2, (g + 2) % NDEP)
    wait_scat(NBLK - 2, 2, 0)
    wait_scat(NBLK - 1, 3, 1)

    plsc.subcore_barrier()
    _flush_acc(acc, out_hbm, c, s)


@functools.partial(
    pl.kernel,
    out_type=jax.ShapeDtypeStruct((2, NPAD, HP), _f32),
    mesh=_mesh,
    compiler_params=_sc_params,
    scratch_types=[
        pltpu.VMEM((NBLK, BE), jnp.int32),
        pltpu.VMEM((NDEP, BE, HP), _f32),
        pltpu.VMEM((ZB, HP), _f32),
        pltpu.VMEM_SHARED((NPAD, HP), _f32),
    ] + [pltpu.SemaphoreType.DMA] * (NDEP + 2),
)
def _seg_linear(vals_hbm, sd_hbm, out_hbm, didx, rows, zbuf, acc,
                g0, g1, g2, g3, sc0, sc1):
    c = lax.axis_index("c")
    s = lax.axis_index("s")
    wid = s * 2 + c
    gsem = (g0, g1, g2, g3)
    ssem = (sc0, sc1)
    _zero_acc(zbuf, acc, s)
    pltpu.sync_copy(sd_hbm.at[1, wid], didx)
    plsc.subcore_barrier()

    def src_block(g):
        return vals_hbm.at[pl.ds((wid * NBLK + g) * BE, BE)]

    def gath(g, j):
        pltpu.async_copy(src_block(g), rows.at[j], gsem[j])

    def wait_gath(g, j):
        pltpu.make_async_copy(src_block(g), rows.at[j], gsem[j]).wait()

    def scat(g, j, p):
        pltpu.async_copy(rows.at[j], acc.at[didx.at[g]], ssem[p], add=True)

    def wait_scat(g, j, p):
        pltpu.make_async_copy(rows.at[j], acc.at[didx.at[g]], ssem[p]).wait()

    gath(0, 0)
    gath(1, 1)
    for j in range(NDEP):
        g = j
        wait_gath(g, j)
        if j >= 2:
            wait_scat(g - 2, j - 2, j % 2)
        scat(g, j, j % 2)
        gath(g + 2, (g + 2) % NDEP)

    def quad(k, _):
        for j in range(NDEP):
            g = k * NDEP + j
            wait_gath(g, j)
            wait_scat(g - 2, (j + 2) % NDEP, j % 2)
            scat(g, j, j % 2)
            gath(g + 2, (j + 2) % NDEP)
        return 0

    lax.fori_loop(1, NBLK // NDEP - 1, quad, 0)
    for j in range(NDEP):
        g = NBLK - NDEP + j
        wait_gath(g, j)
        wait_scat(g - 2, (j + 2) % NDEP, j % 2)
        scat(g, j, j % 2)
        if j < 2:
            gath(g + 2, (g + 2) % NDEP)
    wait_scat(NBLK - 2, 2, 0)
    wait_scat(NBLK - 1, 3, 1)

    plsc.subcore_barrier()
    _flush_acc(acc, out_hbm, c, s)



_EI_R = E // BE
_EI_RP = EPAD // BE


def _idx_body(e_ref, o_ref):
    i = pl.program_id(1)
    row = i * 256 + lax.broadcasted_iota(jnp.int32, (1, 256, 1), 1)
    o_ref[...] = jnp.where(row < _EI_R, e_ref[...], N)


_idx_call = pl.pallas_call(
    _idx_body,
    grid=(2, _EI_RP // 256),
    in_specs=[pl.BlockSpec((1, 256, BE), lambda p, i: (p, jnp.minimum(i, _EI_R // 256), 0))],
    out_specs=pl.BlockSpec((1, 256, BE), lambda p, i: (p, i, 0)),
    out_shape=jax.ShapeDtypeStruct((2, _EI_RP, BE), jnp.int32),
)

_EW_BLK = 2048
_EW_GRID = EP8 // 2048


def _ew_body(ea_ref, w1_ref, w2_ref, e15_ref, o_ref):
    i = pl.program_id(0)
    t = jnp.maximum(jnp.dot(ea_ref[...], w1_ref[...], preferred_element_type=_f32), 0.0)
    m = jnp.maximum(jnp.dot(t, w2_ref[...], preferred_element_type=_f32), 0.0)
    row = i * _EW_BLK + lax.broadcasted_iota(jnp.int32, (_EW_BLK, 1), 0)
    o_ref[...] = jnp.where(row < ER8, m + e15_ref[...], 0.0)


_ew_call = pl.pallas_call(
    _ew_body,
    grid=(_EW_GRID,),
    in_specs=[
        pl.BlockSpec((_EW_BLK, 128), lambda i: (i, 0)),
        pl.BlockSpec((128, 128), lambda i: (0, 0)),
        pl.BlockSpec((128, 128), lambda i: (0, 0)),
        pl.BlockSpec((1, 128), lambda i: (0, 0)),
    ],
    out_specs=pl.BlockSpec((_EW_BLK, 128), lambda i: (i, 0)),
    out_shape=jax.ShapeDtypeStruct((EP8, 128), _f32),
)

_X_BLK = 256


def _x_body(x_ref, w_ref, b_ref, xp_ref, r0_ref):
    i = pl.program_id(0)
    xp = jnp.dot(x_ref[...], w_ref[...], preferred_element_type=_f32) + b_ref[...]
    row = i * _X_BLK + lax.broadcasted_iota(jnp.int32, (_X_BLK, 1), 0)
    xp = jnp.where(row < NR8, xp, 0.0)
    xp_ref[...] = xp
    r0_ref[...] = jnp.maximum(xp, 0.0)


_x_call = pl.pallas_call(
    _x_body,
    grid=(NP8 // _X_BLK,),
    in_specs=[
        pl.BlockSpec((_X_BLK, 8 * D_IN), lambda i: (i, 0)),
        pl.BlockSpec((8 * D_IN, 128), lambda i: (0, 0)),
        pl.BlockSpec((1, 128), lambda i: (0, 0)),
    ],
    out_specs=[
        pl.BlockSpec((_X_BLK, 128), lambda i: (i, 0)),
        pl.BlockSpec((_X_BLK, 128), lambda i: (i, 0)),
    ],
    out_shape=[
        jax.ShapeDtypeStruct((NP8, 128), _f32),
        jax.ShapeDtypeStruct((NP8, 128), _f32),
    ],
)

_C_BLK = 256
_C_GRID = NP8 // _C_BLK


def _combine_core(s0, s1, w0, w1, r, xp, av, bv, cv, uv, wxi, wh, psel):
    S = s0[...] + s1[...]
    W = w0[...] + w1[...]
    indeg = jnp.dot(W, psel[...], preferred_element_type=_f32)
    aggr = av[...] * r[...] * indeg + bv[...] * S + cv[...] * W
    h = aggr * uv[...]
    return (jnp.dot(xp[...], wxi[...], preferred_element_type=_f32)
            + jnp.dot(h, wh[...], preferred_element_type=_f32))


def _combine_body(s0, s1, w0, w1, r, xp, av, bv, cv, uv, wxi, wh, psel, out_r):
    out_r[...] = jnp.maximum(
        _combine_core(s0, s1, w0, w1, r, xp, av, bv, cv, uv, wxi, wh, psel), 0.0)


def _final_body(s0, s1, w0, w1, r, xp, av, bv, cv, uv, wxi, wh, psel, owx, owh, o_ref):
    h = _combine_core(s0, s1, w0, w1, r, xp, av, bv, cv, uv, wxi, wh, psel)
    rn = jnp.maximum(h, 0.0)
    o_ref[...] = (jnp.dot(xp[...], owx[...], preferred_element_type=_f32)
                  + jnp.dot(rn, owh[...], preferred_element_type=_f32))


def _nblk(i):
    return (i, 0)


def _nblk1(i):
    return (i + _C_GRID, 0)


def _small(i):
    return (0, 0)


_comb_in_specs = [
    pl.BlockSpec((_C_BLK, 128), _nblk),
    pl.BlockSpec((_C_BLK, 128), _nblk1),
    pl.BlockSpec((_C_BLK, 128), _nblk),
    pl.BlockSpec((_C_BLK, 128), _nblk1),
    pl.BlockSpec((_C_BLK, 128), _nblk),
    pl.BlockSpec((_C_BLK, 128), _nblk),
    pl.BlockSpec((1, 128), _small),
    pl.BlockSpec((1, 128), _small),
    pl.BlockSpec((1, 128), _small),
    pl.BlockSpec((1, 128), _small),
    pl.BlockSpec((128, 128), _small),
    pl.BlockSpec((128, 128), _small),
    pl.BlockSpec((128, 128), _small),
]

_combine_call = pl.pallas_call(
    _combine_body,
    grid=(_C_GRID,),
    in_specs=_comb_in_specs,
    out_specs=pl.BlockSpec((_C_BLK, 128), _nblk),
    out_shape=jax.ShapeDtypeStruct((NP8, 128), _f32),
)

_final_call = pl.pallas_call(
    _final_body,
    grid=(_C_GRID,),
    in_specs=_comb_in_specs + [
        pl.BlockSpec((128, 8), _small),
        pl.BlockSpec((128, 8), _small),
    ],
    out_specs=pl.BlockSpec((_C_BLK, 8), _nblk),
    out_shape=jax.ShapeDtypeStruct((NP8, 8), _f32),
)



def kernel(x, edge_index, edge_attr, ew_w1, ew_w2, i_w, i_b, conv_mlp, conv_upd, lin_ws, o_w):
    ei = edge_index.astype(jnp.int32).reshape(2, _EI_R, BE)
    sd3 = _idx_call(ei).reshape(2, NW, NBLK, BE)

    eye8 = jnp.eye(8, dtype=_f32)
    w1p = jnp.zeros((D_EDGE, HP), _f32).at[:, :H].set(ew_w1)
    w2p = jnp.zeros((HP, HP), _f32).at[:H, :H].set(ew_w2)
    w1b = jnp.kron(eye8, w1p)
    w2b = jnp.kron(eye8, w2p)
    e15t = jnp.tile(jnp.zeros((1, HP), _f32).at[0, HP - 1].set(1.0), (1, 8))

    iwp = jnp.zeros((D_IN, HP), _f32).at[:, :H].set(i_w)
    iw8 = jnp.kron(eye8, iwp)
    ib8 = jnp.tile(jnp.zeros((1, HP), _f32).at[0, :H].set(i_b), (1, 8))

    psel = jnp.kron(eye8, jnp.zeros((HP, HP), _f32).at[HP - 1, :].set(1.0))

    ea8 = edge_attr.reshape(ER8, 128)
    x8 = x.reshape(NR8, 8 * D_IN)

    ew = _ew_call(ea8, w1b, w2b, e15t)
    xp, r = _x_call(x8, iw8, ib8)

    sewp = _seg_linear(ew.reshape(EPAD, HP), sd3)
    sew8 = sewp.reshape(2 * NP8, 128)

    for l in range(L):
        Sp = _seg_gather(r.reshape(NPAD, HP), sd3)
        sp8 = Sp.reshape(2 * NP8, 128)
        av = jnp.tile(jnp.zeros((1, HP), _f32).at[0, :H].set(conv_mlp[l, :, 0]), (1, 8))
        bv = jnp.tile(jnp.zeros((1, HP), _f32).at[0, :H].set(conv_mlp[l, :, 1]), (1, 8))
        cv = jnp.tile(jnp.zeros((1, HP), _f32).at[0, :H].set(conv_mlp[l, :, 2]), (1, 8))
        uv = jnp.tile(jnp.zeros((1, HP), _f32).at[0, :H].set(conv_upd[l]), (1, 8))
        wx = jnp.zeros((HP, HP), _f32).at[:H, :H].set(lin_ws[l, :H, :])
        wh = jnp.zeros((HP, HP), _f32).at[:H, :H].set(lin_ws[l, H:, :])
        wxi = jnp.kron(eye8, wx) + jnp.eye(128, dtype=_f32)
        whb = jnp.kron(eye8, wh)
        args = (sp8, sp8, sew8, sew8, r, xp, av, bv, cv, uv, wxi, whb, psel)
        if l < L - 1:
            r = _combine_call(*args)
        else:
            owx = jnp.kron(eye8, jnp.zeros((HP, 1), _f32).at[:H, :].set(o_w[:H, :]))
            owh = jnp.kron(eye8, jnp.zeros((HP, 1), _f32).at[:H, :].set(o_w[H:, :]))
            out8 = _final_call(*args, owx, owh)
    return out8.reshape(NPAD, 1)[:N]

# --- scband reference (transcript-rebuilt; emitter-appended) ---
"""Pipeline reference for scband-gcnevaluator-28870770164391 (READ-ONLY COPY).

The authoritative reference and input builder live on the scoring server;
editing this copy changes nothing except your own understanding.
"""

import jax, jax.numpy as jnp
import numpy as np

N = 10000
E = 320000
D_IN = 128
D_EDGE = 16
H = 10
L = 3
D_OUT = 1


def setup_inputs(seed: int = 0) -> dict:
    key = jax.random.key(seed)
    ks = jax.random.split(key, 16)
    x = jax.random.normal(ks[0], (N, D_IN), dtype=jnp.float32)
    edge_index = jax.random.randint(ks[1], (2, E), 0, N, dtype=jnp.int64)
    edge_attr = jax.random.normal(ks[2], (E, D_EDGE), dtype=jnp.float32)
    # edge_weight_lin: Linear(edge_dim,H,no bias) -> ReLU -> Linear(H,H,no bias) -> ReLU
    ew_w1 = jax.random.normal(ks[3], (D_EDGE, H), dtype=jnp.float32) * 0.1
    ew_w2 = jax.random.normal(ks[4], (H, H), dtype=jnp.float32) * 0.1
    # i_lin: Linear(input_dim, H) with bias
    i_w = jax.random.normal(ks[5], (D_IN, H), dtype=jnp.float32) * 0.05
    i_b = jax.random.normal(ks[6], (H,), dtype=jnp.float32) * 0.05
    # per-layer, per-channel MessagePassingNNWithEdge params:
    #   mlp: Linear(3,1,no bias) -> weight [3]; update_mlp: Linear(1,1,no bias) -> scalar
    conv_mlp = jax.random.normal(ks[7], (L, H, 3), dtype=jnp.float32) * 0.1
    conv_upd = jax.random.normal(ks[8], (L, H), dtype=jnp.float32) * 0.1
    # per-layer mixing Linear(2H, H, no bias)
    lin_ws = jax.random.normal(ks[9], (L, 2 * H, H), dtype=jnp.float32) * 0.1
    # o_lin: Linear(2H, output_dim, no bias)
    o_w = jax.random.normal(ks[10], (2 * H, D_OUT), dtype=jnp.float32) * 0.1
    return {"x": x, "edge_index": edge_index, "edge_attr": edge_attr,
            "ew_w1": ew_w1, "ew_w2": ew_w2, "i_w": i_w, "i_b": i_b,
            "conv_mlp": conv_mlp, "conv_upd": conv_upd, "lin_ws": lin_ws, "o_w": o_w}


def reference(x, edge_index, edge_attr, ew_w1, ew_w2, i_w, i_b, conv_mlp, conv_upd, lin_ws, o_w):
    relu = jax.nn.relu
    src = edge_index[0]
    dst = edge_index[1]
    # edge_weight = edge_weight_lin(edge_attr)  -> [E, H]
    ew = relu(relu(edge_attr @ ew_w1) @ ew_w2)
    x_ = x @ i_w + i_b
    h = x_
    for l in range(L):
        # activation
        h = relu(h)
        # hidden_dim parallel MessagePassingNNWithEdge convs, one per channel (vectorized):
        # message = mlp([x_i, x_j, edge_attr_c]); aggr='add' over dst; update = upd_w * aggr
        x_i = h[dst]  # [E, H] target features
        x_j = h[src]  # [E, H] source features
        msg = x_i * conv_mlp[l, :, 0] + x_j * conv_mlp[l, :, 1] + ew * conv_mlp[l, :, 2]
        aggr = jnp.zeros_like(h).at[dst].add(msg)
        h = aggr * conv_upd[l]
        # Linear(2H -> H, no bias) on cat([x_, h]) plus residual
        h = jnp.concatenate([x_, h], axis=1) @ lin_ws[l]
        h = h + x_
    h = relu(h)
    out = jnp.concatenate([x_, h], axis=1) @ o_w
    return out

if __name__ == "__main__":
    import jax
    _d = setup_inputs()
    print(jax.jit(kernel)(*tuple(_d.values())))

</pallas_src>

<mosaic_0001>
#map = affine_map<(d0, d1) -> (0, 0)>
#map1 = affine_map<(d0, d1) -> (0, 0, 0, 0)>
#map2 = affine_map<(d0, d1) -> (0, 0, 0)>
module attributes {stable_mosaic.version = 14 : i64} {
  func.func @_seg_gather(%arg0: i32, %arg1: i32, %arg2: memref<10240x16xf32, #tpu.memory_space<hbm>>, %arg3: memref<2x32x80x128xi32, #tpu.memory_space<hbm>>, %arg4: memref<2x10240x16xf32, #tpu.memory_space<hbm>>, %arg5: memref<80x128xi32, #tpu.memory_space<vmem>>, %arg6: memref<80x128xi32, #tpu.memory_space<vmem>>, %arg7: memref<4x128x16xf32, #tpu.memory_space<vmem>>, %arg8: memref<64x16xf32, #tpu.memory_space<vmem>>, %arg9: memref<10240x16xf32, #tpu.memory_space<vmem_shared>>, %arg10: memref<!tpu.dma_semaphore, #tpu.memory_space<semaphore_mem>>, %arg11: memref<!tpu.dma_semaphore, #tpu.memory_space<semaphore_mem>>, %arg12: memref<!tpu.dma_semaphore, #tpu.memory_space<semaphore_mem>>, %arg13: memref<!tpu.dma_semaphore, #tpu.memory_space<semaphore_mem>>, %arg14: memref<!tpu.dma_semaphore, #tpu.memory_space<semaphore_mem>>, %arg15: memref<!tpu.dma_semaphore, #tpu.memory_space<semaphore_mem>>) attributes {dimension_semantics = [#tpu.dimension_semantics<core_parallel>, #tpu.dimension_semantics<subcore_parallel>], iteration_bounds = array<i64: 2, 16>, scalar_prefetch = 0 : i64, scratch_operands = 11 : i64, tpu.core_type = #tpu.core_type<sc_vector_subcore>, window_params = [{transform_indices = #map}, {transform_indices = #map1}, {transform_indices = #map2}]} {
    %mul3A = arith.constant 2 : i32
    %mul3A_0 = arith.muli %arg1, %mul3A : i32
    %add3A = arith.addi %mul3A_0, %arg0 : i32
    %scan3A = arith.constant 0 : i32
    %scan3A_1 = arith.constant 0 : i32
    %scan3A_2 = arith.constant 64 : i32
    %scan3A_3 = arith.addi %scan3A_1, %scan3A_2 : i32
    %scan3A_4 = arith.constant 1 : i32
    %scan3A_5 = scf.for %scan3A_409 = %scan3A_1 to %scan3A_3 step %scan3A_4 iter_args(%scan3A_410 = %scan3A) -> (i32)  : i32 {
      %broadcast_in_dim3A = arith.constant 0.000000e+00 : f32
      %broadcast_in_dim3A_411 = vector.broadcast %broadcast_in_dim3A : f32 to vector<16xf32>
      %swap3A = arith.index_cast %scan3A_409 : i32 to index
      %swap3A_412 = arith.constant 0 : index
      %swap3A_413 = tpu.vector_load %arg8[%swap3A, %swap3A_412] {strides = array<i32>} : memref<64x16xf32, #tpu.memory_space<vmem>>, vector<1x16xf32>,
      %swap3A_414 = vector.shape_cast %swap3A_413 : vector<1x16xf32> to vector<16xf32>
      %swap3A_415 = vector.shape_cast %broadcast_in_dim3A_411 : vector<16xf32> to vector<1x16xf32>
      tpu.vector_store %arg8[%swap3A, %swap3A_412], %swap3A_415 {strides = array<i32>} : memref<64x16xf32, #tpu.memory_space<vmem>>, vector<1x16xf32>,
      %scan3A_416 = arith.constant 0 : i32
      scf.yield %scan3A_416 : i32
    }
    %scan3A_6 = arith.constant 64 : i32
    %scan3A_7 = arith.constant 0 : i32
    %scan3A_8 = arith.constant 0 : i32
    %scan3A_9 = arith.constant 10 : i32
    %scan3A_10 = arith.addi %scan3A_8, %scan3A_9 : i32
    %scan3A_11 = arith.constant 1 : i32
    %scan3A_12 = scf.for %scan3A_409 = %scan3A_8 to %scan3A_10 step %scan3A_11 iter_args(%scan3A_410 = %scan3A_7) -> (i32)  : i32 {
      %mul3A_411 = arith.constant 640 : i32
      %mul3A_412 = arith.muli %arg1, %mul3A_411 : i32
      %mul3A_413 = arith.constant 64 : i32
      %mul3A_414 = arith.muli %scan3A_409, %mul3A_413 : i32
      %add3A_415 = arith.addi %mul3A_412, %mul3A_414 : i32
      "tpu.region"() ({
        %run_scoped3A_417 = tpu.sem_alloc : memref<!tpu.dma_semaphore, #tpu.memory_space<semaphore_mem>>
        %dma_start3A_418 = arith.constant 0 : i32
        %dma_start3A_419 = tpu.memref_slice %arg9[%add3A_415, %dma_start3A_418] : memref<10240x16xf32, #tpu.memory_space<vmem_shared>> -> memref<64x16xf32, #tpu.memory_space<vmem_shared>>
        %dma_start3A_420 = arith.constant 0 : i32
        %dma_start3A_421 = tpu.memref_slice %arg9[%add3A_415, %dma_start3A_420] : memref<10240x16xf32, #tpu.memory_space<vmem_shared>> -> memref<64x16xf32, #tpu.memory_space<vmem_shared>>
        tpu.enqueue_dma source(%arg8 : memref<64x16xf32, #tpu.memory_space<vmem>>) target(%dma_start3A_421 : memref<64x16xf32, #tpu.memory_space<vmem_shared>>) target_semaphore(%run_scoped3A_417 : memref<!tpu.dma_semaphore, #tpu.memory_space<semaphore_mem>>)
        %dma_wait3A_422 = arith.constant 0 : i32
        %dma_wait3A_423 = tpu.memref_slice %arg9[%add3A_415, %dma_wait3A_422] : memref<10240x16xf32, #tpu.memory_space<vmem_shared>> -> memref<64x16xf32, #tpu.memory_space<vmem_shared>>
        %dma_wait3A_424 = arith.constant 0 : i32
        %dma_wait3A_425 = tpu.memref_slice %arg9[%add3A_415, %dma_wait3A_424] : memref<10240x16xf32, #tpu.memory_space<vmem_shared>> -> memref<64x16xf32, #tpu.memory_space<vmem_shared>>
        tpu.wait_dma2 semaphore(%run_scoped3A_417 : memref<!tpu.dma_semaphore, #tpu.memory_space<semaphore_mem>>) src(%arg8 : memref<64x16xf32, #tpu.memory_space<vmem>>) dst(%dma_wait3A_425 : memref<64x16xf32, #tpu.memory_space<vmem_shared>>)
        tpu.yield
      }) : () -> ()
      %scan3A_416 = arith.constant 0 : i32
      scf.yield %scan3A_416 : i32
    }
    %scan3A_13 = arith.constant 10 : i32
    %run_scoped3A = arith.constant 0 : i32
    "tpu.region"() ({
      %run_scoped3A_409 = tpu.sem_alloc : memref<!tpu.dma_semaphore, #tpu.memory_space<semaphore_mem>>
      %dma_start3A_410 = arith.constant 0 : i32
      %dma_start3A_411 = arith.constant 0 : i32
      %dma_start3A_412 = tpu.memref_slice %arg3[%run_scoped3A, %add3A, %dma_start3A_410, %dma_start3A_411] : memref<2x32x80x128xi32, #tpu.memory_space<hbm>> -> memref<1x1x80x128xi32, #tpu.memory_space<hbm>>
      %dma_start3A_413 = tpu.memref_squeeze %dma_start3A_412 : memref<1x1x80x128xi32, #tpu.memory_space<hbm>> -> memref<80x128xi32, #tpu.memory_space<hbm>>
      %dma_start3A_414 = arith.constant 0 : i32
      %dma_start3A_415 = arith.constant 0 : i32
      %dma_start3A_416 = tpu.memref_slice %arg3[%run_scoped3A, %add3A, %dma_start3A_414, %dma_start3A_415] : memref<2x32x80x128xi32, #tpu.memory_space<hbm>> -> memref<1x1x80x128xi32, #tpu.memory_space<hbm>>
      %dma_start3A_417 = tpu.memref_squeeze %dma_start3A_416 : memref<1x1x80x128xi32, #tpu.memory_space<hbm>> -> memref<80x128xi32, #tpu.memory_space<hbm>>
      tpu.enqueue_dma source(%dma_start3A_417 : memref<80x128xi32, #tpu.memory_space<hbm>>) target(%arg5 : memref<80x128xi32, #tpu.memory_space<vmem>>) target_semaphore(%run_scoped3A_409 : memref<!tpu.dma_semaphore, #tpu.memory_space<semaphore_mem>>)
      %dma_wait3A_418 = arith.constant 0 : i32
      %dma_wait3A_419 = arith.constant 0 : i32
      %dma_wait3A_420 = tpu.memref_slice %arg3[%run_scoped3A, %add3A, %dma_wait3A_418, %dma_wait3A_419] : memref<2x32x80x128xi32, #tpu.memory_space<hbm>> -> memref<1x1x80x128xi32, #tpu.memory_space<hbm>>
      %dma_wait3A_421 = tpu.memref_squeeze %dma_wait3A_420 : memref<1x1x80x128xi32, #tpu.memory_space<hbm>> -> memref<80x128xi32, #tpu.memory_space<hbm>>
      %dma_wait3A_422 = arith.constant 0 : i32
      %dma_wait3A_423 = arith.constant 0 : i32
      %dma_wait3A_424 = tpu.memref_slice %arg3[%run_scoped3A, %add3A, %dma_wait3A_422, %dma_wait3A_423] : memref<2x32x80x128xi32, #tpu.memory_space<hbm>> -> memref<1x1x80x128xi32, #tpu.memory_space<hbm>>
      %dma_wait3A_425 = tpu.memref_squeeze %dma_wait3A_424 : memref<1x1x80x128xi32, #tpu.memory_space<hbm>> -> memref<80x128xi32, #tpu.memory_space<hbm>>
      tpu.wait_dma2 semaphore(%run_scoped3A_409 : memref<!tpu.dma_semaphore, #tpu.memory_space<semaphore_mem>>) src(%dma_wait3A_425 : memref<80x128xi32, #tpu.memory_space<hbm>>) dst(%arg5 : memref<80x128xi32, #tpu.memory_space<vmem>>)
      tpu.yield
    }) : () -> ()
    %run_scoped3A_14 = arith.constant 1 : i32
    "tpu.region"() ({
      %run_scoped3A_409 = tpu.sem_alloc : memref<!tpu.dma_semaphore, #tpu.memory_space<semaphore_mem>>
      %dma_start3A_410 = arith.constant 0 : i32
      %dma_start3A_411 = arith.constant 0 : i32
      %dma_start3A_412 = tpu.memref_slice %arg3[%run_scoped3A_14, %add3A, %dma_start3A_410, %dma_start3A_411] : memref<2x32x80x128xi32, #tpu.memory_space<hbm>> -> memref<1x1x80x128xi32, #tpu.memory_space<hbm>>
      %dma_start3A_413 = tpu.memref_squeeze %dma_start3A_412 : memref<1x1x80x128xi32, #tpu.memory_space<hbm>> -> memref<80x128xi32, #tpu.memory_space<hbm>>
      %dma_start3A_414 = arith.constant 0 : i32
      %dma_start3A_415 = arith.constant 0 : i32
      %dma_start3A_416 = tpu.memref_slice %arg3[%run_scoped3A_14, %add3A, %dma_start3A_414, %dma_start3A_415] : memref<2x32x80x128xi32, #tpu.memory_space<hbm>> -> memref<1x1x80x128xi32, #tpu.memory_space<hbm>>
      %dma_start3A_417 = tpu.memref_squeeze %dma_start3A_416 : memref<1x1x80x128xi32, #tpu.memory_space<hbm>> -> memref<80x128xi32, #tpu.memory_space<hbm>>
      tpu.enqueue_dma source(%dma_start3A_417 : memref<80x128xi32, #tpu.memory_space<hbm>>) target(%arg6 : memref<80x128xi32, #tpu.memory_space<vmem>>) target_semaphore(%run_scoped3A_409 : memref<!tpu.dma_semaphore, #tpu.memory_space<semaphore_mem>>)
      %dma_wait3A_418 = arith.constant 0 : i32
      %dma_wait3A_419 = arith.constant 0 : i32
      %dma_wait3A_420 = tpu.memref_slice %arg3[%run_scoped3A_14, %add3A, %dma_wait3A_418, %dma_wait3A_419] : memref<2x32x80x128xi32, #tpu.memory_space<hbm>> -> memref<1x1x80x128xi32, #tpu.memory_space<hbm>>
      %dma_wait3A_421 = tpu.memref_squeeze %dma_wait3A_420 : memref<1x1x80x128xi32, #tpu.memory_space<hbm>> -> memref<80x128xi32, #tpu.memory_space<hbm>>
      %dma_wait3A_422 = arith.constant 0 : i32
      %dma_wait3A_423 = arith.constant 0 : i32
      %dma_wait3A_424 = tpu.memref_slice %arg3[%run_scoped3A_14, %add3A, %dma_wait3A_422, %dma_wait3A_423] : memref<2x32x80x128xi32, #tpu.memory_space<hbm>> -> memref<1x1x80x128xi32, #tpu.memory_space<hbm>>
      %dma_wait3A_425 = tpu.memref_squeeze %dma_wait3A_424 : memref<1x1x80x128xi32, #tpu.memory_space<hbm>> -> memref<80x128xi32, #tpu.memory_space<hbm>>
      tpu.wait_dma2 semaphore(%run_scoped3A_409 : memref<!tpu.dma_semaphore, #tpu.memory_space<semaphore_mem>>) src(%dma_wait3A_425 : memref<80x128xi32, #tpu.memory_space<hbm>>) dst(%arg6 : memref<80x128xi32, #tpu.memory_space<vmem>>)
      tpu.yield
    }) : () -> ()
    %barrier3A = arith.constant 0 : index
    tpu.barrier barrier_id(%barrier3A)
    %dma_start3A = arith.constant 0 : i32
    %dma_start3A_15 = arith.constant 0 : i32
    %dma_start3A_16 = arith.constant 0 : i32
    %dma_start3A_17 = arith.constant 0 : i32
    %dma_start3A_18 = tpu.memref_slice %arg7[%dma_start3A_15, %dma_start3A_16, %dma_start3A_17] : memref<4x128x16xf32, #tpu.memory_space<vmem>> -> memref<1x128x16xf32, #tpu.memory_space<vmem>>
    %dma_start3A_19 = tpu.memref_squeeze %dma_start3A_18 : memref<1x128x16xf32, #tpu.memory_space<vmem>> -> memref<128x16xf32, #tpu.memory_space<vmem>>
    %dma_start3A_20 = arith.constant 0 : i32
    %dma_start3A_21 = tpu.memref_slice %arg5[%dma_start3A, %dma_start3A_20] : memref<80x128xi32, #tpu.memory_space<vmem>> -> memref<1x128xi32, #tpu.memory_space<vmem>>
    %dma_start3A_22 = tpu.memref_squeeze %dma_start3A_21 : memref<1x128xi32, #tpu.memory_space<vmem>> -> memref<128xi32, #tpu.memory_space<vmem>>
    %dma_start3A_23 = arith.constant 0 : i32
    %dma_start3A_24 = arith.constant 0 : i32
    %dma_start3A_25 = tpu.memref_slice %arg2[%dma_start3A_23, %dma_start3A_24] : memref<10240x16xf32, #tpu.memory_space<hbm>> -> memref<10240x16xf32, #tpu.memory_space<hbm>>
    tpu.enqueue_indirect_dma source(%dma_start3A_25 : memref<10240x16xf32, #tpu.memory_space<hbm>>) target(%dma_start3A_19 : memref<128x16xf32, #tpu.memory_space<vmem>>) offsets(%dma_start3A_22 : memref<128xi32, #tpu.memory_space<vmem>>) semaphore(%arg10 : memref<!tpu.dma_semaphore, #tpu.memory_space<semaphore_mem>>)
    %dma_start3A_26 = arith.constant 1 : i32
    %dma_start3A_27 = arith.constant 1 : i32
    %dma_start3A_28 = arith.constant 0 : i32
    %dma_start3A_29 = arith.constant 0 : i32
    %dma_start3A_30 = tpu.memref_slice %arg7[%dma_start3A_27, %dma_start3A_28, %dma_start3A_29] : memref<4x128x16xf32, #tpu.memory_space<vmem>> -> memref<1x128x16xf32, #tpu.memory_space<vmem>>
    %dma_start3A_31 = tpu.memref_squeeze %dma_start3A_30 : memref<1x128x16xf32, #tpu.memory_space<vmem>> -> memref<128x16xf32, #tpu.memory_space<vmem>>
    %dma_start3A_32 = arith.constant 0 : i32
    %dma_start3A_33 = tpu.memref_slice %arg5[%dma_start3A_26, %dma_start3A_32] : memref<80x128xi32, #tpu.memory_space<vmem>> -> memref<1x128xi32, #tpu.memory_space<vmem>>
    %dma_start3A_34 = tpu.memref_squeeze %dma_start3A_33 : memref<1x128xi32, #tpu.memory_space<vmem>> -> memref<128xi32, #tpu.memory_space<vmem>>
    %dma_start3A_35 = arith.constant 0 : i32
    %dma_start3A_36 = arith.constant 0 : i32
    %dma_start3A_37 = tpu.memref_slice %arg2[%dma_start3A_35, %dma_start3A_36] : memref<10240x16xf32, #tpu.memory_space<hbm>> -> memref<10240x16xf32, #tpu.memory_space<hbm>>
    tpu.enqueue_indirect_dma source(%dma_start3A_37 : memref<10240x16xf32, #tpu.memory_space<hbm>>) target(%dma_start3A_31 : memref<128x16xf32, #tpu.memory_space<vmem>>) offsets(%dma_start3A_34 : memref<128xi32, #tpu.memory_space<vmem>>) semaphore(%arg11 : memref<!tpu.dma_semaphore, #tpu.memory_space<semaphore_mem>>)
    %dma_wait3A = arith.constant 0 : i32
    %dma_wait3A_38 = arith.constant 0 : i32
    %dma_wait3A_39 = arith.constant 0 : i32
    %dma_wait3A_40 = arith.constant 0 : i32
    %dma_wait3A_41 = tpu.memref_slice %arg7[%dma_wait3A_38, %dma_wait3A_39, %dma_wait3A_40] : memref<4x128x16xf32, #tpu.memory_space<vmem>> -> memref<1x128x16xf32, #tpu.memory_space<vmem>>
    %dma_wait3A_42 = tpu.memref_squeeze %dma_wait3A_41 : memref<1x128x16xf32, #tpu.memory_space<vmem>> -> memref<128x16xf32, #tpu.memory_space<vmem>>
    %dma_wait3A_43 = arith.constant 0 : i32
    %dma_wait3A_44 = tpu.memref_slice %arg5[%dma_wait3A, %dma_wait3A_43] : memref<80x128xi32, #tpu.memory_space<vmem>> -> memref<1x128xi32, #tpu.memory_space<vmem>>
    %dma_wait3A_45 = tpu.memref_squeeze %dma_wait3A_44 : memref<1x128xi32, #tpu.memory_space<vmem>> -> memref<128xi32, #tpu.memory_space<vmem>>
    %dma_wait3A_46 = arith.constant 0 : i32
    %dma_wait3A_47 = arith.constant 0 : i32
    %dma_wait3A_48 = tpu.memref_slice %arg2[%dma_wait3A_46, %dma_wait3A_47] : memref<10240x16xf32, #tpu.memory_space<hbm>> -> memref<10240x16xf32, #tpu.memory_space<hbm>>
    tpu.wait_indirect_dma semaphore(%arg10 : memref<!tpu.dma_semaphore, #tpu.memory_space<semaphore_mem>>) src(%dma_wait3A_48 : memref<10240x16xf32, #tpu.memory_space<hbm>>) dst(%dma_wait3A_42 : memref<128x16xf32, #tpu.memory_space<vmem>>)
    %dma_start3A_49 = arith.constant 0 : i32
    %dma_start3A_50 = arith.constant 0 : i32
    %dma_start3A_51 = arith.constant 0 : i32
    %dma_start3A_52 = arith.constant 0 : i32
    %dma_start3A_53 = tpu.memref_slice %arg7[%dma_start3A_49, %dma_start3A_51, %dma_start3A_52] : memref<4x128x16xf32, #tpu.memory_space<vmem>> -> memref<1x128x16xf32, #tpu.memory_space<vmem>>
    %dma_start3A_54 = tpu.memref_squeeze %dma_start3A_53 : memref<1x128x16xf32, #tpu.memory_space<vmem>> -> memref<128x16xf32, #tpu.memory_space<vmem>>
    %dma_start3A_55 = arith.constant 0 : i32
    %dma_start3A_56 = tpu.memref_slice %arg6[%dma_start3A_50, %dma_start3A_55] : memref<80x128xi32, #tpu.memory_space<vmem>> -> memref<1x128xi32, #tpu.memory_space<vmem>>
    %dma_start3A_57 = tpu.memref_squeeze %dma_start3A_56 : memref<1x128xi32, #tpu.memory_space<vmem>> -> memref<128xi32, #tpu.memory_space<vmem>>
    %dma_start3A_58 = arith.constant 0 : i32
    %dma_start3A_59 = arith.constant 0 : i32
    %dma_start3A_60 = tpu.memref_slice %arg9[%dma_start3A_58, %dma_start3A_59] : memref<10240x16xf32, #tpu.memory_space<vmem_shared>> -> memref<10240x16xf32, #tpu.memory_space<vmem_shared>>
    tpu.enqueue_indirect_dma source(%dma_start3A_54 : memref<128x16xf32, #tpu.memory_space<vmem>>) target(%dma_start3A_60 : memref<10240x16xf32, #tpu.memory_space<vmem_shared>>) offsets(%dma_start3A_57 : memref<128xi32, #tpu.memory_space<vmem>>) semaphore(%arg14 : memref<!tpu.dma_semaphore, #tpu.memory_space<semaphore_mem>>) {add = true}
    %dma_start3A_61 = arith.constant 2 : i32
    %dma_start3A_62 = arith.constant 2 : i32
    %dma_start3A_63 = arith.constant 0 : i32
    %dma_start3A_64 = arith.constant 0 : i32
    %dma_start3A_65 = tpu.memref_slice %arg7[%dma_start3A_62, %dma_start3A_63, %dma_start3A_64] : memref<4x128x16xf32, #tpu.memory_space<vmem>> -> memref<1x128x16xf32, #tpu.memory_space<vmem>>
    %dma_start3A_66 = tpu.memref_squeeze %dma_start3A_65 : memref<1x128x16xf32, #tpu.memory_space<vmem>> -> memref<128x16xf32, #tpu.memory_space<vmem>>
    %dma_start3A_67 = arith.constant 0 : i32
    %dma_start3A_68 = tpu.memref_slice %arg5[%dma_start3A_61, %dma_start3A_67] : memref<80x128xi32, #tpu.memory_space<vmem>> -> memref<1x128xi32, #tpu.memory_space<vmem>>
    %dma_start3A_69 = tpu.memref_squeeze %dma_start3A_68 : memref<1x128xi32, #tpu.memory_space<vmem>> -> memref<128xi32, #tpu.memory_space<vmem>>
    %dma_start3A_70 = arith.constant 0 : i32
    %dma_start3A_71 = arith.constant 0 : i32
    %dma_start3A_72 = tpu.memref_slice %arg2[%dma_start3A_70, %dma_start3A_71] : memref<10240x16xf32, #tpu.memory_space<hbm>> -> memref<10240x16xf32, #tpu.memory_space<hbm>>
    tpu.enqueue_indirect_dma source(%dma_start3A_72 : memref<10240x16xf32, #tpu.memory_space<hbm>>) target(%dma_start3A_66 : memref<128x16xf32, #tpu.memory_space<vmem>>) offsets(%dma_start3A_69 : memref<128xi32, #tpu.memory_space<vmem>>) semaphore(%arg12 : memref<!tpu.dma_semaphore, #tpu.memory_space<semaphore_mem>>)
    %dma_wait3A_73 = arith.constant 1 : i32
    %dma_wait3A_74 = arith.constant 1 : i32
    %dma_wait3A_75 = arith.constant 0 : i32
    %dma_wait3A_76 = arith.constant 0 : i32
    %dma_wait3A_77 = tpu.memref_slice %arg7[%dma_wait3A_74, %dma_wait3A_75, %dma_wait3A_76] : memref<4x128x16xf32, #tpu.memory_space<vmem>> -> memref<1x128x16xf32, #tpu.memory_space<vmem>>
    %dma_wait3A_78 = tpu.memref_squeeze %dma_wait3A_77 : memref<1x128x16xf32, #tpu.memory_space<vmem>> -> memref<128x16xf32, #tpu.memory_space<vmem>>
    %dma_wait3A_79 = arith.constant 0 : i32
    %dma_wait3A_80 = tpu.memref_slice %arg5[%dma_wait3A_73, %dma_wait3A_79] : memref<80x128xi32, #tpu.memory_space<vmem>> -> memref<1x128xi32, #tpu.memory_space<vmem>>
    %dma_wait3A_81 = tpu.memref_squeeze %dma_wait3A_80 : memref<1x128xi32, #tpu.memory_space<vmem>> -> memref<128xi32, #tpu.memory_space<vmem>>
    %dma_wait3A_82 = arith.constant 0 : i32
    %dma_wait3A_83 = arith.constant 0 : i32
    %dma_wait3A_84 = tpu.memref_slice %arg2[%dma_wait3A_82, %dma_wait3A_83] : memref<10240x16xf32, #tpu.memory_space<hbm>> -> memref<10240x16xf32, #tpu.memory_space<hbm>>
    tpu.wait_indirect_dma semaphore(%arg11 : memref<!tpu.dma_semaphore, #tpu.memory_space<semaphore_mem>>) src(%dma_wait3A_84 : memref<10240x16xf32, #tpu.memory_space<hbm>>) dst(%dma_wait3A_78 : memref<128x16xf32, #tpu.memory_space<vmem>>)
    %dma_start3A_85 = arith.constant 1 : i32
    %dma_start3A_86 = arith.constant 1 : i32
    %dma_start3A_87 = arith.constant 0 : i32
    %dma_start3A_88 = arith.constant 0 : i32
    %dma_start3A_89 = tpu.memref_slice %arg7[%dma_start3A_85, %dma_start3A_87, %dma_start3A_88] : memref<4x128x16xf32, #tpu.memory_space<vmem>> -> memref<1x128x16xf32, #tpu.memory_space<vmem>>
    %dma_start3A_90 = tpu.memref_squeeze %dma_start3A_89 : memref<1x128x16xf32, #tpu.memory_space<vmem>> -> memref<128x16xf32, #tpu.memory_space<vmem>>
    %dma_start3A_91 = arith.constant 0 : i32
    %dma_start3A_92 = tpu.memref_slice %arg6[%dma_start3A_86, %dma_start3A_91] : memref<80x128xi32, #tpu.memory_space<vmem>> -> memref<1x128xi32, #tpu.memory_space<vmem>>
    %dma_start3A_93 = tpu.memref_squeeze %dma_start3A_92 : memref<1x128xi32, #tpu.memory_space<vmem>> -> memref<128xi32, #tpu.memory_space<vmem>>
    %dma_start3A_94 = arith.constant 0 : i32
    %dma_start3A_95 = arith.constant 0 : i32
    %dma_start3A_96 = tpu.memref_slice %arg9[%dma_start3A_94, %dma_start3A_95] : memref<10240x16xf32, #tpu.memory_space<vmem_shared>> -> memref<10240x16xf32, #tpu.memory_space<vmem_shared>>
    tpu.enqueue_indirect_dma source(%dma_start3A_90 : memref<128x16xf32, #tpu.memory_space<vmem>>) target(%dma_start3A_96 : memref<10240x16xf32, #tpu.memory_space<vmem_shared>>) offsets(%dma_start3A_93 : memref<128xi32, #tpu.memory_space<vmem>>) semaphore(%arg15 : memref<!tpu.dma_semaphore, #tpu.memory_space<semaphore_mem>>) {add = true}
    %dma_start3A_97 = arith.constant 3 : i32
    %dma_start3A_98 = arith.constant 3 : i32
    %dma_start3A_99 = arith.constant 0 : i32
    %dma_start3A_100 = arith.constant 0 : i32
    %dma_start3A_101 = tpu.memref_slice %arg7[%dma_start3A_98, %dma_start3A_99, %dma_start3A_100] : memref<4x128x16xf32, #tpu.memory_space<vmem>> -> memref<1x128x16xf32, #tpu.memory_space<vmem>>
    %dma_start3A_102 = tpu.memref_squeeze %dma_start3A_101 : memref<1x128x16xf32, #tpu.memory_space<vmem>> -> memref<128x16xf32, #tpu.memory_space<vmem>>
    %dma_start3A_103 = arith.constant 0 : i32
    %dma_start3A_104 = tpu.memref_slice %arg5[%dma_start3A_97, %dma_start3A_103] : memref<80x128xi32, #tpu.memory_space<vmem>> -> memref<1x128xi32, #tpu.memory_space<vmem>>
    %dma_start3A_105 = tpu.memref_squeeze %dma_start3A_104 : memref<1x128xi32, #tpu.memory_space<vmem>> -> memref<128xi32, #tpu.memory_space<vmem>>
    %dma_start3A_106 = arith.constant 0 : i32
    %dma_start3A_107 = arith.constant 0 : i32
    %dma_start3A_108 = tpu.memref_slice %arg2[%dma_start3A_106, %dma_start3A_107] : memref<10240x16xf32, #tpu.memory_space<hbm>> -> memref<10240x16xf32, #tpu.memory_space<hbm>>
    tpu.enqueue_indirect_dma source(%dma_start3A_108 : memref<10240x16xf32, #tpu.memory_space<hbm>>) target(%dma_start3A_102 : memref<128x16xf32, #tpu.memory_space<vmem>>) offsets(%dma_start3A_105 : memref<128xi32, #tpu.memory_space<vmem>>) semaphore(%arg13 : memref<!tpu.dma_semaphore, #tpu.memory_space<semaphore_mem>>)
    %dma_wait3A_109 = arith.constant 2 : i32
    %dma_wait3A_110 = arith.constant 2 : i32
    %dma_wait3A_111 = arith.constant 0 : i32
    %dma_wait3A_112 = arith.constant 0 : i32
    %dma_wait3A_113 = tpu.memref_slice %arg7[%dma_wait3A_110, %dma_wait3A_111, %dma_wait3A_112] : memref<4x128x16xf32, #tpu.memory_space<vmem>> -> memref<1x128x16xf32, #tpu.memory_space<vmem>>
    %dma_wait3A_114 = tpu.memref_squeeze %dma_wait3A_113 : memref<1x128x16xf32, #tpu.memory_space<vmem>> -> memref<128x16xf32, #tpu.memory_space<vmem>>
    %dma_wait3A_115 = arith.constant 0 : i32
    %dma_wait3A_116 = tpu.memref_slice %arg5[%dma_wait3A_109, %dma_wait3A_115] : memref<80x128xi32, #tpu.memory_space<vmem>> -> memref<1x128xi32, #tpu.memory_space<vmem>>
    %dma_wait3A_117 = tpu.memref_squeeze %dma_wait3A_116 : memref<1x128xi32, #tpu.memory_space<vmem>> -> memref<128xi32, #tpu.memory_space<vmem>>
    %dma_wait3A_118 = arith.constant 0 : i32
    %dma_wait3A_119 = arith.constant 0 : i32
    %dma_wait3A_120 = tpu.memref_slice %arg2[%dma_wait3A_118, %dma_wait3A_119] : memref<10240x16xf32, #tpu.memory_space<hbm>> -> memref<10240x16xf32, #tpu.memory_space<hbm>>
    tpu.wait_indirect_dma semaphore(%arg12 : memref<!tpu.dma_semaphore, #tpu.memory_space<semaphore_mem>>) src(%dma_wait3A_120 : memref<10240x16xf32, #tpu.memory_space<hbm>>) dst(%dma_wait3A_114 : memref<128x16xf32, #tpu.memory_space<vmem>>)
    %dma_wait3A_121 = arith.constant 0 : i32
    %dma_wait3A_122 = arith.constant 0 : i32
    %dma_wait3A_123 = arith.constant 0 : i32
    %dma_wait3A_124 = arith.constant 0 : i32
    %dma_wait3A_125 = tpu.memref_slice %arg7[%dma_wait3A_121, %dma_wait3A_123, %dma_wait3A_124] : memref<4x128x16xf32, #tpu.memory_space<vmem>> -> memref<1x128x16xf32, #tpu.memory_space<vmem>>
    %dma_wait3A_126 = tpu.memref_squeeze %dma_wait3A_125 : memref<1x128x16xf32, #tpu.memory_space<vmem>> -> memref<128x16xf32, #tpu.memory_space<vmem>>
    %dma_wait3A_127 = arith.constant 0 : i32
    %dma_wait3A_128 = tpu.memref_slice %arg6[%dma_wait3A_122, %dma_wait3A_127] : memref<80x128xi32, #tpu.memory_space<vmem>> -> memref<1x128xi32, #tpu.memory_space<vmem>>
    %dma_wait3A_129 = tpu.memref_squeeze %dma_wait3A_128 : memref<1x128xi32, #tpu.memory_space<vmem>> -> memref<128xi32, #tpu.memory_space<vmem>>
    %dma_wait3A_130 = arith.constant 0 : i32
    %dma_wait3A_131 = arith.constant 0 : i32
    %dma_wait3A_132 = tpu.memref_slice %arg9[%dma_wait3A_130, %dma_wait3A_131] : memref<10240x16xf32, #tpu.memory_space<vmem_shared>> -> memref<10240x16xf32, #tpu.memory_space<vmem_shared>>
    tpu.wait_indirect_dma semaphore(%arg14 : memref<!tpu.dma_semaphore, #tpu.memory_space<semaphore_mem>>) src(%dma_wait3A_126 : memref<128x16xf32, #tpu.memory_space<vmem>>) dst(%dma_wait3A_132 : memref<10240x16xf32, #tpu.memory_space<vmem_shared>>)
    %dma_start3A_133 = arith.constant 2 : i32
    %dma_start3A_134 = arith.constant 2 : i32
    %dma_start3A_135 = arith.constant 0 : i32
    %dma_start3A_136 = arith.constant 0 : i32
    %dma_start3A_137 = tpu.memref_slice %arg7[%dma_start3A_133, %dma_start3A_135, %dma_start3A_136] : memref<4x128x16xf32, #tpu.memory_space<vmem>> -> memref<1x128x16xf32, #tpu.memory_space<vmem>>
    %dma_start3A_138 = tpu.memref_squeeze %dma_start3A_137 : memref<1x128x16xf32, #tpu.memory_space<vmem>> -> memref<128x16xf32, #tpu.memory_space<vmem>>
    %dma_start3A_139 = arith.constant 0 : i32
    %dma_start3A_140 = tpu.memref_slice %arg6[%dma_start3A_134, %dma_start3A_139] : memref<80x128xi32, #tpu.memory_space<vmem>> -> memref<1x128xi32, #tpu.memory_space<vmem>>
    %dma_start3A_141 = tpu.memref_squeeze %dma_start3A_140 : memref<1x128xi32, #tpu.memory_space<vmem>> -> memref<128xi32, #tpu.memory_space<vmem>>
    %dma_start3A_142 = arith.constant 0 : i32
    %dma_start3A_143 = arith.constant 0 : i32
    %dma_start3A_144 = tpu.memref_slice %arg9[%dma_start3A_142, %dma_start3A_143] : memref<10240x16xf32, #tpu.memory_space<vmem_shared>> -> memref<10240x16xf32, #tpu.memory_space<vmem_shared>>
    tpu.enqueue_indirect_dma source(%dma_start3A_138 : memref<128x16xf32, #tpu.memory_space<vmem>>) target(%dma_start3A_144 : memref<10240x16xf32, #tpu.memory_space<vmem_shared>>) offsets(%dma_start3A_141 : memref<128xi32, #tpu.memory_space<vmem>>) semaphore(%arg14 : memref<!tpu.dma_semaphore, #tpu.memory_space<semaphore_mem>>) {add = true}
    %dma_start3A_145 = arith.constant 4 : i32
    %dma_start3A_146 = arith.constant 0 : i32
    %dma_start3A_147 = arith.constant 0 : i32
    %dma_start3A_148 = arith.constant 0 : i32
    %dma_start3A_149 = tpu.memref_slice %arg7[%dma_start3A_146, %dma_start3A_147, %dma_start3A_148] : memref<4x128x16xf32, #tpu.memory_space<vmem>> -> memref<1x128x16xf32, #tpu.memory_space<vmem>>
    %dma_start3A_150 = tpu.memref_squeeze %dma_start3A_149 : memref<1x128x16xf32, #tpu.memory_space<vmem>> -> memref<128x16xf32, #tpu.memory_space<vmem>>
    %dma_start3A_151 = arith.constant 0 : i32
    %dma_start3A_152 = tpu.memref_slice %arg5[%dma_start3A_145, %dma_start3A_151] : memref<80x128xi32, #tpu.memory_space<vmem>> -> memref<1x128xi32, #tpu.memory_space<vmem>>
    %dma_start3A_153 = tpu.memref_squeeze %dma_start3A_152 : memref<1x128xi32, #tpu.memory_space<vmem>> -> memref<128xi32, #tpu.memory_space<vmem>>
    %dma_start3A_154 = arith.constant 0 : i32
    %dma_start3A_155 = arith.constant 0 : i32
    %dma_start3A_156 = tpu.memref_slice %arg2[%dma_start3A_154, %dma_start3A_155] : memref<10240x16xf32, #tpu.memory_space<hbm>> -> memref<10240x16xf32, #tpu.memory_space<hbm>>
    tpu.enqueue_indirect_dma source(%dma_start3A_156 : memref<10240x16xf32, #tpu.memory_space<hbm>>) target(%dma_start3A_150 : memref<128x16xf32, #tpu.memory_space<vmem>>) offsets(%dma_start3A_153 : memref<128xi32, #tpu.memory_space<vmem>>) semaphore(%arg10 : memref<!tpu.dma_semaphore, #tpu.memory_space<semaphore_mem>>)
    %dma_wait3A_157 = arith.constant 3 : i32
    %dma_wait3A_158 = arith.constant 3 : i32
    %dma_wait3A_159 = arith.constant 0 : i32
    %dma_wait3A_160 = arith.constant 0 : i32
    %dma_wait3A_161 = tpu.memref_slice %arg7[%dma_wait3A_158, %dma_wait3A_159, %dma_wait3A_160] : memref<4x128x16xf32, #tpu.memory_space<vmem>> -> memref<1x128x16xf32, #tpu.memory_space<vmem>>
    %dma_wait3A_162 = tpu.memref_squeeze %dma_wait3A_161 : memref<1x128x16xf32, #tpu.memory_space<vmem>> -> memref<128x16xf32, #tpu.memory_space<vmem>>
    %dma_wait3A_163 = arith.constant 0 : i32
    %dma_wait3A_164 = tpu.memref_slice %arg5[%dma_wait3A_157, %dma_wait3A_163] : memref<80x128xi32, #tpu.memory_space<vmem>> -> memref<1x128xi32, #tpu.memory_space<vmem>>
    %dma_wait3A_165 = tpu.memref_squeeze %dma_wait3A_164 : memref<1x128xi32, #tpu.memory_space<vmem>> -> memref<128xi32, #tpu.memory_space<vmem>>
    %dma_wait3A_166 = arith.constant 0 : i32
    %dma_wait3A_167 = arith.constant 0 : i32
    %dma_wait3A_168 = tpu.memref_slice %arg2[%dma_wait3A_166, %dma_wait3A_167] : memref<10240x16xf32, #tpu.memory_space<hbm>> -> memref<10240x16xf32, #tpu.memory_space<hbm>>
    tpu.wait_indirect_dma semaphore(%arg13 : memref<!tpu.dma_semaphore, #tpu.memory_space<semaphore_mem>>) src(%dma_wait3A_168 : memref<10240x16xf32, #tpu.memory_space<hbm>>) dst(%dma_wait3A_162 : memref<128x16xf32, #tpu.memory_space<vmem>>)
    %dma_wait3A_169 = arith.constant 1 : i32
    %dma_wait3A_170 = arith.constant 1 : i32
    %dma_wait3A_171 = arith.constant 0 : i32
    %dma_wait3A_172 = arith.constant 0 : i32
    %dma_wait3A_173 = tpu.memref_slice %arg7[%dma_wait3A_169, %dma_wait3A_171, %dma_wait3A_172] : memref<4x128x16xf32, #tpu.memory_space<vmem>> -> memref<1x128x16xf32, #tpu.memory_space<vmem>>
    %dma_wait3A_174 = tpu.memref_squeeze %dma_wait3A_173 : memref<1x128x16xf32, #tpu.memory_space<vmem>> -> memref<128x16xf32, #tpu.memory_space<vmem>>
    %dma_wait3A_175 = arith.constant 0 : i32
    %dma_wait3A_176 = tpu.memref_slice %arg6[%dma_wait3A_170, %dma_wait3A_175] : memref<80x128xi32, #tpu.memory_space<vmem>> -> memref<1x128xi32, #tpu.memory_space<vmem>>
    %dma_wait3A_177 = tpu.memref_squeeze %dma_wait3A_176 : memref<1x128xi32, #tpu.memory_space<vmem>> -> memref<128xi32, #tpu.memory_space<vmem>>
    %dma_wait3A_178 = arith.constant 0 : i32
    %dma_wait3A_179 = arith.constant 0 : i32
    %dma_wait3A_180 = tpu.memref_slice %arg9[%dma_wait3A_178, %dma_wait3A_179] : memref<10240x16xf32, #tpu.memory_space<vmem_shared>> -> memref<10240x16xf32, #tpu.memory_space<vmem_shared>>
    tpu.wait_indirect_dma semaphore(%arg15 : memref<!tpu.dma_semaphore, #tpu.memory_space<semaphore_mem>>) src(%dma_wait3A_174 : memref<128x16xf32, #tpu.memory_space<vmem>>) dst(%dma_wait3A_180 : memref<10240x16xf32, #tpu.memory_space<vmem_shared>>)
    %dma_start3A_181 = arith.constant 3 : i32
    %dma_start3A_182 = arith.constant 3 : i32
    %dma_start3A_183 = arith.constant 0 : i32
    %dma_start3A_184 = arith.constant 0 : i32
    %dma_start3A_185 = tpu.memref_slice %arg7[%dma_start3A_181, %dma_start3A_183, %dma_start3A_184] : memref<4x128x16xf32, #tpu.memory_space<vmem>> -> memref<1x128x16xf32, #tpu.memory_space<vmem>>
    %dma_start3A_186 = tpu.memref_squeeze %dma_start3A_185 : memref<1x128x16xf32, #tpu.memory_space<vmem>> -> memref<128x16xf32, #tpu.memory_space<vmem>>
    %dma_start3A_187 = arith.constant 0 : i32
    %dma_start3A_188 = tpu.memref_slice %arg6[%dma_start3A_182, %dma_start3A_187] : memref<80x128xi32, #tpu.memory_space<vmem>> -> memref<1x128xi32, #tpu.memory_space<vmem>>
    %dma_start3A_189 = tpu.memref_squeeze %dma_start3A_188 : memref<1x128xi32, #tpu.memory_space<vmem>> -> memref<128xi32, #tpu.memory_space<vmem>>
    %dma_start3A_190 = arith.constant 0 : i32
    %dma_start3A_191 = arith.constant 0 : i32
    %dma_start3A_192 = tpu.memref_slice %arg9[%dma_start3A_190, %dma_start3A_191] : memref<10240x16xf32, #tpu.memory_space<vmem_shared>> -> memref<10240x16xf32, #tpu.memory_space<vmem_shared>>
    tpu.enqueue_indirect_dma source(%dma_start3A_186 : memref<128x16xf32, #tpu.memory_space<vmem>>) target(%dma_start3A_192 : memref<10240x16xf32, #tpu.memory_space<vmem_shared>>) offsets(%dma_start3A_189 : memref<128xi32, #tpu.memory_space<vmem>>) semaphore(%arg15 : memref<!tpu.dma_semaphore, #tpu.memory_space<semaphore_mem>>) {add = true}
    %dma_start3A_193 = arith.constant 5 : i32
    %dma_start3A_194 = arith.constant 1 : i32
    %dma_start3A_195 = arith.constant 0 : i32
    %dma_start3A_196 = arith.constant 0 : i32
    %dma_start3A_197 = tpu.memref_slice %arg7[%dma_start3A_194, %dma_start3A_195, %dma_start3A_196] : memref<4x128x16xf32, #tpu.memory_space<vmem>> -> memref<1x128x16xf32, #tpu.memory_space<vmem>>
    %dma_start3A_198 = tpu.memref_squeeze %dma_start3A_197 : memref<1x128x16xf32, #tpu.memory_space<vmem>> -> memref<128x16xf32, #tpu.memory_space<vmem>>
    %dma_start3A_199 = arith.constant 0 : i32
    %dma_start3A_200 = tpu.memref_slice %arg5[%dma_start3A_193, %dma_start3A_199] : memref<80x128xi32, #tpu.memory_space<vmem>> -> memref<1x128xi32, #tpu.memory_space<vmem>>
    %dma_start3A_201 = tpu.memref_squeeze %dma_start3A_200 : memref<1x128xi32, #tpu.memory_space<vmem>> -> memref<128xi32, #tpu.memory_space<vmem>>
    %dma_start3A_202 = arith.constant 0 : i32
    %dma_start3A_203 = arith.constant 0 : i32
    %dma_start3A_204 = tpu.memref_slice %arg2[%dma_start3A_202, %dma_start3A_203] : memref<10240x16xf32, #tpu.memory_space<hbm>> -> memref<10240x16xf32, #tpu.memory_space<hbm>>
    tpu.enqueue_indirect_dma source(%dma_start3A_204 : memref<10240x16xf32, #tpu.memory_space<hbm>>) target(%dma_start3A_198 : memref<128x16xf32, #tpu.memory_space<vmem>>) offsets(%dma_start3A_201 : memref<128xi32, #tpu.memory_space<vmem>>) semaphore(%arg11 : memref<!tpu.dma_semaphore, #tpu.memory_space<semaphore_mem>>)
    %scan3A_205 = arith.constant 0 : i32
    %scan3A_206 = arith.constant 1 : i32
    %scan3A_207 = arith.constant 18 : i32
    %scan3A_208 = arith.addi %scan3A_206, %scan3A_207 : i32
    %scan3A_209 = arith.constant 1 : i32
    %scan3A_210 = scf.for %scan3A_409 = %scan3A_206 to %scan3A_208 step %scan3A_209 iter_args(%scan3A_410 = %scan3A_205) -> (i32)  : i32 {
      %mul3A_411 = arith.constant 4 : i32
      %mul3A_412 = arith.muli %scan3A_409, %mul3A_411 : i32
      %add3A_413 = arith.constant 0 : i32
      %add3A_414 = arith.addi %mul3A_412, %add3A_413 : i32
      %dma_wait3A_415 = arith.constant 0 : i32
      %dma_wait3A_416 = arith.constant 0 : i32
      %dma_wait3A_417 = arith.constant 0 : i32
      %dma_wait3A_418 = tpu.memref_slice %arg7[%dma_wait3A_415, %dma_wait3A_416, %dma_wait3A_417] : memref<4x128x16xf32, #tpu.memory_space<vmem>> -> memref<1x128x16xf32, #tpu.memory_space<vmem>>
      %dma_wait3A_419 = tpu.memref_squeeze %dma_wait3A_418 : memref<1x128x16xf32, #tpu.memory_space<vmem>> -> memref<128x16xf32, #tpu.memory_space<vmem>>
      %dma_wait3A_420 = arith.constant 0 : i32
      %dma_wait3A_421 = tpu.memref_slice %arg5[%add3A_414, %dma_wait3A_420] : memref<80x128xi32, #tpu.memory_space<vmem>> -> memref<1x128xi32, #tpu.memory_space<vmem>>
      %dma_wait3A_422 = tpu.memref_squeeze %dma_wait3A_421 : memref<1x128xi32, #tpu.memory_space<vmem>> -> memref<128xi32, #tpu.memory_space<vmem>>
      %dma_wait3A_423 = arith.constant 0 : i32
      %dma_wait3A_424 = arith.constant 0 : i32
      %dma_wait3A_425 = tpu.memref_slice %arg2[%dma_wait3A_423, %dma_wait3A_424] : memref<10240x16xf32, #tpu.memory_space<hbm>> -> memref<10240x16xf32, #tpu.memory_space<hbm>>
      tpu.wait_indirect_dma semaphore(%arg10 : memref<!tpu.dma_semaphore, #tpu.memory_space<semaphore_mem>>) src(%dma_wait3A_425 : memref<10240x16xf32, #tpu.memory_space<hbm>>) dst(%dma_wait3A_419 : memref<128x16xf32, #tpu.memory_space<vmem>>)
      %sub3A = arith.constant 2 : i32
      %sub3A_426 = arith.subi %add3A_414, %sub3A : i32
      %dma_wait3A_427 = arith.constant 2 : i32
      %dma_wait3A_428 = arith.constant 0 : i32
      %dma_wait3A_429 = arith.constant 0 : i32
      %dma_wait3A_430 = tpu.memref_slice %arg7[%dma_wait3A_427, %dma_wait3A_428, %dma_wait3A_429] : memref<4x128x16xf32, #tpu.memory_space<vmem>> -> memref<1x128x16xf32, #tpu.memory_space<vmem>>
      %dma_wait3A_431 = tpu.memref_squeeze %dma_wait3A_430 : memref<1x128x16xf32, #tpu.memory_space<vmem>> -> memref<128x16xf32, #tpu.memory_space<vmem>>
      %dma_wait3A_432 = arith.constant 0 : i32
      %dma_wait3A_433 = tpu.memref_slice %arg6[%sub3A_426, %dma_wait3A_432] : memref<80x128xi32, #tpu.memory_space<vmem>> -> memref<1x128xi32, #tpu.memory_space<vmem>>
      %dma_wait3A_434 = tpu.memref_squeeze %dma_wait3A_433 : memref<1x128xi32, #tpu.memory_space<vmem>> -> memref<128xi32, #tpu.memory_space<vmem>>
      %dma_wait3A_435 = arith.constant 0 : i32
      %dma_wait3A_436 = arith.constant 0 : i32
      %dma_wait3A_437 = tpu.memref_slice %arg9[%dma_wait3A_435, %dma_wait3A_436] : memref<10240x16xf32, #tpu.memory_space<vmem_shared>> -> memref<10240x16xf32, #tpu.memory_space<vmem_shared>>
      tpu.wait_indirect_dma semaphore(%arg14 : memref<!tpu.dma_semaphore, #tpu.memory_space<semaphore_mem>>) src(%dma_wait3A_431 : memref<128x16xf32, #tpu.memory_space<vmem>>) dst(%dma_wait3A_437 : memref<10240x16xf32, #tpu.memory_space<vmem_shared>>)
      %dma_start3A_438 = arith.constant 0 : i32
      %dma_start3A_439 = arith.constant 0 : i32
      %dma_start3A_440 = arith.constant 0 : i32
      %dma_start3A_441 = tpu.memref_slice %arg7[%dma_start3A_438, %dma_start3A_439, %dma_start3A_440] : memref<4x128x16xf32, #tpu.memory_space<vmem>> -> memref<1x128x16xf32, #tpu.memory_space<vmem>>
      %dma_start3A_442 = tpu.memref_squeeze %dma_start3A_441 : memref<1x128x16xf32, #tpu.memory_space<vmem>> -> memref<128x16xf32, #tpu.memory_space<vmem>>
      %dma_start3A_443 = arith.constant 0 : i32
      %dma_start3A_444 = tpu.memref_slice %arg6[%add3A_414, %dma_start3A_443] : memref<80x128xi32, #tpu.memory_space<vmem>> -> memref<1x128xi32, #tpu.memory_space<vmem>>
      %dma_start3A_445 = tpu.memref_squeeze %dma_start3A_444 : memref<1x128xi32, #tpu.memory_space<vmem>> -> memref<128xi32, #tpu.memory_space<vmem>>
      %dma_start3A_446 = arith.constant 0 : i32
      %dma_start3A_447 = arith.constant 0 : i32
      %dma_start3A_448 = tpu.memref_slice %arg9[%dma_start3A_446, %dma_start3A_447] : memref<10240x16xf32, #tpu.memory_space<vmem_shared>> -> memref<10240x16xf32, #tpu.memory_space<vmem_shared>>
      tpu.enqueue_indirect_dma source(%dma_start3A_442 : memref<128x16xf32, #tpu.memory_space<vmem>>) target(%dma_start3A_448 : memref<10240x16xf32, #tpu.memory_space<vmem_shared>>) offsets(%dma_start3A_445 : memref<128xi32, #tpu.memory_space<vmem>>) semaphore(%arg14 : memref<!tpu.dma_semaphore, #tpu.memory_space<semaphore_mem>>) {add = true}
      %add3A_449 = arith.constant 2 : i32
      %add3A_450 = arith.addi %add3A_414, %add3A_449 : i32
      %dma_start3A_451 = arith.constant 2 : i32
      %dma_start3A_452 = arith.constant 0 : i32
      %dma_start3A_453 = arith.constant 0 : i32
      %dma_start3A_454 = tpu.memref_slice %arg7[%dma_start3A_451, %dma_start3A_452, %dma_start3A_453] : memref<4x128x16xf32, #tpu.memory_space<vmem>> -> memref<1x128x16xf32, #tpu.memory_space<vmem>>
      %dma_start3A_455 = tpu.memref_squeeze %dma_start3A_454 : memref<1x128x16xf32, #tpu.memory_space<vmem>> -> memref<128x16xf32, #tpu.memory_space<vmem>>
      %dma_start3A_456 = arith.constant 0 : i32
      %dma_start3A_457 = tpu.memref_slice %arg5[%add3A_450, %dma_start3A_456] : memref<80x128xi32, #tpu.memory_space<vmem>> -> memref<1x128xi32, #tpu.memory_space<vmem>>
      %dma_start3A_458 = tpu.memref_squeeze %dma_start3A_457 : memref<1x128xi32, #tpu.memory_space<vmem>> -> memref<128xi32, #tpu.memory_space<vmem>>
      %dma_start3A_459 = arith.constant 0 : i32
      %dma_start3A_460 = arith.constant 0 : i32
      %dma_start3A_461 = tpu.memref_slice %arg2[%dma_start3A_459, %dma_start3A_460] : memref<10240x16xf32, #tpu.memory_space<hbm>> -> memref<10240x16xf32, #tpu.memory_space<hbm>>
      tpu.enqueue_indirect_dma source(%dma_start3A_461 : memref<10240x16xf32, #tpu.memory_space<hbm>>) target(%dma_start3A_455 : memref<128x16xf32, #tpu.memory_space<vmem>>) offsets(%dma_start3A_458 : memref<128xi32, #tpu.memory_space<vmem>>) semaphore(%arg12 : memref<!tpu.dma_semaphore, #tpu.memory_space<semaphore_mem>>)
      %mul3A_462 = arith.constant 4 : i32
      %mul3A_463 = arith.muli %scan3A_409, %mul3A_462 : i32
      %add3A_464 = arith.constant 1 : i32
      %add3A_465 = arith.addi %mul3A_463, %add3A_464 : i32
      %dma_wait3A_466 = arith.constant 1 : i32
      %dma_wait3A_467 = arith.constant 0 : i32
      %dma_wait3A_468 = arith.constant 0 : i32
      %dma_wait3A_469 = tpu.memref_slice %arg7[%dma_wait3A_466, %dma_wait3A_467, %dma_wait3A_468] : memref<4x128x16xf32, #tpu.memory_space<vmem>> -> memref<1x128x16xf32, #tpu.memory_space<vmem>>
      %dma_wait3A_470 = tpu.memref_squeeze %dma_wait3A_469 : memref<1x128x16xf32, #tpu.memory_space<vmem>> -> memref<128x16xf32, #tpu.memory_space<vmem>>
      %dma_wait3A_471 = arith.constant 0 : i32
      %dma_wait3A_472 = tpu.memref_slice %arg5[%add3A_465, %dma_wait3A_471] : memref<80x128xi32, #tpu.memory_space<vmem>> -> memref<1x128xi32, #tpu.memory_space<vmem>>
      %dma_wait3A_473 = tpu.memref_squeeze %dma_wait3A_472 : memref<1x128xi32, #tpu.memory_space<vmem>> -> memref<128xi32, #tpu.memory_space<vmem>>
      %dma_wait3A_474 = arith.constant 0 : i32
      %dma_wait3A_475 = arith.constant 0 : i32
      %dma_wait3A_476 = tpu.memref_slice %arg2[%dma_wait3A_474, %dma_wait3A_475] : memref<10240x16xf32, #tpu.memory_space<hbm>> -> memref<10240x16xf32, #tpu.memory_space<hbm>>
      tpu.wait_indirect_dma semaphore(%arg11 : memref<!tpu.dma_semaphore, #tpu.memory_space<semaphore_mem>>) src(%dma_wait3A_476 : memref<10240x16xf32, #tpu.memory_space<hbm>>) dst(%dma_wait3A_470 : memref<128x16xf32, #tpu.memory_space<vmem>>)
      %sub3A_477 = arith.constant 2 : i32
      %sub3A_478 = arith.subi %add3A_465, %sub3A_477 : i32
      %dma_wait3A_479 = arith.constant 3 : i32
      %dma_wait3A_480 = arith.constant 0 : i32
      %dma_wait3A_481 = arith.constant 0 : i32
      %dma_wait3A_482 = tpu.memref_slice %arg7[%dma_wait3A_479, %dma_wait3A_480, %dma_wait3A_481] : memref<4x128x16xf32, #tpu.memory_space<vmem>> -> memref<1x128x16xf32, #tpu.memory_space<vmem>>
      %dma_wait3A_483 = tpu.memref_squeeze %dma_wait3A_482 : memref<1x128x16xf32, #tpu.memory_space<vmem>> -> memref<128x16xf32, #tpu.memory_space<vmem>>
      %dma_wait3A_484 = arith.constant 0 : i32
      %dma_wait3A_485 = tpu.memref_slice %arg6[%sub3A_478, %dma_wait3A_484] : memref<80x128xi32, #tpu.memory_space<vmem>> -> memref<1x128xi32, #tpu.memory_space<vmem>>
      %dma_wait3A_486 = tpu.memref_squeeze %dma_wait3A_485 : memref<1x128xi32, #tpu.memory_space<vmem>> -> memref<128xi32, #tpu.memory_space<vmem>>
      %dma_wait3A_487 = arith.constant 0 : i32
      %dma_wait3A_488 = arith.constant 0 : i32
      %dma_wait3A_489 = tpu.memref_slice %arg9[%dma_wait3A_487, %dma_wait3A_488] : memref<10240x16xf32, #tpu.memory_space<vmem_shared>> -> memref<10240x16xf32, #tpu.memory_space<vmem_shared>>
      tpu.wait_indirect_dma semaphore(%arg15 : memref<!tpu.dma_semaphore, #tpu.memory_space<semaphore_mem>>) src(%dma_wait3A_483 : memref<128x16xf32, #tpu.memory_space<vmem>>) dst(%dma_wait3A_489 : memref<10240x16xf32, #tpu.memory_space<vmem_shared>>)
      %dma_start3A_490 = arith.constant 1 : i32
      %dma_start3A_491 = arith.constant 0 : i32
      %dma_start3A_492 = arith.constant 0 : i32
      %dma_start3A_493 = tpu.memref_slice %arg7[%dma_start3A_490, %dma_start3A_491, %dma_start3A_492] : memref<4x128x16xf32, #tpu.memory_space<vmem>> -> memref<1x128x16xf32, #tpu.memory_space<vmem>>
      %dma_start3A_494 = tpu.memref_squeeze %dma_start3A_493 : memref<1x128x16xf32, #tpu.memory_space<vmem>> -> memref<128x16xf32, #tpu.memory_space<vmem>>
      %dma_start3A_495 = arith.constant 0 : i32
      %dma_start3A_496 = tpu.memref_slice %arg6[%add3A_465, %dma_start3A_495] : memref<80x128xi32, #tpu.memory_space<vmem>> -> memref<1x128xi32, #tpu.memory_space<vmem>>
      %dma_start3A_497 = tpu.memref_squeeze %dma_start3A_496 : memref<1x128xi32, #tpu.memory_space<vmem>> -> memref<128xi32, #tpu.memory_space<vmem>>
      %dma_start3A_498 = arith.constant 0 : i32
      %dma_start3A_499 = arith.constant 0 : i32
      %dma_start3A_500 = tpu.memref_slice %arg9[%dma_start3A_498, %dma_start3A_499] : memref<10240x16xf32, #tpu.memory_space<vmem_shared>> -> memref<10240x16xf32, #tpu.memory_space<vmem_shared>>
      tpu.enqueue_indirect_dma source(%dma_start3A_494 : memref<128x16xf32, #tpu.memory_space<vmem>>) target(%dma_start3A_500 : memref<10240x16xf32, #tpu.memory_space<vmem_shared>>) offsets(%dma_start3A_497 : memref<128xi32, #tpu.memory_space<vmem>>) semaphore(%arg15 : memref<!tpu.dma_semaphore, #tpu.memory_space<semaphore_mem>>) {add = true}
      %add3A_501 = arith.constant 2 : i32
      %add3A_502 = arith.addi %add3A_465, %add3A_501 : i32
      %dma_start3A_503 = arith.constant 3 : i32
      %dma_start3A_504 = arith.constant 0 : i32
      %dma_start3A_505 = arith.constant 0 : i32
      %dma_start3A_506 = tpu.memref_slice %arg7[%dma_start3A_503, %dma_start3A_504, %dma_start3A_505] : memref<4x128x16xf32, #tpu.memory_space<vmem>> -> memref<1x128x16xf32, #tpu.memory_space<vmem>>
      %dma_start3A_507 = tpu.memref_squeeze %dma_start3A_506 : memref<1x128x16xf32, #tpu.memory_space<vmem>> -> memref<128x16xf32, #tpu.memory_space<vmem>>
      %dma_start3A_508 = arith.constant 0 : i32
      %dma_start3A_509 = tpu.memref_slice %arg5[%add3A_502, %dma_start3A_508] : memref<80x128xi32, #tpu.memory_space<vmem>> -> memref<1x128xi32, #tpu.memory_space<vmem>>
      %dma_start3A_510 = tpu.memref_squeeze %dma_start3A_509 : memref<1x128xi32, #tpu.memory_space<vmem>> -> memref<128xi32, #tpu.memory_space<vmem>>
      %dma_start3A_511 = arith.constant 0 : i32
      %dma_start3A_512 = arith.constant 0 : i32
      %dma_start3A_513 = tpu.memref_slice %arg2[%dma_start3A_511, %dma_start3A_512] : memref<10240x16xf32, #tpu.memory_space<hbm>> -> memref<10240x16xf32, #tpu.memory_space<hbm>>
      tpu.enqueue_indirect_dma source(%dma_start3A_513 : memref<10240x16xf32, #tpu.memory_space<hbm>>) target(%dma_start3A_507 : memref<128x16xf32, #tpu.memory_space<vmem>>) offsets(%dma_start3A_510 : memref<128xi32, #tpu.memory_space<vmem>>) semaphore(%arg13 : memref<!tpu.dma_semaphore, #tpu.memory_space<semaphore_mem>>)
      %mul3A_514 = arith.constant 4 : i32
      %mul3A_515 = arith.muli %scan3A_409, %mul3A_514 : i32
      %add3A_516 = arith.constant 2 : i32
      %add3A_517 = arith.addi %mul3A_515, %add3A_516 : i32
      %dma_wait3A_518 = arith.constant 2 : i32
      %dma_wait3A_519 = arith.constant 0 : i32
      %dma_wait3A_520 = arith.constant 0 : i32
      %dma_wait3A_521 = tpu.memref_slice %arg7[%dma_wait3A_518, %dma_wait3A_519, %dma_wait3A_520] : memref<4x128x16xf32, #tpu.memory_space<vmem>> -> memref<1x128x16xf32, #tpu.memory_space<vmem>>
      %dma_wait3A_522 = tpu.memref_squeeze %dma_wait3A_521 : memref<1x128x16xf32, #tpu.memory_space<vmem>> -> memref<128x16xf32, #tpu.memory_space<vmem>>
      %dma_wait3A_523 = arith.constant 0 : i32
      %dma_wait3A_524 = tpu.memref_slice %arg5[%add3A_517, %dma_wait3A_523] : memref<80x128xi32, #tpu.memory_space<vmem>> -> memref<1x128xi32, #tpu.memory_space<vmem>>
      %dma_wait3A_525 = tpu.memref_squeeze %dma_wait3A_524 : memref<1x128xi32, #tpu.memory_space<vmem>> -> memref<128xi32, #tpu.memory_space<vmem>>
      %dma_wait3A_526 = arith.constant 0 : i32
      %dma_wait3A_527 = arith.constant 0 : i32
      %dma_wait3A_528 = tpu.memref_slice %arg2[%dma_wait3A_526, %dma_wait3A_527] : memref<10240x16xf32, #tpu.memory_space<hbm>> -> memref<10240x16xf32, #tpu.memory_space<hbm>>
      tpu.wait_indirect_dma semaphore(%arg12 : memref<!tpu.dma_semaphore, #tpu.memory_space<semaphore_mem>>) src(%dma_wait3A_528 : memref<10240x16xf32, #tpu.memory_space<hbm>>) dst(%dma_wait3A_522 : memref<128x16xf32, #tpu.memory_space<vmem>>)
      %sub3A_529 = arith.constant 2 : i32
      %sub3A_530 = arith.subi %add3A_517, %sub3A_529 : i32
      %dma_wait3A_531 = arith.constant 0 : i32
      %dma_wait3A_532 = arith.constant 0 : i32
      %dma_wait3A_533 = arith.constant 0 : i32
      %dma_wait3A_534 = tpu.memref_slice %arg7[%dma_wait3A_531, %dma_wait3A_532, %dma_wait3A_533] : memref<4x128x16xf32, #tpu.memory_space<vmem>> -> memref<1x128x16xf32, #tpu.memory_space<vmem>>
      %dma_wait3A_535 = tpu.memref_squeeze %dma_wait3A_534 : memref<1x128x16xf32, #tpu.memory_space<vmem>> -> memref<128x16xf32, #tpu.memory_space<vmem>>
      %dma_wait3A_536 = arith.constant 0 : i32
      %dma_wait3A_537 = tpu.memref_slice %arg6[%sub3A_530, %dma_wait3A_536] : memref<80x128xi32, #tpu.memory_space<vmem>> -> memref<1x128xi32, #tpu.memory_space<vmem>>
      %dma_wait3A_538 = tpu.memref_squeeze %dma_wait3A_537 : memref<1x128xi32, #tpu.memory_space<vmem>> -> memref<128xi32, #tpu.memory_space<vmem>>
      %dma_wait3A_539 = arith.constant 0 : i32
      %dma_wait3A_540 = arith.constant 0 : i32
      %dma_wait3A_541 = tpu.memref_slice %arg9[%dma_wait3A_539, %dma_wait3A_540] : memref<10240x16xf32, #tpu.memory_space<vmem_shared>> -> memref<10240x16xf32, #tpu.memory_space<vmem_shared>>
      tpu.wait_indirect_dma semaphore(%arg14 : memref<!tpu.dma_semaphore, #tpu.memory_space<semaphore_mem>>) src(%dma_wait3A_535 : memref<128x16xf32, #tpu.memory_space<vmem>>) dst(%dma_wait3A_541 : memref<10240x16xf32, #tpu.memory_space<vmem_shared>>)
      %dma_start3A_542 = arith.constant 2 : i32
      %dma_start3A_543 = arith.constant 0 : i32
      %dma_start3A_544 = arith.constant 0 : i32
      %dma_start3A_545 = tpu.memref_slice %arg7[%dma_start3A_542, %dma_start3A_543, %dma_start3A_544] : memref<4x128x16xf32, #tpu.memory_space<vmem>> -> memref<1x128x16xf32, #tpu.memory_space<vmem>>
      %dma_start3A_546 = tpu.memref_squeeze %dma_start3A_545 : memref<1x128x16xf32, #tpu.memory_space<vmem>> -> memref<128x16xf32, #tpu.memory_space<vmem>>
      %dma_start3A_547 = arith.constant 0 : i32
      %dma_start3A_548 = tpu.memref_slice %arg6[%add3A_517, %dma_start3A_547] : memref<80x128xi32, #tpu.memory_space<vmem>> -> memref<1x128xi32, #tpu.memory_space<vmem>>
      %dma_start3A_549 = tpu.memref_squeeze %dma_start3A_548 : memref<1x128xi32, #tpu.memory_space<vmem>> -> memref<128xi32, #tpu.memory_space<vmem>>
      %dma_start3A_550 = arith.constant 0 : i32
      %dma_start3A_551 = arith.constant 0 : i32
      %dma_start3A_552 = tpu.memref_slice %arg9[%dma_start3A_550, %dma_start3A_551] : memref<10240x16xf32, #tpu.memory_space<vmem_shared>> -> memref<10240x16xf32, #tpu.memory_space<vmem_shared>>
      tpu.enqueue_indirect_dma source(%dma_start3A_546 : memref<128x16xf32, #tpu.memory_space<vmem>>) target(%dma_start3A_552 : memref<10240x16xf32, #tpu.memory_space<vmem_shared>>) offsets(%dma_start3A_549 : memref<128xi32, #tpu.memory_space<vmem>>) semaphore(%arg14 : memref<!tpu.dma_semaphore, #tpu.memory_space<semaphore_mem>>) {add = true}
      %add3A_553 = arith.constant 2 : i32
      %add3A_554 = arith.addi %add3A_517, %add3A_553 : i32
      %dma_start3A_555 = arith.constant 0 : i32
      %dma_start3A_556 = arith.constant 0 : i32
      %dma_start3A_557 = arith.constant 0 : i32
      %dma_start3A_558 = tpu.memref_slice %arg7[%dma_start3A_555, %dma_start3A_556, %dma_start3A_557] : memref<4x128x16xf32, #tpu.memory_space<vmem>> -> memref<1x128x16xf32, #tpu.memory_space<vmem>>
      %dma_start3A_559 = tpu.memref_squeeze %dma_start3A_558 : memref<1x128x16xf32, #tpu.memory_space<vmem>> -> memref<128x16xf32, #tpu.memory_space<vmem>>
      %dma_start3A_560 = arith.constant 0 : i32
      %dma_start3A_561 = tpu.memref_slice %arg5[%add3A_554, %dma_start3A_560] : memref<80x128xi32, #tpu.memory_space<vmem>> -> memref<1x128xi32, #tpu.memory_space<vmem>>
      %dma_start3A_562 = tpu.memref_squeeze %dma_start3A_561 : memref<1x128xi32, #tpu.memory_space<vmem>> -> memref<128xi32, #tpu.memory_space<vmem>>
      %dma_start3A_563 = arith.constant 0 : i32
      %dma_start3A_564 = arith.constant 0 : i32
      %dma_start3A_565 = tpu.memref_slice %arg2[%dma_start3A_563, %dma_start3A_564] : memref<10240x16xf32, #tpu.memory_space<hbm>> -> memref<10240x16xf32, #tpu.memory_space<hbm>>
      tpu.enqueue_indirect_dma source(%dma_start3A_565 : memref<10240x16xf32, #tpu.memory_space<hbm>>) target(%dma_start3A_559 : memref<128x16xf32, #tpu.memory_space<vmem>>) offsets(%dma_start3A_562 : memref<128xi32, #tpu.memory_space<vmem>>) semaphore(%arg10 : memref<!tpu.dma_semaphore, #tpu.memory_space<semaphore_mem>>)
      %mul3A_566 = arith.constant 4 : i32
      %mul3A_567 = arith.muli %scan3A_409, %mul3A_566 : i32
      %add3A_568 = arith.constant 3 : i32
      %add3A_569 = arith.addi %mul3A_567, %add3A_568 : i32
      %dma_wait3A_570 = arith.constant 3 : i32
      %dma_wait3A_571 = arith.constant 0 : i32
      %dma_wait3A_572 = arith.constant 0 : i32
      %dma_wait3A_573 = tpu.memref_slice %arg7[%dma_wait3A_570, %dma_wait3A_571, %dma_wait3A_572] : memref<4x128x16xf32, #tpu.memory_space<vmem>> -> memref<1x128x16xf32, #tpu.memory_space<vmem>>
      %dma_wait3A_574 = tpu.memref_squeeze %dma_wait3A_573 : memref<1x128x16xf32, #tpu.memory_space<vmem>> -> memref<128x16xf32, #tpu.memory_space<vmem>>
      %dma_wait3A_575 = arith.constant 0 : i32
      %dma_wait3A_576 = tpu.memref_slice %arg5[%add3A_569, %dma_wait3A_575] : memref<80x128xi32, #tpu.memory_space<vmem>> -> memref<1x128xi32, #tpu.memory_space<vmem>>
      %dma_wait3A_577 = tpu.memref_squeeze %dma_wait3A_576 : memref<1x128xi32, #tpu.memory_space<vmem>> -> memref<128xi32, #tpu.memory_space<vmem>>
      %dma_wait3A_578 = arith.constant 0 : i32
      %dma_wait3A_579 = arith.constant 0 : i32
      %dma_wait3A_580 = tpu.memref_slice %arg2[%dma_wait3A_578, %dma_wait3A_579] : memref<10240x16xf32, #tpu.memory_space<hbm>> -> memref<10240x16xf32, #tpu.memory_space<hbm>>
      tpu.wait_indirect_dma semaphore(%arg13 : memref<!tpu.dma_semaphore, #tpu.memory_space<semaphore_mem>>) src(%dma_wait3A_580 : memref<10240x16xf32, #tpu.memory_space<hbm>>) dst(%dma_wait3A_574 : memref<128x16xf32, #tpu.memory_space<vmem>>)
      %sub3A_581 = arith.constant 2 : i32
      %sub3A_582 = arith.subi %add3A_569, %sub3A_581 : i32
      %dma_wait3A_583 = arith.constant 1 : i32
      %dma_wait3A_584 = arith.constant 0 : i32
      %dma_wait3A_585 = arith.constant 0 : i32
      %dma_wait3A_586 = tpu.memref_slice %arg7[%dma_wait3A_583, %dma_wait3A_584, %dma_wait3A_585] : memref<4x128x16xf32, #tpu.memory_space<vmem>> -> memref<1x128x16xf32, #tpu.memory_space<vmem>>
      %dma_wait3A_587 = tpu.memref_squeeze %dma_wait3A_586 : memref<1x128x16xf32, #tpu.memory_space<vmem>> -> memref<128x16xf32, #tpu.memory_space<vmem>>
      %dma_wait3A_588 = arith.constant 0 : i32
      %dma_wait3A_589 = tpu.memref_slice %arg6[%sub3A_582, %dma_wait3A_588] : memref<80x128xi32, #tpu.memory_space<vmem>> -> memref<1x128xi32, #tpu.memory_space<vmem>>
      %dma_wait3A_590 = tpu.memref_squeeze %dma_wait3A_589 : memref<1x128xi32, #tpu.memory_space<vmem>> -> memref<128xi32, #tpu.memory_space<vmem>>
      %dma_wait3A_591 = arith.constant 0 : i32
      %dma_wait3A_592 = arith.constant 0 : i32
      %dma_wait3A_593 = tpu.memref_slice %arg9[%dma_wait3A_591, %dma_wait3A_592] : memref<10240x16xf32, #tpu.memory_space<vmem_shared>> -> memref<10240x16xf32, #tpu.memory_space<vmem_shared>>
      tpu.wait_indirect_dma semaphore(%arg15 : memref<!tpu.dma_semaphore, #tpu.memory_space<semaphore_mem>>) src(%dma_wait3A_587 : memref<128x16xf32, #tpu.memory_space<vmem>>) dst(%dma_wait3A_593 : memref<10240x16xf32, #tpu.memory_space<vmem_shared>>)
      %dma_start3A_594 = arith.constant 3 : i32
      %dma_start3A_595 = arith.constant 0 : i32
      %dma_start3A_596 = arith.constant 0 : i32
      %dma_start3A_597 = tpu.memref_slice %arg7[%dma_start3A_594, %dma_start3A_595, %dma_start3A_596] : memref<4x128x16xf32, #tpu.memory_space<vmem>> -> memref<1x128x16xf32, #tpu.memory_space<vmem>>
      %dma_start3A_598 = tpu.memref_squeeze %dma_start3A_597 : memref<1x128x16xf32, #tpu.memory_space<vmem>> -> memref<128x16xf32, #tpu.memory_space<vmem>>
      %dma_start3A_599 = arith.constant 0 : i32
      %dma_start3A_600 = tpu.memref_slice %arg6[%add3A_569, %dma_start3A_599] : memref<80x128xi32, #tpu.memory_space<vmem>> -> memref<1x128xi32, #tpu.memory_space<vmem>>
      %dma_start3A_601 = tpu.memref_squeeze %dma_start3A_600 : memref<1x128xi32, #tpu.memory_space<vmem>> -> memref<128xi32, #tpu.memory_space<vmem>>
      %dma_start3A_602 = arith.constant 0 : i32
      %dma_start3A_603 = arith.constant 0 : i32
      %dma_start3A_604 = tpu.memref_slice %arg9[%dma_start3A_602, %dma_start3A_603] : memref<10240x16xf32, #tpu.memory_space<vmem_shared>> -> memref<10240x16xf32, #tpu.memory_space<vmem_shared>>
      tpu.enqueue_indirect_dma source(%dma_start3A_598 : memref<128x16xf32, #tpu.memory_space<vmem>>) target(%dma_start3A_604 : memref<10240x16xf32, #tpu.memory_space<vmem_shared>>) offsets(%dma_start3A_601 : memref<128xi32, #tpu.memory_space<vmem>>) semaphore(%arg15 : memref<!tpu.dma_semaphore, #tpu.memory_space<semaphore_mem>>) {add = true}
      %add3A_605 = arith.constant 2 : i32
      %add3A_606 = arith.addi %add3A_569, %add3A_605 : i32
      %dma_start3A_607 = arith.constant 1 : i32
      %dma_start3A_608 = arith.constant 0 : i32
      %dma_start3A_609 = arith.constant 0 : i32
      %dma_start3A_610 = tpu.memref_slice %arg7[%dma_start3A_607, %dma_start3A_608, %dma_start3A_609] : memref<4x128x16xf32, #tpu.memory_space<vmem>> -> memref<1x128x16xf32, #tpu.memory_space<vmem>>
      %dma_start3A_611 = tpu.memref_squeeze %dma_start3A_610 : memref<1x128x16xf32, #tpu.memory_space<vmem>> -> memref<128x16xf32, #tpu.memory_space<vmem>>
      %dma_start3A_612 = arith.constant 0 : i32
      %dma_start3A_613 = tpu.memref_slice %arg5[%add3A_606, %dma_start3A_612] : memref<80x128xi32, #tpu.memory_space<vmem>> -> memref<1x128xi32, #tpu.memory_space<vmem>>
      %dma_start3A_614 = tpu.memref_squeeze %dma_start3A_613 : memref<1x128xi32, #tpu.memory_space<vmem>> -> memref<128xi32, #tpu.memory_space<vmem>>
      %dma_start3A_615 = arith.constant 0 : i32
      %dma_start3A_616 = arith.constant 0 : i32
      %dma_start3A_617 = tpu.memref_slice %arg2[%dma_start3A_615, %dma_start3A_616] : memref<10240x16xf32, #tpu.memory_space<hbm>> -> memref<10240x16xf32, #tpu.memory_space<hbm>>
      tpu.enqueue_indirect_dma source(%dma_start3A_617 : memref<10240x16xf32, #tpu.memory_space<hbm>>) target(%dma_start3A_611 : memref<128x16xf32, #tpu.memory_space<vmem>>) offsets(%dma_start3A_614 : memref<128xi32, #tpu.memory_space<vmem>>) semaphore(%arg11 : memref<!tpu.dma_semaphore, #tpu.memory_space<semaphore_mem>>)
      %scan3A_618 = arith.constant 0 : i32
      scf.yield %scan3A_618 : i32
    }
    %scan3A_211 = arith.constant 18 : i32
    %dma_wait3A_212 = arith.constant 76 : i32
    %dma_wait3A_213 = arith.constant 0 : i32
    %dma_wait3A_214 = arith.constant 0 : i32
    %dma_wait3A_215 = arith.constant 0 : i32
    %dma_wait3A_216 = tpu.memref_slice %arg7[%dma_wait3A_213, %dma_wait3A_214, %dma_wait3A_215] : memref<4x128x16xf32, #tpu.memory_space<vmem>> -> memref<1x128x16xf32, #tpu.memory_space<vmem>>
    %dma_wait3A_217 = tpu.memref_squeeze %dma_wait3A_216 : memref<1x128x16xf32, #tpu.memory_space<vmem>> -> memref<128x16xf32, #tpu.memory_space<vmem>>
    %dma_wait3A_218 = arith.constant 0 : i32
    %dma_wait3A_219 = tpu.memref_slice %arg5[%dma_wait3A_212, %dma_wait3A_218] : memref<80x128xi32, #tpu.memory_space<vmem>> -> memref<1x128xi32, #tpu.memory_space<vmem>>
    %dma_wait3A_220 = tpu.memref_squeeze %dma_wait3A_219 : memref<1x128xi32, #tpu.memory_space<vmem>> -> memref<128xi32, #tpu.memory_space<vmem>>
    %dma_wait3A_221 = arith.constant 0 : i32
    %dma_wait3A_222 = arith.constant 0 : i32
    %dma_wait3A_223 = tpu.memref_slice %arg2[%dma_wait3A_221, %dma_wait3A_222] : memref<10240x16xf32, #tpu.memory_space<hbm>> -> memref<10240x16xf32, #tpu.memory_space<hbm>>
    tpu.wait_indirect_dma semaphore(%arg10 : memref<!tpu.dma_semaphore, #tpu.memory_space<semaphore_mem>>) src(%dma_wait3A_223 : memref<10240x16xf32, #tpu.memory_space<hbm>>) dst(%dma_wait3A_217 : memref<128x16xf32, #tpu.memory_space<vmem>>)
    %dma_wait3A_224 = arith.constant 2 : i32
    %dma_wait3A_225 = arith.constant 74 : i32
    %dma_wait3A_226 = arith.constant 0 : i32
    %dma_wait3A_227 = arith.constant 0 : i32
    %dma_wait3A_228 = tpu.memref_slice %arg7[%dma_wait3A_224, %dma_wait3A_226, %dma_wait3A_227] : memref<4x128x16xf32, #tpu.memory_space<vmem>> -> memref<1x128x16xf32, #tpu.memory_space<vmem>>
    %dma_wait3A_229 = tpu.memref_squeeze %dma_wait3A_228 : memref<1x128x16xf32, #tpu.memory_space<vmem>> -> memref<128x16xf32, #tpu.memory_space<vmem>>
    %dma_wait3A_230 = arith.constant 0 : i32
    %dma_wait3A_231 = tpu.memref_slice %arg6[%dma_wait3A_225, %dma_wait3A_230] : memref<80x128xi32, #tpu.memory_space<vmem>> -> memref<1x128xi32, #tpu.memory_space<vmem>>
    %dma_wait3A_232 = tpu.memref_squeeze %dma_wait3A_231 : memref<1x128xi32, #tpu.memory_space<vmem>> -> memref<128xi32, #tpu.memory_space<vmem>>
    %dma_wait3A_233 = arith.constant 0 : i32
    %dma_wait3A_234 = arith.constant 0 : i32
    %dma_wait3A_235 = tpu.memref_slice %arg9[%dma_wait3A_233, %dma_wait3A_234] : memref<10240x16xf32, #tpu.memory_space<vmem_shared>> -> memref<10240x16xf32, #tpu.memory_space<vmem_shared>>
    tpu.wait_indirect_dma semaphore(%arg14 : memref<!tpu.dma_semaphore, #tpu.memory_space<semaphore_mem>>) src(%dma_wait3A_229 : memref<128x16xf32, #tpu.memory_space<vmem>>) dst(%dma_wait3A_235 : memref<10240x16xf32, #tpu.memory_space<vmem_shared>>)
    %dma_start3A_236 = arith.constant 0 : i32
    %dma_start3A_237 = arith.constant 76 : i32
    %dma_start3A_238 = arith.constant 0 : i32
    %dma_start3A_239 = arith.constant 0 : i32
    %dma_start3A_240 = tpu.memref_slice %arg7[%dma_start3A_236, %dma_start3A_238, %dma_start3A_239] : memref<4x128x16xf32, #tpu.memory_space<vmem>> -> memref<1x128x16xf32, #tpu.memory_space<vmem>>
    %dma_start3A_241 = tpu.memref_squeeze %dma_start3A_240 : memref<1x128x16xf32, #tpu.memory_space<vmem>> -> memref<128x16xf32, #tpu.memory_space<vmem>>
    %dma_start3A_242 = arith.constant 0 : i32
    %dma_start3A_243 = tpu.memref_slice %arg6[%dma_start3A_237, %dma_start3A_242] : memref<80x128xi32, #tpu.memory_space<vmem>> -> memref<1x128xi32, #tpu.memory_space<vmem>>
    %dma_start3A_244 = tpu.memref_squeeze %dma_start3A_243 : memref<1x128xi32, #tpu.memory_space<vmem>> -> memref<128xi32, #tpu.memory_space<vmem>>
    %dma_start3A_245 = arith.constant 0 : i32
    %dma_start3A_246 = arith.constant 0 : i32
    %dma_start3A_247 = tpu.memref_slice %arg9[%dma_start3A_245, %dma_start3A_246] : memref<10240x16xf32, #tpu.memory_space<vmem_shared>> -> memref<10240x16xf32, #tpu.memory_space<vmem_shared>>
    tpu.enqueue_indirect_dma source(%dma_start3A_241 : memref<128x16xf32, #tpu.memory_space<vmem>>) target(%dma_start3A_247 : memref<10240x16xf32, #tpu.memory_space<vmem_shared>>) offsets(%dma_start3A_244 : memref<128xi32, #tpu.memory_space<vmem>>) semaphore(%arg14 : memref<!tpu.dma_semaphore, #tpu.memory_space<semaphore_mem>>) {add = true}
    %dma_start3A_248 = arith.constant 78 : i32
    %dma_start3A_249 = arith.constant 2 : i32
    %dma_start3A_250 = arith.constant 0 : i32
    %dma_start3A_251 = arith.constant 0 : i32
    %dma_start3A_252 = tpu.memref_slice %arg7[%dma_start3A_249, %dma_start3A_250, %dma_start3A_251] : memref<4x128x16xf32, #tpu.memory_space<vmem>> -> memref<1x128x16xf32, #tpu.memory_space<vmem>>
    %dma_start3A_253 = tpu.memref_squeeze %dma_start3A_252 : memref<1x128x16xf32, #tpu.memory_space<vmem>> -> memref<128x16xf32, #tpu.memory_space<vmem>>
    %dma_start3A_254 = arith.constant 0 : i32
    %dma_start3A_255 = tpu.memref_slice %arg5[%dma_start3A_248, %dma_start3A_254] : memref<80x128xi32, #tpu.memory_space<vmem>> -> memref<1x128xi32, #tpu.memory_space<vmem>>
    %dma_start3A_256 = tpu.memref_squeeze %dma_start3A_255 : memref<1x128xi32, #tpu.memory_space<vmem>> -> memref<128xi32, #tpu.memory_space<vmem>>
    %dma_start3A_257 = arith.constant 0 : i32
    %dma_start3A_258 = arith.constant 0 : i32
    %dma_start3A_259 = tpu.memref_slice %arg2[%dma_start3A_257, %dma_start3A_258] : memref<10240x16xf32, #tpu.memory_space<hbm>> -> memref<10240x16xf32, #tpu.memory_space<hbm>>
    tpu.enqueue_indirect_dma source(%dma_start3A_259 : memref<10240x16xf32, #tpu.memory_space<hbm>>) target(%dma_start3A_253 : memref<128x16xf32, #tpu.memory_space<vmem>>) offsets(%dma_start3A_256 : memref<128xi32, #tpu.memory_space<vmem>>) semaphore(%arg12 : memref<!tpu.dma_semaphore, #tpu.memory_space<semaphore_mem>>)
    %dma_wait3A_260 = arith.constant 77 : i32
    %dma_wait3A_261 = arith.constant 1 : i32
    %dma_wait3A_262 = arith.constant 0 : i32
    %dma_wait3A_263 = arith.constant 0 : i32
    %dma_wait3A_264 = tpu.memref_slice %arg7[%dma_wait3A_261, %dma_wait3A_262, %dma_wait3A_263] : memref<4x128x16xf32, #tpu.memory_space<vmem>> -> memref<1x128x16xf32, #tpu.memory_space<vmem>>
    %dma_wait3A_265 = tpu.memref_squeeze %dma_wait3A_264 : memref<1x128x16xf32, #tpu.memory_space<vmem>> -> memref<128x16xf32, #tpu.memory_space<vmem>>
    %dma_wait3A_266 = arith.constant 0 : i32
    %dma_wait3A_267 = tpu.memref_slice %arg5[%dma_wait3A_260, %dma_wait3A_266] : memref<80x128xi32, #tpu.memory_space<vmem>> -> memref<1x128xi32, #tpu.memory_space<vmem>>
    %dma_wait3A_268 = tpu.memref_squeeze %dma_wait3A_267 : memref<1x128xi32, #tpu.memory_space<vmem>> -> memref<128xi32, #tpu.memory_space<vmem>>
    %dma_wait3A_269 = arith.constant 0 : i32
    %dma_wait3A_270 = arith.constant 0 : i32
    %dma_wait3A_271 = tpu.memref_slice %arg2[%dma_wait3A_269, %dma_wait3A_270] : memref<10240x16xf32, #tpu.memory_space<hbm>> -> memref<10240x16xf32, #tpu.memory_space<hbm>>
    tpu.wait_indirect_dma semaphore(%arg11 : memref<!tpu.dma_semaphore, #tpu.memory_space<semaphore_mem>>) src(%dma_wait3A_271 : memref<10240x16xf32, #tpu.memory_space<hbm>>) dst(%dma_wait3A_265 : memref<128x16xf32, #tpu.memory_space<vmem>>)
    %dma_wait3A_272 = arith.constant 3 : i32
    %dma_wait3A_273 = arith.constant 75 : i32
    %dma_wait3A_274 = arith.constant 0 : i32
    %dma_wait3A_275 = arith.constant 0 : i32
    %dma_wait3A_276 = tpu.memref_slice %arg7[%dma_wait3A_272, %dma_wait3A_274, %dma_wait3A_275] : memref<4x128x16xf32, #tpu.memory_space<vmem>> -> memref<1x128x16xf32, #tpu.memory_space<vmem>>
    %dma_wait3A_277 = tpu.memref_squeeze %dma_wait3A_276 : memref<1x128x16xf32, #tpu.memory_space<vmem>> -> memref<128x16xf32, #tpu.memory_space<vmem>>
    %dma_wait3A_278 = arith.constant 0 : i32
    %dma_wait3A_279 = tpu.memref_slice %arg6[%dma_wait3A_273, %dma_wait3A_278] : memref<80x128xi32, #tpu.memory_space<vmem>> -> memref<1x128xi32, #tpu.memory_space<vmem>>
    %dma_wait3A_280 = tpu.memref_squeeze %dma_wait3A_279 : memref<1x128xi32, #tpu.memory_space<vmem>> -> memref<128xi32, #tpu.memory_space<vmem>>
    %dma_wait3A_281 = arith.constant 0 : i32
    %dma_wait3A_282 = arith.constant 0 : i32
    %dma_wait3A_283 = tpu.memref_slice %arg9[%dma_wait3A_281, %dma_wait3A_282] : memref<10240x16xf32, #tpu.memory_space<vmem_shared>> -> memref<10240x16xf32, #tpu.memory_space<vmem_shared>>
    tpu.wait_indirect_dma semaphore(%arg15 : memref<!tpu.dma_semaphore, #tpu.memory_space<semaphore_mem>>) src(%dma_wait3A_277 : memref<128x16xf32, #tpu.memory_space<vmem>>) dst(%dma_wait3A_283 : memref<10240x16xf32, #tpu.memory_space<vmem_shared>>)
    %dma_start3A_284 = arith.constant 1 : i32
    %dma_start3A_285 = arith.constant 77 : i32
    %dma_start3A_286 = arith.constant 0 : i32
    %dma_start3A_287 = arith.constant 0 : i32
    %dma_start3A_288 = tpu.memref_slice %arg7[%dma_start3A_284, %dma_start3A_286, %dma_start3A_287] : memref<4x128x16xf32, #tpu.memory_space<vmem>> -> memref<1x128x16xf32, #tpu.memory_space<vmem>>
    %dma_start3A_289 = tpu.memref_squeeze %dma_start3A_288 : memref<1x128x16xf32, #tpu.memory_space<vmem>> -> memref<128x16xf32, #tpu.memory_space<vmem>>
    %dma_start3A_290 = arith.constant 0 : i32
    %dma_start3A_291 = tpu.memref_slice %arg6[%dma_start3A_285, %dma_start3A_290] : memref<80x128xi32, #tpu.memory_space<vmem>> -> memref<1x128xi32, #tpu.memory_space<vmem>>
    %dma_start3A_292 = tpu.memref_squeeze %dma_start3A_291 : memref<1x128xi32, #tpu.memory_space<vmem>> -> memref<128xi32, #tpu.memory_space<vmem>>
    %dma_start3A_293 = arith.constant 0 : i32
    %dma_start3A_294 = arith.constant 0 : i32
    %dma_start3A_295 = tpu.memref_slice %arg9[%dma_start3A_293, %dma_start3A_294] : memref<10240x16xf32, #tpu.memory_space<vmem_shared>> -> memref<10240x16xf32, #tpu.memory_space<vmem_shared>>
    tpu.enqueue_indirect_dma source(%dma_start3A_289 : memref<128x16xf32, #tpu.memory_space<vmem>>) target(%dma_start3A_295 : memref<10240x16xf32, #tpu.memory_space<vmem_shared>>) offsets(%dma_start3A_292 : memref<128xi32, #tpu.memory_space<vmem>>) semaphore(%arg15 : memref<!tpu.dma_semaphore, #tpu.memory_space<semaphore_mem>>) {add = true}
    %dma_start3A_296 = arith.constant 79 : i32
    %dma_start3A_297 = arith.constant 3 : i32
    %dma_start3A_298 = arith.constant 0 : i32
    %dma_start3A_299 = arith.constant 0 : i32
    %dma_start3A_300 = tpu.memref_slice %arg7[%dma_start3A_297, %dma_start3A_298, %dma_start3A_299] : memref<4x128x16xf32, #tpu.memory_space<vmem>> -> memref<1x128x16xf32, #tpu.memory_space<vmem>>
    %dma_start3A_301 = tpu.memref_squeeze %dma_start3A_300 : memref<1x128x16xf32, #tpu.memory_space<vmem>> -> memref<128x16xf32, #tpu.memory_space<vmem>>
    %dma_start3A_302 = arith.constant 0 : i32
    %dma_start3A_303 = tpu.memref_slice %arg5[%dma_start3A_296, %dma_start3A_302] : memref<80x128xi32, #tpu.memory_space<vmem>> -> memref<1x128xi32, #tpu.memory_space<vmem>>
    %dma_start3A_304 = tpu.memref_squeeze %dma_start3A_303 : memref<1x128xi32, #tpu.memory_space<vmem>> -> memref<128xi32, #tpu.memory_space<vmem>>
    %dma_start3A_305 = arith.constant 0 : i32
    %dma_start3A_306 = arith.constant 0 : i32
    %dma_start3A_307 = tpu.memref_slice %arg2[%dma_start3A_305, %dma_start3A_306] : memref<10240x16xf32, #tpu.memory_space<hbm>> -> memref<10240x16xf32, #tpu.memory_space<hbm>>
    tpu.enqueue_indirect_dma source(%dma_start3A_307 : memref<10240x16xf32, #tpu.memory_space<hbm>>) target(%dma_start3A_301 : memref<128x16xf32, #tpu.memory_space<vmem>>) offsets(%dma_start3A_304 : memref<128xi32, #tpu.memory_space<vmem>>) semaphore(%arg13 : memref<!tpu.dma_semaphore, #tpu.memory_space<semaphore_mem>>)
    %dma_wait3A_308 = arith.constant 78 : i32
    %dma_wait3A_309 = arith.constant 2 : i32
    %dma_wait3A_310 = arith.constant 0 : i32
    %dma_wait3A_311 = arith.constant 0 : i32
    %dma_wait3A_312 = tpu.memref_slice %arg7[%dma_wait3A_309, %dma_wait3A_310, %dma_wait3A_311] : memref<4x128x16xf32, #tpu.memory_space<vmem>> -> memref<1x128x16xf32, #tpu.memory_space<vmem>>
    %dma_wait3A_313 = tpu.memref_squeeze %dma_wait3A_312 : memref<1x128x16xf32, #tpu.memory_space<vmem>> -> memref<128x16xf32, #tpu.memory_space<vmem>>
    %dma_wait3A_314 = arith.constant 0 : i32
    %dma_wait3A_315 = tpu.memref_slice %arg5[%dma_wait3A_308, %dma_wait3A_314] : memref<80x128xi32, #tpu.memory_space<vmem>> -> memref<1x128xi32, #tpu.memory_space<vmem>>
    %dma_wait3A_316 = tpu.memref_squeeze %dma_wait3A_315 : memref<1x128xi32, #tpu.memory_space<vmem>> -> memref<128xi32, #tpu.memory_space<vmem>>
    %dma_wait3A_317 = arith.constant 0 : i32
    %dma_wait3A_318 = arith.constant 0 : i32
    %dma_wait3A_319 = tpu.memref_slice %arg2[%dma_wait3A_317, %dma_wait3A_318] : memref<10240x16xf32, #tpu.memory_space<hbm>> -> memref<10240x16xf32, #tpu.memory_space<hbm>>
    tpu.wait_indirect_dma semaphore(%arg12 : memref<!tpu.dma_semaphore, #tpu.memory_space<semaphore_mem>>) src(%dma_wait3A_319 : memref<10240x16xf32, #tpu.memory_space<hbm>>) dst(%dma_wait3A_313 : memref<128x16xf32, #tpu.memory_space<vmem>>)
    %dma_wait3A_320 = arith.constant 0 : i32
    %dma_wait3A_321 = arith.constant 76 : i32
    %dma_wait3A_322 = arith.constant 0 : i32
    %dma_wait3A_323 = arith.constant 0 : i32
    %dma_wait3A_324 = tpu.memref_slice %arg7[%dma_wait3A_320, %dma_wait3A_322, %dma_wait3A_323] : memref<4x128x16xf32, #tpu.memory_space<vmem>> -> memref<1x128x16xf32, #tpu.memory_space<vmem>>
    %dma_wait3A_325 = tpu.memref_squeeze %dma_wait3A_324 : memref<1x128x16xf32, #tpu.memory_space<vmem>> -> memref<128x16xf32, #tpu.memory_space<vmem>>
    %dma_wait3A_326 = arith.constant 0 : i32
    %dma_wait3A_327 = tpu.memref_slice %arg6[%dma_wait3A_321, %dma_wait3A_326] : memref<80x128xi32, #tpu.memory_space<vmem>> -> memref<1x128xi32, #tpu.memory_space<vmem>>
    %dma_wait3A_328 = tpu.memref_squeeze %dma_wait3A_327 : memref<1x128xi32, #tpu.memory_space<vmem>> -> memref<128xi32, #tpu.memory_space<vmem>>
    %dma_wait3A_329 = arith.constant 0 : i32
    %dma_wait3A_330 = arith.constant 0 : i32
    %dma_wait3A_331 = tpu.memref_slice %arg9[%dma_wait3A_329, %dma_wait3A_330] : memref<10240x16xf32, #tpu.memory_space<vmem_shared>> -> memref<10240x16xf32, #tpu.memory_space<vmem_shared>>
    tpu.wait_indirect_dma semaphore(%arg14 : memref<!tpu.dma_semaphore, #tpu.memory_space<semaphore_mem>>) src(%dma_wait3A_325 : memref<128x16xf32, #tpu.memory_space<vmem>>) dst(%dma_wait3A_331 : memref<10240x16xf32, #tpu.memory_space<vmem_shared>>)
    %dma_start3A_332 = arith.constant 2 : i32
    %dma_start3A_333 = arith.constant 78 : i32
    %dma_start3A_334 = arith.constant 0 : i32
    %dma_start3A_335 = arith.constant 0 : i32
    %dma_start3A_336 = tpu.memref_slice %arg7[%dma_start3A_332, %dma_start3A_334, %dma_start3A_335] : memref<4x128x16xf32, #tpu.memory_space<vmem>> -> memref<1x128x16xf32, #tpu.memory_space<vmem>>
    %dma_start3A_337 = tpu.memref_squeeze %dma_start3A_336 : memref<1x128x16xf32, #tpu.memory_space<vmem>> -> memref<128x16xf32, #tpu.memory_space<vmem>>
    %dma_start3A_338 = arith.constant 0 : i32
    %dma_start3A_339 = tpu.memref_slice %arg6[%dma_start3A_333, %dma_start3A_338] : memref<80x128xi32, #tpu.memory_space<vmem>> -> memref<1x128xi32, #tpu.memory_space<vmem>>
    %dma_start3A_340 = tpu.memref_squeeze %dma_start3A_339 : memref<1x128xi32, #tpu.memory_space<vmem>> -> memref<128xi32, #tpu.memory_space<vmem>>
    %dma_start3A_341 = arith.constant 0 : i32
    %dma_start3A_342 = arith.constant 0 : i32
    %dma_start3A_343 = tpu.memref_slice %arg9[%dma_start3A_341, %dma_start3A_342] : memref<10240x16xf32, #tpu.memory_space<vmem_shared>> -> memref<10240x16xf32, #tpu.memory_space<vmem_shared>>
    tpu.enqueue_indirect_dma source(%dma_start3A_337 : memref<128x16xf32, #tpu.memory_space<vmem>>) target(%dma_start3A_343 : memref<10240x16xf32, #tpu.memory_space<vmem_shared>>) offsets(%dma_start3A_340 : memref<128xi32, #tpu.memory_space<vmem>>) semaphore(%arg14 : memref<!tpu.dma_semaphore, #tpu.memory_space<semaphore_mem>>) {add = true}
    %dma_wait3A_344 = arith.constant 79 : i32
    %dma_wait3A_345 = arith.constant 3 : i32
    %dma_wait3A_346 = arith.constant 0 : i32
    %dma_wait3A_347 = arith.constant 0 : i32
    %dma_wait3A_348 = tpu.memref_slice %arg7[%dma_wait3A_345, %dma_wait3A_346, %dma_wait3A_347] : memref<4x128x16xf32, #tpu.memory_space<vmem>> -> memref<1x128x16xf32, #tpu.memory_space<vmem>>
    %dma_wait3A_349 = tpu.memref_squeeze %dma_wait3A_348 : memref<1x128x16xf32, #tpu.memory_space<vmem>> -> memref<128x16xf32, #tpu.memory_space<vmem>>
    %dma_wait3A_350 = arith.constant 0 : i32
    %dma_wait3A_351 = tpu.memref_slice %arg5[%dma_wait3A_344, %dma_wait3A_350] : memref<80x128xi32, #tpu.memory_space<vmem>> -> memref<1x128xi32, #tpu.memory_space<vmem>>
    %dma_wait3A_352 = tpu.memref_squeeze %dma_wait3A_351 : memref<1x128xi32, #tpu.memory_space<vmem>> -> memref<128xi32, #tpu.memory_space<vmem>>
    %dma_wait3A_353 = arith.constant 0 : i32
    %dma_wait3A_354 = arith.constant 0 : i32
    %dma_wait3A_355 = tpu.memref_slice %arg2[%dma_wait3A_353, %dma_wait3A_354] : memref<10240x16xf32, #tpu.memory_space<hbm>> -> memref<10240x16xf32, #tpu.memory_space<hbm>>
    tpu.wait_indirect_dma semaphore(%arg13 : memref<!tpu.dma_semaphore, #tpu.memory_space<semaphore_mem>>) src(%dma_wait3A_355 : memref<10240x16xf32, #tpu.memory_space<hbm>>) dst(%dma_wait3A_349 : memref<128x16xf32, #tpu.memory_space<vmem>>)
    %dma_wait3A_356 = arith.constant 1 : i32
    %dma_wait3A_357 = arith.constant 77 : i32
    %dma_wait3A_358 = arith.constant 0 : i32
    %dma_wait3A_359 = arith.constant 0 : i32
    %dma_wait3A_360 = tpu.memref_slice %arg7[%dma_wait3A_356, %dma_wait3A_358, %dma_wait3A_359] : memref<4x128x16xf32, #tpu.memory_space<vmem>> -> memref<1x128x16xf32, #tpu.memory_space<vmem>>
    %dma_wait3A_361 = tpu.memref_squeeze %dma_wait3A_360 : memref<1x128x16xf32, #tpu.memory_space<vmem>> -> memref<128x16xf32, #tpu.memory_space<vmem>>
    %dma_wait3A_362 = arith.constant 0 : i32
    %dma_wait3A_363 = tpu.memref_slice %arg6[%dma_wait3A_357, %dma_wait3A_362] : memref<80x128xi32, #tpu.memory_space<vmem>> -> memref<1x128xi32, #tpu.memory_space<vmem>>
    %dma_wait3A_364 = tpu.memref_squeeze %dma_wait3A_363 : memref<1x128xi32, #tpu.memory_space<vmem>> -> memref<128xi32, #tpu.memory_space<vmem>>
    %dma_wait3A_365 = arith.constant 0 : i32
    %dma_wait3A_366 = arith.constant 0 : i32
    %dma_wait3A_367 = tpu.memref_slice %arg9[%dma_wait3A_365, %dma_wait3A_366] : memref<10240x16xf32, #tpu.memory_space<vmem_shared>> -> memref<10240x16xf32, #tpu.memory_space<vmem_shared>>
    tpu.wait_indirect_dma semaphore(%arg15 : memref<!tpu.dma_semaphore, #tpu.memory_space<semaphore_mem>>) src(%dma_wait3A_361 : memref<128x16xf32, #tpu.memory_space<vmem>>) dst(%dma_wait3A_367 : memref<10240x16xf32, #tpu.memory_space<vmem_shared>>)
    %dma_start3A_368 = arith.constant 3 : i32
    %dma_start3A_369 = arith.constant 79 : i32
    %dma_start3A_370 = arith.constant 0 : i32
    %dma_start3A_371 = arith.constant 0 : i32
    %dma_start3A_372 = tpu.memref_slice %arg7[%dma_start3A_368, %dma_start3A_370, %dma_start3A_371] : memref<4x128x16xf32, #tpu.memory_space<vmem>> -> memref<1x128x16xf32, #tpu.memory_space<vmem>>
    %dma_start3A_373 = tpu.memref_squeeze %dma_start3A_372 : memref<1x128x16xf32, #tpu.memory_space<vmem>> -> memref<128x16xf32, #tpu.memory_space<vmem>>
    %dma_start3A_374 = arith.constant 0 : i32
    %dma_start3A_375 = tpu.memref_slice %arg6[%dma_start3A_369, %dma_start3A_374] : memref<80x128xi32, #tpu.memory_space<vmem>> -> memref<1x128xi32, #tpu.memory_space<vmem>>
    %dma_start3A_376 = tpu.memref_squeeze %dma_start3A_375 : memref<1x128xi32, #tpu.memory_space<vmem>> -> memref<128xi32, #tpu.memory_space<vmem>>
    %dma_start3A_377 = arith.constant 0 : i32
    %dma_start3A_378 = arith.constant 0 : i32
    %dma_start3A_379 = tpu.memref_slice %arg9[%dma_start3A_377, %dma_start3A_378] : memref<10240x16xf32, #tpu.memory_space<vmem_shared>> -> memref<10240x16xf32, #tpu.memory_space<vmem_shared>>
    tpu.enqueue_indirect_dma source(%dma_start3A_373 : memref<128x16xf32, #tpu.memory_space<vmem>>) target(%dma_start3A_379 : memref<10240x16xf32, #tpu.memory_space<vmem_shared>>) offsets(%dma_start3A_376 : memref<128xi32, #tpu.memory_space<vmem>>) semaphore(%arg15 : memref<!tpu.dma_semaphore, #tpu.memory_space<semaphore_mem>>) {add = true}
    %dma_wait3A_380 = arith.constant 2 : i32
    %dma_wait3A_381 = arith.constant 78 : i32
    %dma_wait3A_382 = arith.constant 0 : i32
    %dma_wait3A_383 = arith.constant 0 : i32
    %dma_wait3A_384 = tpu.memref_slice %arg7[%dma_wait3A_380, %dma_wait3A_382, %dma_wait3A_383] : memref<4x128x16xf32, #tpu.memory_space<vmem>> -> memref<1x128x16xf32, #tpu.memory_space<vmem>>
    %dma_wait3A_385 = tpu.memref_squeeze %dma_wait3A_384 : memref<1x128x16xf32, #tpu.memory_space<vmem>> -> memref<128x16xf32, #tpu.memory_space<vmem>>
    %dma_wait3A_386 = arith.constant 0 : i32
    %dma_wait3A_387 = tpu.memref_slice %arg6[%dma_wait3A_381, %dma_wait3A_386] : memref<80x128xi32, #tpu.memory_space<vmem>> -> memref<1x128xi32, #tpu.memory_space<vmem>>
    %dma_wait3A_388 = tpu.memref_squeeze %dma_wait3A_387 : memref<1x128xi32, #tpu.memory_space<vmem>> -> memref<128xi32, #tpu.memory_space<vmem>>
    %dma_wait3A_389 = arith.constant 0 : i32
    %dma_wait3A_390 = arith.constant 0 : i32
    %dma_wait3A_391 = tpu.memref_slice %arg9[%dma_wait3A_389, %dma_wait3A_390] : memref<10240x16xf32, #tpu.memory_space<vmem_shared>> -> memref<10240x16xf32, #tpu.memory_space<vmem_shared>>
    tpu.wait_indirect_dma semaphore(%arg14 : memref<!tpu.dma_semaphore, #tpu.memory_space<semaphore_mem>>) src(%dma_wait3A_385 : memref<128x16xf32, #tpu.memory_space<vmem>>) dst(%dma_wait3A_391 : memref<10240x16xf32, #tpu.memory_space<vmem_shared>>)
    %dma_wait3A_392 = arith.constant 3 : i32
    %dma_wait3A_393 = arith.constant 79 : i32
    %dma_wait3A_394 = arith.constant 0 : i32
    %dma_wait3A_395 = arith.constant 0 : i32
    %dma_wait3A_396 = tpu.memref_slice %arg7[%dma_wait3A_392, %dma_wait3A_394, %dma_wait3A_395] : memref<4x128x16xf32, #tpu.memory_space<vmem>> -> memref<1x128x16xf32, #tpu.memory_space<vmem>>
    %dma_wait3A_397 = tpu.memref_squeeze %dma_wait3A_396 : memref<1x128x16xf32, #tpu.memory_space<vmem>> -> memref<128x16xf32, #tpu.memory_space<vmem>>
    %dma_wait3A_398 = arith.constant 0 : i32
    %dma_wait3A_399 = tpu.memref_slice %arg6[%dma_wait3A_393, %dma_wait3A_398] : memref<80x128xi32, #tpu.memory_space<vmem>> -> memref<1x128xi32, #tpu.memory_space<vmem>>
    %dma_wait3A_400 = tpu.memref_squeeze %dma_wait3A_399 : memref<1x128xi32, #tpu.memory_space<vmem>> -> memref<128xi32, #tpu.memory_space<vmem>>
    %dma_wait3A_401 = arith.constant 0 : i32
    %dma_wait3A_402 = arith.constant 0 : i32
    %dma_wait3A_403 = tpu.memref_slice %arg9[%dma_wait3A_401, %dma_wait3A_402] : memref<10240x16xf32, #tpu.memory_space<vmem_shared>> -> memref<10240x16xf32, #tpu.memory_space<vmem_shared>>
    tpu.wait_indirect_dma semaphore(%arg15 : memref<!tpu.dma_semaphore, #tpu.memory_space<semaphore_mem>>) src(%dma_wait3A_397 : memref<128x16xf32, #tpu.memory_space<vmem>>) dst(%dma_wait3A_403 : memref<10240x16xf32, #tpu.memory_space<vmem_shared>>)
    %barrier3A_404 = arith.constant 0 : index
    tpu.barrier barrier_id(%barrier3A_404)
    %mul3A_405 = arith.constant 640 : i32
    %mul3A_406 = arith.muli %arg1, %mul3A_405 : i32
    %mul3A_407 = arith.constant 640 : i32
    %mul3A_408 = arith.muli %arg1, %mul3A_407 : i32
    "tpu.region"() ({
      %run_scoped3A_409 = tpu.sem_alloc : memref<!tpu.dma_semaphore, #tpu.memory_space<semaphore_mem>>
      %dma_start3A_410 = arith.constant 0 : i32
      %dma_start3A_411 = tpu.memref_slice %arg4[%arg0, %mul3A_408, %dma_start3A_410] : memref<2x10240x16xf32, #tpu.memory_space<hbm>> -> memref<1x640x16xf32, #tpu.memory_space<hbm>>
      %dma_start3A_412 = tpu.memref_squeeze %dma_start3A_411 : memref<1x640x16xf32, #tpu.memory_space<hbm>> -> memref<640x16xf32, #tpu.memory_space<hbm>>
      %dma_start3A_413 = arith.constant 0 : i32
      %dma_start3A_414 = tpu.memref_slice %arg9[%mul3A_406, %dma_start3A_413] : memref<10240x16xf32, #tpu.memory_space<vmem_shared>> -> memref<640x16xf32, #tpu.memory_space<vmem_shared>>
      tpu.enqueue_dma source(%dma_start3A_414 : memref<640x16xf32, #tpu.memory_space<vmem_shared>>) target(%dma_start3A_412 : memref<640x16xf32, #tpu.memory_space<hbm>>) target_semaphore(%run_scoped3A_409 : memref<!tpu.dma_semaphore, #tpu.memory_space<semaphore_mem>>)
      %dma_wait3A_415 = arith.constant 0 : i32
      %dma_wait3A_416 = tpu.memref_slice %arg4[%arg0, %mul3A_408, %dma_wait3A_415] : memref<2x10240x16xf32, #tpu.memory_space<hbm>> -> memref<1x640x16xf32, #tpu.memory_space<hbm>>
      %dma_wait3A_417 = tpu.memref_squeeze %dma_wait3A_416 : memref<1x640x16xf32, #tpu.memory_space<hbm>> -> memref<640x16xf32, #tpu.memory_space<hbm>>
      %dma_wait3A_418 = arith.constant 0 : i32
      %dma_wait3A_419 = tpu.memref_slice %arg9[%mul3A_406, %dma_wait3A_418] : memref<10240x16xf32, #tpu.memory_space<vmem_shared>> -> memref<640x16xf32, #tpu.memory_space<vmem_shared>>
      tpu.wait_dma2 semaphore(%run_scoped3A_409 : memref<!tpu.dma_semaphore, #tpu.memory_space<semaphore_mem>>) src(%dma_wait3A_419 : memref<640x16xf32, #tpu.memory_space<vmem_shared>>) dst(%dma_wait3A_417 : memref<640x16xf32, #tpu.memory_space<hbm>>)
      tpu.yield
    }) : () -> ()
    return
  }
}

#map = affine_map<(d0, d1) -> (0, 0)>
#map1 = affine_map<(d0, d1) -> (0, 0, 0, 0)>
#map2 = affine_map<(d0, d1) -> (0, 0, 0)>
module attributes {stable_mosaic.version = 14 : i64} {
  func.func @_seg_gather(%arg0: i32, %arg1: i32, %arg2: memref<10240x16xf32, #tpu.memory_space<hbm>>, %arg3: memref<2x32x80x128xi32, #tpu.memory_space<hbm>>, %arg4: memref<2x10240x16xf32, #tpu.memory_space<hbm>>, %arg5: memref<80x128xi32, #tpu.memory_space<vmem>>, %arg6: memref<80x128xi32, #tpu.memory_space<vmem>>, %arg7: memref<4x128x16xf32, #tpu.memory_space<vmem>>, %arg8: memref<64x16xf32, #tpu.memory_space<vmem>>, %arg9: memref<10240x16xf32, #tpu.memory_space<vmem_shared>>, %arg10: memref<!tpu.dma_semaphore, #tpu.memory_space<semaphore_mem>>, %arg11: memref<!tpu.dma_semaphore, #tpu.memory_space<semaphore_mem>>, %arg12: memref<!tpu.dma_semaphore, #tpu.memory_space<semaphore_mem>>, %arg13: memref<!tpu.dma_semaphore, #tpu.memory_space<semaphore_mem>>, %arg14: memref<!tpu.dma_semaphore, #tpu.memory_space<semaphore_mem>>, %arg15: memref<!tpu.dma_semaphore, #tpu.memory_space<semaphore_mem>>) attributes {dimension_semantics = [#tpu.dimension_semantics<core_parallel>, #tpu.dimension_semantics<subcore_parallel>], iteration_bounds = array<i64: 2, 16>, scalar_prefetch = 0 : i64, scratch_operands = 11 : i64, tpu.core_type = #tpu.core_type<sc_vector_subcore>, window_params = [{transform_indices = #map}, {transform_indices = #map1}, {transform_indices = #map2}]} {
    %mul3A = arith.constant 2 : i32
    %mul3A_0 = arith.muli %arg1, %mul3A : i32
    %add3A = arith.addi %mul3A_0, %arg0 : i32
    %scan3A = arith.constant 0 : i32
    %scan3A_1 = arith.constant 0 : i32
    %scan3A_2 = arith.constant 64 : i32
    %scan3A_3 = arith.addi %scan3A_1, %scan3A_2 : i32
    %scan3A_4 = arith.constant 1 : i32
    %scan3A_5 = scf.for %scan3A_409 = %scan3A_1 to %scan3A_3 step %scan3A_4 iter_args(%scan3A_410 = %scan3A) -> (i32)  : i32 {
      %broadcast_in_dim3A = arith.constant 0.000000e+00 : f32
      %broadcast_in_dim3A_411 = vector.broadcast %broadcast_in_dim3A : f32 to vector<16xf32>
      %swap3A = arith.index_cast %scan3A_409 : i32 to index
      %swap3A_412 = arith.constant 0 : index
      %swap3A_413 = tpu.vector_load %arg8[%swap3A, %swap3A_412] {strides = array<i32>} : memref<64x16xf32, #tpu.memory_space<vmem>>, vector<1x16xf32>,
      %swap3A_414 = vector.shape_cast %swap3A_413 : vector<1x16xf32> to vector<16xf32>
      %swap3A_415 = vector.shape_cast %broadcast_in_dim3A_411 : vector<16xf32> to vector<1x16xf32>
      tpu.vector_store %arg8[%swap3A, %swap3A_412], %swap3A_415 {strides = array<i32>} : memref<64x16xf32, #tpu.memory_space<vmem>>, vector<1x16xf32>,
      %scan3A_416 = arith.constant 0 : i32
      scf.yield %scan3A_416 : i32
    }
    %scan3A_6 = arith.constant 64 : i32
    %scan3A_7 = arith.constant 0 : i32
    %scan3A_8 = arith.constant 0 : i32
    %scan3A_9 = arith.constant 10 : i32
    %scan3A_10 = arith.addi %scan3A_8, %scan3A_9 : i32
    %scan3A_11 = arith.constant 1 : i32
    %scan3A_12 = scf.for %scan3A_409 = %scan3A_8 to %scan3A_10 step %scan3A_11 iter_args(%scan3A_410 = %scan3A_7) -> (i32)  : i32 {
      %mul3A_411 = arith.constant 640 : i32
      %mul3A_412 = arith.muli %arg1, %mul3A_411 : i32
      %mul3A_413 = arith.constant 64 : i32
      %mul3A_414 = arith.muli %scan3A_409, %mul3A_413 : i32
      %add3A_415 = arith.addi %mul3A_412, %mul3A_414 : i32
      "tpu.region"() ({
        %run_scoped3A_417 = tpu.sem_alloc : memref<!tpu.dma_semaphore, #tpu.memory_space<semaphore_mem>>
        %dma_start3A_418 = arith.constant 0 : i32
        %dma_start3A_419 = tpu.memref_slice %arg9[%add3A_415, %dma_start3A_418] : memref<10240x16xf32, #tpu.memory_space<vmem_shared>> -> memref<64x16xf32, #tpu.memory_space<vmem_shared>>
        %dma_start3A_420 = arith.constant 0 : i32
        %dma_start3A_421 = tpu.memref_slice %arg9[%add3A_415, %dma_start3A_420] : memref<10240x16xf32, #tpu.memory_space<vmem_shared>> -> memref<64x16xf32, #tpu.memory_space<vmem_shared>>
        tpu.enqueue_dma source(%arg8 : memref<64x16xf32, #tpu.memory_space<vmem>>) target(%dma_start3A_421 : memref<64x16xf32, #tpu.memory_space<vmem_shared>>) target_semaphore(%run_scoped3A_417 : memref<!tpu.dma_semaphore, #tpu.memory_space<semaphore_mem>>)
        %dma_wait3A_422 = arith.constant 0 : i32
        %dma_wait3A_423 = tpu.memref_slice %arg9[%add3A_415, %dma_wait3A_422] : memref<10240x16xf32, #tpu.memory_space<vmem_shared>> -> memref<64x16xf32, #tpu.memory_space<vmem_shared>>
        %dma_wait3A_424 = arith.constant 0 : i32
        %dma_wait3A_425 = tpu.memref_slice %arg9[%add3A_415, %dma_wait3A_424] : memref<10240x16xf32, #tpu.memory_space<vmem_shared>> -> memref<64x16xf32, #tpu.memory_space<vmem_shared>>
        tpu.wait_dma2 semaphore(%run_scoped3A_417 : memref<!tpu.dma_semaphore, #tpu.memory_space<semaphore_mem>>) src(%arg8 : memref<64x16xf32, #tpu.memory_space<vmem>>) dst(%dma_wait3A_425 : memref<64x16xf32, #tpu.memory_space<vmem_shared>>)
        tpu.yield
      }) : () -> ()
      %scan3A_416 = arith.constant 0 : i32
      scf.yield %scan3A_416 : i32
    }
    %scan3A_13 = arith.constant 10 : i32
    %run_scoped3A = arith.constant 0 : i32
    "tpu.region"() ({
      %run_scoped3A_409 = tpu.sem_alloc : memref<!tpu.dma_semaphore, #tpu.memory_space<semaphore_mem>>
      %dma_start3A_410 = arith.constant 0 : i32
      %dma_start3A_411 = arith.constant 0 : i32
      %dma_start3A_412 = tpu.memref_slice %arg3[%run_scoped3A, %add3A, %dma_start3A_410, %dma_start3A_411] : memref<2x32x80x128xi32, #tpu.memory_space<hbm>> -> memref<1x1x80x128xi32, #tpu.memory_space<hbm>>
      %dma_start3A_413 = tpu.memref_squeeze %dma_start3A_412 : memref<1x1x80x128xi32, #tpu.memory_space<hbm>> -> memref<80x128xi32, #tpu.memory_space<hbm>>
      %dma_start3A_414 = arith.constant 0 : i32
      %dma_start3A_415 = arith.constant 0 : i32
      %dma_start3A_416 = tpu.memref_slice %arg3[%run_scoped3A, %add3A, %dma_start3A_414, %dma_start3A_415] : memref<2x32x80x128xi32, #tpu.memory_space<hbm>> -> memref<1x1x80x128xi32, #tpu.memory_space<hbm>>
      %dma_start3A_417 = tpu.memref_squeeze %dma_start3A_416 : memref<1x1x80x128xi32, #tpu.memory_space<hbm>> -> memref<80x128xi32, #tpu.memory_space<hbm>>
      tpu.enqueue_dma source(%dma_start3A_417 : memref<80x128xi32, #tpu.memory_space<hbm>>) target(%arg5 : memref<80x128xi32, #tpu.memory_space<vmem>>) target_semaphore(%run_scoped3A_409 : memref<!tpu.dma_semaphore, #tpu.memory_space<semaphore_mem>>)
      %dma_wait3A_418 = arith.constant 0 : i32
      %dma_wait3A_419 = arith.constant 0 : i32
      %dma_wait3A_420 = tpu.memref_slice %arg3[%run_scoped3A, %add3A, %dma_wait3A_418, %dma_wait3A_419] : memref<2x32x80x128xi32, #tpu.memory_space<hbm>> -> memref<1x1x80x128xi32, #tpu.memory_space<hbm>>
      %dma_wait3A_421 = tpu.memref_squeeze %dma_wait3A_420 : memref<1x1x80x128xi32, #tpu.memory_space<hbm>> -> memref<80x128xi32, #tpu.memory_space<hbm>>
      %dma_wait3A_422 = arith.constant 0 : i32
      %dma_wait3A_423 = arith.constant 0 : i32
      %dma_wait3A_424 = tpu.memref_slice %arg3[%run_scoped3A, %add3A, %dma_wait3A_422, %dma_wait3A_423] : memref<2x32x80x128xi32, #tpu.memory_space<hbm>> -> memref<1x1x80x128xi32, #tpu.memory_space<hbm>>
      %dma_wait3A_425 = tpu.memref_squeeze %dma_wait3A_424 : memref<1x1x80x128xi32, #tpu.memory_space<hbm>> -> memref<80x128xi32, #tpu.memory_space<hbm>>
      tpu.wait_dma2 semaphore(%run_scoped3A_409 : memref<!tpu.dma_semaphore, #tpu.memory_space<semaphore_mem>>) src(%dma_wait3A_425 : memref<80x128xi32, #tpu.memory_space<hbm>>) dst(%arg5 : memref<80x128xi32, #tpu.memory_space<vmem>>)
      tpu.yield
    }) : () -> ()
    %run_scoped3A_14 = arith.constant 1 : i32
    "tpu.region"() ({
      %run_scoped3A_409 = tpu.sem_alloc : memref<!tpu.dma_semaphore, #tpu.memory_space<semaphore_mem>>
      %dma_start3A_410 = arith.constant 0 : i32
      %dma_start3A_411 = arith.constant 0 : i32
      %dma_start3A_412 = tpu.memref_slice %arg3[%run_scoped3A_14, %add3A, %dma_start3A_410, %dma_start3A_411] : memref<2x32x80x128xi32, #tpu.memory_space<hbm>> -> memref<1x1x80x128xi32, #tpu.memory_space<hbm>>
      %dma_start3A_413 = tpu.memref_squeeze %dma_start3A_412 : memref<1x1x80x128xi32, #tpu.memory_space<hbm>> -> memref<80x128xi32, #tpu.memory_space<hbm>>
      %dma_start3A_414 = arith.constant 0 : i32
      %dma_start3A_415 = arith.constant 0 : i32
      %dma_start3A_416 = tpu.memref_slice %arg3[%run_scoped3A_14, %add3A, %dma_start3A_414, %dma_start3A_415] : memref<2x32x80x128xi32, #tpu.memory_space<hbm>> -> memref<1x1x80x128xi32, #tpu.memory_space<hbm>>
      %dma_start3A_417 = tpu.memref_squeeze %dma_start3A_416 : memref<1x1x80x128xi32, #tpu.memory_space<hbm>> -> memref<80x128xi32, #tpu.memory_space<hbm>>
      tpu.enqueue_dma source(%dma_start3A_417 : memref<80x128xi32, #tpu.memory_space<hbm>>) target(%arg6 : memref<80x128xi32, #tpu.memory_space<vmem>>) target_semaphore(%run_scoped3A_409 : memref<!tpu.dma_semaphore, #tpu.memory_space<semaphore_mem>>)
      %dma_wait3A_418 = arith.constant 0 : i32
      %dma_wait3A_419 = arith.constant 0 : i32
      %dma_wait3A_420 = tpu.memref_slice %arg3[%run_scoped3A_14, %add3A, %dma_wait3A_418, %dma_wait3A_419] : memref<2x32x80x128xi32, #tpu.memory_space<hbm>> -> memref<1x1x80x128xi32, #tpu.memory_space<hbm>>
      %dma_wait3A_421 = tpu.memref_squeeze %dma_wait3A_420 : memref<1x1x80x128xi32, #tpu.memory_space<hbm>> -> memref<80x128xi32, #tpu.memory_space<hbm>>
      %dma_wait3A_422 = arith.constant 0 : i32
      %dma_wait3A_423 = arith.constant 0 : i32
      %dma_wait3A_424 = tpu.memref_slice %arg3[%run_scoped3A_14, %add3A, %dma_wait3A_422, %dma_wait3A_423] : memref<2x32x80x128xi32, #tpu.memory_space<hbm>> -> memref<1x1x80x128xi32, #tpu.memory_space<hbm>>
      %dma_wait3A_425 = tpu.memref_squeeze %dma_wait3A_424 : memref<1x1x80x128xi32, #tpu.memory_space<hbm>> -> memref<80x128xi32, #tpu.memory_space<hbm>>
      tpu.wait_dma2 semaphore(%run_scoped3A_409 : memref<!tpu.dma_semaphore, #tpu.memory_space<semaphore_mem>>) src(%dma_wait3A_425 : memref<80x128xi32, #tpu.memory_space<hbm>>) dst(%arg6 : memref<80x128xi32, #tpu.memory_space<vmem>>)
      tpu.yield
    }) : () -> ()
    %barrier3A = arith.constant 0 : index
    tpu.barrier barrier_id(%barrier3A)
    %dma_start3A = arith.constant 0 : i32
    %dma_start3A_15 = arith.constant 0 : i32
    %dma_start3A_16 = arith.constant 0 : i32
    %dma_start3A_17 = arith.constant 0 : i32
    %dma_start3A_18 = tpu.memref_slice %arg7[%dma_start3A_15, %dma_start3A_16, %dma_start3A_17] : memref<4x128x16xf32, #tpu.memory_space<vmem>> -> memref<1x128x16xf32, #tpu.memory_space<vmem>>
    %dma_start3A_19 = tpu.memref_squeeze %dma_start3A_18 : memref<1x128x16xf32, #tpu.memory_space<vmem>> -> memref<128x16xf32, #tpu.memory_space<vmem>>
    %dma_start3A_20 = arith.constant 0 : i32
    %dma_start3A_21 = tpu.memref_slice %arg5[%dma_start3A, %dma_start3A_20] : memref<80x128xi32, #tpu.memory_space<vmem>> -> memref<1x128xi32, #tpu.memory_space<vmem>>
    %dma_start3A_22 = tpu.memref_squeeze %dma_start3A_21 : memref<1x128xi32, #tpu.memory_space<vmem>> -> memref<128xi32, #tpu.memory_space<vmem>>
    %dma_start3A_23 = arith.constant 0 : i32
    %dma_start3A_24 = arith.constant 0 : i32
    %dma_start3A_25 = tpu.memref_slice %arg2[%dma_start3A_23, %dma_start3A_24] : memref<10240x16xf32, #tpu.memory_space<hbm>> -> memref<10240x16xf32, #tpu.memory_space<hbm>>
    tpu.enqueue_indirect_dma source(%dma_start3A_25 : memref<10240x16xf32, #tpu.memory_space<hbm>>) target(%dma_start3A_19 : memref<128x16xf32, #tpu.memory_space<vmem>>) offsets(%dma_start3A_22 : memref<128xi32, #tpu.memory_space<vmem>>) semaphore(%arg10 : memref<!tpu.dma_semaphore, #tpu.memory_space<semaphore_mem>>)
    %dma_start3A_26 = arith.constant 1 : i32
    %dma_start3A_27 = arith.constant 1 : i32
    %dma_start3A_28 = arith.constant 0 : i32
    %dma_start3A_29 = arith.constant 0 : i32
    %dma_start3A_30 = tpu.memref_slice %arg7[%dma_start3A_27, %dma_start3A_28, %dma_start3A_29] : memref<4x128x16xf32, #tpu.memory_space<vmem>> -> memref<1x128x16xf32, #tpu.memory_space<vmem>>
    %dma_start3A_31 = tpu.memref_squeeze %dma_start3A_30 : memref<1x128x16xf32, #tpu.memory_space<vmem>> -> memref<128x16xf32, #tpu.memory_space<vmem>>
    %dma_start3A_32 = arith.constant 0 : i32
    %dma_start3A_33 = tpu.memref_slice %arg5[%dma_start3A_26, %dma_start3A_32] : memref<80x128xi32, #tpu.memory_space<vmem>> -> memref<1x128xi32, #tpu.memory_space<vmem>>
    %dma_start3A_34 = tpu.memref_squeeze %dma_start3A_33 : memref<1x128xi32, #tpu.memory_space<vmem>> -> memref<128xi32, #tpu.memory_space<vmem>>
    %dma_start3A_35 = arith.constant 0 : i32
    %dma_start3A_36 = arith.constant 0 : i32
    %dma_start3A_37 = tpu.memref_slice %arg2[%dma_start3A_35, %dma_start3A_36] : memref<10240x16xf32, #tpu.memory_space<hbm>> -> memref<10240x16xf32, #tpu.memory_space<hbm>>
    tpu.enqueue_indirect_dma source(%dma_start3A_37 : memref<10240x16xf32, #tpu.memory_space<hbm>>) target(%dma_start3A_31 : memref<128x16xf32, #tpu.memory_space<vmem>>) offsets(%dma_start3A_34 : memref<128xi32, #tpu.memory_space<vmem>>) semaphore(%arg11 : memref<!tpu.dma_semaphore, #tpu.memory_space<semaphore_mem>>)
    %dma_wait3A = arith.constant 0 : i32
    %dma_wait3A_38 = arith.constant 0 : i32
    %dma_wait3A_39 = arith.constant 0 : i32
    %dma_wait3A_40 = arith.constant 0 : i32
    %dma_wait3A_41 = tpu.memref_slice %arg7[%dma_wait3A_38, %dma_wait3A_39, %dma_wait3A_40] : memref<4x128x16xf32, #tpu.memory_space<vmem>> -> memref<1x128x16xf32, #tpu.memory_space<vmem>>
    %dma_wait3A_42 = tpu.memref_squeeze %dma_wait3A_41 : memref<1x128x16xf32, #tpu.memory_space<vmem>> -> memref<128x16xf32, #tpu.memory_space<vmem>>
    %dma_wait3A_43 = arith.constant 0 : i32
    %dma_wait3A_44 = tpu.memref_slice %arg5[%dma_wait3A, %dma_wait3A_43] : memref<80x128xi32, #tpu.memory_space<vmem>> -> memref<1x128xi32, #tpu.memory_space<vmem>>
    %dma_wait3A_45 = tpu.memref_squeeze %dma_wait3A_44 : memref<1x128xi32, #tpu.memory_space<vmem>> -> memref<128xi32, #tpu.memory_space<vmem>>
    %dma_wait3A_46 = arith.constant 0 : i32
    %dma_wait3A_47 = arith.constant 0 : i32
    %dma_wait3A_48 = tpu.memref_slice %arg2[%dma_wait3A_46, %dma_wait3A_47] : memref<10240x16xf32, #tpu.memory_space<hbm>> -> memref<10240x16xf32, #tpu.memory_space<hbm>>
    tpu.wait_indirect_dma semaphore(%arg10 : memref<!tpu.dma_semaphore, #tpu.memory_space<semaphore_mem>>) src(%dma_wait3A_48 : memref<10240x16xf32, #tpu.memory_space<hbm>>) dst(%dma_wait3A_42 : memref<128x16xf32, #tpu.memory_space<vmem>>)
    %dma_start3A_49 = arith.constant 0 : i32
    %dma_start3A_50 = arith.constant 0 : i32
    %dma_start3A_51 = arith.constant 0 : i32
    %dma_start3A_52 = arith.constant 0 : i32
    %dma_start3A_53 = tpu.memref_slice %arg7[%dma_start3A_49, %dma_start3A_51, %dma_start3A_52] : memref<4x128x16xf32, #tpu.memory_space<vmem>> -> memref<1x128x16xf32, #tpu.memory_space<vmem>>
    %dma_start3A_54 = tpu.memref_squeeze %dma_start3A_53 : memref<1x128x16xf32, #tpu.memory_space<vmem>> -> memref<128x16xf32, #tpu.memory_space<vmem>>
    %dma_start3A_55 = arith.constant 0 : i32
    %dma_start3A_56 = tpu.memref_slice %arg6[%dma_start3A_50, %dma_start3A_55] : memref<80x128xi32, #tpu.memory_space<vmem>> -> memref<1x128xi32, #tpu.memory_space<vmem>>
    %dma_start3A_57 = tpu.memref_squeeze %dma_start3A_56 : memref<1x128xi32, #tpu.memory_space<vmem>> -> memref<128xi32, #tpu.memory_space<vmem>>
    %dma_start3A_58 = arith.constant 0 : i32
    %dma_start3A_59 = arith.constant 0 : i32
    %dma_start3A_60 = tpu.memref_slice %arg9[%dma_start3A_58, %dma_start3A_59] : memref<10240x16xf32, #tpu.memory_space<vmem_shared>> -> memref<10240x16xf32, #tpu.memory_space<vmem_shared>>
    tpu.enqueue_indirect_dma source(%dma_start3A_54 : memref<128x16xf32, #tpu.memory_space<vmem>>) target(%dma_start3A_60 : memref<10240x16xf32, #tpu.memory_space<vmem_shared>>) offsets(%dma_start3A_57 : memref<128xi32, #tpu.memory_space<vmem>>) semaphore(%arg14 : memref<!tpu.dma_semaphore, #tpu.memory_space<semaphore_mem>>) {add = true}
    %dma_start3A_61 = arith.constant 2 : i32
    %dma_start3A_62 = arith.constant 2 : i32
    %dma_start3A_63 = arith.constant 0 : i32
    %dma_start3A_64 = arith.constant 0 : i32
    %dma_start3A_65 = tpu.memref_slice %arg7[%dma_start3A_62, %dma_start3A_63, %dma_start3A_64] : memref<4x128x16xf32, #tpu.memory_space<vmem>> -> memref<1x128x16xf32, #tpu.memory_space<vmem>>
    %dma_start3A_66 = tpu.memref_squeeze %dma_start3A_65 : memref<1x128x16xf32, #tpu.memory_space<vmem>> -> memref<128x16xf32, #tpu.memory_space<vmem>>
    %dma_start3A_67 = arith.constant 0 : i32
    %dma_start3A_68 = tpu.memref_slice %arg5[%dma_start3A_61, %dma_start3A_67] : memref<80x128xi32, #tpu.memory_space<vmem>> -> memref<1x128xi32, #tpu.memory_space<vmem>>
    %dma_start3A_69 = tpu.memref_squeeze %dma_start3A_68 : memref<1x128xi32, #tpu.memory_space<vmem>> -> memref<128xi32, #tpu.memory_space<vmem>>
    %dma_start3A_70 = arith.constant 0 : i32
    %dma_start3A_71 = arith.constant 0 : i32
    %dma_start3A_72 = tpu.memref_slice %arg2[%dma_start3A_70, %dma_start3A_71] : memref<10240x16xf32, #tpu.memory_space<hbm>> -> memref<10240x16xf32, #tpu.memory_space<hbm>>
    tpu.enqueue_indirect_dma source(%dma_start3A_72 : memref<10240x16xf32, #tpu.memory_space<hbm>>) target(%dma_start3A_66 : memref<128x16xf32, #tpu.memory_space<vmem>>) offsets(%dma_start3A_69 : memref<128xi32, #tpu.memory_space<vmem>>) semaphore(%arg12 : memref<!tpu.dma_semaphore, #tpu.memory_space<semaphore_mem>>)
    %dma_wait3A_73 = arith.constant 1 : i32
    %dma_wait3A_74 = arith.constant 1 : i32
    %dma_wait3A_75 = arith.constant 0 : i32
    %dma_wait3A_76 = arith.constant 0 : i32
    %dma_wait3A_77 = tpu.memref_slice %arg7[%dma_wait3A_74, %dma_wait3A_75, %dma_wait3A_76] : memref<4x128x16xf32, #tpu.memory_space<vmem>> -> memref<1x128x16xf32, #tpu.memory_space<vmem>>
    %dma_wait3A_78 = tpu.memref_squeeze %dma_wait3A_77 : memref<1x128x16xf32, #tpu.memory_space<vmem>> -> memref<128x16xf32, #tpu.memory_space<vmem>>
    %dma_wait3A_79 = arith.constant 0 : i32
    %dma_wait3A_80 = tpu.memref_slice %arg5[%dma_wait3A_73, %dma_wait3A_79] : memref<80x128xi32, #tpu.memory_space<vmem>> -> memref<1x128xi32, #tpu.memory_space<vmem>>
    %dma_wait3A_81 = tpu.memref_squeeze %dma_wait3A_80 : memref<1x128xi32, #tpu.memory_space<vmem>> -> memref<128xi32, #tpu.memory_space<vmem>>
    %dma_wait3A_82 = arith.constant 0 : i32
    %dma_wait3A_83 = arith.constant 0 : i32
    %dma_wait3A_84 = tpu.memref_slice %arg2[%dma_wait3A_82, %dma_wait3A_83] : memref<10240x16xf32, #tpu.memory_space<hbm>> -> memref<10240x16xf32, #tpu.memory_space<hbm>>
    tpu.wait_indirect_dma semaphore(%arg11 : memref<!tpu.dma_semaphore, #tpu.memory_space<semaphore_mem>>) src(%dma_wait3A_84 : memref<10240x16xf32, #tpu.memory_space<hbm>>) dst(%dma_wait3A_78 : memref<128x16xf32, #tpu.memory_space<vmem>>)
    %dma_start3A_85 = arith.constant 1 : i32
    %dma_start3A_86 = arith.constant 1 : i32
    %dma_start3A_87 = arith.constant 0 : i32
    %dma_start3A_88 = arith.constant 0 : i32
    %dma_start3A_89 = tpu.memref_slice %arg7[%dma_start3A_85, %dma_start3A_87, %dma_start3A_88] : memref<4x128x16xf32, #tpu.memory_space<vmem>> -> memref<1x128x16xf32, #tpu.memory_space<vmem>>
    %dma_start3A_90 = tpu.memref_squeeze %dma_start3A_89 : memref<1x128x16xf32, #tpu.memory_space<vmem>> -> memref<128x16xf32, #tpu.memory_space<vmem>>
    %dma_start3A_91 = arith.constant 0 : i32
    %dma_start3A_92 = tpu.memref_slice %arg6[%dma_start3A_86, %dma_start3A_91] : memref<80x128xi32, #tpu.memory_space<vmem>> -> memref<1x128xi32, #tpu.memory_space<vmem>>
    %dma_start3A_93 = tpu.memref_squeeze %dma_start3A_92 : memref<1x128xi32, #tpu.memory_space<vmem>> -> memref<128xi32, #tpu.memory_space<vmem>>
    %dma_start3A_94 = arith.constant 0 : i32
    %dma_start3A_95 = arith.constant 0 : i32
    %dma_start3A_96 = tpu.memref_slice %arg9[%dma_start3A_94, %dma_start3A_95] : memref<10240x16xf32, #tpu.memory_space<vmem_shared>> -> memref<10240x16xf32, #tpu.memory_space<vmem_shared>>
    tpu.enqueue_indirect_dma source(%dma_start3A_90 : memref<128x16xf32, #tpu.memory_space<vmem>>) target(%dma_start3A_96 : memref<10240x16xf32, #tpu.memory_space<vmem_shared>>) offsets(%dma_start3A_93 : memref<128xi32, #tpu.memory_space<vmem>>) semaphore(%arg15 : memref<!tpu.dma_semaphore, #tpu.memory_space<semaphore_mem>>) {add = true}
    %dma_start3A_97 = arith.constant 3 : i32
    %dma_start3A_98 = arith.constant 3 : i32
    %dma_start3A_99 = arith.constant 0 : i32
    %dma_start3A_100 = arith.constant 0 : i32
    %dma_start3A_101 = tpu.memref_slice %arg7[%dma_start3A_98, %dma_start3A_99, %dma_start3A_100] : memref<4x128x16xf32, #tpu.memory_space<vmem>> -> memref<1x128x16xf32, #tpu.memory_space<vmem>>
    %dma_start3A_102 = tpu.memref_squeeze %dma_start3A_101 : memref<1x128x16xf32, #tpu.memory_space<vmem>> -> memref<128x16xf32, #tpu.memory_space<vmem>>
    %dma_start3A_103 = arith.constant 0 : i32
    %dma_start3A_104 = tpu.memref_slice %arg5[%dma_start3A_97, %dma_start3A_103] : memref<80x128xi32, #tpu.memory_space<vmem>> -> memref<1x128xi32, #tpu.memory_space<vmem>>
    %dma_start3A_105 = tpu.memref_squeeze %dma_start3A_104 : memref<1x128xi32, #tpu.memory_space<vmem>> -> memref<128xi32, #tpu.memory_space<vmem>>
    %dma_start3A_106 = arith.constant 0 : i32
    %dma_start3A_107 = arith.constant 0 : i32
    %dma_start3A_108 = tpu.memref_slice %arg2[%dma_start3A_106, %dma_start3A_107] : memref<10240x16xf32, #tpu.memory_space<hbm>> -> memref<10240x16xf32, #tpu.memory_space<hbm>>
    tpu.enqueue_indirect_dma source(%dma_start3A_108 : memref<10240x16xf32, #tpu.memory_space<hbm>>) target(%dma_start3A_102 : memref<128x16xf32, #tpu.memory_space<vmem>>) offsets(%dma_start3A_105 : memref<128xi32, #tpu.memory_space<vmem>>) semaphore(%arg13 : memref<!tpu.dma_semaphore, #tpu.memory_space<semaphore_mem>>)
    %dma_wait3A_109 = arith.constant 2 : i32
    %dma_wait3A_110 = arith.constant 2 : i32
    %dma_wait3A_111 = arith.constant 0 : i32
    %dma_wait3A_112 = arith.constant 0 : i32
    %dma_wait3A_113 = tpu.memref_slice %arg7[%dma_wait3A_110, %dma_wait3A_111, %dma_wait3A_112] : memref<4x128x16xf32, #tpu.memory_space<vmem>> -> memref<1x128x16xf32, #tpu.memory_space<vmem>>
    %dma_wait3A_114 = tpu.memref_squeeze %dma_wait3A_113 : memref<1x128x16xf32, #tpu.memory_space<vmem>> -> memref<128x16xf32, #tpu.memory_space<vmem>>
    %dma_wait3A_115 = arith.constant 0 : i32
    %dma_wait3A_116 = tpu.memref_slice %arg5[%dma_wait3A_109, %dma_wait3A_115] : memref<80x128xi32, #tpu.memory_space<vmem>> -> memref<1x128xi32, #tpu.memory_space<vmem>>
    %dma_wait3A_117 = tpu.memref_squeeze %dma_wait3A_116 : memref<1x128xi32, #tpu.memory_space<vmem>> -> memref<128xi32, #tpu.memory_space<vmem>>
    %dma_wait3A_118 = arith.constant 0 : i32
    %dma_wait3A_119 = arith.constant 0 : i32
    %dma_wait3A_120 = tpu.memref_slice %arg2[%dma_wait3A_118, %dma_wait3A_119] : memref<10240x16xf32, #tpu.memory_space<hbm>> -> memref<10240x16xf32, #tpu.memory_space<hbm>>
    tpu.wait_indirect_dma semaphore(%arg12 : memref<!tpu.dma_semaphore, #tpu.memory_space<semaphore_mem>>) src(%dma_wait3A_120 : memref<10240x16xf32, #tpu.memory_space<hbm>>) dst(%dma_wait3A_114 : memref<128x16xf32, #tpu.memory_space<vmem>>)
    %dma_wait3A_121 = arith.constant 0 : i32
    %dma_wait3A_122 = arith.constant 0 : i32
    %dma_wait3A_123 = arith.constant 0 : i32
    %dma_wait3A_124 = arith.constant 0 : i32
    %dma_wait3A_125 = tpu.memref_slice %arg7[%dma_wait3A_121, %dma_wait3A_123, %dma_wait3A_124] : memref<4x128x16xf32, #tpu.memory_space<vmem>> -> memref<1x128x16xf32, #tpu.memory_space<vmem>>
    %dma_wait3A_126 = tpu.memref_squeeze %dma_wait3A_125 : memref<1x128x16xf32, #tpu.memory_space<vmem>> -> memref<128x16xf32, #tpu.memory_space<vmem>>
    %dma_wait3A_127 = arith.constant 0 : i32
    %dma_wait3A_128 = tpu.memref_slice %arg6[%dma_wait3A_122, %dma_wait3A_127] : memref<80x128xi32, #tpu.memory_space<vmem>> -> memref<1x128xi32, #tpu.memory_space<vmem>>
    %dma_wait3A_129 = tpu.memref_squeeze %dma_wait3A_128 : memref<1x128xi32, #tpu.memory_space<vmem>> -> memref<128xi32, #tpu.memory_space<vmem>>
    %dma_wait3A_130 = arith.constant 0 : i32
    %dma_wait3A_131 = arith.constant 0 : i32
    %dma_wait3A_132 = tpu.memref_slice %arg9[%dma_wait3A_130, %dma_wait3A_131] : memref<10240x16xf32, #tpu.memory_space<vmem_shared>> -> memref<10240x16xf32, #tpu.memory_space<vmem_shared>>
    tpu.wait_indirect_dma semaphore(%arg14 : memref<!tpu.dma_semaphore, #tpu.memory_space<semaphore_mem>>) src(%dma_wait3A_126 : memref<128x16xf32, #tpu.memory_space<vmem>>) dst(%dma_wait3A_132 : memref<10240x16xf32, #tpu.memory_space<vmem_shared>>)
    %dma_start3A_133 = arith.constant 2 : i32
    %dma_start3A_134 = arith.constant 2 : i32
    %dma_start3A_135 = arith.constant 0 : i32
    %dma_start3A_136 = arith.constant 0 : i32
    %dma_start3A_137 = tpu.memref_slice %arg7[%dma_start3A_133, %dma_start3A_135, %dma_start3A_136] : memref<4x128x16xf32, #tpu.memory_space<vmem>> -> memref<1x128x16xf32, #tpu.memory_space<vmem>>
    %dma_start3A_138 = tpu.memref_squeeze %dma_start3A_137 : memref<1x128x16xf32, #tpu.memory_space<vmem>> -> memref<128x16xf32, #tpu.memory_space<vmem>>
    %dma_start3A_139 = arith.constant 0 : i32
    %dma_start3A_140 = tpu.memref_slice %arg6[%dma_start3A_134, %dma_start3A_139] : memref<80x128xi32, #tpu.memory_space<vmem>> -> memref<1x128xi32, #tpu.memory_space<vmem>>
    %dma_start3A_141 = tpu.memref_squeeze %dma_start3A_140 : memref<1x128xi32, #tpu.memory_space<vmem>> -> memref<128xi32, #tpu.memory_space<vmem>>
    %dma_start3A_142 = arith.constant 0 : i32
    %dma_start3A_143 = arith.constant 0 : i32
    %dma_start3A_144 = tpu.memref_slice %arg9[%dma_start3A_142, %dma_start3A_143] : memref<10240x16xf32, #tpu.memory_space<vmem_shared>> -> memref<10240x16xf32, #tpu.memory_space<vmem_shared>>
    tpu.enqueue_indirect_dma source(%dma_start3A_138 : memref<128x16xf32, #tpu.memory_space<vmem>>) target(%dma_start3A_144 : memref<10240x16xf32, #tpu.memory_space<vmem_shared>>) offsets(%dma_start3A_141 : memref<128xi32, #tpu.memory_space<vmem>>) semaphore(%arg14 : memref<!tpu.dma_semaphore, #tpu.memory_space<semaphore_mem>>) {add = true}
    %dma_start3A_145 = arith.constant 4 : i32
    %dma_start3A_146 = arith.constant 0 : i32
    %dma_start3A_147 = arith.constant 0 : i32
    %dma_start3A_148 = arith.constant 0 : i32
    %dma_start3A_149 = tpu.memref_slice %arg7[%dma_start3A_146, %dma_start3A_147, %dma_start3A_148] : memref<4x128x16xf32, #tpu.memory_space<vmem>> -> memref<1x128x16xf32, #tpu.memory_space<vmem>>
    %dma_start3A_150 = tpu.memref_squeeze %dma_start3A_149 : memref<1x128x16xf32, #tpu.memory_space<vmem>> -> memref<128x16xf32, #tpu.memory_space<vmem>>
    %dma_start3A_151 = arith.constant 0 : i32
    %dma_start3A_152 = tpu.memref_slice %arg5[%dma_start3A_145, %dma_start3A_151] : memref<80x128xi32, #tpu.memory_space<vmem>> -> memref<1x128xi32, #tpu.memory_space<vmem>>
    %dma_start3A_153 = tpu.memref_squeeze %dma_start3A_152 : memref<1x128xi32, #tpu.memory_space<vmem>> -> memref<128xi32, #tpu.memory_space<vmem>>
    %dma_start3A_154 = arith.constant 0 : i32
    %dma_start3A_155 = arith.constant 0 : i32
    %dma_start3A_156 = tpu.memref_slice %arg2[%dma_start3A_154, %dma_start3A_155] : memref<10240x16xf32, #tpu.memory_space<hbm>> -> memref<10240x16xf32, #tpu.memory_space<hbm>>
    tpu.enqueue_indirect_dma source(%dma_start3A_156 : memref<10240x16xf32, #tpu.memory_space<hbm>>) target(%dma_start3A_150 : memref<128x16xf32, #tpu.memory_space<vmem>>) offsets(%dma_start3A_153 : memref<128xi32, #tpu.memory_space<vmem>>) semaphore(%arg10 : memref<!tpu.dma_semaphore, #tpu.memory_space<semaphore_mem>>)
    %dma_wait3A_157 = arith.constant 3 : i32
    %dma_wait3A_158 = arith.constant 3 : i32
    %dma_wait3A_159 = arith.constant 0 : i32
    %dma_wait3A_160 = arith.constant 0 : i32
    %dma_wait3A_161 = tpu.memref_slice %arg7[%dma_wait3A_158, %dma_wait3A_159, %dma_wait3A_160] : memref<4x128x16xf32, #tpu.memory_space<vmem>> -> memref<1x128x16xf32, #tpu.memory_space<vmem>>
    %dma_wait3A_162 = tpu.memref_squeeze %dma_wait3A_161 : memref<1x128x16xf32, #tpu.memory_space<vmem>> -> memref<128x16xf32, #tpu.memory_space<vmem>>
    %dma_wait3A_163 = arith.constant 0 : i32
    %dma_wait3A_164 = tpu.memref_slice %arg5[%dma_wait3A_157, %dma_wait3A_163] : memref<80x128xi32, #tpu.memory_space<vmem>> -> memref<1x128xi32, #tpu.memory_space<vmem>>
    %dma_wait3A_165 = tpu.memref_squeeze %dma_wait3A_164 : memref<1x128xi32, #tpu.memory_space<vmem>> -> memref<128xi32, #tpu.memory_space<vmem>>
    %dma_wait3A_166 = arith.constant 0 : i32
    %dma_wait3A_167 = arith.constant 0 : i32
    %dma_wait3A_168 = tpu.memref_slice %arg2[%dma_wait3A_166, %dma_wait3A_167] : memref<10240x16xf32, #tpu.memory_space<hbm>> -> memref<10240x16xf32, #tpu.memory_space<hbm>>
    tpu.wait_indirect_dma semaphore(%arg13 : memref<!tpu.dma_semaphore, #tpu.memory_space<semaphore_mem>>) src(%dma_wait3A_168 : memref<10240x16xf32, #tpu.memory_space<hbm>>) dst(%dma_wait3A_162 : memref<128x16xf32, #tpu.memory_space<vmem>>)
    %dma_wait3A_169 = arith.constant 1 : i32
    %dma_wait3A_170 = arith.constant 1 : i32
    %dma_wait3A_171 = arith.constant 0 : i32
    %dma_wait3A_172 = arith.constant 0 : i32
    %dma_wait3A_173 = tpu.memref_slice %arg7[%dma_wait3A_169, %dma_wait3A_171, %dma_wait3A_172] : memref<4x128x16xf32, #tpu.memory_space<vmem>> -> memref<1x128x16xf32, #tpu.memory_space<vmem>>
    %dma_wait3A_174 = tpu.memref_squeeze %dma_wait3A_173 : memref<1x128x16xf32, #tpu.memory_space<vmem>> -> memref<128x16xf32, #tpu.memory_space<vmem>>
    %dma_wait3A_175 = arith.constant 0 : i32
    %dma_wait3A_176 = tpu.memref_slice %arg6[%dma_wait3A_170, %dma_wait3A_175] : memref<80x128xi32, #tpu.memory_space<vmem>> -> memref<1x128xi32, #tpu.memory_space<vmem>>
    %dma_wait3A_177 = tpu.memref_squeeze %dma_wait3A_176 : memref<1x128xi32, #tpu.memory_space<vmem>> -> memref<128xi32, #tpu.memory_space<vmem>>
    %dma_wait3A_178 = arith.constant 0 : i32
    %dma_wait3A_179 = arith.constant 0 : i32
    %dma_wait3A_180 = tpu.memref_slice %arg9[%dma_wait3A_178, %dma_wait3A_179] : memref<10240x16xf32, #tpu.memory_space<vmem_shared>> -> memref<10240x16xf32, #tpu.memory_space<vmem_shared>>
    tpu.wait_indirect_dma semaphore(%arg15 : memref<!tpu.dma_semaphore, #tpu.memory_space<semaphore_mem>>) src(%dma_wait3A_174 : memref<128x16xf32, #tpu.memory_space<vmem>>) dst(%dma_wait3A_180 : memref<10240x16xf32, #tpu.memory_space<vmem_shared>>)
    %dma_start3A_181 = arith.constant 3 : i32
    %dma_start3A_182 = arith.constant 3 : i32
    %dma_start3A_183 = arith.constant 0 : i32
    %dma_start3A_184 = arith.constant 0 : i32
    %dma_start3A_185 = tpu.memref_slice %arg7[%dma_start3A_181, %dma_start3A_183, %dma_start3A_184] : memref<4x128x16xf32, #tpu.memory_space<vmem>> -> memref<1x128x16xf32, #tpu.memory_space<vmem>>
    %dma_start3A_186 = tpu.memref_squeeze %dma_start3A_185 : memref<1x128x16xf32, #tpu.memory_space<vmem>> -> memref<128x16xf32, #tpu.memory_space<vmem>>
    %dma_start3A_187 = arith.constant 0 : i32
    %dma_start3A_188 = tpu.memref_slice %arg6[%dma_start3A_182, %dma_start3A_187] : memref<80x128xi32, #tpu.memory_space<vmem>> -> memref<1x128xi32, #tpu.memory_space<vmem>>
    %dma_start3A_189 = tpu.memref_squeeze %dma_start3A_188 : memref<1x128xi32, #tpu.memory_space<vmem>> -> memref<128xi32, #tpu.memory_space<vmem>>
    %dma_start3A_190 = arith.constant 0 : i32
    %dma_start3A_191 = arith.constant 0 : i32
    %dma_start3A_192 = tpu.memref_slice %arg9[%dma_start3A_190, %dma_start3A_191] : memref<10240x16xf32, #tpu.memory_space<vmem_shared>> -> memref<10240x16xf32, #tpu.memory_space<vmem_shared>>
    tpu.enqueue_indirect_dma source(%dma_start3A_186 : memref<128x16xf32, #tpu.memory_space<vmem>>) target(%dma_start3A_192 : memref<10240x16xf32, #tpu.memory_space<vmem_shared>>) offsets(%dma_start3A_189 : memref<128xi32, #tpu.memory_space<vmem>>) semaphore(%arg15 : memref<!tpu.dma_semaphore, #tpu.memory_space<semaphore_mem>>) {add = true}
    %dma_start3A_193 = arith.constant 5 : i32
    %dma_start3A_194 = arith.constant 1 : i32
    %dma_start3A_195 = arith.constant 0 : i32
    %dma_start3A_196 = arith.constant 0 : i32
    %dma_start3A_197 = tpu.memref_slice %arg7[%dma_start3A_194, %dma_start3A_195, %dma_start3A_196] : memref<4x128x16xf32, #tpu.memory_space<vmem>> -> memref<1x128x16xf32, #tpu.memory_space<vmem>>
    %dma_start3A_198 = tpu.memref_squeeze %dma_start3A_197 : memref<1x128x16xf32, #tpu.memory_space<vmem>> -> memref<128x16xf32, #tpu.memory_space<vmem>>
    %dma_start3A_199 = arith.constant 0 : i32
    %dma_start3A_200 = tpu.memref_slice %arg5[%dma_start3A_193, %dma_start3A_199] : memref<80x128xi32, #tpu.memory_space<vmem>> -> memref<1x128xi32, #tpu.memory_space<vmem>>
    %dma_start3A_201 = tpu.memref_squeeze %dma_start3A_200 : memref<1x128xi32, #tpu.memory_space<vmem>> -> memref<128xi32, #tpu.memory_space<vmem>>
    %dma_start3A_202 = arith.constant 0 : i32
    %dma_start3A_203 = arith.constant 0 : i32
    %dma_start3A_204 = tpu.memref_slice %arg2[%dma_start3A_202, %dma_start3A_203] : memref<10240x16xf32, #tpu.memory_space<hbm>> -> memref<10240x16xf32, #tpu.memory_space<hbm>>
    tpu.enqueue_indirect_dma source(%dma_start3A_204 : memref<10240x16xf32, #tpu.memory_space<hbm>>) target(%dma_start3A_198 : memref<128x16xf32, #tpu.memory_space<vmem>>) offsets(%dma_start3A_201 : memref<128xi32, #tpu.memory_space<vmem>>) semaphore(%arg11 : memref<!tpu.dma_semaphore, #tpu.memory_space<semaphore_mem>>)
    %scan3A_205 = arith.constant 0 : i32
    %scan3A_206 = arith.constant 1 : i32
    %scan3A_207 = arith.constant 18 : i32
    %scan3A_208 = arith.addi %scan3A_206, %scan3A_207 : i32
    %scan3A_209 = arith.constant 1 : i32
    %scan3A_210 = scf.for %scan3A_409 = %scan3A_206 to %scan3A_208 step %scan3A_209 iter_args(%scan3A_410 = %scan3A_205) -> (i32)  : i32 {
      %mul3A_411 = arith.constant 4 : i32
      %mul3A_412 = arith.muli %scan3A_409, %mul3A_411 : i32
      %add3A_413 = arith.constant 0 : i32
      %add3A_414 = arith.addi %mul3A_412, %add3A_413 : i32
      %dma_wait3A_415 = arith.constant 0 : i32
      %dma_wait3A_416 = arith.constant 0 : i32
      %dma_wait3A_417 = arith.constant 0 : i32
      %dma_wait3A_418 = tpu.memref_slice %arg7[%dma_wait3A_415, %dma_wait3A_416, %dma_wait3A_417] : memref<4x128x16xf32, #tpu.memory_space<vmem>> -> memref<1x128x16xf32, #tpu.memory_space<vmem>>
      %dma_wait3A_419 = tpu.memref_squeeze %dma_wait3A_418 : memref<1x128x16xf32, #tpu.memory_space<vmem>> -> memref<128x16xf32, #tpu.memory_space<vmem>>
      %dma_wait3A_420 = arith.constant 0 : i32
      %dma_wait3A_421 = tpu.memref_slice %arg5[%add3A_414, %dma_wait3A_420] : memref<80x128xi32, #tpu.memory_space<vmem>> -> memref<1x128xi32, #tpu.memory_space<vmem>>
      %dma_wait3A_422 = tpu.memref_squeeze %dma_wait3A_421 : memref<1x128xi32, #tpu.memory_space<vmem>> -> memref<128xi32, #tpu.memory_space<vmem>>
      %dma_wait3A_423 = arith.constant 0 : i32
      %dma_wait3A_424 = arith.constant 0 : i32
      %dma_wait3A_425 = tpu.memref_slice %arg2[%dma_wait3A_423, %dma_wait3A_424] : memref<10240x16xf32, #tpu.memory_space<hbm>> -> memref<10240x16xf32, #tpu.memory_space<hbm>>
      tpu.wait_indirect_dma semaphore(%arg10 : memref<!tpu.dma_semaphore, #tpu.memory_space<semaphore_mem>>) src(%dma_wait3A_425 : memref<10240x16xf32, #tpu.memory_space<hbm>>) dst(%dma_wait3A_419 : memref<128x16xf32, #tpu.memory_space<vmem>>)
      %sub3A = arith.constant 2 : i32
      %sub3A_426 = arith.subi %add3A_414, %sub3A : i32
      %dma_wait3A_427 = arith.constant 2 : i32
      %dma_wait3A_428 = arith.constant 0 : i32
      %dma_wait3A_429 = arith.constant 0 : i32
      %dma_wait3A_430 = tpu.memref_slice %arg7[%dma_wait3A_427, %dma_wait3A_428, %dma_wait3A_429] : memref<4x128x16xf32, #tpu.memory_space<vmem>> -> memref<1x128x16xf32, #tpu.memory_space<vmem>>
      %dma_wait3A_431 = tpu.memref_squeeze %dma_wait3A_430 : memref<1x128x16xf32, #tpu.memory_space<vmem>> -> memref<128x16xf32, #tpu.memory_space<vmem>>
      %dma_wait3A_432 = arith.constant 0 : i32
      %dma_wait3A_433 = tpu.memref_slice %arg6[%sub3A_426, %dma_wait3A_432] : memref<80x128xi32, #tpu.memory_space<vmem>> -> memref<1x128xi32, #tpu.memory_space<vmem>>
      %dma_wait3A_434 = tpu.memref_squeeze %dma_wait3A_433 : memref<1x128xi32, #tpu.memory_space<vmem>> -> memref<128xi32, #tpu.memory_space<vmem>>
      %dma_wait3A_435 = arith.constant 0 : i32
      %dma_wait3A_436 = arith.constant 0 : i32
      %dma_wait3A_437 = tpu.memref_slice %arg9[%dma_wait3A_435, %dma_wait3A_436] : memref<10240x16xf32, #tpu.memory_space<vmem_shared>> -> memref<10240x16xf32, #tpu.memory_space<vmem_shared>>
      tpu.wait_indirect_dma semaphore(%arg14 : memref<!tpu.dma_semaphore, #tpu.memory_space<semaphore_mem>>) src(%dma_wait3A_431 : memref<128x16xf32, #tpu.memory_space<vmem>>) dst(%dma_wait3A_437 : memref<10240x16xf32, #tpu.memory_space<vmem_shared>>)
      %dma_start3A_438 = arith.constant 0 : i32
      %dma_start3A_439 = arith.constant 0 : i32
      %dma_start3A_440 = arith.constant 0 : i32
      %dma_start3A_441 = tpu.memref_slice %arg7[%dma_start3A_438, %dma_start3A_439, %dma_start3A_440] : memref<4x128x16xf32, #tpu.memory_space<vmem>> -> memref<1x128x16xf32, #tpu.memory_space<vmem>>
      %dma_start3A_442 = tpu.memref_squeeze %dma_start3A_441 : memref<1x128x16xf32, #tpu.memory_space<vmem>> -> memref<128x16xf32, #tpu.memory_space<vmem>>
      %dma_start3A_443 = arith.constant 0 : i32
      %dma_start3A_444 = tpu.memref_slice %arg6[%add3A_414, %dma_start3A_443] : memref<80x128xi32, #tpu.memory_space<vmem>> -> memref<1x128xi32, #tpu.memory_space<vmem>>
      %dma_start3A_445 = tpu.memref_squeeze %dma_start3A_444 : memref<1x128xi32, #tpu.memory_space<vmem>> -> memref<128xi32, #tpu.memory_space<vmem>>
      %dma_start3A_446 = arith.constant 0 : i32
      %dma_start3A_447 = arith.constant 0 : i32
      %dma_start3A_448 = tpu.memref_slice %arg9[%dma_start3A_446, %dma_start3A_447] : memref<10240x16xf32, #tpu.memory_space<vmem_shared>> -> memref<10240x16xf32, #tpu.memory_space<vmem_shared>>
      tpu.enqueue_indirect_dma source(%dma_start3A_442 : memref<128x16xf32, #tpu.memory_space<vmem>>) target(%dma_start3A_448 : memref<10240x16xf32, #tpu.memory_space<vmem_shared>>) offsets(%dma_start3A_445 : memref<128xi32, #tpu.memory_space<vmem>>) semaphore(%arg14 : memref<!tpu.dma_semaphore, #tpu.memory_space<semaphore_mem>>) {add = true}
      %add3A_449 = arith.constant 2 : i32
      %add3A_450 = arith.addi %add3A_414, %add3A_449 : i32
      %dma_start3A_451 = arith.constant 2 : i32
      %dma_start3A_452 = arith.constant 0 : i32
      %dma_start3A_453 = arith.constant 0 : i32
      %dma_start3A_454 = tpu.memref_slice %arg7[%dma_start3A_451, %dma_start3A_452, %dma_start3A_453] : memref<4x128x16xf32, #tpu.memory_space<vmem>> -> memref<1x128x16xf32, #tpu.memory_space<vmem>>
      %dma_start3A_455 = tpu.memref_squeeze %dma_start3A_454 : memref<1x128x16xf32, #tpu.memory_space<vmem>> -> memref<128x16xf32, #tpu.memory_space<vmem>>
      %dma_start3A_456 = arith.constant 0 : i32
      %dma_start3A_457 = tpu.memref_slice %arg5[%add3A_450, %dma_start3A_456] : memref<80x128xi32, #tpu.memory_space<vmem>> -> memref<1x128xi32, #tpu.memory_space<vmem>>
      %dma_start3A_458 = tpu.memref_squeeze %dma_start3A_457 : memref<1x128xi32, #tpu.memory_space<vmem>> -> memref<128xi32, #tpu.memory_space<vmem>>
      %dma_start3A_459 = arith.constant 0 : i32
      %dma_start3A_460 = arith.constant 0 : i32
      %dma_start3A_461 = tpu.memref_slice %arg2[%dma_start3A_459, %dma_start3A_460] : memref<10240x16xf32, #tpu.memory_space<hbm>> -> memref<10240x16xf32, #tpu.memory_space<hbm>>
      tpu.enqueue_indirect_dma source(%dma_start3A_461 : memref<10240x16xf32, #tpu.memory_space<hbm>>) target(%dma_start3A_455 : memref<128x16xf32, #tpu.memory_space<vmem>>) offsets(%dma_start3A_458 : memref<128xi32, #tpu.memory_space<vmem>>) semaphore(%arg12 : memref<!tpu.dma_semaphore, #tpu.memory_space<semaphore_mem>>)
      %mul3A_462 = arith.constant 4 : i32
      %mul3A_463 = arith.muli %scan3A_409, %mul3A_462 : i32
      %add3A_464 = arith.constant 1 : i32
      %add3A_465 = arith.addi %mul3A_463, %add3A_464 : i32
      %dma_wait3A_466 = arith.constant 1 : i32
      %dma_wait3A_467 = arith.constant 0 : i32
      %dma_wait3A_468 = arith.constant 0 : i32
      %dma_wait3A_469 = tpu.memref_slice %arg7[%dma_wait3A_466, %dma_wait3A_467, %dma_wait3A_468] : memref<4x128x16xf32, #tpu.memory_space<vmem>> -> memref<1x128x16xf32, #tpu.memory_space<vmem>>
      %dma_wait3A_470 = tpu.memref_squeeze %dma_wait3A_469 : memref<1x128x16xf32, #tpu.memory_space<vmem>> -> memref<128x16xf32, #tpu.memory_space<vmem>>
      %dma_wait3A_471 = arith.constant 0 : i32
      %dma_wait3A_472 = tpu.memref_slice %arg5[%add3A_465, %dma_wait3A_471] : memref<80x128xi32, #tpu.memory_space<vmem>> -> memref<1x128xi32, #tpu.memory_space<vmem>>
      %dma_wait3A_473 = tpu.memref_squeeze %dma_wait3A_472 : memref<1x128xi32, #tpu.memory_space<vmem>> -> memref<128xi32, #tpu.memory_space<vmem>>
      %dma_wait3A_474 = arith.constant 0 : i32
      %dma_wait3A_475 = arith.constant 0 : i32
      %dma_wait3A_476 = tpu.memref_slice %arg2[%dma_wait3A_474, %dma_wait3A_475] : memref<10240x16xf32, #tpu.memory_space<hbm>> -> memref<10240x16xf32, #tpu.memory_space<hbm>>
      tpu.wait_indirect_dma semaphore(%arg11 : memref<!tpu.dma_semaphore, #tpu.memory_space<semaphore_mem>>) src(%dma_wait3A_476 : memref<10240x16xf32, #tpu.memory_space<hbm>>) dst(%dma_wait3A_470 : memref<128x16xf32, #tpu.memory_space<vmem>>)
      %sub3A_477 = arith.constant 2 : i32
      %sub3A_478 = arith.subi %add3A_465, %sub3A_477 : i32
      %dma_wait3A_479 = arith.constant 3 : i32
      %dma_wait3A_480 = arith.constant 0 : i32
      %dma_wait3A_481 = arith.constant 0 : i32
      %dma_wait3A_482 = tpu.memref_slice %arg7[%dma_wait3A_479, %dma_wait3A_480, %dma_wait3A_481] : memref<4x128x16xf32, #tpu.memory_space<vmem>> -> memref<1x128x16xf32, #tpu.memory_space<vmem>>
      %dma_wait3A_483 = tpu.memref_squeeze %dma_wait3A_482 : memref<1x128x16xf32, #tpu.memory_space<vmem>> -> memref<128x16xf32, #tpu.memory_space<vmem>>
      %dma_wait3A_484 = arith.constant 0 : i32
      %dma_wait3A_485 = tpu.memref_slice %arg6[%sub3A_478, %dma_wait3A_484] : memref<80x128xi32, #tpu.memory_space<vmem>> -> memref<1x128xi32, #tpu.memory_space<vmem>>
      %dma_wait3A_486 = tpu.memref_squeeze %dma_wait3A_485 : memref<1x128xi32, #tpu.memory_space<vmem>> -> memref<128xi32, #tpu.memory_space<vmem>>
      %dma_wait3A_487 = arith.constant 0 : i32
      %dma_wait3A_488 = arith.constant 0 : i32
      %dma_wait3A_489 = tpu.memref_slice %arg9[%dma_wait3A_487, %dma_wait3A_488] : memref<10240x16xf32, #tpu.memory_space<vmem_shared>> -> memref<10240x16xf32, #tpu.memory_space<vmem_shared>>
      tpu.wait_indirect_dma semaphore(%arg15 : memref<!tpu.dma_semaphore, #tpu.memory_space<semaphore_mem>>) src(%dma_wait3A_483 : memref<128x16xf32, #tpu.memory_space<vmem>>) dst(%dma_wait3A_489 : memref<10240x16xf32, #tpu.memory_space<vmem_shared>>)
      %dma_start3A_490 = arith.constant 1 : i32
      %dma_start3A_491 = arith.constant 0 : i32
      %dma_start3A_492 = arith.constant 0 : i32
      %dma_start3A_493 = tpu.memref_slice %arg7[%dma_start3A_490, %dma_start3A_491, %dma_start3A_492] : memref<4x128x16xf32, #tpu.memory_space<vmem>> -> memref<1x128x16xf32, #tpu.memory_space<vmem>>
      %dma_start3A_494 = tpu.memref_squeeze %dma_start3A_493 : memref<1x128x16xf32, #tpu.memory_space<vmem>> -> memref<128x16xf32, #tpu.memory_space<vmem>>
      %dma_start3A_495 = arith.constant 0 : i32
      %dma_start3A_496 = tpu.memref_slice %arg6[%add3A_465, %dma_start3A_495] : memref<80x128xi32, #tpu.memory_space<vmem>> -> memref<1x128xi32, #tpu.memory_space<vmem>>
      %dma_start3A_497 = tpu.memref_squeeze %dma_start3A_496 : memref<1x128xi32, #tpu.memory_space<vmem>> -> memref<128xi32, #tpu.memory_space<vmem>>
      %dma_start3A_498 = arith.constant 0 : i32
      %dma_start3A_499 = arith.constant 0 : i32
      %dma_start3A_500 = tpu.memref_slice %arg9[%dma_start3A_498, %dma_start3A_499] : memref<10240x16xf32, #tpu.memory_space<vmem_shared>> -> memref<10240x16xf32, #tpu.memory_space<vmem_shared>>
      tpu.enqueue_indirect_dma source(%dma_start3A_494 : memref<128x16xf32, #tpu.memory_space<vmem>>) target(%dma_start3A_500 : memref<10240x16xf32, #tpu.memory_space<vmem_shared>>) offsets(%dma_start3A_497 : memref<128xi32, #tpu.memory_space<vmem>>) semaphore(%arg15 : memref<!tpu.dma_semaphore, #tpu.memory_space<semaphore_mem>>) {add = true}
      %add3A_501 = arith.constant 2 : i32
      %add3A_502 = arith.addi %add3A_465, %add3A_501 : i32
      %dma_start3A_503 = arith.constant 3 : i32
      %dma_start3A_504 = arith.constant 0 : i32
      %dma_start3A_505 = arith.constant 0 : i32
      %dma_start3A_506 = tpu.memref_slice %arg7[%dma_start3A_503, %dma_start3A_504, %dma_start3A_505] : memref<4x128x16xf32, #tpu.memory_space<vmem>> -> memref<1x128x16xf32, #tpu.memory_space<vmem>>
      %dma_start3A_507 = tpu.memref_squeeze %dma_start3A_506 : memref<1x128x16xf32, #tpu.memory_space<vmem>> -> memref<128x16xf32, #tpu.memory_space<vmem>>
      %dma_start3A_508 = arith.constant 0 : i32
      %dma_start3A_509 = tpu.memref_slice %arg5[%add3A_502, %dma_start3A_508] : memref<80x128xi32, #tpu.memory_space<vmem>> -> memref<1x128xi32, #tpu.memory_space<vmem>>
      %dma_start3A_510 = tpu.memref_squeeze %dma_start3A_509 : memref<1x128xi32, #tpu.memory_space<vmem>> -> memref<128xi32, #tpu.memory_space<vmem>>
      %dma_start3A_511 = arith.constant 0 : i32
      %dma_start3A_512 = arith.constant 0 : i32
      %dma_start3A_513 = tpu.memref_slice %arg2[%dma_start3A_511, %dma_start3A_512] : memref<10240x16xf32, #tpu.memory_space<hbm>> -> memref<10240x16xf32, #tpu.memory_space<hbm>>
      tpu.enqueue_indirect_dma source(%dma_start3A_513 : memref<10240x16xf32, #tpu.memory_space<hbm>>) target(%dma_start3A_507 : memref<128x16xf32, #tpu.memory_space<vmem>>) offsets(%dma_start3A_510 : memref<128xi32, #tpu.memory_space<vmem>>) semaphore(%arg13 : memref<!tpu.dma_semaphore, #tpu.memory_space<semaphore_mem>>)
      %mul3A_514 = arith.constant 4 : i32
      %mul3A_515 = arith.muli %scan3A_409, %mul3A_514 : i32
      %add3A_516 = arith.constant 2 : i32
      %add3A_517 = arith.addi %mul3A_515, %add3A_516 : i32
      %dma_wait3A_518 = arith.constant 2 : i32
      %dma_wait3A_519 = arith.constant 0 : i32
      %dma_wait3A_520 = arith.constant 0 : i32
      %dma_wait3A_521 = tpu.memref_slice %arg7[%dma_wait3A_518, %dma_wait3A_519, %dma_wait3A_520] : memref<4x128x16xf32, #tpu.memory_space<vmem>> -> memref<1x128x16xf32, #tpu.memory_space<vmem>>
      %dma_wait3A_522 = tpu.memref_squeeze %dma_wait3A_521 : memref<1x128x16xf32, #tpu.memory_space<vmem>> -> memref<128x16xf32, #tpu.memory_space<vmem>>
      %dma_wait3A_523 = arith.constant 0 : i32
      %dma_wait3A_524 = tpu.memref_slice %arg5[%add3A_517, %dma_wait3A_523] : memref<80x128xi32, #tpu.memory_space<vmem>> -> memref<1x128xi32, #tpu.memory_space<vmem>>
      %dma_wait3A_525 = tpu.memref_squeeze %dma_wait3A_524 : memref<1x128xi32, #tpu.memory_space<vmem>> -> memref<128xi32, #tpu.memory_space<vmem>>
      %dma_wait3A_526 = arith.constant 0 : i32
      %dma_wait3A_527 = arith.constant 0 : i32
      %dma_wait3A_528 = tpu.memref_slice %arg2[%dma_wait3A_526, %dma_wait3A_527] : memref<10240x16xf32, #tpu.memory_space<hbm>> -> memref<10240x16xf32, #tpu.memory_space<hbm>>
      tpu.wait_indirect_dma semaphore(%arg12 : memref<!tpu.dma_semaphore, #tpu.memory_space<semaphore_mem>>) src(%dma_wait3A_528 : memref<10240x16xf32, #tpu.memory_space<hbm>>) dst(%dma_wait3A_522 : memref<128x16xf32, #tpu.memory_space<vmem>>)
      %sub3A_529 = arith.constant 2 : i32
      %sub3A_530 = arith.subi %add3A_517, %sub3A_529 : i32
      %dma_wait3A_531 = arith.constant 0 : i32
      %dma_wait3A_532 = arith.constant 0 : i32
      %dma_wait3A_533 = arith.constant 0 : i32
      %dma_wait3A_534 = tpu.memref_slice %arg7[%dma_wait3A_531, %dma_wait3A_532, %dma_wait3A_533] : memref<4x128x16xf32, #tpu.memory_space<vmem>> -> memref<1x128x16xf32, #tpu.memory_space<vmem>>
      %dma_wait3A_535 = tpu.memref_squeeze %dma_wait3A_534 : memref<1x128x16xf32, #tpu.memory_space<vmem>> -> memref<128x16xf32, #tpu.memory_space<vmem>>
      %dma_wait3A_536 = arith.constant 0 : i32
      %dma_wait3A_537 = tpu.memref_slice %arg6[%sub3A_530, %dma_wait3A_536] : memref<80x128xi32, #tpu.memory_space<vmem>> -> memref<1x128xi32, #tpu.memory_space<vmem>>
      %dma_wait3A_538 = tpu.memref_squeeze %dma_wait3A_537 : memref<1x128xi32, #tpu.memory_space<vmem>> -> memref<128xi32, #tpu.memory_space<vmem>>
      %dma_wait3A_539 = arith.constant 0 : i32
      %dma_wait3A_540 = arith.constant 0 : i32
      %dma_wait3A_541 = tpu.memref_slice %arg9[%dma_wait3A_539, %dma_wait3A_540] : memref<10240x16xf32, #tpu.memory_space<vmem_shared>> -> memref<10240x16xf32, #tpu.memory_space<vmem_shared>>
      tpu.wait_indirect_dma semaphore(%arg14 : memref<!tpu.dma_semaphore, #tpu.memory_space<semaphore_mem>>) src(%dma_wait3A_535 : memref<128x16xf32, #tpu.memory_space<vmem>>) dst(%dma_wait3A_541 : memref<10240x16xf32, #tpu.memory_space<vmem_shared>>)
      %dma_start3A_542 = arith.constant 2 : i32
      %dma_start3A_543 = arith.constant 0 : i32
      %dma_start3A_544 = arith.constant 0 : i32
      %dma_start3A_545 = tpu.memref_slice %arg7[%dma_start3A_542, %dma_start3A_543, %dma_start3A_544] : memref<4x128x16xf32, #tpu.memory_space<vmem>> -> memref<1x128x16xf32, #tpu.memory_space<vmem>>
      %dma_start3A_546 = tpu.memref_squeeze %dma_start3A_545 : memref<1x128x16xf32, #tpu.memory_space<vmem>> -> memref<128x16xf32, #tpu.memory_space<vmem>>
      %dma_start3A_547 = arith.constant 0 : i32
      %dma_start3A_548 = tpu.memref_slice %arg6[%add3A_517, %dma_start3A_547] : memref<80x128xi32, #tpu.memory_space<vmem>> -> memref<1x128xi32, #tpu.memory_space<vmem>>
      %dma_start3A_549 = tpu.memref_squeeze %dma_start3A_548 : memref<1x128xi32, #tpu.memory_space<vmem>> -> memref<128xi32, #tpu.memory_space<vmem>>
      %dma_start3A_550 = arith.constant 0 : i32
      %dma_start3A_551 = arith.constant 0 : i32
      %dma_start3A_552 = tpu.memref_slice %arg9[%dma_start3A_550, %dma_start3A_551] : memref<10240x16xf32, #tpu.memory_space<vmem_shared>> -> memref<10240x16xf32, #tpu.memory_space<vmem_shared>>
      tpu.enqueue_indirect_dma source(%dma_start3A_546 : memref<128x16xf32, #tpu.memory_space<vmem>>) target(%dma_start3A_552 : memref<10240x16xf32, #tpu.memory_space<vmem_shared>>) offsets(%dma_start3A_549 : memref<128xi32, #tpu.memory_space<vmem>>) semaphore(%arg14 : memref<!tpu.dma_semaphore, #tpu.memory_space<semaphore_mem>>) {add = true}
      %add3A_553 = arith.constant 2 : i32
      %add3A_554 = arith.addi %add3A_517, %add3A_553 : i32
      %dma_start3A_555 = arith.constant 0 : i32
      %dma_start3A_556 = arith.constant 0 : i32
      %dma_start3A_557 = arith.constant 0 : i32
      %dma_start3A_558 = tpu.memref_slice %arg7[%dma_start3A_555, %dma_start3A_556, %dma_start3A_557] : memref<4x128x16xf32, #tpu.memory_space<vmem>> -> memref<1x128x16xf32, #tpu.memory_space<vmem>>
      %dma_start3A_559 = tpu.memref_squeeze %dma_start3A_558 : memref<1x128x16xf32, #tpu.memory_space<vmem>> -> memref<128x16xf32, #tpu.memory_space<vmem>>
      %dma_start3A_560 = arith.constant 0 : i32
      %dma_start3A_561 = tpu.memref_slice %arg5[%add3A_554, %dma_start3A_560] : memref<80x128xi32, #tpu.memory_space<vmem>> -> memref<1x128xi32, #tpu.memory_space<vmem>>
      %dma_start3A_562 = tpu.memref_squeeze %dma_start3A_561 : memref<1x128xi32, #tpu.memory_space<vmem>> -> memref<128xi32, #tpu.memory_space<vmem>>
      %dma_start3A_563 = arith.constant 0 : i32
      %dma_start3A_564 = arith.constant 0 : i32
      %dma_start3A_565 = tpu.memref_slice %arg2[%dma_start3A_563, %dma_start3A_564] : memref<10240x16xf32, #tpu.memory_space<hbm>> -> memref<10240x16xf32, #tpu.memory_space<hbm>>
      tpu.enqueue_indirect_dma source(%dma_start3A_565 : memref<10240x16xf32, #tpu.memory_space<hbm>>) target(%dma_start3A_559 : memref<128x16xf32, #tpu.memory_space<vmem>>) offsets(%dma_start3A_562 : memref<128xi32, #tpu.memory_space<vmem>>) semaphore(%arg10 : memref<!tpu.dma_semaphore, #tpu.memory_space<semaphore_mem>>)
      %mul3A_566 = arith.constant 4 : i32
      %mul3A_567 = arith.muli %scan3A_409, %mul3A_566 : i32
      %add3A_568 = arith.constant 3 : i32
      %add3A_569 = arith.addi %mul3A_567, %add3A_568 : i32
      %dma_wait3A_570 = arith.constant 3 : i32
      %dma_wait3A_571 = arith.constant 0 : i32
      %dma_wait3A_572 = arith.constant 0 : i32
      %dma_wait3A_573 = tpu.memref_slice %arg7[%dma_wait3A_570, %dma_wait3A_571, %dma_wait3A_572] : memref<4x128x16xf32, #tpu.memory_space<vmem>> -> memref<1x128x16xf32, #tpu.memory_space<vmem>>
      %dma_wait3A_574 = tpu.memref_squeeze %dma_wait3A_573 : memref<1x128x16xf32, #tpu.memory_space<vmem>> -> memref<128x16xf32, #tpu.memory_space<vmem>>
      %dma_wait3A_575 = arith.constant 0 : i32
      %dma_wait3A_576 = tpu.memref_slice %arg5[%add3A_569, %dma_wait3A_575] : memref<80x128xi32, #tpu.memory_space<vmem>> -> memref<1x128xi32, #tpu.memory_space<vmem>>
      %dma_wait3A_577 = tpu.memref_squeeze %dma_wait3A_576 : memref<1x128xi32, #tpu.memory_space<vmem>> -> memref<128xi32, #tpu.memory_space<vmem>>
      %dma_wait3A_578 = arith.constant 0 : i32
      %dma_wait3A_579 = arith.constant 0 : i32
      %dma_wait3A_580 = tpu.memref_slice %arg2[%dma_wait3A_578, %dma_wait3A_579] : memref<10240x16xf32, #tpu.memory_space<hbm>> -> memref<10240x16xf32, #tpu.memory_space<hbm>>
      tpu.wait_indirect_dma semaphore(%arg13 : memref<!tpu.dma_semaphore, #tpu.memory_space<semaphore_mem>>) src(%dma_wait3A_580 : memref<10240x16xf32, #tpu.memory_space<hbm>>) dst(%dma_wait3A_574 : memref<128x16xf32, #tpu.memory_space<vmem>>)
      %sub3A_581 = arith.constant 2 : i32
      %sub3A_582 = arith.subi %add3A_569, %sub3A_581 : i32
      %dma_wait3A_583 = arith.constant 1 : i32
      %dma_wait3A_584 = arith.constant 0 : i32
      %dma_wait3A_585 = arith.constant 0 : i32
      %dma_wait3A_586 = tpu.memref_slice %arg7[%dma_wait3A_583, %dma_wait3A_584, %dma_wait3A_585] : memref<4x128x16xf32, #tpu.memory_space<vmem>> -> memref<1x128x16xf32, #tpu.memory_space<vmem>>
      %dma_wait3A_587 = tpu.memref_squeeze %dma_wait3A_586 : memref<1x128x16xf32, #tpu.memory_space<vmem>> -> memref<128x16xf32, #tpu.memory_space<vmem>>
      %dma_wait3A_588 = arith.constant 0 : i32
      %dma_wait3A_589 = tpu.memref_slice %arg6[%sub3A_582, %dma_wait3A_588] : memref<80x128xi32, #tpu.memory_space<vmem>> -> memref<1x128xi32, #tpu.memory_space<vmem>>
      %dma_wait3A_590 = tpu.memref_squeeze %dma_wait3A_589 : memref<1x128xi32, #tpu.memory_space<vmem>> -> memref<128xi32, #tpu.memory_space<vmem>>
      %dma_wait3A_591 = arith.constant 0 : i32
      %dma_wait3A_592 = arith.constant 0 : i32
      %dma_wait3A_593 = tpu.memref_slice %arg9[%dma_wait3A_591, %dma_wait3A_592] : memref<10240x16xf32, #tpu.memory_space<vmem_shared>> -> memref<10240x16xf32, #tpu.memory_space<vmem_shared>>
      tpu.wait_indirect_dma semaphore(%arg15 : memref<!tpu.dma_semaphore, #tpu.memory_space<semaphore_mem>>) src(%dma_wait3A_587 : memref<128x16xf32, #tpu.memory_space<vmem>>) dst(%dma_wait3A_593 : memref<10240x16xf32, #tpu.memory_space<vmem_shared>>)
      %dma_start3A_594 = arith.constant 3 : i32
      %dma_start3A_595 = arith.constant 0 : i32
      %dma_start3A_596 = arith.constant 0 : i32
      %dma_start3A_597 = tpu.memref_slice %arg7[%dma_start3A_594, %dma_start3A_595, %dma_start3A_596] : memref<4x128x16xf32, #tpu.memory_space<vmem>> -> memref<1x128x16xf32, #tpu.memory_space<vmem>>
      %dma_start3A_598 = tpu.memref_squeeze %dma_start3A_597 : memref<1x128x16xf32, #tpu.memory_space<vmem>> -> memref<128x16xf32, #tpu.memory_space<vmem>>
      %dma_start3A_599 = arith.constant 0 : i32
      %dma_start3A_600 = tpu.memref_slice %arg6[%add3A_569, %dma_start3A_599] : memref<80x128xi32, #tpu.memory_space<vmem>> -> memref<1x128xi32, #tpu.memory_space<vmem>>
      %dma_start3A_601 = tpu.memref_squeeze %dma_start3A_600 : memref<1x128xi32, #tpu.memory_space<vmem>> -> memref<128xi32, #tpu.memory_space<vmem>>
      %dma_start3A_602 = arith.constant 0 : i32
      %dma_start3A_603 = arith.constant 0 : i32
      %dma_start3A_604 = tpu.memref_slice %arg9[%dma_start3A_602, %dma_start3A_603] : memref<10240x16xf32, #tpu.memory_space<vmem_shared>> -> memref<10240x16xf32, #tpu.memory_space<vmem_shared>>
      tpu.enqueue_indirect_dma source(%dma_start3A_598 : memref<128x16xf32, #tpu.memory_space<vmem>>) target(%dma_start3A_604 : memref<10240x16xf32, #tpu.memory_space<vmem_shared>>) offsets(%dma_start3A_601 : memref<128xi32, #tpu.memory_space<vmem>>) semaphore(%arg15 : memref<!tpu.dma_semaphore, #tpu.memory_space<semaphore_mem>>) {add = true}
      %add3A_605 = arith.constant 2 : i32
      %add3A_606 = arith.addi %add3A_569, %add3A_605 : i32
      %dma_start3A_607 = arith.constant 1 : i32
      %dma_start3A_608 = arith.constant 0 : i32
      %dma_start3A_609 = arith.constant 0 : i32
      %dma_start3A_610 = tpu.memref_slice %arg7[%dma_start3A_607, %dma_start3A_608, %dma_start3A_609] : memref<4x128x16xf32, #tpu.memory_space<vmem>> -> memref<1x128x16xf32, #tpu.memory_space<vmem>>
      %dma_start3A_611 = tpu.memref_squeeze %dma_start3A_610 : memref<1x128x16xf32, #tpu.memory_space<vmem>> -> memref<128x16xf32, #tpu.memory_space<vmem>>
      %dma_start3A_612 = arith.constant 0 : i32
      %dma_start3A_613 = tpu.memref_slice %arg5[%add3A_606, %dma_start3A_612] : memref<80x128xi32, #tpu.memory_space<vmem>> -> memref<1x128xi32, #tpu.memory_space<vmem>>
      %dma_start3A_614 = tpu.memref_squeeze %dma_start3A_613 : memref<1x128xi32, #tpu.memory_space<vmem>> -> memref<128xi32, #tpu.memory_space<vmem>>
      %dma_start3A_615 = arith.constant 0 : i32
      %dma_start3A_616 = arith.constant 0 : i32
      %dma_start3A_617 = tpu.memref_slice %arg2[%dma_start3A_615, %dma_start3A_616] : memref<10240x16xf32, #tpu.memory_space<hbm>> -> memref<10240x16xf32, #tpu.memory_space<hbm>>
      tpu.enqueue_indirect_dma source(%dma_start3A_617 : memref<10240x16xf32, #tpu.memory_space<hbm>>) target(%dma_start3A_611 : memref<128x16xf32, #tpu.memory_space<vmem>>) offsets(%dma_start3A_614 : memref<128xi32, #tpu.memory_space<vmem>>) semaphore(%arg11 : memref<!tpu.dma_semaphore, #tpu.memory_space<semaphore_mem>>)
      %scan3A_618 = arith.constant 0 : i32
      scf.yield %scan3A_618 : i32
    }
    %scan3A_211 = arith.constant 18 : i32
    %dma_wait3A_212 = arith.constant 76 : i32
    %dma_wait3A_213 = arith.constant 0 : i32
    %dma_wait3A_214 = arith.constant 0 : i32
    %dma_wait3A_215 = arith.constant 0 : i32
    %dma_wait3A_216 = tpu.memref_slice %arg7[%dma_wait3A_213, %dma_wait3A_214, %dma_wait3A_215] : memref<4x128x16xf32, #tpu.memory_space<vmem>> -> memref<1x128x16xf32, #tpu.memory_space<vmem>>
    %dma_wait3A_217 = tpu.memref_squeeze %dma_wait3A_216 : memref<1x128x16xf32, #tpu.memory_space<vmem>> -> memref<128x16xf32, #tpu.memory_space<vmem>>
    %dma_wait3A_218 = arith.constant 0 : i32
    %dma_wait3A_219 = tpu.memref_slice %arg5[%dma_wait3A_212, %dma_wait3A_218] : memref<80x128xi32, #tpu.memory_space<vmem>> -> memref<1x128xi32, #tpu.memory_space<vmem>>
    %dma_wait3A_220 = tpu.memref_squeeze %dma_wait3A_219 : memref<1x128xi32, #tpu.memory_space<vmem>> -> memref<128xi32, #tpu.memory_space<vmem>>
    %dma_wait3A_221 = arith.constant 0 : i32
    %dma_wait3A_222 = arith.constant 0 : i32
    %dma_wait3A_223 = tpu.memref_slice %arg2[%dma_wait3A_221, %dma_wait3A_222] : memref<10240x16xf32, #tpu.memory_space<hbm>> -> memref<10240x16xf32, #tpu.memory_space<hbm>>
    tpu.wait_indirect_dma semaphore(%arg10 : memref<!tpu.dma_semaphore, #tpu.memory_space<semaphore_mem>>) src(%dma_wait3A_223 : memref<10240x16xf32, #tpu.memory_space<hbm>>) dst(%dma_wait3A_217 : memref<128x16xf32, #tpu.memory_space<vmem>>)
    %dma_wait3A_224 = arith.constant 2 : i32
    %dma_wait3A_225 = arith.constant 74 : i32
    %dma_wait3A_226 = arith.constant 0 : i32
    %dma_wait3A_227 = arith.constant 0 : i32
    %dma_wait3A_228 = tpu.memref_slice %arg7[%dma_wait3A_224, %dma_wait3A_226, %dma_wait3A_227] : memref<4x128x16xf32, #tpu.memory_space<vmem>> -> memref<1x128x16xf32, #tpu.memory_space<vmem>>
    %dma_wait3A_229 = tpu.memref_squeeze %dma_wait3A_228 : memref<1x128x16xf32, #tpu.memory_space<vmem>> -> memref<128x16xf32, #tpu.memory_space<vmem>>
    %dma_wait3A_230 = arith.constant 0 : i32
    %dma_wait3A_231 = tpu.memref_slice %arg6[%dma_wait3A_225, %dma_wait3A_230] : memref<80x128xi32, #tpu.memory_space<vmem>> -> memref<1x128xi32, #tpu.memory_space<vmem>>
    %dma_wait3A_232 = tpu.memref_squeeze %dma_wait3A_231 : memref<1x128xi32, #tpu.memory_space<vmem>> -> memref<128xi32, #tpu.memory_space<vmem>>
    %dma_wait3A_233 = arith.constant 0 : i32
    %dma_wait3A_234 = arith.constant 0 : i32
    %dma_wait3A_235 = tpu.memref_slice %arg9[%dma_wait3A_233, %dma_wait3A_234] : memref<10240x16xf32, #tpu.memory_space<vmem_shared>> -> memref<10240x16xf32, #tpu.memory_space<vmem_shared>>
    tpu.wait_indirect_dma semaphore(%arg14 : memref<!tpu.dma_semaphore, #tpu.memory_space<semaphore_mem>>) src(%dma_wait3A_229 : memref<128x16xf32, #tpu.memory_space<vmem>>) dst(%dma_wait3A_235 : memref<10240x16xf32, #tpu.memory_space<vmem_shared>>)
    %dma_start3A_236 = arith.constant 0 : i32
    %dma_start3A_237 = arith.constant 76 : i32
    %dma_start3A_238 = arith.constant 0 : i32
    %dma_start3A_239 = arith.constant 0 : i32
    %dma_start3A_240 = tpu.memref_slice %arg7[%dma_start3A_236, %dma_start3A_238, %dma_start3A_239] : memref<4x128x16xf32, #tpu.memory_space<vmem>> -> memref<1x128x16xf32, #tpu.memory_space<vmem>>
    %dma_start3A_241 = tpu.memref_squeeze %dma_start3A_240 : memref<1x128x16xf32, #tpu.memory_space<vmem>> -> memref<128x16xf32, #tpu.memory_space<vmem>>
    %dma_start3A_242 = arith.constant 0 : i32
    %dma_start3A_243 = tpu.memref_slice %arg6[%dma_start3A_237, %dma_start3A_242] : memref<80x128xi32, #tpu.memory_space<vmem>> -> memref<1x128xi32, #tpu.memory_space<vmem>>
    %dma_start3A_244 = tpu.memref_squeeze %dma_start3A_243 : memref<1x128xi32, #tpu.memory_space<vmem>> -> memref<128xi32, #tpu.memory_space<vmem>>
    %dma_start3A_245 = arith.constant 0 : i32
    %dma_start3A_246 = arith.constant 0 : i32
    %dma_start3A_247 = tpu.memref_slice %arg9[%dma_start3A_245, %dma_start3A_246] : memref<10240x16xf32, #tpu.memory_space<vmem_shared>> -> memref<10240x16xf32, #tpu.memory_space<vmem_shared>>
    tpu.enqueue_indirect_dma source(%dma_start3A_241 : memref<128x16xf32, #tpu.memory_space<vmem>>) target(%dma_start3A_247 : memref<10240x16xf32, #tpu.memory_space<vmem_shared>>) offsets(%dma_start3A_244 : memref<128xi32, #tpu.memory_space<vmem>>) semaphore(%arg14 : memref<!tpu.dma_semaphore, #tpu.memory_space<semaphore_mem>>) {add = true}
    %dma_start3A_248 = arith.constant 78 : i32
    %dma_start3A_249 = arith.constant 2 : i32
    %dma_start3A_250 = arith.constant 0 : i32
    %dma_start3A_251 = arith.constant 0 : i32
    %dma_start3A_252 = tpu.memref_slice %arg7[%dma_start3A_249, %dma_start3A_250, %dma_start3A_251] : memref<4x128x16xf32, #tpu.memory_space<vmem>> -> memref<1x128x16xf32, #tpu.memory_space<vmem>>
    %dma_start3A_253 = tpu.memref_squeeze %dma_start3A_252 : memref<1x128x16xf32, #tpu.memory_space<vmem>> -> memref<128x16xf32, #tpu.memory_space<vmem>>
    %dma_start3A_254 = arith.constant 0 : i32
    %dma_start3A_255 = tpu.memref_slice %arg5[%dma_start3A_248, %dma_start3A_254] : memref<80x128xi32, #tpu.memory_space<vmem>> -> memref<1x128xi32, #tpu.memory_space<vmem>>
    %dma_start3A_256 = tpu.memref_squeeze %dma_start3A_255 : memref<1x128xi32, #tpu.memory_space<vmem>> -> memref<128xi32, #tpu.memory_space<vmem>>
    %dma_start3A_257 = arith.constant 0 : i32
    %dma_start3A_258 = arith.constant 0 : i32
    %dma_start3A_259 = tpu.memref_slice %arg2[%dma_start3A_257, %dma_start3A_258] : memref<10240x16xf32, #tpu.memory_space<hbm>> -> memref<10240x16xf32, #tpu.memory_space<hbm>>
    tpu.enqueue_indirect_dma source(%dma_start3A_259 : memref<10240x16xf32, #tpu.memory_space<hbm>>) target(%dma_start3A_253 : memref<128x16xf32, #tpu.memory_space<vmem>>) offsets(%dma_start3A_256 : memref<128xi32, #tpu.memory_space<vmem>>) semaphore(%arg12 : memref<!tpu.dma_semaphore, #tpu.memory_space<semaphore_mem>>)
    %dma_wait3A_260 = arith.constant 77 : i32
    %dma_wait3A_261 = arith.constant 1 : i32
    %dma_wait3A_262 = arith.constant 0 : i32
    %dma_wait3A_263 = arith.constant 0 : i32
    %dma_wait3A_264 = tpu.memref_slice %arg7[%dma_wait3A_261, %dma_wait3A_262, %dma_wait3A_263] : memref<4x128x16xf32, #tpu.memory_space<vmem>> -> memref<1x128x16xf32, #tpu.memory_space<vmem>>
    %dma_wait3A_265 = tpu.memref_squeeze %dma_wait3A_264 : memref<1x128x16xf32, #tpu.memory_space<vmem>> -> memref<128x16xf32, #tpu.memory_space<vmem>>
    %dma_wait3A_266 = arith.constant 0 : i32
    %dma_wait3A_267 = tpu.memref_slice %arg5[%dma_wait3A_260, %dma_wait3A_266] : memref<80x128xi32, #tpu.memory_space<vmem>> -> memref<1x128xi32, #tpu.memory_space<vmem>>
    %dma_wait3A_268 = tpu.memref_squeeze %dma_wait3A_267 : memref<1x128xi32, #tpu.memory_space<vmem>> -> memref<128xi32, #tpu.memory_space<vmem>>
    %dma_wait3A_269 = arith.constant 0 : i32
    %dma_wait3A_270 = arith.constant 0 : i32
    %dma_wait3A_271 = tpu.memref_slice %arg2[%dma_wait3A_269, %dma_wait3A_270] : memref<10240x16xf32, #tpu.memory_space<hbm>> -> memref<10240x16xf32, #tpu.memory_space<hbm>>
    tpu.wait_indirect_dma semaphore(%arg11 : memref<!tpu.dma_semaphore, #tpu.memory_space<semaphore_mem>>) src(%dma_wait3A_271 : memref<10240x16xf32, #tpu.memory_space<hbm>>) dst(%dma_wait3A_265 : memref<128x16xf32, #tpu.memory_space<vmem>>)
    %dma_wait3A_272 = arith.constant 3 : i32
    %dma_wait3A_273 = arith.constant 75 : i32
    %dma_wait3A_274 = arith.constant 0 : i32
    %dma_wait3A_275 = arith.constant 0 : i32
    %dma_wait3A_276 = tpu.memref_slice %arg7[%dma_wait3A_272, %dma_wait3A_274, %dma_wait3A_275] : memref<4x128x16xf32, #tpu.memory_space<vmem>> -> memref<1x128x16xf32, #tpu.memory_space<vmem>>
    %dma_wait3A_277 = tpu.memref_squeeze %dma_wait3A_276 : memref<1x128x16xf32, #tpu.memory_space<vmem>> -> memref<128x16xf32, #tpu.memory_space<vmem>>
    %dma_wait3A_278 = arith.constant 0 : i32
    %dma_wait3A_279 = tpu.memref_slice %arg6[%dma_wait3A_273, %dma_wait3A_278] : memref<80x128xi32, #tpu.memory_space<vmem>> -> memref<1x128xi32, #tpu.memory_space<vmem>>
    %dma_wait3A_280 = tpu.memref_squeeze %dma_wait3A_279 : memref<1x128xi32, #tpu.memory_space<vmem>> -> memref<128xi32, #tpu.memory_space<vmem>>
    %dma_wait3A_281 = arith.constant 0 : i32
    %dma_wait3A_282 = arith.constant 0 : i32
    %dma_wait3A_283 = tpu.memref_slice %arg9[%dma_wait3A_281, %dma_wait3A_282] : memref<10240x16xf32, #tpu.memory_space<vmem_shared>> -> memref<10240x16xf32, #tpu.memory_space<vmem_shared>>
    tpu.wait_indirect_dma semaphore(%arg15 : memref<!tpu.dma_semaphore, #tpu.memory_space<semaphore_mem>>) src(%dma_wait3A_277 : memref<128x16xf32, #tpu.memory_space<vmem>>) dst(%dma_wait3A_283 : memref<10240x16xf32, #tpu.memory_space<vmem_shared>>)
    %dma_start3A_284 = arith.constant 1 : i32
    %dma_start3A_285 = arith.constant 77 : i32
    %dma_start3A_286 = arith.constant 0 : i32
    %dma_start3A_287 = arith.constant 0 : i32
    %dma_start3A_288 = tpu.memref_slice %arg7[%dma_start3A_284, %dma_start3A_286, %dma_start3A_287] : memref<4x128x16xf32, #tpu.memory_space<vmem>> -> memref<1x128x16xf32, #tpu.memory_space<vmem>>
    %dma_start3A_289 = tpu.memref_squeeze %dma_start3A_288 : memref<1x128x16xf32, #tpu.memory_space<vmem>> -> memref<128x16xf32, #tpu.memory_space<vmem>>
    %dma_start3A_290 = arith.constant 0 : i32
    %dma_start3A_291 = tpu.memref_slice %arg6[%dma_start3A_285, %dma_start3A_290] : memref<80x128xi32, #tpu.memory_space<vmem>> -> memref<1x128xi32, #tpu.memory_space<vmem>>
    %dma_start3A_292 = tpu.memref_squeeze %dma_start3A_291 : memref<1x128xi32, #tpu.memory_space<vmem>> -> memref<128xi32, #tpu.memory_space<vmem>>
    %dma_start3A_293 = arith.constant 0 : i32
    %dma_start3A_294 = arith.constant 0 : i32
    %dma_start3A_295 = tpu.memref_slice %arg9[%dma_start3A_293, %dma_start3A_294] : memref<10240x16xf32, #tpu.memory_space<vmem_shared>> -> memref<10240x16xf32, #tpu.memory_space<vmem_shared>>
    tpu.enqueue_indirect_dma source(%dma_start3A_289 : memref<128x16xf32, #tpu.memory_space<vmem>>) target(%dma_start3A_295 : memref<10240x16xf32, #tpu.memory_space<vmem_shared>>) offsets(%dma_start3A_292 : memref<128xi32, #tpu.memory_space<vmem>>) semaphore(%arg15 : memref<!tpu.dma_semaphore, #tpu.memory_space<semaphore_mem>>) {add = true}
    %dma_start3A_296 = arith.constant 79 : i32
    %dma_start3A_297 = arith.constant 3 : i32
    %dma_start3A_298 = arith.constant 0 : i32
    %dma_start3A_299 = arith.constant 0 : i32
    %dma_start3A_300 = tpu.memref_slice %arg7[%dma_start3A_297, %dma_start3A_298, %dma_start3A_299] : memref<4x128x16xf32, #tpu.memory_space<vmem>> -> memref<1x128x16xf32, #tpu.memory_space<vmem>>
    %dma_start3A_301 = tpu.memref_squeeze %dma_start3A_300 : memref<1x128x16xf32, #tpu.memory_space<vmem>> -> memref<128x16xf32, #tpu.memory_space<vmem>>
    %dma_start3A_302 = arith.constant 0 : i32
    %dma_start3A_303 = tpu.memref_slice %arg5[%dma_start3A_296, %dma_start3A_302] : memref<80x128xi32, #tpu.memory_space<vmem>> -> memref<1x128xi32, #tpu.memory_space<vmem>>
    %dma_start3A_304 = tpu.memref_squeeze %dma_start3A_303 : memref<1x128xi32, #tpu.memory_space<vmem>> -> memref<128xi32, #tpu.memory_space<vmem>>
    %dma_start3A_305 = arith.constant 0 : i32
    %dma_start3A_306 = arith.constant 0 : i32
    %dma_start3A_307 = tpu.memref_slice %arg2[%dma_start3A_305, %dma_start3A_306] : memref<10240x16xf32, #tpu.memory_space<hbm>> -> memref<10240x16xf32, #tpu.memory_space<hbm>>
    tpu.enqueue_indirect_dma source(%dma_start3A_307 : memref<10240x16xf32, #tpu.memory_space<hbm>>) target(%dma_start3A_301 : memref<128x16xf32, #tpu.memory_space<vmem>>) offsets(%dma_start3A_304 : memref<128xi32, #tpu.memory_space<vmem>>) semaphore(%arg13 : memref<!tpu.dma_semaphore, #tpu.memory_space<semaphore_mem>>)
    %dma_wait3A_308 = arith.constant 78 : i32
    %dma_wait3A_309 = arith.constant 2 : i32
    %dma_wait3A_310 = arith.constant 0 : i32
    %dma_wait3A_311 = arith.constant 0 : i32
    %dma_wait3A_312 = tpu.memref_slice %arg7[%dma_wait3A_309, %dma_wait3A_310, %dma_wait3A_311] : memref<4x128x16xf32, #tpu.memory_space<vmem>> -> memref<1x128x16xf32, #tpu.memory_space<vmem>>
    %dma_wait3A_313 = tpu.memref_squeeze %dma_wait3A_312 : memref<1x128x16xf32, #tpu.memory_space<vmem>> -> memref<128x16xf32, #tpu.memory_space<vmem>>
    %dma_wait3A_314 = arith.constant 0 : i32
    %dma_wait3A_315 = tpu.memref_slice %arg5[%dma_wait3A_308, %dma_wait3A_314] : memref<80x128xi32, #tpu.memory_space<vmem>> -> memref<1x128xi32, #tpu.memory_space<vmem>>
    %dma_wait3A_316 = tpu.memref_squeeze %dma_wait3A_315 : memref<1x128xi32, #tpu.memory_space<vmem>> -> memref<128xi32, #tpu.memory_space<vmem>>
    %dma_wait3A_317 = arith.constant 0 : i32
    %dma_wait3A_318 = arith.constant 0 : i32
    %dma_wait3A_319 = tpu.memref_slice %arg2[%dma_wait3A_317, %dma_wait3A_318] : memref<10240x16xf32, #tpu.memory_space<hbm>> -> memref<10240x16xf32, #tpu.memory_space<hbm>>
    tpu.wait_indirect_dma semaphore(%arg12 : memref<!tpu.dma_semaphore, #tpu.memory_space<semaphore_mem>>) src(%dma_wait3A_319 : memref<10240x16xf32, #tpu.memory_space<hbm>>) dst(%dma_wait3A_313 : memref<128x16xf32, #tpu.memory_space<vmem>>)
    %dma_wait3A_320 = arith.constant 0 : i32
    %dma_wait3A_321 = arith.constant 76 : i32
    %dma_wait3A_322 = arith.constant 0 : i32
    %dma_wait3A_323 = arith.constant 0 : i32
    %dma_wait3A_324 = tpu.memref_slice %arg7[%dma_wait3A_320, %dma_wait3A_322, %dma_wait3A_323] : memref<4x128x16xf32, #tpu.memory_space<vmem>> -> memref<1x128x16xf32, #tpu.memory_space<vmem>>
    %dma_wait3A_325 = tpu.memref_squeeze %dma_wait3A_324 : memref<1x128x16xf32, #tpu.memory_space<vmem>> -> memref<128x16xf32, #tpu.memory_space<vmem>>
    %dma_wait3A_326 = arith.constant 0 : i32
    %dma_wait3A_327 = tpu.memref_slice %arg6[%dma_wait3A_321, %dma_wait3A_326] : memref<80x128xi32, #tpu.memory_space<vmem>> -> memref<1x128xi32, #tpu.memory_space<vmem>>
    %dma_wait3A_328 = tpu.memref_squeeze %dma_wait3A_327 : memref<1x128xi32, #tpu.memory_space<vmem>> -> memref<128xi32, #tpu.memory_space<vmem>>
    %dma_wait3A_329 = arith.constant 0 : i32
    %dma_wait3A_330 = arith.constant 0 : i32
    %dma_wait3A_331 = tpu.memref_slice %arg9[%dma_wait3A_329, %dma_wait3A_330] : memref<10240x16xf32, #tpu.memory_space<vmem_shared>> -> memref<10240x16xf32, #tpu.memory_space<vmem_shared>>
    tpu.wait_indirect_dma semaphore(%arg14 : memref<!tpu.dma_semaphore, #tpu.memory_space<semaphore_mem>>) src(%dma_wait3A_325 : memref<128x16xf32, #tpu.memory_space<vmem>>) dst(%dma_wait3A_331 : memref<10240x16xf32, #tpu.memory_space<vmem_shared>>)
    %dma_start3A_332 = arith.constant 2 : i32
    %dma_start3A_333 = arith.constant 78 : i32
    %dma_start3A_334 = arith.constant 0 : i32
    %dma_start3A_335 = arith.constant 0 : i32
    %dma_start3A_336 = tpu.memref_slice %arg7[%dma_start3A_332, %dma_start3A_334, %dma_start3A_335] : memref<4x128x16xf32, #tpu.memory_space<vmem>> -> memref<1x128x16xf32, #tpu.memory_space<vmem>>
    %dma_start3A_337 = tpu.memref_squeeze %dma_start3A_336 : memref<1x128x16xf32, #tpu.memory_space<vmem>> -> memref<128x16xf32, #tpu.memory_space<vmem>>
    %dma_start3A_338 = arith.constant 0 : i32
    %dma_start3A_339 = tpu.memref_slice %arg6[%dma_start3A_333, %dma_start3A_338] : memref<80x128xi32, #tpu.memory_space<vmem>> -> memref<1x128xi32, #tpu.memory_space<vmem>>
    %dma_start3A_340 = tpu.memref_squeeze %dma_start3A_339 : memref<1x128xi32, #tpu.memory_space<vmem>> -> memref<128xi32, #tpu.memory_space<vmem>>
    %dma_start3A_341 = arith.constant 0 : i32
    %dma_start3A_342 = arith.constant 0 : i32
    %dma_start3A_343 = tpu.memref_slice %arg9[%dma_start3A_341, %dma_start3A_342] : memref<10240x16xf32, #tpu.memory_space<vmem_shared>> -> memref<10240x16xf32, #tpu.memory_space<vmem_shared>>
    tpu.enqueue_indirect_dma source(%dma_start3A_337 : memref<128x16xf32, #tpu.memory_space<vmem>>) target(%dma_start3A_343 : memref<10240x16xf32, #tpu.memory_space<vmem_shared>>) offsets(%dma_start3A_340 : memref<128xi32, #tpu.memory_space<vmem>>) semaphore(%arg14 : memref<!tpu.dma_semaphore, #tpu.memory_space<semaphore_mem>>) {add = true}
    %dma_wait3A_344 = arith.constant 79 : i32
    %dma_wait3A_345 = arith.constant 3 : i32
    %dma_wait3A_346 = arith.constant 0 : i32
    %dma_wait3A_347 = arith.constant 0 : i32
    %dma_wait3A_348 = tpu.memref_slice %arg7[%dma_wait3A_345, %dma_wait3A_346, %dma_wait3A_347] : memref<4x128x16xf32, #tpu.memory_space<vmem>> -> memref<1x128x16xf32, #tpu.memory_space<vmem>>
    %dma_wait3A_349 = tpu.memref_squeeze %dma_wait3A_348 : memref<1x128x16xf32, #tpu.memory_space<vmem>> -> memref<128x16xf32, #tpu.memory_space<vmem>>
    %dma_wait3A_350 = arith.constant 0 : i32
    %dma_wait3A_351 = tpu.memref_slice %arg5[%dma_wait3A_344, %dma_wait3A_350] : memref<80x128xi32, #tpu.memory_space<vmem>> -> memref<1x128xi32, #tpu.memory_space<vmem>>
    %dma_wait3A_352 = tpu.memref_squeeze %dma_wait3A_351 : memref<1x128xi32, #tpu.memory_space<vmem>> -> memref<128xi32, #tpu.memory_space<vmem>>
    %dma_wait3A_353 = arith.constant 0 : i32
    %dma_wait3A_354 = arith.constant 0 : i32
    %dma_wait3A_355 = tpu.memref_slice %arg2[%dma_wait3A_353, %dma_wait3A_354] : memref<10240x16xf32, #tpu.memory_space<hbm>> -> memref<10240x16xf32, #tpu.memory_space<hbm>>
    tpu.wait_indirect_dma semaphore(%arg13 : memref<!tpu.dma_semaphore, #tpu.memory_space<semaphore_mem>>) src(%dma_wait3A_355 : memref<10240x16xf32, #tpu.memory_space<hbm>>) dst(%dma_wait3A_349 : memref<128x16xf32, #tpu.memory_space<vmem>>)
    %dma_wait3A_356 = arith.constant 1 : i32
    %dma_wait3A_357 = arith.constant 77 : i32
    %dma_wait3A_358 = arith.constant 0 : i32
    %dma_wait3A_359 = arith.constant 0 : i32
    %dma_wait3A_360 = tpu.memref_slice %arg7[%dma_wait3A_356, %dma_wait3A_358, %dma_wait3A_359] : memref<4x128x16xf32, #tpu.memory_space<vmem>> -> memref<1x128x16xf32, #tpu.memory_space<vmem>>
    %dma_wait3A_361 = tpu.memref_squeeze %dma_wait3A_360 : memref<1x128x16xf32, #tpu.memory_space<vmem>> -> memref<128x16xf32, #tpu.memory_space<vmem>>
    %dma_wait3A_362 = arith.constant 0 : i32
    %dma_wait3A_363 = tpu.memref_slice %arg6[%dma_wait3A_357, %dma_wait3A_362] : memref<80x128xi32, #tpu.memory_space<vmem>> -> memref<1x128xi32, #tpu.memory_space<vmem>>
    %dma_wait3A_364 = tpu.memref_squeeze %dma_wait3A_363 : memref<1x128xi32, #tpu.memory_space<vmem>> -> memref<128xi32, #tpu.memory_space<vmem>>
    %dma_wait3A_365 = arith.constant 0 : i32
    %dma_wait3A_366 = arith.constant 0 : i32
    %dma_wait3A_367 = tpu.memref_slice %arg9[%dma_wait3A_365, %dma_wait3A_366] : memref<10240x16xf32, #tpu.memory_space<vmem_shared>> -> memref<10240x16xf32, #tpu.memory_space<vmem_shared>>
    tpu.wait_indirect_dma semaphore(%arg15 : memref<!tpu.dma_semaphore, #tpu.memory_space<semaphore_mem>>) src(%dma_wait3A_361 : memref<128x16xf32, #tpu.memory_space<vmem>>) dst(%dma_wait3A_367 : memref<10240x16xf32, #tpu.memory_space<vmem_shared>>)
    %dma_start3A_368 = arith.constant 3 : i32
    %dma_start3A_369 = arith.constant 79 : i32
    %dma_start3A_370 = arith.constant 0 : i32
    %dma_start3A_371 = arith.constant 0 : i32
    %dma_start3A_372 = tpu.memref_slice %arg7[%dma_start3A_368, %dma_start3A_370, %dma_start3A_371] : memref<4x128x16xf32, #tpu.memory_space<vmem>> -> memref<1x128x16xf32, #tpu.memory_space<vmem>>
    %dma_start3A_373 = tpu.memref_squeeze %dma_start3A_372 : memref<1x128x16xf32, #tpu.memory_space<vmem>> -> memref<128x16xf32, #tpu.memory_space<vmem>>
    %dma_start3A_374 = arith.constant 0 : i32
    %dma_start3A_375 = tpu.memref_slice %arg6[%dma_start3A_369, %dma_start3A_374] : memref<80x128xi32, #tpu.memory_space<vmem>> -> memref<1x128xi32, #tpu.memory_space<vmem>>
    %dma_start3A_376 = tpu.memref_squeeze %dma_start3A_375 : memref<1x128xi32, #tpu.memory_space<vmem>> -> memref<128xi32, #tpu.memory_space<vmem>>
    %dma_start3A_377 = arith.constant 0 : i32
    %dma_start3A_378 = arith.constant 0 : i32
    %dma_start3A_379 = tpu.memref_slice %arg9[%dma_start3A_377, %dma_start3A_378] : memref<10240x16xf32, #tpu.memory_space<vmem_shared>> -> memref<10240x16xf32, #tpu.memory_space<vmem_shared>>
    tpu.enqueue_indirect_dma source(%dma_start3A_373 : memref<128x16xf32, #tpu.memory_space<vmem>>) target(%dma_start3A_379 : memref<10240x16xf32, #tpu.memory_space<vmem_shared>>) offsets(%dma_start3A_376 : memref<128xi32, #tpu.memory_space<vmem>>) semaphore(%arg15 : memref<!tpu.dma_semaphore, #tpu.memory_space<semaphore_mem>>) {add = true}
    %dma_wait3A_380 = arith.constant 2 : i32
    %dma_wait3A_381 = arith.constant 78 : i32
    %dma_wait3A_382 = arith.constant 0 : i32
    %dma_wait3A_383 = arith.constant 0 : i32
    %dma_wait3A_384 = tpu.memref_slice %arg7[%dma_wait3A_380, %dma_wait3A_382, %dma_wait3A_383] : memref<4x128x16xf32, #tpu.memory_space<vmem>> -> memref<1x128x16xf32, #tpu.memory_space<vmem>>
    %dma_wait3A_385 = tpu.memref_squeeze %dma_wait3A_384 : memref<1x128x16xf32, #tpu.memory_space<vmem>> -> memref<128x16xf32, #tpu.memory_space<vmem>>
    %dma_wait3A_386 = arith.constant 0 : i32
    %dma_wait3A_387 = tpu.memref_slice %arg6[%dma_wait3A_381, %dma_wait3A_386] : memref<80x128xi32, #tpu.memory_space<vmem>> -> memref<1x128xi32, #tpu.memory_space<vmem>>
    %dma_wait3A_388 = tpu.memref_squeeze %dma_wait3A_387 : memref<1x128xi32, #tpu.memory_space<vmem>> -> memref<128xi32, #tpu.memory_space<vmem>>
    %dma_wait3A_389 = arith.constant 0 : i32
    %dma_wait3A_390 = arith.constant 0 : i32
    %dma_wait3A_391 = tpu.memref_slice %arg9[%dma_wait3A_389, %dma_wait3A_390] : memref<10240x16xf32, #tpu.memory_space<vmem_shared>> -> memref<10240x16xf32, #tpu.memory_space<vmem_shared>>
    tpu.wait_indirect_dma semaphore(%arg14 : memref<!tpu.dma_semaphore, #tpu.memory_space<semaphore_mem>>) src(%dma_wait3A_385 : memref<128x16xf32, #tpu.memory_space<vmem>>) dst(%dma_wait3A_391 : memref<10240x16xf32, #tpu.memory_space<vmem_shared>>)
    %dma_wait3A_392 = arith.constant 3 : i32
    %dma_wait3A_393 = arith.constant 79 : i32
    %dma_wait3A_394 = arith.constant 0 : i32
    %dma_wait3A_395 = arith.constant 0 : i32
    %dma_wait3A_396 = tpu.memref_slice %arg7[%dma_wait3A_392, %dma_wait3A_394, %dma_wait3A_395] : memref<4x128x16xf32, #tpu.memory_space<vmem>> -> memref<1x128x16xf32, #tpu.memory_space<vmem>>
    %dma_wait3A_397 = tpu.memref_squeeze %dma_wait3A_396 : memref<1x128x16xf32, #tpu.memory_space<vmem>> -> memref<128x16xf32, #tpu.memory_space<vmem>>
    %dma_wait3A_398 = arith.constant 0 : i32
    %dma_wait3A_399 = tpu.memref_slice %arg6[%dma_wait3A_393, %dma_wait3A_398] : memref<80x128xi32, #tpu.memory_space<vmem>> -> memref<1x128xi32, #tpu.memory_space<vmem>>
    %dma_wait3A_400 = tpu.memref_squeeze %dma_wait3A_399 : memref<1x128xi32, #tpu.memory_space<vmem>> -> memref<128xi32, #tpu.memory_space<vmem>>
    %dma_wait3A_401 = arith.constant 0 : i32
    %dma_wait3A_402 = arith.constant 0 : i32
    %dma_wait3A_403 = tpu.memref_slice %arg9[%dma_wait3A_401, %dma_wait3A_402] : memref<10240x16xf32, #tpu.memory_space<vmem_shared>> -> memref<10240x16xf32, #tpu.memory_space<vmem_shared>>
    tpu.wait_indirect_dma semaphore(%arg15 : memref<!tpu.dma_semaphore, #tpu.memory_space<semaphore_mem>>) src(%dma_wait3A_397 : memref<128x16xf32, #tpu.memory_space<vmem>>) dst(%dma_wait3A_403 : memref<10240x16xf32, #tpu.memory_space<vmem_shared>>)
    %barrier3A_404 = arith.constant 0 : index
    tpu.barrier barrier_id(%barrier3A_404)
    %mul3A_405 = arith.constant 640 : i32
    %mul3A_406 = arith.muli %arg1, %mul3A_405 : i32
    %mul3A_407 = arith.constant 640 : i32
    %mul3A_408 = arith.muli %arg1, %mul3A_407 : i32
    "tpu.region"() ({
      %run_scoped3A_409 = tpu.sem_alloc : memref<!tpu.dma_semaphore, #tpu.memory_space<semaphore_mem>>
      %dma_start3A_410 = arith.constant 0 : i32
      %dma_start3A_411 = tpu.memref_slice %arg4[%arg0, %mul3A_408, %dma_start3A_410] : memref<2x10240x16xf32, #tpu.memory_space<hbm>> -> memref<1x640x16xf32, #tpu.memory_space<hbm>>
      %dma_start3A_412 = tpu.memref_squeeze %dma_start3A_411 : memref<1x640x16xf32, #tpu.memory_space<hbm>> -> memref<640x16xf32, #tpu.memory_space<hbm>>
      %dma_start3A_413 = arith.constant 0 : i32
      %dma_start3A_414 = tpu.memref_slice %arg9[%mul3A_406, %dma_start3A_413] : memref<10240x16xf32, #tpu.memory_space<vmem_shared>> -> memref<640x16xf32, #tpu.memory_space<vmem_shared>>
      tpu.enqueue_dma source(%dma_start3A_414 : memref<640x16xf32, #tpu.memory_space<vmem_shared>>) target(%dma_start3A_412 : memref<640x16xf32, #tpu.memory_space<hbm>>) target_semaphore(%run_scoped3A_409 : memref<!tpu.dma_semaphore, #tpu.memory_space<semaphore_mem>>)
      %dma_wait3A_415 = arith.constant 0 : i32
      %dma_wait3A_416 = tpu.memref_slice %arg4[%arg0, %mul3A_408, %dma_wait3A_415] : memref<2x10240x16xf32, #tpu.memory_space<hbm>> -> memref<1x640x16xf32, #tpu.memory_space<hbm>>
      %dma_wait3A_417 = tpu.memref_squeeze %dma_wait3A_416 : memref<1x640x16xf32, #tpu.memory_space<hbm>> -> memref<640x16xf32, #tpu.memory_space<hbm>>
      %dma_wait3A_418 = arith.constant 0 : i32
      %dma_wait3A_419 = tpu.memref_slice %arg9[%mul3A_406, %dma_wait3A_418] : memref<10240x16xf32, #tpu.memory_space<vmem_shared>> -> memref<640x16xf32, #tpu.memory_space<vmem_shared>>
      tpu.wait_dma2 semaphore(%run_scoped3A_409 : memref<!tpu.dma_semaphore, #tpu.memory_space<semaphore_mem>>) src(%dma_wait3A_419 : memref<640x16xf32, #tpu.memory_space<vmem_shared>>) dst(%dma_wait3A_417 : memref<640x16xf32, #tpu.memory_space<hbm>>)
      tpu.yield
    }) : () -> ()
    return
  }
}

#map = affine_map<(d0, d1) -> (0, 0)>
#map1 = affine_map<(d0, d1) -> (0, 0, 0, 0)>
#map2 = affine_map<(d0, d1) -> (0, 0, 0)>
module attributes {stable_mosaic.version = 14 : i64} {
  func.func @_seg_linear(%arg0: i32, %arg1: i32, %arg2: memref<327680x16xf32, #tpu.memory_space<hbm>>, %arg3: memref<2x32x80x128xi32, #tpu.memory_space<hbm>>, %arg4: memref<2x10240x16xf32, #tpu.memory_space<hbm>>, %arg5: memref<80x128xi32, #tpu.memory_space<vmem>>, %arg6: memref<4x128x16xf32, #tpu.memory_space<vmem>>, %arg7: memref<64x16xf32, #tpu.memory_space<vmem>>, %arg8: memref<10240x16xf32, #tpu.memory_space<vmem_shared>>, %arg9: memref<!tpu.dma_semaphore, #tpu.memory_space<semaphore_mem>>, %arg10: memref<!tpu.dma_semaphore, #tpu.memory_space<semaphore_mem>>, %arg11: memref<!tpu.dma_semaphore, #tpu.memory_space<semaphore_mem>>, %arg12: memref<!tpu.dma_semaphore, #tpu.memory_space<semaphore_mem>>, %arg13: memref<!tpu.dma_semaphore, #tpu.memory_space<semaphore_mem>>, %arg14: memref<!tpu.dma_semaphore, #tpu.memory_space<semaphore_mem>>) attributes {dimension_semantics = [#tpu.dimension_semantics<core_parallel>, #tpu.dimension_semantics<subcore_parallel>], iteration_bounds = array<i64: 2, 16>, scalar_prefetch = 0 : i64, scratch_operands = 10 : i64, tpu.core_type = #tpu.core_type<sc_vector_subcore>, window_params = [{transform_indices = #map}, {transform_indices = #map1}, {transform_indices = #map2}]} {
    %mul3A = arith.constant 2 : i32
    %mul3A_0 = arith.muli %arg1, %mul3A : i32
    %add3A = arith.addi %mul3A_0, %arg0 : i32
    %scan3A = arith.constant 0 : i32
    %scan3A_1 = arith.constant 0 : i32
    %scan3A_2 = arith.constant 64 : i32
    %scan3A_3 = arith.addi %scan3A_1, %scan3A_2 : i32
    %scan3A_4 = arith.constant 1 : i32
    %scan3A_5 = scf.for %scan3A_520 = %scan3A_1 to %scan3A_3 step %scan3A_4 iter_args(%scan3A_521 = %scan3A) -> (i32)  : i32 {
      %broadcast_in_dim3A = arith.constant 0.000000e+00 : f32
      %broadcast_in_dim3A_522 = vector.broadcast %broadcast_in_dim3A : f32 to vector<16xf32>
      %swap3A = arith.index_cast %scan3A_520 : i32 to index
      %swap3A_523 = arith.constant 0 : index
      %swap3A_524 = tpu.vector_load %arg7[%swap3A, %swap3A_523] {strides = array<i32>} : memref<64x16xf32, #tpu.memory_space<vmem>>, vector<1x16xf32>,
      %swap3A_525 = vector.shape_cast %swap3A_524 : vector<1x16xf32> to vector<16xf32>
      %swap3A_526 = vector.shape_cast %broadcast_in_dim3A_522 : vector<16xf32> to vector<1x16xf32>
      tpu.vector_store %arg7[%swap3A, %swap3A_523], %swap3A_526 {strides = array<i32>} : memref<64x16xf32, #tpu.memory_space<vmem>>, vector<1x16xf32>,
      %scan3A_527 = arith.constant 0 : i32
      scf.yield %scan3A_527 : i32
    }
    %scan3A_6 = arith.constant 64 : i32
    %scan3A_7 = arith.constant 0 : i32
    %scan3A_8 = arith.constant 0 : i32
    %scan3A_9 = arith.constant 10 : i32
    %scan3A_10 = arith.addi %scan3A_8, %scan3A_9 : i32
    %scan3A_11 = arith.constant 1 : i32
    %scan3A_12 = scf.for %scan3A_520 = %scan3A_8 to %scan3A_10 step %scan3A_11 iter_args(%scan3A_521 = %scan3A_7) -> (i32)  : i32 {
      %mul3A_522 = arith.constant 640 : i32
      %mul3A_523 = arith.muli %arg1, %mul3A_522 : i32
      %mul3A_524 = arith.constant 64 : i32
      %mul3A_525 = arith.muli %scan3A_520, %mul3A_524 : i32
      %add3A_526 = arith.addi %mul3A_523, %mul3A_525 : i32
      "tpu.region"() ({
        %run_scoped3A_528 = tpu.sem_alloc : memref<!tpu.dma_semaphore, #tpu.memory_space<semaphore_mem>>
        %dma_start3A_529 = arith.constant 0 : i32
        %dma_start3A_530 = tpu.memref_slice %arg8[%add3A_526, %dma_start3A_529] : memref<10240x16xf32, #tpu.memory_space<vmem_shared>> -> memref<64x16xf32, #tpu.memory_space<vmem_shared>>
        %dma_start3A_531 = arith.constant 0 : i32
        %dma_start3A_532 = tpu.memref_slice %arg8[%add3A_526, %dma_start3A_531] : memref<10240x16xf32, #tpu.memory_space<vmem_shared>> -> memref<64x16xf32, #tpu.memory_space<vmem_shared>>
        tpu.enqueue_dma source(%arg7 : memref<64x16xf32, #tpu.memory_space<vmem>>) target(%dma_start3A_532 : memref<64x16xf32, #tpu.memory_space<vmem_shared>>) target_semaphore(%run_scoped3A_528 : memref<!tpu.dma_semaphore, #tpu.memory_space<semaphore_mem>>)
        %dma_wait3A_533 = arith.constant 0 : i32
        %dma_wait3A_534 = tpu.memref_slice %arg8[%add3A_526, %dma_wait3A_533] : memref<10240x16xf32, #tpu.memory_space<vmem_shared>> -> memref<64x16xf32, #tpu.memory_space<vmem_shared>>
        %dma_wait3A_535 = arith.constant 0 : i32
        %dma_wait3A_536 = tpu.memref_slice %arg8[%add3A_526, %dma_wait3A_535] : memref<10240x16xf32, #tpu.memory_space<vmem_shared>> -> memref<64x16xf32, #tpu.memory_space<vmem_shared>>
        tpu.wait_dma2 semaphore(%run_scoped3A_528 : memref<!tpu.dma_semaphore, #tpu.memory_space<semaphore_mem>>) src(%arg7 : memref<64x16xf32, #tpu.memory_space<vmem>>) dst(%dma_wait3A_536 : memref<64x16xf32, #tpu.memory_space<vmem_shared>>)
        tpu.yield
      }) : () -> ()
      %scan3A_527 = arith.constant 0 : i32
      scf.yield %scan3A_527 : i32
    }
    %scan3A_13 = arith.constant 10 : i32
    %run_scoped3A = arith.constant 1 : i32
    "tpu.region"() ({
      %run_scoped3A_520 = tpu.sem_alloc : memref<!tpu.dma_semaphore, #tpu.memory_space<semaphore_mem>>
      %dma_start3A_521 = arith.constant 0 : i32
      %dma_start3A_522 = arith.constant 0 : i32
      %dma_start3A_523 = tpu.memref_slice %arg3[%run_scoped3A, %add3A, %dma_start3A_521, %dma_start3A_522] : memref<2x32x80x128xi32, #tpu.memory_space<hbm>> -> memref<1x1x80x128xi32, #tpu.memory_space<hbm>>
      %dma_start3A_524 = tpu.memref_squeeze %dma_start3A_523 : memref<1x1x80x128xi32, #tpu.memory_space<hbm>> -> memref<80x128xi32, #tpu.memory_space<hbm>>
      %dma_start3A_525 = arith.constant 0 : i32
      %dma_start3A_526 = arith.constant 0 : i32
      %dma_start3A_527 = tpu.memref_slice %arg3[%run_scoped3A, %add3A, %dma_start3A_525, %dma_start3A_526] : memref<2x32x80x128xi32, #tpu.memory_space<hbm>> -> memref<1x1x80x128xi32, #tpu.memory_space<hbm>>
      %dma_start3A_528 = tpu.memref_squeeze %dma_start3A_527 : memref<1x1x80x128xi32, #tpu.memory_space<hbm>> -> memref<80x128xi32, #tpu.memory_space<hbm>>
      tpu.enqueue_dma source(%dma_start3A_528 : memref<80x128xi32, #tpu.memory_space<hbm>>) target(%arg5 : memref<80x128xi32, #tpu.memory_space<vmem>>) target_semaphore(%run_scoped3A_520 : memref<!tpu.dma_semaphore, #tpu.memory_space<semaphore_mem>>)
      %dma_wait3A_529 = arith.constant 0 : i32
      %dma_wait3A_530 = arith.constant 0 : i32
      %dma_wait3A_531 = tpu.memref_slice %arg3[%run_scoped3A, %add3A, %dma_wait3A_529, %dma_wait3A_530] : memref<2x32x80x128xi32, #tpu.memory_space<hbm>> -> memref<1x1x80x128xi32, #tpu.memory_space<hbm>>
      %dma_wait3A_532 = tpu.memref_squeeze %dma_wait3A_531 : memref<1x1x80x128xi32, #tpu.memory_space<hbm>> -> memref<80x128xi32, #tpu.memory_space<hbm>>
      %dma_wait3A_533 = arith.constant 0 : i32
      %dma_wait3A_534 = arith.constant 0 : i32
      %dma_wait3A_535 = tpu.memref_slice %arg3[%run_scoped3A, %add3A, %dma_wait3A_533, %dma_wait3A_534] : memref<2x32x80x128xi32, #tpu.memory_space<hbm>> -> memref<1x1x80x128xi32, #tpu.memory_space<hbm>>
      %dma_wait3A_536 = tpu.memref_squeeze %dma_wait3A_535 : memref<1x1x80x128xi32, #tpu.memory_space<hbm>> -> memref<80x128xi32, #tpu.memory_space<hbm>>
      tpu.wait_dma2 semaphore(%run_scoped3A_520 : memref<!tpu.dma_semaphore, #tpu.memory_space<semaphore_mem>>) src(%dma_wait3A_536 : memref<80x128xi32, #tpu.memory_space<hbm>>) dst(%arg5 : memref<80x128xi32, #tpu.memory_space<vmem>>)
      tpu.yield
    }) : () -> ()
    %barrier3A = arith.constant 0 : index
    tpu.barrier barrier_id(%barrier3A)
    %mul3A_14 = arith.constant 80 : i32
    %mul3A_15 = arith.muli %add3A, %mul3A_14 : i32
    %add3A_16 = arith.constant 0 : i32
    %add3A_17 = arith.addi %mul3A_15, %add3A_16 : i32
    %mul3A_18 = arith.constant 128 : i32
    %mul3A_19 = arith.muli %add3A_17, %mul3A_18 : i32
    %dma_start3A = arith.constant 0 : i32
    %dma_start3A_20 = arith.constant 0 : i32
    %dma_start3A_21 = arith.constant 0 : i32
    %dma_start3A_22 = tpu.memref_slice %arg6[%dma_start3A, %dma_start3A_20, %dma_start3A_21] : memref<4x128x16xf32, #tpu.memory_space<vmem>> -> memref<1x128x16xf32, #tpu.memory_space<vmem>>
    %dma_start3A_23 = tpu.memref_squeeze %dma_start3A_22 : memref<1x128x16xf32, #tpu.memory_space<vmem>> -> memref<128x16xf32, #tpu.memory_space<vmem>>
    %dma_start3A_24 = arith.constant 0 : i32
    %dma_start3A_25 = tpu.memref_slice %arg2[%mul3A_19, %dma_start3A_24] : memref<327680x16xf32, #tpu.memory_space<hbm>> -> memref<128x16xf32, #tpu.memory_space<hbm>>
    %dma_start3A_26 = arith.constant 0 : i32
    %dma_start3A_27 = arith.constant 0 : i32
    %dma_start3A_28 = tpu.memref_slice %arg6[%dma_start3A, %dma_start3A_26, %dma_start3A_27] : memref<4x128x16xf32, #tpu.memory_space<vmem>> -> memref<1x128x16xf32, #tpu.memory_space<vmem>>
    %dma_start3A_29 = tpu.memref_squeeze %dma_start3A_28 : memref<1x128x16xf32, #tpu.memory_space<vmem>> -> memref<128x16xf32, #tpu.memory_space<vmem>>
    %dma_start3A_30 = arith.constant 0 : i32
    %dma_start3A_31 = tpu.memref_slice %arg2[%mul3A_19, %dma_start3A_30] : memref<327680x16xf32, #tpu.memory_space<hbm>> -> memref<128x16xf32, #tpu.memory_space<hbm>>
    tpu.enqueue_dma source(%dma_start3A_31 : memref<128x16xf32, #tpu.memory_space<hbm>>) target(%dma_start3A_29 : memref<128x16xf32, #tpu.memory_space<vmem>>) target_semaphore(%arg9 : memref<!tpu.dma_semaphore, #tpu.memory_space<semaphore_mem>>)
    %mul3A_32 = arith.constant 80 : i32
    %mul3A_33 = arith.muli %add3A, %mul3A_32 : i32
    %add3A_34 = arith.constant 1 : i32
    %add3A_35 = arith.addi %mul3A_33, %add3A_34 : i32
    %mul3A_36 = arith.constant 128 : i32
    %mul3A_37 = arith.muli %add3A_35, %mul3A_36 : i32
    %dma_start3A_38 = arith.constant 1 : i32
    %dma_start3A_39 = arith.constant 0 : i32
    %dma_start3A_40 = arith.constant 0 : i32
    %dma_start3A_41 = tpu.memref_slice %arg6[%dma_start3A_38, %dma_start3A_39, %dma_start3A_40] : memref<4x128x16xf32, #tpu.memory_space<vmem>> -> memref<1x128x16xf32, #tpu.memory_space<vmem>>
    %dma_start3A_42 = tpu.memref_squeeze %dma_start3A_41 : memref<1x128x16xf32, #tpu.memory_space<vmem>> -> memref<128x16xf32, #tpu.memory_space<vmem>>
    %dma_start3A_43 = arith.constant 0 : i32
    %dma_start3A_44 = tpu.memref_slice %arg2[%mul3A_37, %dma_start3A_43] : memref<327680x16xf32, #tpu.memory_space<hbm>> -> memref<128x16xf32, #tpu.memory_space<hbm>>
    %dma_start3A_45 = arith.constant 0 : i32
    %dma_start3A_46 = arith.constant 0 : i32
    %dma_start3A_47 = tpu.memref_slice %arg6[%dma_start3A_38, %dma_start3A_45, %dma_start3A_46] : memref<4x128x16xf32, #tpu.memory_space<vmem>> -> memref<1x128x16xf32, #tpu.memory_space<vmem>>
    %dma_start3A_48 = tpu.memref_squeeze %dma_start3A_47 : memref<1x128x16xf32, #tpu.memory_space<vmem>> -> memref<128x16xf32, #tpu.memory_space<vmem>>
    %dma_start3A_49 = arith.constant 0 : i32
    %dma_start3A_50 = tpu.memref_slice %arg2[%mul3A_37, %dma_start3A_49] : memref<327680x16xf32, #tpu.memory_space<hbm>> -> memref<128x16xf32, #tpu.memory_space<hbm>>
    tpu.enqueue_dma source(%dma_start3A_50 : memref<128x16xf32, #tpu.memory_space<hbm>>) target(%dma_start3A_48 : memref<128x16xf32, #tpu.memory_space<vmem>>) target_semaphore(%arg10 : memref<!tpu.dma_semaphore, #tpu.memory_space<semaphore_mem>>)
    %mul3A_51 = arith.constant 80 : i32
    %mul3A_52 = arith.muli %add3A, %mul3A_51 : i32
    %add3A_53 = arith.constant 0 : i32
    %add3A_54 = arith.addi %mul3A_52, %add3A_53 : i32
    %mul3A_55 = arith.constant 128 : i32
    %mul3A_56 = arith.muli %add3A_54, %mul3A_55 : i32
    %dma_wait3A = arith.constant 0 : i32
    %dma_wait3A_57 = arith.constant 0 : i32
    %dma_wait3A_58 = arith.constant 0 : i32
    %dma_wait3A_59 = tpu.memref_slice %arg6[%dma_wait3A, %dma_wait3A_57, %dma_wait3A_58] : memref<4x128x16xf32, #tpu.memory_space<vmem>> -> memref<1x128x16xf32, #tpu.memory_space<vmem>>
    %dma_wait3A_60 = tpu.memref_squeeze %dma_wait3A_59 : memref<1x128x16xf32, #tpu.memory_space<vmem>> -> memref<128x16xf32, #tpu.memory_space<vmem>>
    %dma_wait3A_61 = arith.constant 0 : i32
    %dma_wait3A_62 = tpu.memref_slice %arg2[%mul3A_56, %dma_wait3A_61] : memref<327680x16xf32, #tpu.memory_space<hbm>> -> memref<128x16xf32, #tpu.memory_space<hbm>>
    %dma_wait3A_63 = arith.constant 0 : i32
    %dma_wait3A_64 = arith.constant 0 : i32
    %dma_wait3A_65 = tpu.memref_slice %arg6[%dma_wait3A, %dma_wait3A_63, %dma_wait3A_64] : memref<4x128x16xf32, #tpu.memory_space<vmem>> -> memref<1x128x16xf32, #tpu.memory_space<vmem>>
    %dma_wait3A_66 = tpu.memref_squeeze %dma_wait3A_65 : memref<1x128x16xf32, #tpu.memory_space<vmem>> -> memref<128x16xf32, #tpu.memory_space<vmem>>
    %dma_wait3A_67 = arith.constant 0 : i32
    %dma_wait3A_68 = tpu.memref_slice %arg2[%mul3A_56, %dma_wait3A_67] : memref<327680x16xf32, #tpu.memory_space<hbm>> -> memref<128x16xf32, #tpu.memory_space<hbm>>
    tpu.wait_dma2 semaphore(%arg9 : memref<!tpu.dma_semaphore, #tpu.memory_space<semaphore_mem>>) src(%dma_wait3A_68 : memref<128x16xf32, #tpu.memory_space<hbm>>) dst(%dma_wait3A_66 : memref<128x16xf32, #tpu.memory_space<vmem>>)
    %dma_start3A_69 = arith.constant 0 : i32
    %dma_start3A_70 = arith.constant 0 : i32
    %dma_start3A_71 = arith.constant 0 : i32
    %dma_start3A_72 = arith.constant 0 : i32
    %dma_start3A_73 = tpu.memref_slice %arg6[%dma_start3A_69, %dma_start3A_71, %dma_start3A_72] : memref<4x128x16xf32, #tpu.memory_space<vmem>> -> memref<1x128x16xf32, #tpu.memory_space<vmem>>
    %dma_start3A_74 = tpu.memref_squeeze %dma_start3A_73 : memref<1x128x16xf32, #tpu.memory_space<vmem>> -> memref<128x16xf32, #tpu.memory_space<vmem>>
    %dma_start3A_75 = arith.constant 0 : i32
    %dma_start3A_76 = tpu.memref_slice %arg5[%dma_start3A_70, %dma_start3A_75] : memref<80x128xi32, #tpu.memory_space<vmem>> -> memref<1x128xi32, #tpu.memory_space<vmem>>
    %dma_start3A_77 = tpu.memref_squeeze %dma_start3A_76 : memref<1x128xi32, #tpu.memory_space<vmem>> -> memref<128xi32, #tpu.memory_space<vmem>>
    %dma_start3A_78 = arith.constant 0 : i32
    %dma_start3A_79 = arith.constant 0 : i32
    %dma_start3A_80 = tpu.memref_slice %arg8[%dma_start3A_78, %dma_start3A_79] : memref<10240x16xf32, #tpu.memory_space<vmem_shared>> -> memref<10240x16xf32, #tpu.memory_space<vmem_shared>>
    tpu.enqueue_indirect_dma source(%dma_start3A_74 : memref<128x16xf32, #tpu.memory_space<vmem>>) target(%dma_start3A_80 : memref<10240x16xf32, #tpu.memory_space<vmem_shared>>) offsets(%dma_start3A_77 : memref<128xi32, #tpu.memory_space<vmem>>) semaphore(%arg13 : memref<!tpu.dma_semaphore, #tpu.memory_space<semaphore_mem>>) {add = true}
    %mul3A_81 = arith.constant 80 : i32
    %mul3A_82 = arith.muli %add3A, %mul3A_81 : i32
    %add3A_83 = arith.constant 2 : i32
    %add3A_84 = arith.addi %mul3A_82, %add3A_83 : i32
    %mul3A_85 = arith.constant 128 : i32
    %mul3A_86 = arith.muli %add3A_84, %mul3A_85 : i32
    %dma_start3A_87 = arith.constant 2 : i32
    %dma_start3A_88 = arith.constant 0 : i32
    %dma_start3A_89 = arith.constant 0 : i32
    %dma_start3A_90 = tpu.memref_slice %arg6[%dma_start3A_87, %dma_start3A_88, %dma_start3A_89] : memref<4x128x16xf32, #tpu.memory_space<vmem>> -> memref<1x128x16xf32, #tpu.memory_space<vmem>>
    %dma_start3A_91 = tpu.memref_squeeze %dma_start3A_90 : memref<1x128x16xf32, #tpu.memory_space<vmem>> -> memref<128x16xf32, #tpu.memory_space<vmem>>
    %dma_start3A_92 = arith.constant 0 : i32
    %dma_start3A_93 = tpu.memref_slice %arg2[%mul3A_86, %dma_start3A_92] : memref<327680x16xf32, #tpu.memory_space<hbm>> -> memref<128x16xf32, #tpu.memory_space<hbm>>
    %dma_start3A_94 = arith.constant 0 : i32
    %dma_start3A_95 = arith.constant 0 : i32
    %dma_start3A_96 = tpu.memref_slice %arg6[%dma_start3A_87, %dma_start3A_94, %dma_start3A_95] : memref<4x128x16xf32, #tpu.memory_space<vmem>> -> memref<1x128x16xf32, #tpu.memory_space<vmem>>
    %dma_start3A_97 = tpu.memref_squeeze %dma_start3A_96 : memref<1x128x16xf32, #tpu.memory_space<vmem>> -> memref<128x16xf32, #tpu.memory_space<vmem>>
    %dma_start3A_98 = arith.constant 0 : i32
    %dma_start3A_99 = tpu.memref_slice %arg2[%mul3A_86, %dma_start3A_98] : memref<327680x16xf32, #tpu.memory_space<hbm>> -> memref<128x16xf32, #tpu.memory_space<hbm>>
    tpu.enqueue_dma source(%dma_start3A_99 : memref<128x16xf32, #tpu.memory_space<hbm>>) target(%dma_start3A_97 : memref<128x16xf32, #tpu.memory_space<vmem>>) target_semaphore(%arg11 : memref<!tpu.dma_semaphore, #tpu.memory_space<semaphore_mem>>)
    %mul3A_100 = arith.constant 80 : i32
    %mul3A_101 = arith.muli %add3A, %mul3A_100 : i32
    %add3A_102 = arith.constant 1 : i32
    %add3A_103 = arith.addi %mul3A_101, %add3A_102 : i32
    %mul3A_104 = arith.constant 128 : i32
    %mul3A_105 = arith.muli %add3A_103, %mul3A_104 : i32
    %dma_wait3A_106 = arith.constant 1 : i32
    %dma_wait3A_107 = arith.constant 0 : i32
    %dma_wait3A_108 = arith.constant 0 : i32
    %dma_wait3A_109 = tpu.memref_slice %arg6[%dma_wait3A_106, %dma_wait3A_107, %dma_wait3A_108] : memref<4x128x16xf32, #tpu.memory_space<vmem>> -> memref<1x128x16xf32, #tpu.memory_space<vmem>>
    %dma_wait3A_110 = tpu.memref_squeeze %dma_wait3A_109 : memref<1x128x16xf32, #tpu.memory_space<vmem>> -> memref<128x16xf32, #tpu.memory_space<vmem>>
    %dma_wait3A_111 = arith.constant 0 : i32
    %dma_wait3A_112 = tpu.memref_slice %arg2[%mul3A_105, %dma_wait3A_111] : memref<327680x16xf32, #tpu.memory_space<hbm>> -> memref<128x16xf32, #tpu.memory_space<hbm>>
    %dma_wait3A_113 = arith.constant 0 : i32
    %dma_wait3A_114 = arith.constant 0 : i32
    %dma_wait3A_115 = tpu.memref_slice %arg6[%dma_wait3A_106, %dma_wait3A_113, %dma_wait3A_114] : memref<4x128x16xf32, #tpu.memory_space<vmem>> -> memref<1x128x16xf32, #tpu.memory_space<vmem>>
    %dma_wait3A_116 = tpu.memref_squeeze %dma_wait3A_115 : memref<1x128x16xf32, #tpu.memory_space<vmem>> -> memref<128x16xf32, #tpu.memory_space<vmem>>
    %dma_wait3A_117 = arith.constant 0 : i32
    %dma_wait3A_118 = tpu.memref_slice %arg2[%mul3A_105, %dma_wait3A_117] : memref<327680x16xf32, #tpu.memory_space<hbm>> -> memref<128x16xf32, #tpu.memory_space<hbm>>
    tpu.wait_dma2 semaphore(%arg10 : memref<!tpu.dma_semaphore, #tpu.memory_space<semaphore_mem>>) src(%dma_wait3A_118 : memref<128x16xf32, #tpu.memory_space<hbm>>) dst(%dma_wait3A_116 : memref<128x16xf32, #tpu.memory_space<vmem>>)
    %dma_start3A_119 = arith.constant 1 : i32
    %dma_start3A_120 = arith.constant 1 : i32
    %dma_start3A_121 = arith.constant 0 : i32
    %dma_start3A_122 = arith.constant 0 : i32
    %dma_start3A_123 = tpu.memref_slice %arg6[%dma_start3A_119, %dma_start3A_121, %dma_start3A_122] : memref<4x128x16xf32, #tpu.memory_space<vmem>> -> memref<1x128x16xf32, #tpu.memory_space<vmem>>
    %dma_start3A_124 = tpu.memref_squeeze %dma_start3A_123 : memref<1x128x16xf32, #tpu.memory_space<vmem>> -> memref<128x16xf32, #tpu.memory_space<vmem>>
    %dma_start3A_125 = arith.constant 0 : i32
    %dma_start3A_126 = tpu.memref_slice %arg5[%dma_start3A_120, %dma_start3A_125] : memref<80x128xi32, #tpu.memory_space<vmem>> -> memref<1x128xi32, #tpu.memory_space<vmem>>
    %dma_start3A_127 = tpu.memref_squeeze %dma_start3A_126 : memref<1x128xi32, #tpu.memory_space<vmem>> -> memref<128xi32, #tpu.memory_space<vmem>>
    %dma_start3A_128 = arith.constant 0 : i32
    %dma_start3A_129 = arith.constant 0 : i32
    %dma_start3A_130 = tpu.memref_slice %arg8[%dma_start3A_128, %dma_start3A_129] : memref<10240x16xf32, #tpu.memory_space<vmem_shared>> -> memref<10240x16xf32, #tpu.memory_space<vmem_shared>>
    tpu.enqueue_indirect_dma source(%dma_start3A_124 : memref<128x16xf32, #tpu.memory_space<vmem>>) target(%dma_start3A_130 : memref<10240x16xf32, #tpu.memory_space<vmem_shared>>) offsets(%dma_start3A_127 : memref<128xi32, #tpu.memory_space<vmem>>) semaphore(%arg14 : memref<!tpu.dma_semaphore, #tpu.memory_space<semaphore_mem>>) {add = true}
    %mul3A_131 = arith.constant 80 : i32
    %mul3A_132 = arith.muli %add3A, %mul3A_131 : i32
    %add3A_133 = arith.constant 3 : i32
    %add3A_134 = arith.addi %mul3A_132, %add3A_133 : i32
    %mul3A_135 = arith.constant 128 : i32
    %mul3A_136 = arith.muli %add3A_134, %mul3A_135 : i32
    %dma_start3A_137 = arith.constant 3 : i32
    %dma_start3A_138 = arith.constant 0 : i32
    %dma_start3A_139 = arith.constant 0 : i32
    %dma_start3A_140 = tpu.memref_slice %arg6[%dma_start3A_137, %dma_start3A_138, %dma_start3A_139] : memref<4x128x16xf32, #tpu.memory_space<vmem>> -> memref<1x128x16xf32, #tpu.memory_space<vmem>>
    %dma_start3A_141 = tpu.memref_squeeze %dma_start3A_140 : memref<1x128x16xf32, #tpu.memory_space<vmem>> -> memref<128x16xf32, #tpu.memory_space<vmem>>
    %dma_start3A_142 = arith.constant 0 : i32
    %dma_start3A_143 = tpu.memref_slice %arg2[%mul3A_136, %dma_start3A_142] : memref<327680x16xf32, #tpu.memory_space<hbm>> -> memref<128x16xf32, #tpu.memory_space<hbm>>
    %dma_start3A_144 = arith.constant 0 : i32
    %dma_start3A_145 = arith.constant 0 : i32
    %dma_start3A_146 = tpu.memref_slice %arg6[%dma_start3A_137, %dma_start3A_144, %dma_start3A_145] : memref<4x128x16xf32, #tpu.memory_space<vmem>> -> memref<1x128x16xf32, #tpu.memory_space<vmem>>
    %dma_start3A_147 = tpu.memref_squeeze %dma_start3A_146 : memref<1x128x16xf32, #tpu.memory_space<vmem>> -> memref<128x16xf32, #tpu.memory_space<vmem>>
    %dma_start3A_148 = arith.constant 0 : i32
    %dma_start3A_149 = tpu.memref_slice %arg2[%mul3A_136, %dma_start3A_148] : memref<327680x16xf32, #tpu.memory_space<hbm>> -> memref<128x16xf32, #tpu.memory_space<hbm>>
    tpu.enqueue_dma source(%dma_start3A_149 : memref<128x16xf32, #tpu.memory_space<hbm>>) target(%dma_start3A_147 : memref<128x16xf32, #tpu.memory_space<vmem>>) target_semaphore(%arg12 : memref<!tpu.dma_semaphore, #tpu.memory_space<semaphore_mem>>)
    %mul3A_150 = arith.constant 80 : i32
    %mul3A_151 = arith.muli %add3A, %mul3A_150 : i32
    %add3A_152 = arith.constant 2 : i32
    %add3A_153 = arith.addi %mul3A_151, %add3A_152 : i32
    %mul3A_154 = arith.constant 128 : i32
    %mul3A_155 = arith.muli %add3A_153, %mul3A_154 : i32
    %dma_wait3A_156 = arith.constant 2 : i32
    %dma_wait3A_157 = arith.constant 0 : i32
    %dma_wait3A_158 = arith.constant 0 : i32
    %dma_wait3A_159 = tpu.memref_slice %arg6[%dma_wait3A_156, %dma_wait3A_157, %dma_wait3A_158] : memref<4x128x16xf32, #tpu.memory_space<vmem>> -> memref<1x128x16xf32, #tpu.memory_space<vmem>>
    %dma_wait3A_160 = tpu.memref_squeeze %dma_wait3A_159 : memref<1x128x16xf32, #tpu.memory_space<vmem>> -> memref<128x16xf32, #tpu.memory_space<vmem>>
    %dma_wait3A_161 = arith.constant 0 : i32
    %dma_wait3A_162 = tpu.memref_slice %arg2[%mul3A_155, %dma_wait3A_161] : memref<327680x16xf32, #tpu.memory_space<hbm>> -> memref<128x16xf32, #tpu.memory_space<hbm>>
    %dma_wait3A_163 = arith.constant 0 : i32
    %dma_wait3A_164 = arith.constant 0 : i32
    %dma_wait3A_165 = tpu.memref_slice %arg6[%dma_wait3A_156, %dma_wait3A_163, %dma_wait3A_164] : memref<4x128x16xf32, #tpu.memory_space<vmem>> -> memref<1x128x16xf32, #tpu.memory_space<vmem>>
    %dma_wait3A_166 = tpu.memref_squeeze %dma_wait3A_165 : memref<1x128x16xf32, #tpu.memory_space<vmem>> -> memref<128x16xf32, #tpu.memory_space<vmem>>
    %dma_wait3A_167 = arith.constant 0 : i32
    %dma_wait3A_168 = tpu.memref_slice %arg2[%mul3A_155, %dma_wait3A_167] : memref<327680x16xf32, #tpu.memory_space<hbm>> -> memref<128x16xf32, #tpu.memory_space<hbm>>
    tpu.wait_dma2 semaphore(%arg11 : memref<!tpu.dma_semaphore, #tpu.memory_space<semaphore_mem>>) src(%dma_wait3A_168 : memref<128x16xf32, #tpu.memory_space<hbm>>) dst(%dma_wait3A_166 : memref<128x16xf32, #tpu.memory_space<vmem>>)
    %dma_wait3A_169 = arith.constant 0 : i32
    %dma_wait3A_170 = arith.constant 0 : i32
    %dma_wait3A_171 = arith.constant 0 : i32
    %dma_wait3A_172 = arith.constant 0 : i32
    %dma_wait3A_173 = tpu.memref_slice %arg6[%dma_wait3A_169, %dma_wait3A_171, %dma_wait3A_172] : memref<4x128x16xf32, #tpu.memory_space<vmem>> -> memref<1x128x16xf32, #tpu.memory_space<vmem>>
    %dma_wait3A_174 = tpu.memref_squeeze %dma_wait3A_173 : memref<1x128x16xf32, #tpu.memory_space<vmem>> -> memref<128x16xf32, #tpu.memory_space<vmem>>
    %dma_wait3A_175 = arith.constant 0 : i32
    %dma_wait3A_176 = tpu.memref_slice %arg5[%dma_wait3A_170, %dma_wait3A_175] : memref<80x128xi32, #tpu.memory_space<vmem>> -> memref<1x128xi32, #tpu.memory_space<vmem>>
    %dma_wait3A_177 = tpu.memref_squeeze %dma_wait3A_176 : memref<1x128xi32, #tpu.memory_space<vmem>> -> memref<128xi32, #tpu.memory_space<vmem>>
    %dma_wait3A_178 = arith.constant 0 : i32
    %dma_wait3A_179 = arith.constant 0 : i32
    %dma_wait3A_180 = tpu.memref_slice %arg8[%dma_wait3A_178, %dma_wait3A_179] : memref<10240x16xf32, #tpu.memory_space<vmem_shared>> -> memref<10240x16xf32, #tpu.memory_space<vmem_shared>>
    tpu.wait_indirect_dma semaphore(%arg13 : memref<!tpu.dma_semaphore, #tpu.memory_space<semaphore_mem>>) src(%dma_wait3A_174 : memref<128x16xf32, #tpu.memory_space<vmem>>) dst(%dma_wait3A_180 : memref<10240x16xf32, #tpu.memory_space<vmem_shared>>)
    %dma_start3A_181 = arith.constant 2 : i32
    %dma_start3A_182 = arith.constant 2 : i32
    %dma_start3A_183 = arith.constant 0 : i32
    %dma_start3A_184 = arith.constant 0 : i32
    %dma_start3A_185 = tpu.memref_slice %arg6[%dma_start3A_181, %dma_start3A_183, %dma_start3A_184] : memref<4x128x16xf32, #tpu.memory_space<vmem>> -> memref<1x128x16xf32, #tpu.memory_space<vmem>>
    %dma_start3A_186 = tpu.memref_squeeze %dma_start3A_185 : memref<1x128x16xf32, #tpu.memory_space<vmem>> -> memref<128x16xf32, #tpu.memory_space<vmem>>
    %dma_start3A_187 = arith.constant 0 : i32
    %dma_start3A_188 = tpu.memref_slice %arg5[%dma_start3A_182, %dma_start3A_187] : memref<80x128xi32, #tpu.memory_space<vmem>> -> memref<1x128xi32, #tpu.memory_space<vmem>>
    %dma_start3A_189 = tpu.memref_squeeze %dma_start3A_188 : memref<1x128xi32, #tpu.memory_space<vmem>> -> memref<128xi32, #tpu.memory_space<vmem>>
    %dma_start3A_190 = arith.constant 0 : i32
    %dma_start3A_191 = arith.constant 0 : i32
    %dma_start3A_192 = tpu.memref_slice %arg8[%dma_start3A_190, %dma_start3A_191] : memref<10240x16xf32, #tpu.memory_space<vmem_shared>> -> memref<10240x16xf32, #tpu.memory_space<vmem_shared>>
    tpu.enqueue_indirect_dma source(%dma_start3A_186 : memref<128x16xf32, #tpu.memory_space<vmem>>) target(%dma_start3A_192 : memref<10240x16xf32, #tpu.memory_space<vmem_shared>>) offsets(%dma_start3A_189 : memref<128xi32, #tpu.memory_space<vmem>>) semaphore(%arg13 : memref<!tpu.dma_semaphore, #tpu.memory_space<semaphore_mem>>) {add = true}
    %mul3A_193 = arith.constant 80 : i32
    %mul3A_194 = arith.muli %add3A, %mul3A_193 : i32
    %add3A_195 = arith.constant 4 : i32
    %add3A_196 = arith.addi %mul3A_194, %add3A_195 : i32
    %mul3A_197 = arith.constant 128 : i32
    %mul3A_198 = arith.muli %add3A_196, %mul3A_197 : i32
    %dma_start3A_199 = arith.constant 0 : i32
    %dma_start3A_200 = arith.constant 0 : i32
    %dma_start3A_201 = arith.constant 0 : i32
    %dma_start3A_202 = tpu.memref_slice %arg6[%dma_start3A_199, %dma_start3A_200, %dma_start3A_201] : memref<4x128x16xf32, #tpu.memory_space<vmem>> -> memref<1x128x16xf32, #tpu.memory_space<vmem>>
    %dma_start3A_203 = tpu.memref_squeeze %dma_start3A_202 : memref<1x128x16xf32, #tpu.memory_space<vmem>> -> memref<128x16xf32, #tpu.memory_space<vmem>>
    %dma_start3A_204 = arith.constant 0 : i32
    %dma_start3A_205 = tpu.memref_slice %arg2[%mul3A_198, %dma_start3A_204] : memref<327680x16xf32, #tpu.memory_space<hbm>> -> memref<128x16xf32, #tpu.memory_space<hbm>>
    %dma_start3A_206 = arith.constant 0 : i32
    %dma_start3A_207 = arith.constant 0 : i32
    %dma_start3A_208 = tpu.memref_slice %arg6[%dma_start3A_199, %dma_start3A_206, %dma_start3A_207] : memref<4x128x16xf32, #tpu.memory_space<vmem>> -> memref<1x128x16xf32, #tpu.memory_space<vmem>>
    %dma_start3A_209 = tpu.memref_squeeze %dma_start3A_208 : memref<1x128x16xf32, #tpu.memory_space<vmem>> -> memref<128x16xf32, #tpu.memory_space<vmem>>
    %dma_start3A_210 = arith.constant 0 : i32
    %dma_start3A_211 = tpu.memref_slice %arg2[%mul3A_198, %dma_start3A_210] : memref<327680x16xf32, #tpu.memory_space<hbm>> -> memref<128x16xf32, #tpu.memory_space<hbm>>
    tpu.enqueue_dma source(%dma_start3A_211 : memref<128x16xf32, #tpu.memory_space<hbm>>) target(%dma_start3A_209 : memref<128x16xf32, #tpu.memory_space<vmem>>) target_semaphore(%arg9 : memref<!tpu.dma_semaphore, #tpu.memory_space<semaphore_mem>>)
    %mul3A_212 = arith.constant 80 : i32
    %mul3A_213 = arith.muli %add3A, %mul3A_212 : i32
    %add3A_214 = arith.constant 3 : i32
    %add3A_215 = arith.addi %mul3A_213, %add3A_214 : i32
    %mul3A_216 = arith.constant 128 : i32
    %mul3A_217 = arith.muli %add3A_215, %mul3A_216 : i32
    %dma_wait3A_218 = arith.constant 3 : i32
    %dma_wait3A_219 = arith.constant 0 : i32
    %dma_wait3A_220 = arith.constant 0 : i32
    %dma_wait3A_221 = tpu.memref_slice %arg6[%dma_wait3A_218, %dma_wait3A_219, %dma_wait3A_220] : memref<4x128x16xf32, #tpu.memory_space<vmem>> -> memref<1x128x16xf32, #tpu.memory_space<vmem>>
    %dma_wait3A_222 = tpu.memref_squeeze %dma_wait3A_221 : memref<1x128x16xf32, #tpu.memory_space<vmem>> -> memref<128x16xf32, #tpu.memory_space<vmem>>
    %dma_wait3A_223 = arith.constant 0 : i32
    %dma_wait3A_224 = tpu.memref_slice %arg2[%mul3A_217, %dma_wait3A_223] : memref<327680x16xf32, #tpu.memory_space<hbm>> -> memref<128x16xf32, #tpu.memory_space<hbm>>
    %dma_wait3A_225 = arith.constant 0 : i32
    %dma_wait3A_226 = arith.constant 0 : i32
    %dma_wait3A_227 = tpu.memref_slice %arg6[%dma_wait3A_218, %dma_wait3A_225, %dma_wait3A_226] : memref<4x128x16xf32, #tpu.memory_space<vmem>> -> memref<1x128x16xf32, #tpu.memory_space<vmem>>
    %dma_wait3A_228 = tpu.memref_squeeze %dma_wait3A_227 : memref<1x128x16xf32, #tpu.memory_space<vmem>> -> memref<128x16xf32, #tpu.memory_space<vmem>>
    %dma_wait3A_229 = arith.constant 0 : i32
    %dma_wait3A_230 = tpu.memref_slice %arg2[%mul3A_217, %dma_wait3A_229] : memref<327680x16xf32, #tpu.memory_space<hbm>> -> memref<128x16xf32, #tpu.memory_space<hbm>>
    tpu.wait_dma2 semaphore(%arg12 : memref<!tpu.dma_semaphore, #tpu.memory_space<semaphore_mem>>) src(%dma_wait3A_230 : memref<128x16xf32, #tpu.memory_space<hbm>>) dst(%dma_wait3A_228 : memref<128x16xf32, #tpu.memory_space<vmem>>)
    %dma_wait3A_231 = arith.constant 1 : i32
    %dma_wait3A_232 = arith.constant 1 : i32
    %dma_wait3A_233 = arith.constant 0 : i32
    %dma_wait3A_234 = arith.constant 0 : i32
    %dma_wait3A_235 = tpu.memref_slice %arg6[%dma_wait3A_231, %dma_wait3A_233, %dma_wait3A_234] : memref<4x128x16xf32, #tpu.memory_space<vmem>> -> memref<1x128x16xf32, #tpu.memory_space<vmem>>
    %dma_wait3A_236 = tpu.memref_squeeze %dma_wait3A_235 : memref<1x128x16xf32, #tpu.memory_space<vmem>> -> memref<128x16xf32, #tpu.memory_space<vmem>>
    %dma_wait3A_237 = arith.constant 0 : i32
    %dma_wait3A_238 = tpu.memref_slice %arg5[%dma_wait3A_232, %dma_wait3A_237] : memref<80x128xi32, #tpu.memory_space<vmem>> -> memref<1x128xi32, #tpu.memory_space<vmem>>
    %dma_wait3A_239 = tpu.memref_squeeze %dma_wait3A_238 : memref<1x128xi32, #tpu.memory_space<vmem>> -> memref<128xi32, #tpu.memory_space<vmem>>
    %dma_wait3A_240 = arith.constant 0 : i32
    %dma_wait3A_241 = arith.constant 0 : i32
    %dma_wait3A_242 = tpu.memref_slice %arg8[%dma_wait3A_240, %dma_wait3A_241] : memref<10240x16xf32, #tpu.memory_space<vmem_shared>> -> memref<10240x16xf32, #tpu.memory_space<vmem_shared>>
    tpu.wait_indirect_dma semaphore(%arg14 : memref<!tpu.dma_semaphore, #tpu.memory_space<semaphore_mem>>) src(%dma_wait3A_236 : memref<128x16xf32, #tpu.memory_space<vmem>>) dst(%dma_wait3A_242 : memref<10240x16xf32, #tpu.memory_space<vmem_shared>>)
    %dma_start3A_243 = arith.constant 3 : i32
    %dma_start3A_244 = arith.constant 3 : i32
    %dma_start3A_245 = arith.constant 0 : i32
    %dma_start3A_246 = arith.constant 0 : i32
    %dma_start3A_247 = tpu.memref_slice %arg6[%dma_start3A_243, %dma_start3A_245, %dma_start3A_246] : memref<4x128x16xf32, #tpu.memory_space<vmem>> -> memref<1x128x16xf32, #tpu.memory_space<vmem>>
    %dma_start3A_248 = tpu.memref_squeeze %dma_start3A_247 : memref<1x128x16xf32, #tpu.memory_space<vmem>> -> memref<128x16xf32, #tpu.memory_space<vmem>>
    %dma_start3A_249 = arith.constant 0 : i32
    %dma_start3A_250 = tpu.memref_slice %arg5[%dma_start3A_244, %dma_start3A_249] : memref<80x128xi32, #tpu.memory_space<vmem>> -> memref<1x128xi32, #tpu.memory_space<vmem>>
    %dma_start3A_251 = tpu.memref_squeeze %dma_start3A_250 : memref<1x128xi32, #tpu.memory_space<vmem>> -> memref<128xi32, #tpu.memory_space<vmem>>
    %dma_start3A_252 = arith.constant 0 : i32
    %dma_start3A_253 = arith.constant 0 : i32
    %dma_start3A_254 = tpu.memref_slice %arg8[%dma_start3A_252, %dma_start3A_253] : memref<10240x16xf32, #tpu.memory_space<vmem_shared>> -> memref<10240x16xf32, #tpu.memory_space<vmem_shared>>
    tpu.enqueue_indirect_dma source(%dma_start3A_248 : memref<128x16xf32, #tpu.memory_space<vmem>>) target(%dma_start3A_254 : memref<10240x16xf32, #tpu.memory_space<vmem_shared>>) offsets(%dma_start3A_251 : memref<128xi32, #tpu.memory_space<vmem>>) semaphore(%arg14 : memref<!tpu.dma_semaphore, #tpu.memory_space<semaphore_mem>>) {add = true}
    %mul3A_255 = arith.constant 80 : i32
    %mul3A_256 = arith.muli %add3A, %mul3A_255 : i32
    %add3A_257 = arith.constant 5 : i32
    %add3A_258 = arith.addi %mul3A_256, %add3A_257 : i32
    %mul3A_259 = arith.constant 128 : i32
    %mul3A_260 = arith.muli %add3A_258, %mul3A_259 : i32
    %dma_start3A_261 = arith.constant 1 : i32
    %dma_start3A_262 = arith.constant 0 : i32
    %dma_start3A_263 = arith.constant 0 : i32
    %dma_start3A_264 = tpu.memref_slice %arg6[%dma_start3A_261, %dma_start3A_262, %dma_start3A_263] : memref<4x128x16xf32, #tpu.memory_space<vmem>> -> memref<1x128x16xf32, #tpu.memory_space<vmem>>
    %dma_start3A_265 = tpu.memref_squeeze %dma_start3A_264 : memref<1x128x16xf32, #tpu.memory_space<vmem>> -> memref<128x16xf32, #tpu.memory_space<vmem>>
    %dma_start3A_266 = arith.constant 0 : i32
    %dma_start3A_267 = tpu.memref_slice %arg2[%mul3A_260, %dma_start3A_266] : memref<327680x16xf32, #tpu.memory_space<hbm>> -> memref<128x16xf32, #tpu.memory_space<hbm>>
    %dma_start3A_268 = arith.constant 0 : i32
    %dma_start3A_269 = arith.constant 0 : i32
    %dma_start3A_270 = tpu.memref_slice %arg6[%dma_start3A_261, %dma_start3A_268, %dma_start3A_269] : memref<4x128x16xf32, #tpu.memory_space<vmem>> -> memref<1x128x16xf32, #tpu.memory_space<vmem>>
    %dma_start3A_271 = tpu.memref_squeeze %dma_start3A_270 : memref<1x128x16xf32, #tpu.memory_space<vmem>> -> memref<128x16xf32, #tpu.memory_space<vmem>>
    %dma_start3A_272 = arith.constant 0 : i32
    %dma_start3A_273 = tpu.memref_slice %arg2[%mul3A_260, %dma_start3A_272] : memref<327680x16xf32, #tpu.memory_space<hbm>> -> memref<128x16xf32, #tpu.memory_space<hbm>>
    tpu.enqueue_dma source(%dma_start3A_273 : memref<128x16xf32, #tpu.memory_space<hbm>>) target(%dma_start3A_271 : memref<128x16xf32, #tpu.memory_space<vmem>>) target_semaphore(%arg10 : memref<!tpu.dma_semaphore, #tpu.memory_space<semaphore_mem>>)
    %scan3A_274 = arith.constant 0 : i32
    %scan3A_275 = arith.constant 1 : i32
    %scan3A_276 = arith.constant 18 : i32
    %scan3A_277 = arith.addi %scan3A_275, %scan3A_276 : i32
    %scan3A_278 = arith.constant 1 : i32
    %scan3A_279 = scf.for %scan3A_520 = %scan3A_275 to %scan3A_277 step %scan3A_278 iter_args(%scan3A_521 = %scan3A_274) -> (i32)  : i32 {
      %mul3A_522 = arith.constant 4 : i32
      %mul3A_523 = arith.muli %scan3A_520, %mul3A_522 : i32
      %add3A_524 = arith.constant 0 : i32
      %add3A_525 = arith.addi %mul3A_523, %add3A_524 : i32
      %mul3A_526 = arith.constant 80 : i32
      %mul3A_527 = arith.muli %add3A, %mul3A_526 : i32
      %add3A_528 = arith.addi %mul3A_527, %add3A_525 : i32
      %mul3A_529 = arith.constant 128 : i32
      %mul3A_530 = arith.muli %add3A_528, %mul3A_529 : i32
      %dma_wait3A_531 = arith.constant 0 : i32
      %dma_wait3A_532 = arith.constant 0 : i32
      %dma_wait3A_533 = arith.constant 0 : i32
      %dma_wait3A_534 = tpu.memref_slice %arg6[%dma_wait3A_531, %dma_wait3A_532, %dma_wait3A_533] : memref<4x128x16xf32, #tpu.memory_space<vmem>> -> memref<1x128x16xf32, #tpu.memory_space<vmem>>
      %dma_wait3A_535 = tpu.memref_squeeze %dma_wait3A_534 : memref<1x128x16xf32, #tpu.memory_space<vmem>> -> memref<128x16xf32, #tpu.memory_space<vmem>>
      %dma_wait3A_536 = arith.constant 0 : i32
      %dma_wait3A_537 = tpu.memref_slice %arg2[%mul3A_530, %dma_wait3A_536] : memref<327680x16xf32, #tpu.memory_space<hbm>> -> memref<128x16xf32, #tpu.memory_space<hbm>>
      %dma_wait3A_538 = arith.constant 0 : i32
      %dma_wait3A_539 = arith.constant 0 : i32
      %dma_wait3A_540 = tpu.memref_slice %arg6[%dma_wait3A_531, %dma_wait3A_538, %dma_wait3A_539] : memref<4x128x16xf32, #tpu.memory_space<vmem>> -> memref<1x128x16xf32, #tpu.memory_space<vmem>>
      %dma_wait3A_541 = tpu.memref_squeeze %dma_wait3A_540 : memref<1x128x16xf32, #tpu.memory_space<vmem>> -> memref<128x16xf32, #tpu.memory_space<vmem>>
      %dma_wait3A_542 = arith.constant 0 : i32
      %dma_wait3A_543 = tpu.memref_slice %arg2[%mul3A_530, %dma_wait3A_542] : memref<327680x16xf32, #tpu.memory_space<hbm>> -> memref<128x16xf32, #tpu.memory_space<hbm>>
      tpu.wait_dma2 semaphore(%arg9 : memref<!tpu.dma_semaphore, #tpu.memory_space<semaphore_mem>>) src(%dma_wait3A_543 : memref<128x16xf32, #tpu.memory_space<hbm>>) dst(%dma_wait3A_541 : memref<128x16xf32, #tpu.memory_space<vmem>>)
      %sub3A = arith.constant 2 : i32
      %sub3A_544 = arith.subi %add3A_525, %sub3A : i32
      %dma_wait3A_545 = arith.constant 2 : i32
      %dma_wait3A_546 = arith.constant 0 : i32
      %dma_wait3A_547 = arith.constant 0 : i32
      %dma_wait3A_548 = tpu.memref_slice %arg6[%dma_wait3A_545, %dma_wait3A_546, %dma_wait3A_547] : memref<4x128x16xf32, #tpu.memory_space<vmem>> -> memref<1x128x16xf32, #tpu.memory_space<vmem>>
      %dma_wait3A_549 = tpu.memref_squeeze %dma_wait3A_548 : memref<1x128x16xf32, #tpu.memory_space<vmem>> -> memref<128x16xf32, #tpu.memory_space<vmem>>
      %dma_wait3A_550 = arith.constant 0 : i32
      %dma_wait3A_551 = tpu.memref_slice %arg5[%sub3A_544, %dma_wait3A_550] : memref<80x128xi32, #tpu.memory_space<vmem>> -> memref<1x128xi32, #tpu.memory_space<vmem>>
      %dma_wait3A_552 = tpu.memref_squeeze %dma_wait3A_551 : memref<1x128xi32, #tpu.memory_space<vmem>> -> memref<128xi32, #tpu.memory_space<vmem>>
      %dma_wait3A_553 = arith.constant 0 : i32
      %dma_wait3A_554 = arith.constant 0 : i32
      %dma_wait3A_555 = tpu.memref_slice %arg8[%dma_wait3A_553, %dma_wait3A_554] : memref<10240x16xf32, #tpu.memory_space<vmem_shared>> -> memref<10240x16xf32, #tpu.memory_space<vmem_shared>>
      tpu.wait_indirect_dma semaphore(%arg13 : memref<!tpu.dma_semaphore, #tpu.memory_space<semaphore_mem>>) src(%dma_wait3A_549 : memref<128x16xf32, #tpu.memory_space<vmem>>) dst(%dma_wait3A_555 : memref<10240x16xf32, #tpu.memory_space<vmem_shared>>)
      %dma_start3A_556 = arith.constant 0 : i32
      %dma_start3A_557 = arith.constant 0 : i32
      %dma_start3A_558 = arith.constant 0 : i32
      %dma_start3A_559 = tpu.memref_slice %arg6[%dma_start3A_556, %dma_start3A_557, %dma_start3A_558] : memref<4x128x16xf32, #tpu.memory_space<vmem>> -> memref<1x128x16xf32, #tpu.memory_space<vmem>>
      %dma_start3A_560 = tpu.memref_squeeze %dma_start3A_559 : memref<1x128x16xf32, #tpu.memory_space<vmem>> -> memref<128x16xf32, #tpu.memory_space<vmem>>
      %dma_start3A_561 = arith.constant 0 : i32
      %dma_start3A_562 = tpu.memref_slice %arg5[%add3A_525, %dma_start3A_561] : memref<80x128xi32, #tpu.memory_space<vmem>> -> memref<1x128xi32, #tpu.memory_space<vmem>>
      %dma_start3A_563 = tpu.memref_squeeze %dma_start3A_562 : memref<1x128xi32, #tpu.memory_space<vmem>> -> memref<128xi32, #tpu.memory_space<vmem>>
      %dma_start3A_564 = arith.constant 0 : i32
      %dma_start3A_565 = arith.constant 0 : i32
      %dma_start3A_566 = tpu.memref_slice %arg8[%dma_start3A_564, %dma_start3A_565] : memref<10240x16xf32, #tpu.memory_space<vmem_shared>> -> memref<10240x16xf32, #tpu.memory_space<vmem_shared>>
      tpu.enqueue_indirect_dma source(%dma_start3A_560 : memref<128x16xf32, #tpu.memory_space<vmem>>) target(%dma_start3A_566 : memref<10240x16xf32, #tpu.memory_space<vmem_shared>>) offsets(%dma_start3A_563 : memref<128xi32, #tpu.memory_space<vmem>>) semaphore(%arg13 : memref<!tpu.dma_semaphore, #tpu.memory_space<semaphore_mem>>) {add = true}
      %add3A_567 = arith.constant 2 : i32
      %add3A_568 = arith.addi %add3A_525, %add3A_567 : i32
      %mul3A_569 = arith.constant 80 : i32
      %mul3A_570 = arith.muli %add3A, %mul3A_569 : i32
      %add3A_571 = arith.addi %mul3A_570, %add3A_568 : i32
      %mul3A_572 = arith.constant 128 : i32
      %mul3A_573 = arith.muli %add3A_571, %mul3A_572 : i32
      %dma_start3A_574 = arith.constant 2 : i32
      %dma_start3A_575 = arith.constant 0 : i32
      %dma_start3A_576 = arith.constant 0 : i32
      %dma_start3A_577 = tpu.memref_slice %arg6[%dma_start3A_574, %dma_start3A_575, %dma_start3A_576] : memref<4x128x16xf32, #tpu.memory_space<vmem>> -> memref<1x128x16xf32, #tpu.memory_space<vmem>>
      %dma_start3A_578 = tpu.memref_squeeze %dma_start3A_577 : memref<1x128x16xf32, #tpu.memory_space<vmem>> -> memref<128x16xf32, #tpu.memory_space<vmem>>
      %dma_start3A_579 = arith.constant 0 : i32
      %dma_start3A_580 = tpu.memref_slice %arg2[%mul3A_573, %dma_start3A_579] : memref<327680x16xf32, #tpu.memory_space<hbm>> -> memref<128x16xf32, #tpu.memory_space<hbm>>
      %dma_start3A_581 = arith.constant 0 : i32
      %dma_start3A_582 = arith.constant 0 : i32
      %dma_start3A_583 = tpu.memref_slice %arg6[%dma_start3A_574, %dma_start3A_581, %dma_start3A_582] : memref<4x128x16xf32, #tpu.memory_space<vmem>> -> memref<1x128x16xf32, #tpu.memory_space<vmem>>
      %dma_start3A_584 = tpu.memref_squeeze %dma_start3A_583 : memref<1x128x16xf32, #tpu.memory_space<vmem>> -> memref<128x16xf32, #tpu.memory_space<vmem>>
      %dma_start3A_585 = arith.constant 0 : i32
      %dma_start3A_586 = tpu.memref_slice %arg2[%mul3A_573, %dma_start3A_585] : memref<327680x16xf32, #tpu.memory_space<hbm>> -> memref<128x16xf32, #tpu.memory_space<hbm>>
      tpu.enqueue_dma source(%dma_start3A_586 : memref<128x16xf32, #tpu.memory_space<hbm>>) target(%dma_start3A_584 : memref<128x16xf32, #tpu.memory_space<vmem>>) target_semaphore(%arg11 : memref<!tpu.dma_semaphore, #tpu.memory_space<semaphore_mem>>)
      %mul3A_587 = arith.constant 4 : i32
      %mul3A_588 = arith.muli %scan3A_520, %mul3A_587 : i32
      %add3A_589 = arith.constant 1 : i32
      %add3A_590 = arith.addi %mul3A_588, %add3A_589 : i32
      %mul3A_591 = arith.constant 80 : i32
      %mul3A_592 = arith.muli %add3A, %mul3A_591 : i32
      %add3A_593 = arith.addi %mul3A_592, %add3A_590 : i32
      %mul3A_594 = arith.constant 128 : i32
      %mul3A_595 = arith.muli %add3A_593, %mul3A_594 : i32
      %dma_wait3A_596 = arith.constant 1 : i32
      %dma_wait3A_597 = arith.constant 0 : i32
      %dma_wait3A_598 = arith.constant 0 : i32
      %dma_wait3A_599 = tpu.memref_slice %arg6[%dma_wait3A_596, %dma_wait3A_597, %dma_wait3A_598] : memref<4x128x16xf32, #tpu.memory_space<vmem>> -> memref<1x128x16xf32, #tpu.memory_space<vmem>>
      %dma_wait3A_600 = tpu.memref_squeeze %dma_wait3A_599 : memref<1x128x16xf32, #tpu.memory_space<vmem>> -> memref<128x16xf32, #tpu.memory_space<vmem>>
      %dma_wait3A_601 = arith.constant 0 : i32
      %dma_wait3A_602 = tpu.memref_slice %arg2[%mul3A_595, %dma_wait3A_601] : memref<327680x16xf32, #tpu.memory_space<hbm>> -> memref<128x16xf32, #tpu.memory_space<hbm>>
      %dma_wait3A_603 = arith.constant 0 : i32
      %dma_wait3A_604 = arith.constant 0 : i32
      %dma_wait3A_605 = tpu.memref_slice %arg6[%dma_wait3A_596, %dma_wait3A_603, %dma_wait3A_604] : memref<4x128x16xf32, #tpu.memory_space<vmem>> -> memref<1x128x16xf32, #tpu.memory_space<vmem>>
      %dma_wait3A_606 = tpu.memref_squeeze %dma_wait3A_605 : memref<1x128x16xf32, #tpu.memory_space<vmem>> -> memref<128x16xf32, #tpu.memory_space<vmem>>
      %dma_wait3A_607 = arith.constant 0 : i32
      %dma_wait3A_608 = tpu.memref_slice %arg2[%mul3A_595, %dma_wait3A_607] : memref<327680x16xf32, #tpu.memory_space<hbm>> -> memref<128x16xf32, #tpu.memory_space<hbm>>
      tpu.wait_dma2 semaphore(%arg10 : memref<!tpu.dma_semaphore, #tpu.memory_space<semaphore_mem>>) src(%dma_wait3A_608 : memref<128x16xf32, #tpu.memory_space<hbm>>) dst(%dma_wait3A_606 : memref<128x16xf32, #tpu.memory_space<vmem>>)
      %sub3A_609 = arith.constant 2 : i32
      %sub3A_610 = arith.subi %add3A_590, %sub3A_609 : i32
      %dma_wait3A_611 = arith.constant 3 : i32
      %dma_wait3A_612 = arith.constant 0 : i32
      %dma_wait3A_613 = arith.constant 0 : i32
      %dma_wait3A_614 = tpu.memref_slice %arg6[%dma_wait3A_611, %dma_wait3A_612, %dma_wait3A_613] : memref<4x128x16xf32, #tpu.memory_space<vmem>> -> memref<1x128x16xf32, #tpu.memory_space<vmem>>
      %dma_wait3A_615 = tpu.memref_squeeze %dma_wait3A_614 : memref<1x128x16xf32, #tpu.memory_space<vmem>> -> memref<128x16xf32, #tpu.memory_space<vmem>>
      %dma_wait3A_616 = arith.constant 0 : i32
      %dma_wait3A_617 = tpu.memref_slice %arg5[%sub3A_610, %dma_wait3A_616] : memref<80x128xi32, #tpu.memory_space<vmem>> -> memref<1x128xi32, #tpu.memory_space<vmem>>
      %dma_wait3A_618 = tpu.memref_squeeze %dma_wait3A_617 : memref<1x128xi32, #tpu.memory_space<vmem>> -> memref<128xi32, #tpu.memory_space<vmem>>
      %dma_wait3A_619 = arith.constant 0 : i32
      %dma_wait3A_620 = arith.constant 0 : i32
      %dma_wait3A_621 = tpu.memref_slice %arg8[%dma_wait3A_619, %dma_wait3A_620] : memref<10240x16xf32, #tpu.memory_space<vmem_shared>> -> memref<10240x16xf32, #tpu.memory_space<vmem_shared>>
      tpu.wait_indirect_dma semaphore(%arg14 : memref<!tpu.dma_semaphore, #tpu.memory_space<semaphore_mem>>) src(%dma_wait3A_615 : memref<128x16xf32, #tpu.memory_space<vmem>>) dst(%dma_wait3A_621 : memref<10240x16xf32, #tpu.memory_space<vmem_shared>>)
      %dma_start3A_622 = arith.constant 1 : i32
      %dma_start3A_623 = arith.constant 0 : i32
      %dma_start3A_624 = arith.constant 0 : i32
      %dma_start3A_625 = tpu.memref_slice %arg6[%dma_start3A_622, %dma_start3A_623, %dma_start3A_624] : memref<4x128x16xf32, #tpu.memory_space<vmem>> -> memref<1x128x16xf32, #tpu.memory_space<vmem>>
      %dma_start3A_626 = tpu.memref_squeeze %dma_start3A_625 : memref<1x128x16xf32, #tpu.memory_space<vmem>> -> memref<128x16xf32, #tpu.memory_space<vmem>>
      %dma_start3A_627 = arith.constant 0 : i32
      %dma_start3A_628 = tpu.memref_slice %arg5[%add3A_590, %dma_start3A_627] : memref<80x128xi32, #tpu.memory_space<vmem>> -> memref<1x128xi32, #tpu.memory_space<vmem>>
      %dma_start3A_629 = tpu.memref_squeeze %dma_start3A_628 : memref<1x128xi32, #tpu.memory_space<vmem>> -> memref<128xi32, #tpu.memory_space<vmem>>
      %dma_start3A_630 = arith.constant 0 : i32
      %dma_start3A_631 = arith.constant 0 : i32
      %dma_start3A_632 = tpu.memref_slice %arg8[%dma_start3A_630, %dma_start3A_631] : memref<10240x16xf32, #tpu.memory_space<vmem_shared>> -> memref<10240x16xf32, #tpu.memory_space<vmem_shared>>
      tpu.enqueue_indirect_dma source(%dma_start3A_626 : memref<128x16xf32, #tpu.memory_space<vmem>>) target(%dma_start3A_632 : memref<10240x16xf32, #tpu.memory_space<vmem_shared>>) offsets(%dma_start3A_629 : memref<128xi32, #tpu.memory_space<vmem>>) semaphore(%arg14 : memref<!tpu.dma_semaphore, #tpu.memory_space<semaphore_mem>>) {add = true}
      %add3A_633 = arith.constant 2 : i32
      %add3A_634 = arith.addi %add3A_590, %add3A_633 : i32
      %mul3A_635 = arith.constant 80 : i32
      %mul3A_636 = arith.muli %add3A, %mul3A_635 : i32
      %add3A_637 = arith.addi %mul3A_636, %add3A_634 : i32
      %mul3A_638 = arith.constant 128 : i32
      %mul3A_639 = arith.muli %add3A_637, %mul3A_638 : i32
      %dma_start3A_640 = arith.constant 3 : i32
      %dma_start3A_641 = arith.constant 0 : i32
      %dma_start3A_642 = arith.constant 0 : i32
      %dma_start3A_643 = tpu.memref_slice %arg6[%dma_start3A_640, %dma_start3A_641, %dma_start3A_642] : memref<4x128x16xf32, #tpu.memory_space<vmem>> -> memref<1x128x16xf32, #tpu.memory_space<vmem>>
      %dma_start3A_644 = tpu.memref_squeeze %dma_start3A_643 : memref<1x128x16xf32, #tpu.memory_space<vmem>> -> memref<128x16xf32, #tpu.memory_space<vmem>>
      %dma_start3A_645 = arith.constant 0 : i32
      %dma_start3A_646 = tpu.memref_slice %arg2[%mul3A_639, %dma_start3A_645] : memref<327680x16xf32, #tpu.memory_space<hbm>> -> memref<128x16xf32, #tpu.memory_space<hbm>>
      %dma_start3A_647 = arith.constant 0 : i32
      %dma_start3A_648 = arith.constant 0 : i32
      %dma_start3A_649 = tpu.memref_slice %arg6[%dma_start3A_640, %dma_start3A_647, %dma_start3A_648] : memref<4x128x16xf32, #tpu.memory_space<vmem>> -> memref<1x128x16xf32, #tpu.memory_space<vmem>>
      %dma_start3A_650 = tpu.memref_squeeze %dma_start3A_649 : memref<1x128x16xf32, #tpu.memory_space<vmem>> -> memref<128x16xf32, #tpu.memory_space<vmem>>
      %dma_start3A_651 = arith.constant 0 : i32
      %dma_start3A_652 = tpu.memref_slice %arg2[%mul3A_639, %dma_start3A_651] : memref<327680x16xf32, #tpu.memory_space<hbm>> -> memref<128x16xf32, #tpu.memory_space<hbm>>
      tpu.enqueue_dma source(%dma_start3A_652 : memref<128x16xf32, #tpu.memory_space<hbm>>) target(%dma_start3A_650 : memref<128x16xf32, #tpu.memory_space<vmem>>) target_semaphore(%arg12 : memref<!tpu.dma_semaphore, #tpu.memory_space<semaphore_mem>>)
      %mul3A_653 = arith.constant 4 : i32
      %mul3A_654 = arith.muli %scan3A_520, %mul3A_653 : i32
      %add3A_655 = arith.constant 2 : i32
      %add3A_656 = arith.addi %mul3A_654, %add3A_655 : i32
      %mul3A_657 = arith.constant 80 : i32
      %mul3A_658 = arith.muli %add3A, %mul3A_657 : i32
      %add3A_659 = arith.addi %mul3A_658, %add3A_656 : i32
      %mul3A_660 = arith.constant 128 : i32
      %mul3A_661 = arith.muli %add3A_659, %mul3A_660 : i32
      %dma_wait3A_662 = arith.constant 2 : i32
      %dma_wait3A_663 = arith.constant 0 : i32
      %dma_wait3A_664 = arith.constant 0 : i32
      %dma_wait3A_665 = tpu.memref_slice %arg6[%dma_wait3A_662, %dma_wait3A_663, %dma_wait3A_664] : memref<4x128x16xf32, #tpu.memory_space<vmem>> -> memref<1x128x16xf32, #tpu.memory_space<vmem>>
      %dma_wait3A_666 = tpu.memref_squeeze %dma_wait3A_665 : memref<1x128x16xf32, #tpu.memory_space<vmem>> -> memref<128x16xf32, #tpu.memory_space<vmem>>
      %dma_wait3A_667 = arith.constant 0 : i32
      %dma_wait3A_668 = tpu.memref_slice %arg2[%mul3A_661, %dma_wait3A_667] : memref<327680x16xf32, #tpu.memory_space<hbm>> -> memref<128x16xf32, #tpu.memory_space<hbm>>
      %dma_wait3A_669 = arith.constant 0 : i32
      %dma_wait3A_670 = arith.constant 0 : i32
      %dma_wait3A_671 = tpu.memref_slice %arg6[%dma_wait3A_662, %dma_wait3A_669, %dma_wait3A_670] : memref<4x128x16xf32, #tpu.memory_space<vmem>> -> memref<1x128x16xf32, #tpu.memory_space<vmem>>
      %dma_wait3A_672 = tpu.memref_squeeze %dma_wait3A_671 : memref<1x128x16xf32, #tpu.memory_space<vmem>> -> memref<128x16xf32, #tpu.memory_space<vmem>>
      %dma_wait3A_673 = arith.constant 0 : i32
      %dma_wait3A_674 = tpu.memref_slice %arg2[%mul3A_661, %dma_wait3A_673] : memref<327680x16xf32, #tpu.memory_space<hbm>> -> memref<128x16xf32, #tpu.memory_space<hbm>>
      tpu.wait_dma2 semaphore(%arg11 : memref<!tpu.dma_semaphore, #tpu.memory_space<semaphore_mem>>) src(%dma_wait3A_674 : memref<128x16xf32, #tpu.memory_space<hbm>>) dst(%dma_wait3A_672 : memref<128x16xf32, #tpu.memory_space<vmem>>)
      %sub3A_675 = arith.constant 2 : i32
      %sub3A_676 = arith.subi %add3A_656, %sub3A_675 : i32
      %dma_wait3A_677 = arith.constant 0 : i32
      %dma_wait3A_678 = arith.constant 0 : i32
      %dma_wait3A_679 = arith.constant 0 : i32
      %dma_wait3A_680 = tpu.memref_slice %arg6[%dma_wait3A_677, %dma_wait3A_678, %dma_wait3A_679] : memref<4x128x16xf32, #tpu.memory_space<vmem>> -> memref<1x128x16xf32, #tpu.memory_space<vmem>>
      %dma_wait3A_681 = tpu.memref_squeeze %dma_wait3A_680 : memref<1x128x16xf32, #tpu.memory_space<vmem>> -> memref<128x16xf32, #tpu.memory_space<vmem>>
      %dma_wait3A_682 = arith.constant 0 : i32
      %dma_wait3A_683 = tpu.memref_slice %arg5[%sub3A_676, %dma_wait3A_682] : memref<80x128xi32, #tpu.memory_space<vmem>> -> memref<1x128xi32, #tpu.memory_space<vmem>>
      %dma_wait3A_684 = tpu.memref_squeeze %dma_wait3A_683 : memref<1x128xi32, #tpu.memory_space<vmem>> -> memref<128xi32, #tpu.memory_space<vmem>>
      %dma_wait3A_685 = arith.constant 0 : i32
      %dma_wait3A_686 = arith.constant 0 : i32
      %dma_wait3A_687 = tpu.memref_slice %arg8[%dma_wait3A_685, %dma_wait3A_686] : memref<10240x16xf32, #tpu.memory_space<vmem_shared>> -> memref<10240x16xf32, #tpu.memory_space<vmem_shared>>
      tpu.wait_indirect_dma semaphore(%arg13 : memref<!tpu.dma_semaphore, #tpu.memory_space<semaphore_mem>>) src(%dma_wait3A_681 : memref<128x16xf32, #tpu.memory_space<vmem>>) dst(%dma_wait3A_687 : memref<10240x16xf32, #tpu.memory_space<vmem_shared>>)
      %dma_start3A_688 = arith.constant 2 : i32
      %dma_start3A_689 = arith.constant 0 : i32
      %dma_start3A_690 = arith.constant 0 : i32
      %dma_start3A_691 = tpu.memref_slice %arg6[%dma_start3A_688, %dma_start3A_689, %dma_start3A_690] : memref<4x128x16xf32, #tpu.memory_space<vmem>> -> memref<1x128x16xf32, #tpu.memory_space<vmem>>
      %dma_start3A_692 = tpu.memref_squeeze %dma_start3A_691 : memref<1x128x16xf32, #tpu.memory_space<vmem>> -> memref<128x16xf32, #tpu.memory_space<vmem>>
      %dma_start3A_693 = arith.constant 0 : i32
      %dma_start3A_694 = tpu.memref_slice %arg5[%add3A_656, %dma_start3A_693] : memref<80x128xi32, #tpu.memory_space<vmem>> -> memref<1x128xi32, #tpu.memory_space<vmem>>
      %dma_start3A_695 = tpu.memref_squeeze %dma_start3A_694 : memref<1x128xi32, #tpu.memory_space<vmem>> -> memref<128xi32, #tpu.memory_space<vmem>>
      %dma_start3A_696 = arith.constant 0 : i32
      %dma_start3A_697 = arith.constant 0 : i32
      %dma_start3A_698 = tpu.memref_slice %arg8[%dma_start3A_696, %dma_start3A_697] : memref<10240x16xf32, #tpu.memory_space<vmem_shared>> -> memref<10240x16xf32, #tpu.memory_space<vmem_shared>>
      tpu.enqueue_indirect_dma source(%dma_start3A_692 : memref<128x16xf32, #tpu.memory_space<vmem>>) target(%dma_start3A_698 : memref<10240x16xf32, #tpu.memory_space<vmem_shared>>) offsets(%dma_start3A_695 : memref<128xi32, #tpu.memory_space<vmem>>) semaphore(%arg13 : memref<!tpu.dma_semaphore, #tpu.memory_space<semaphore_mem>>) {add = true}
      %add3A_699 = arith.constant 2 : i32
      %add3A_700 = arith.addi %add3A_656, %add3A_699 : i32
      %mul3A_701 = arith.constant 80 : i32
      %mul3A_702 = arith.muli %add3A, %mul3A_701 : i32
      %add3A_703 = arith.addi %mul3A_702, %add3A_700 : i32
      %mul3A_704 = arith.constant 128 : i32
      %mul3A_705 = arith.muli %add3A_703, %mul3A_704 : i32
      %dma_start3A_706 = arith.constant 0 : i32
      %dma_start3A_707 = arith.constant 0 : i32
      %dma_start3A_708 = arith.constant 0 : i32
      %dma_start3A_709 = tpu.memref_slice %arg6[%dma_start3A_706, %dma_start3A_707, %dma_start3A_708] : memref<4x128x16xf32, #tpu.memory_space<vmem>> -> memref<1x128x16xf32, #tpu.memory_space<vmem>>
      %dma_start3A_710 = tpu.memref_squeeze %dma_start3A_709 : memref<1x128x16xf32, #tpu.memory_space<vmem>> -> memref<128x16xf32, #tpu.memory_space<vmem>>
      %dma_start3A_711 = arith.constant 0 : i32
      %dma_start3A_712 = tpu.memref_slice %arg2[%mul3A_705, %dma_start3A_711] : memref<327680x16xf32, #tpu.memory_space<hbm>> -> memref<128x16xf32, #tpu.memory_space<hbm>>
      %dma_start3A_713 = arith.constant 0 : i32
      %dma_start3A_714 = arith.constant 0 : i32
      %dma_start3A_715 = tpu.memref_slice %arg6[%dma_start3A_706, %dma_start3A_713, %dma_start3A_714] : memref<4x128x16xf32, #tpu.memory_space<vmem>> -> memref<1x128x16xf32, #tpu.memory_space<vmem>>
      %dma_start3A_716 = tpu.memref_squeeze %dma_start3A_715 : memref<1x128x16xf32, #tpu.memory_space<vmem>> -> memref<128x16xf32, #tpu.memory_space<vmem>>
      %dma_start3A_717 = arith.constant 0 : i32
      %dma_start3A_718 = tpu.memref_slice %arg2[%mul3A_705, %dma_start3A_717] : memref<327680x16xf32, #tpu.memory_space<hbm>> -> memref<128x16xf32, #tpu.memory_space<hbm>>
      tpu.enqueue_dma source(%dma_start3A_718 : memref<128x16xf32, #tpu.memory_space<hbm>>) target(%dma_start3A_716 : memref<128x16xf32, #tpu.memory_space<vmem>>) target_semaphore(%arg9 : memref<!tpu.dma_semaphore, #tpu.memory_space<semaphore_mem>>)
      %mul3A_719 = arith.constant 4 : i32
      %mul3A_720 = arith.muli %scan3A_520, %mul3A_719 : i32
      %add3A_721 = arith.constant 3 : i32
      %add3A_722 = arith.addi %mul3A_720, %add3A_721 : i32
      %mul3A_723 = arith.constant 80 : i32
      %mul3A_724 = arith.muli %add3A, %mul3A_723 : i32
      %add3A_725 = arith.addi %mul3A_724, %add3A_722 : i32
      %mul3A_726 = arith.constant 128 : i32
      %mul3A_727 = arith.muli %add3A_725, %mul3A_726 : i32
      %dma_wait3A_728 = arith.constant 3 : i32
      %dma_wait3A_729 = arith.constant 0 : i32
      %dma_wait3A_730 = arith.constant 0 : i32
      %dma_wait3A_731 = tpu.memref_slice %arg6[%dma_wait3A_728, %dma_wait3A_729, %dma_wait3A_730] : memref<4x128x16xf32, #tpu.memory_space<vmem>> -> memref<1x128x16xf32, #tpu.memory_space<vmem>>
      %dma_wait3A_732 = tpu.memref_squeeze %dma_wait3A_731 : memref<1x128x16xf32, #tpu.memory_space<vmem>> -> memref<128x16xf32, #tpu.memory_space<vmem>>
      %dma_wait3A_733 = arith.constant 0 : i32
      %dma_wait3A_734 = tpu.memref_slice %arg2[%mul3A_727, %dma_wait3A_733] : memref<327680x16xf32, #tpu.memory_space<hbm>> -> memref<128x16xf32, #tpu.memory_space<hbm>>
      %dma_wait3A_735 = arith.constant 0 : i32
      %dma_wait3A_736 = arith.constant 0 : i32
      %dma_wait3A_737 = tpu.memref_slice %arg6[%dma_wait3A_728, %dma_wait3A_735, %dma_wait3A_736] : memref<4x128x16xf32, #tpu.memory_space<vmem>> -> memref<1x128x16xf32, #tpu.memory_space<vmem>>
      %dma_wait3A_738 = tpu.memref_squeeze %dma_wait3A_737 : memref<1x128x16xf32, #tpu.memory_space<vmem>> -> memref<128x16xf32, #tpu.memory_space<vmem>>
      %dma_wait3A_739 = arith.constant 0 : i32
      %dma_wait3A_740 = tpu.memref_slice %arg2[%mul3A_727, %dma_wait3A_739] : memref<327680x16xf32, #tpu.memory_space<hbm>> -> memref<128x16xf32, #tpu.memory_space<hbm>>
      tpu.wait_dma2 semaphore(%arg12 : memref<!tpu.dma_semaphore, #tpu.memory_space<semaphore_mem>>) src(%dma_wait3A_740 : memref<128x16xf32, #tpu.memory_space<hbm>>) dst(%dma_wait3A_738 : memref<128x16xf32, #tpu.memory_space<vmem>>)
      %sub3A_741 = arith.constant 2 : i32
      %sub3A_742 = arith.subi %add3A_722, %sub3A_741 : i32
      %dma_wait3A_743 = arith.constant 1 : i32
      %dma_wait3A_744 = arith.constant 0 : i32
      %dma_wait3A_745 = arith.constant 0 : i32
      %dma_wait3A_746 = tpu.memref_slice %arg6[%dma_wait3A_743, %dma_wait3A_744, %dma_wait3A_745] : memref<4x128x16xf32, #tpu.memory_space<vmem>> -> memref<1x128x16xf32, #tpu.memory_space<vmem>>
      %dma_wait3A_747 = tpu.memref_squeeze %dma_wait3A_746 : memref<1x128x16xf32, #tpu.memory_space<vmem>> -> memref<128x16xf32, #tpu.memory_space<vmem>>
      %dma_wait3A_748 = arith.constant 0 : i32
      %dma_wait3A_749 = tpu.memref_slice %arg5[%sub3A_742, %dma_wait3A_748] : memref<80x128xi32, #tpu.memory_space<vmem>> -> memref<1x128xi32, #tpu.memory_space<vmem>>
      %dma_wait3A_750 = tpu.memref_squeeze %dma_wait3A_749 : memref<1x128xi32, #tpu.memory_space<vmem>> -> memref<128xi32, #tpu.memory_space<vmem>>
      %dma_wait3A_751 = arith.constant 0 : i32
      %dma_wait3A_752 = arith.constant 0 : i32
      %dma_wait3A_753 = tpu.memref_slice %arg8[%dma_wait3A_751, %dma_wait3A_752] : memref<10240x16xf32, #tpu.memory_space<vmem_shared>> -> memref<10240x16xf32, #tpu.memory_space<vmem_shared>>
      tpu.wait_indirect_dma semaphore(%arg14 : memref<!tpu.dma_semaphore, #tpu.memory_space<semaphore_mem>>) src(%dma_wait3A_747 : memref<128x16xf32, #tpu.memory_space<vmem>>) dst(%dma_wait3A_753 : memref<10240x16xf32, #tpu.memory_space<vmem_shared>>)
      %dma_start3A_754 = arith.constant 3 : i32
      %dma_start3A_755 = arith.constant 0 : i32
      %dma_start3A_756 = arith.constant 0 : i32
      %dma_start3A_757 = tpu.memref_slice %arg6[%dma_start3A_754, %dma_start3A_755, %dma_start3A_756] : memref<4x128x16xf32, #tpu.memory_space<vmem>> -> memref<1x128x16xf32, #tpu.memory_space<vmem>>
      %dma_start3A_758 = tpu.memref_squeeze %dma_start3A_757 : memref<1x128x16xf32, #tpu.memory_space<vmem>> -> memref<128x16xf32, #tpu.memory_space<vmem>>
      %dma_start3A_759 = arith.constant 0 : i32
      %dma_start3A_760 = tpu.memref_slice %arg5[%add3A_722, %dma_start3A_759] : memref<80x128xi32, #tpu.memory_space<vmem>> -> memref<1x128xi32, #tpu.memory_space<vmem>>
      %dma_start3A_761 = tpu.memref_squeeze %dma_start3A_760 : memref<1x128xi32, #tpu.memory_space<vmem>> -> memref<128xi32, #tpu.memory_space<vmem>>
      %dma_start3A_762 = arith.constant 0 : i32
      %dma_start3A_763 = arith.constant 0 : i32
      %dma_start3A_764 = tpu.memref_slice %arg8[%dma_start3A_762, %dma_start3A_763] : memref<10240x16xf32, #tpu.memory_space<vmem_shared>> -> memref<10240x16xf32, #tpu.memory_space<vmem_shared>>
      tpu.enqueue_indirect_dma source(%dma_start3A_758 : memref<128x16xf32, #tpu.memory_space<vmem>>) target(%dma_start3A_764 : memref<10240x16xf32, #tpu.memory_space<vmem_shared>>) offsets(%dma_start3A_761 : memref<128xi32, #tpu.memory_space<vmem>>) semaphore(%arg14 : memref<!tpu.dma_semaphore, #tpu.memory_space<semaphore_mem>>) {add = true}
      %add3A_765 = arith.constant 2 : i32
      %add3A_766 = arith.addi %add3A_722, %add3A_765 : i32
      %mul3A_767 = arith.constant 80 : i32
      %mul3A_768 = arith.muli %add3A, %mul3A_767 : i32
      %add3A_769 = arith.addi %mul3A_768, %add3A_766 : i32
      %mul3A_770 = arith.constant 128 : i32
      %mul3A_771 = arith.muli %add3A_769, %mul3A_770 : i32
      %dma_start3A_772 = arith.constant 1 : i32
      %dma_start3A_773 = arith.constant 0 : i32
      %dma_start3A_774 = arith.constant 0 : i32
      %dma_start3A_775 = tpu.memref_slice %arg6[%dma_start3A_772, %dma_start3A_773, %dma_start3A_774] : memref<4x128x16xf32, #tpu.memory_space<vmem>> -> memref<1x128x16xf32, #tpu.memory_space<vmem>>
      %dma_start3A_776 = tpu.memref_squeeze %dma_start3A_775 : memref<1x128x16xf32, #tpu.memory_space<vmem>> -> memref<128x16xf32, #tpu.memory_space<vmem>>
      %dma_start3A_777 = arith.constant 0 : i32
      %dma_start3A_778 = tpu.memref_slice %arg2[%mul3A_771, %dma_start3A_777] : memref<327680x16xf32, #tpu.memory_space<hbm>> -> memref<128x16xf32, #tpu.memory_space<hbm>>
      %dma_start3A_779 = arith.constant 0 : i32
      %dma_start3A_780 = arith.constant 0 : i32
      %dma_start3A_781 = tpu.memref_slice %arg6[%dma_start3A_772, %dma_start3A_779, %dma_start3A_780] : memref<4x128x16xf32, #tpu.memory_space<vmem>> -> memref<1x128x16xf32, #tpu.memory_space<vmem>>
      %dma_start3A_782 = tpu.memref_squeeze %dma_start3A_781 : memref<1x128x16xf32, #tpu.memory_space<vmem>> -> memref<128x16xf32, #tpu.memory_space<vmem>>
      %dma_start3A_783 = arith.constant 0 : i32
      %dma_start3A_784 = tpu.memref_slice %arg2[%mul3A_771, %dma_start3A_783] : memref<327680x16xf32, #tpu.memory_space<hbm>> -> memref<128x16xf32, #tpu.memory_space<hbm>>
      tpu.enqueue_dma source(%dma_start3A_784 : memref<128x16xf32, #tpu.memory_space<hbm>>) target(%dma_start3A_782 : memref<128x16xf32, #tpu.memory_space<vmem>>) target_semaphore(%arg10 : memref<!tpu.dma_semaphore, #tpu.memory_space<semaphore_mem>>)
      %scan3A_785 = arith.constant 0 : i32
      scf.yield %scan3A_785 : i32
    }
    %scan3A_280 = arith.constant 18 : i32
    %mul3A_281 = arith.constant 80 : i32
    %mul3A_282 = arith.muli %add3A, %mul3A_281 : i32
    %add3A_283 = arith.constant 76 : i32
    %add3A_284 = arith.addi %mul3A_282, %add3A_283 : i32
    %mul3A_285 = arith.constant 128 : i32
    %mul3A_286 = arith.muli %add3A_284, %mul3A_285 : i32
    %dma_wait3A_287 = arith.constant 0 : i32
    %dma_wait3A_288 = arith.constant 0 : i32
    %dma_wait3A_289 = arith.constant 0 : i32
    %dma_wait3A_290 = tpu.memref_slice %arg6[%dma_wait3A_287, %dma_wait3A_288, %dma_wait3A_289] : memref<4x128x16xf32, #tpu.memory_space<vmem>> -> memref<1x128x16xf32, #tpu.memory_space<vmem>>
    %dma_wait3A_291 = tpu.memref_squeeze %dma_wait3A_290 : memref<1x128x16xf32, #tpu.memory_space<vmem>> -> memref<128x16xf32, #tpu.memory_space<vmem>>
    %dma_wait3A_292 = arith.constant 0 : i32
    %dma_wait3A_293 = tpu.memref_slice %arg2[%mul3A_286, %dma_wait3A_292] : memref<327680x16xf32, #tpu.memory_space<hbm>> -> memref<128x16xf32, #tpu.memory_space<hbm>>
    %dma_wait3A_294 = arith.constant 0 : i32
    %dma_wait3A_295 = arith.constant 0 : i32
    %dma_wait3A_296 = tpu.memref_slice %arg6[%dma_wait3A_287, %dma_wait3A_294, %dma_wait3A_295] : memref<4x128x16xf32, #tpu.memory_space<vmem>> -> memref<1x128x16xf32, #tpu.memory_space<vmem>>
    %dma_wait3A_297 = tpu.memref_squeeze %dma_wait3A_296 : memref<1x128x16xf32, #tpu.memory_space<vmem>> -> memref<128x16xf32, #tpu.memory_space<vmem>>
    %dma_wait3A_298 = arith.constant 0 : i32
    %dma_wait3A_299 = tpu.memref_slice %arg2[%mul3A_286, %dma_wait3A_298] : memref<327680x16xf32, #tpu.memory_space<hbm>> -> memref<128x16xf32, #tpu.memory_space<hbm>>
    tpu.wait_dma2 semaphore(%arg9 : memref<!tpu.dma_semaphore, #tpu.memory_space<semaphore_mem>>) src(%dma_wait3A_299 : memref<128x16xf32, #tpu.memory_space<hbm>>) dst(%dma_wait3A_297 : memref<128x16xf32, #tpu.memory_space<vmem>>)
    %dma_wait3A_300 = arith.constant 2 : i32
    %dma_wait3A_301 = arith.constant 74 : i32
    %dma_wait3A_302 = arith.constant 0 : i32
    %dma_wait3A_303 = arith.constant 0 : i32
    %dma_wait3A_304 = tpu.memref_slice %arg6[%dma_wait3A_300, %dma_wait3A_302, %dma_wait3A_303] : memref<4x128x16xf32, #tpu.memory_space<vmem>> -> memref<1x128x16xf32, #tpu.memory_space<vmem>>
    %dma_wait3A_305 = tpu.memref_squeeze %dma_wait3A_304 : memref<1x128x16xf32, #tpu.memory_space<vmem>> -> memref<128x16xf32, #tpu.memory_space<vmem>>
    %dma_wait3A_306 = arith.constant 0 : i32
    %dma_wait3A_307 = tpu.memref_slice %arg5[%dma_wait3A_301, %dma_wait3A_306] : memref<80x128xi32, #tpu.memory_space<vmem>> -> memref<1x128xi32, #tpu.memory_space<vmem>>
    %dma_wait3A_308 = tpu.memref_squeeze %dma_wait3A_307 : memref<1x128xi32, #tpu.memory_space<vmem>> -> memref<128xi32, #tpu.memory_space<vmem>>
    %dma_wait3A_309 = arith.constant 0 : i32
    %dma_wait3A_310 = arith.constant 0 : i32
    %dma_wait3A_311 = tpu.memref_slice %arg8[%dma_wait3A_309, %dma_wait3A_310] : memref<10240x16xf32, #tpu.memory_space<vmem_shared>> -> memref<10240x16xf32, #tpu.memory_space<vmem_shared>>
    tpu.wait_indirect_dma semaphore(%arg13 : memref<!tpu.dma_semaphore, #tpu.memory_space<semaphore_mem>>) src(%dma_wait3A_305 : memref<128x16xf32, #tpu.memory_space<vmem>>) dst(%dma_wait3A_311 : memref<10240x16xf32, #tpu.memory_space<vmem_shared>>)
    %dma_start3A_312 = arith.constant 0 : i32
    %dma_start3A_313 = arith.constant 76 : i32
    %dma_start3A_314 = arith.constant 0 : i32
    %dma_start3A_315 = arith.constant 0 : i32
    %dma_start3A_316 = tpu.memref_slice %arg6[%dma_start3A_312, %dma_start3A_314, %dma_start3A_315] : memref<4x128x16xf32, #tpu.memory_space<vmem>> -> memref<1x128x16xf32, #tpu.memory_space<vmem>>
    %dma_start3A_317 = tpu.memref_squeeze %dma_start3A_316 : memref<1x128x16xf32, #tpu.memory_space<vmem>> -> memref<128x16xf32, #tpu.memory_space<vmem>>
    %dma_start3A_318 = arith.constant 0 : i32
    %dma_start3A_319 = tpu.memref_slice %arg5[%dma_start3A_313, %dma_start3A_318] : memref<80x128xi32, #tpu.memory_space<vmem>> -> memref<1x128xi32, #tpu.memory_space<vmem>>
    %dma_start3A_320 = tpu.memref_squeeze %dma_start3A_319 : memref<1x128xi32, #tpu.memory_space<vmem>> -> memref<128xi32, #tpu.memory_space<vmem>>
    %dma_start3A_321 = arith.constant 0 : i32
    %dma_start3A_322 = arith.constant 0 : i32
    %dma_start3A_323 = tpu.memref_slice %arg8[%dma_start3A_321, %dma_start3A_322] : memref<10240x16xf32, #tpu.memory_space<vmem_shared>> -> memref<10240x16xf32, #tpu.memory_space<vmem_shared>>
    tpu.enqueue_indirect_dma source(%dma_start3A_317 : memref<128x16xf32, #tpu.memory_space<vmem>>) target(%dma_start3A_323 : memref<10240x16xf32, #tpu.memory_space<vmem_shared>>) offsets(%dma_start3A_320 : memref<128xi32, #tpu.memory_space<vmem>>) semaphore(%arg13 : memref<!tpu.dma_semaphore, #tpu.memory_space<semaphore_mem>>) {add = true}
    %mul3A_324 = arith.constant 80 : i32
    %mul3A_325 = arith.muli %add3A, %mul3A_324 : i32
    %add3A_326 = arith.constant 78 : i32
    %add3A_327 = arith.addi %mul3A_325, %add3A_326 : i32
    %mul3A_328 = arith.constant 128 : i32
    %mul3A_329 = arith.muli %add3A_327, %mul3A_328 : i32
    %dma_start3A_330 = arith.constant 2 : i32
    %dma_start3A_331 = arith.constant 0 : i32
    %dma_start3A_332 = arith.constant 0 : i32
    %dma_start3A_333 = tpu.memref_slice %arg6[%dma_start3A_330, %dma_start3A_331, %dma_start3A_332] : memref<4x128x16xf32, #tpu.memory_space<vmem>> -> memref<1x128x16xf32, #tpu.memory_space<vmem>>
    %dma_start3A_334 = tpu.memref_squeeze %dma_start3A_333 : memref<1x128x16xf32, #tpu.memory_space<vmem>> -> memref<128x16xf32, #tpu.memory_space<vmem>>
    %dma_start3A_335 = arith.constant 0 : i32
    %dma_start3A_336 = tpu.memref_slice %arg2[%mul3A_329, %dma_start3A_335] : memref<327680x16xf32, #tpu.memory_space<hbm>> -> memref<128x16xf32, #tpu.memory_space<hbm>>
    %dma_start3A_337 = arith.constant 0 : i32
    %dma_start3A_338 = arith.constant 0 : i32
    %dma_start3A_339 = tpu.memref_slice %arg6[%dma_start3A_330, %dma_start3A_337, %dma_start3A_338] : memref<4x128x16xf32, #tpu.memory_space<vmem>> -> memref<1x128x16xf32, #tpu.memory_space<vmem>>
    %dma_start3A_340 = tpu.memref_squeeze %dma_start3A_339 : memref<1x128x16xf32, #tpu.memory_space<vmem>> -> memref<128x16xf32, #tpu.memory_space<vmem>>
    %dma_start3A_341 = arith.constant 0 : i32
    %dma_start3A_342 = tpu.memref_slice %arg2[%mul3A_329, %dma_start3A_341] : memref<327680x16xf32, #tpu.memory_space<hbm>> -> memref<128x16xf32, #tpu.memory_space<hbm>>
    tpu.enqueue_dma source(%dma_start3A_342 : memref<128x16xf32, #tpu.memory_space<hbm>>) target(%dma_start3A_340 : memref<128x16xf32, #tpu.memory_space<vmem>>) target_semaphore(%arg11 : memref<!tpu.dma_semaphore, #tpu.memory_space<semaphore_mem>>)
    %mul3A_343 = arith.constant 80 : i32
    %mul3A_344 = arith.muli %add3A, %mul3A_343 : i32
    %add3A_345 = arith.constant 77 : i32
    %add3A_346 = arith.addi %mul3A_344, %add3A_345 : i32
    %mul3A_347 = arith.constant 128 : i32
    %mul3A_348 = arith.muli %add3A_346, %mul3A_347 : i32
    %dma_wait3A_349 = arith.constant 1 : i32
    %dma_wait3A_350 = arith.constant 0 : i32
    %dma_wait3A_351 = arith.constant 0 : i32
    %dma_wait3A_352 = tpu.memref_slice %arg6[%dma_wait3A_349, %dma_wait3A_350, %dma_wait3A_351] : memref<4x128x16xf32, #tpu.memory_space<vmem>> -> memref<1x128x16xf32, #tpu.memory_space<vmem>>
    %dma_wait3A_353 = tpu.memref_squeeze %dma_wait3A_352 : memref<1x128x16xf32, #tpu.memory_space<vmem>> -> memref<128x16xf32, #tpu.memory_space<vmem>>
    %dma_wait3A_354 = arith.constant 0 : i32
    %dma_wait3A_355 = tpu.memref_slice %arg2[%mul3A_348, %dma_wait3A_354] : memref<327680x16xf32, #tpu.memory_space<hbm>> -> memref<128x16xf32, #tpu.memory_space<hbm>>
    %dma_wait3A_356 = arith.constant 0 : i32
    %dma_wait3A_357 = arith.constant 0 : i32
    %dma_wait3A_358 = tpu.memref_slice %arg6[%dma_wait3A_349, %dma_wait3A_356, %dma_wait3A_357] : memref<4x128x16xf32, #tpu.memory_space<vmem>> -> memref<1x128x16xf32, #tpu.memory_space<vmem>>
    %dma_wait3A_359 = tpu.memref_squeeze %dma_wait3A_358 : memref<1x128x16xf32, #tpu.memory_space<vmem>> -> memref<128x16xf32, #tpu.memory_space<vmem>>
    %dma_wait3A_360 = arith.constant 0 : i32
    %dma_wait3A_361 = tpu.memref_slice %arg2[%mul3A_348, %dma_wait3A_360] : memref<327680x16xf32, #tpu.memory_space<hbm>> -> memref<128x16xf32, #tpu.memory_space<hbm>>
    tpu.wait_dma2 semaphore(%arg10 : memref<!tpu.dma_semaphore, #tpu.memory_space<semaphore_mem>>) src(%dma_wait3A_361 : memref<128x16xf32, #tpu.memory_space<hbm>>) dst(%dma_wait3A_359 : memref<128x16xf32, #tpu.memory_space<vmem>>)
    %dma_wait3A_362 = arith.constant 3 : i32
    %dma_wait3A_363 = arith.constant 75 : i32
    %dma_wait3A_364 = arith.constant 0 : i32
    %dma_wait3A_365 = arith.constant 0 : i32
    %dma_wait3A_366 = tpu.memref_slice %arg6[%dma_wait3A_362, %dma_wait3A_364, %dma_wait3A_365] : memref<4x128x16xf32, #tpu.memory_space<vmem>> -> memref<1x128x16xf32, #tpu.memory_space<vmem>>
    %dma_wait3A_367 = tpu.memref_squeeze %dma_wait3A_366 : memref<1x128x16xf32, #tpu.memory_space<vmem>> -> memref<128x16xf32, #tpu.memory_space<vmem>>
    %dma_wait3A_368 = arith.constant 0 : i32
    %dma_wait3A_369 = tpu.memref_slice %arg5[%dma_wait3A_363, %dma_wait3A_368] : memref<80x128xi32, #tpu.memory_space<vmem>> -> memref<1x128xi32, #tpu.memory_space<vmem>>
    %dma_wait3A_370 = tpu.memref_squeeze %dma_wait3A_369 : memref<1x128xi32, #tpu.memory_space<vmem>> -> memref<128xi32, #tpu.memory_space<vmem>>
    %dma_wait3A_371 = arith.constant 0 : i32
    %dma_wait3A_372 = arith.constant 0 : i32
    %dma_wait3A_373 = tpu.memref_slice %arg8[%dma_wait3A_371, %dma_wait3A_372] : memref<10240x16xf32, #tpu.memory_space<vmem_shared>> -> memref<10240x16xf32, #tpu.memory_space<vmem_shared>>
    tpu.wait_indirect_dma semaphore(%arg14 : memref<!tpu.dma_semaphore, #tpu.memory_space<semaphore_mem>>) src(%dma_wait3A_367 : memref<128x16xf32, #tpu.memory_space<vmem>>) dst(%dma_wait3A_373 : memref<10240x16xf32, #tpu.memory_space<vmem_shared>>)
    %dma_start3A_374 = arith.constant 1 : i32
    %dma_start3A_375 = arith.constant 77 : i32
    %dma_start3A_376 = arith.constant 0 : i32
    %dma_start3A_377 = arith.constant 0 : i32
    %dma_start3A_378 = tpu.memref_slice %arg6[%dma_start3A_374, %dma_start3A_376, %dma_start3A_377] : memref<4x128x16xf32, #tpu.memory_space<vmem>> -> memref<1x128x16xf32, #tpu.memory_space<vmem>>
    %dma_start3A_379 = tpu.memref_squeeze %dma_start3A_378 : memref<1x128x16xf32, #tpu.memory_space<vmem>> -> memref<128x16xf32, #tpu.memory_space<vmem>>
    %dma_start3A_380 = arith.constant 0 : i32
    %dma_start3A_381 = tpu.memref_slice %arg5[%dma_start3A_375, %dma_start3A_380] : memref<80x128xi32, #tpu.memory_space<vmem>> -> memref<1x128xi32, #tpu.memory_space<vmem>>
    %dma_start3A_382 = tpu.memref_squeeze %dma_start3A_381 : memref<1x128xi32, #tpu.memory_space<vmem>> -> memref<128xi32, #tpu.memory_space<vmem>>
    %dma_start3A_383 = arith.constant 0 : i32
    %dma_start3A_384 = arith.constant 0 : i32
    %dma_start3A_385 = tpu.memref_slice %arg8[%dma_start3A_383, %dma_start3A_384] : memref<10240x16xf32, #tpu.memory_space<vmem_shared>> -> memref<10240x16xf32, #tpu.memory_space<vmem_shared>>
    tpu.enqueue_indirect_dma source(%dma_start3A_379 : memref<128x16xf32, #tpu.memory_space<vmem>>) target(%dma_start3A_385 : memref<10240x16xf32, #tpu.memory_space<vmem_shared>>) offsets(%dma_start3A_382 : memref<128xi32, #tpu.memory_space<vmem>>) semaphore(%arg14 : memref<!tpu.dma_semaphore, #tpu.memory_space<semaphore_mem>>) {add = true}
    %mul3A_386 = arith.constant 80 : i32
    %mul3A_387 = arith.muli %add3A, %mul3A_386 : i32
    %add3A_388 = arith.constant 79 : i32
    %add3A_389 = arith.addi %mul3A_387, %add3A_388 : i32
    %mul3A_390 = arith.constant 128 : i32
    %mul3A_391 = arith.muli %add3A_389, %mul3A_390 : i32
    %dma_start3A_392 = arith.constant 3 : i32
    %dma_start3A_393 = arith.constant 0 : i32
    %dma_start3A_394 = arith.constant 0 : i32
    %dma_start3A_395 = tpu.memref_slice %arg6[%dma_start3A_392, %dma_start3A_393, %dma_start3A_394] : memref<4x128x16xf32, #tpu.memory_space<vmem>> -> memref<1x128x16xf32, #tpu.memory_space<vmem>>
    %dma_start3A_396 = tpu.memref_squeeze %dma_start3A_395 : memref<1x128x16xf32, #tpu.memory_space<vmem>> -> memref<128x16xf32, #tpu.memory_space<vmem>>
    %dma_start3A_397 = arith.constant 0 : i32
    %dma_start3A_398 = tpu.memref_slice %arg2[%mul3A_391, %dma_start3A_397] : memref<327680x16xf32, #tpu.memory_space<hbm>> -> memref<128x16xf32, #tpu.memory_space<hbm>>
    %dma_start3A_399 = arith.constant 0 : i32
    %dma_start3A_400 = arith.constant 0 : i32
    %dma_start3A_401 = tpu.memref_slice %arg6[%dma_start3A_392, %dma_start3A_399, %dma_start3A_400] : memref<4x128x16xf32, #tpu.memory_space<vmem>> -> memref<1x128x16xf32, #tpu.memory_space<vmem>>
    %dma_start3A_402 = tpu.memref_squeeze %dma_start3A_401 : memref<1x128x16xf32, #tpu.memory_space<vmem>> -> memref<128x16xf32, #tpu.memory_space<vmem>>
    %dma_start3A_403 = arith.constant 0 : i32
    %dma_start3A_404 = tpu.memref_slice %arg2[%mul3A_391, %dma_start3A_403] : memref<327680x16xf32, #tpu.memory_space<hbm>> -> memref<128x16xf32, #tpu.memory_space<hbm>>
    tpu.enqueue_dma source(%dma_start3A_404 : memref<128x16xf32, #tpu.memory_space<hbm>>) target(%dma_start3A_402 : memref<128x16xf32, #tpu.memory_space<vmem>>) target_semaphore(%arg12 : memref<!tpu.dma_semaphore, #tpu.memory_space<semaphore_mem>>)
    %mul3A_405 = arith.constant 80 : i32
    %mul3A_406 = arith.muli %add3A, %mul3A_405 : i32
    %add3A_407 = arith.constant 78 : i32
    %add3A_408 = arith.addi %mul3A_406, %add3A_407 : i32
    %mul3A_409 = arith.constant 128 : i32
    %mul3A_410 = arith.muli %add3A_408, %mul3A_409 : i32
    %dma_wait3A_411 = arith.constant 2 : i32
    %dma_wait3A_412 = arith.constant 0 : i32
    %dma_wait3A_413 = arith.constant 0 : i32
    %dma_wait3A_414 = tpu.memref_slice %arg6[%dma_wait3A_411, %dma_wait3A_412, %dma_wait3A_413] : memref<4x128x16xf32, #tpu.memory_space<vmem>> -> memref<1x128x16xf32, #tpu.memory_space<vmem>>
    %dma_wait3A_415 = tpu.memref_squeeze %dma_wait3A_414 : memref<1x128x16xf32, #tpu.memory_space<vmem>> -> memref<128x16xf32, #tpu.memory_space<vmem>>
    %dma_wait3A_416 = arith.constant 0 : i32
    %dma_wait3A_417 = tpu.memref_slice %arg2[%mul3A_410, %dma_wait3A_416] : memref<327680x16xf32, #tpu.memory_space<hbm>> -> memref<128x16xf32, #tpu.memory_space<hbm>>
    %dma_wait3A_418 = arith.constant 0 : i32
    %dma_wait3A_419 = arith.constant 0 : i32
    %dma_wait3A_420 = tpu.memref_slice %arg6[%dma_wait3A_411, %dma_wait3A_418, %dma_wait3A_419] : memref<4x128x16xf32, #tpu.memory_space<vmem>> -> memref<1x128x16xf32, #tpu.memory_space<vmem>>
    %dma_wait3A_421 = tpu.memref_squeeze %dma_wait3A_420 : memref<1x128x16xf32, #tpu.memory_space<vmem>> -> memref<128x16xf32, #tpu.memory_space<vmem>>
    %dma_wait3A_422 = arith.constant 0 : i32
    %dma_wait3A_423 = tpu.memref_slice %arg2[%mul3A_410, %dma_wait3A_422] : memref<327680x16xf32, #tpu.memory_space<hbm>> -> memref<128x16xf32, #tpu.memory_space<hbm>>
    tpu.wait_dma2 semaphore(%arg11 : memref<!tpu.dma_semaphore, #tpu.memory_space<semaphore_mem>>) src(%dma_wait3A_423 : memref<128x16xf32, #tpu.memory_space<hbm>>) dst(%dma_wait3A_421 : memref<128x16xf32, #tpu.memory_space<vmem>>)
    %dma_wait3A_424 = arith.constant 0 : i32
    %dma_wait3A_425 = arith.constant 76 : i32
    %dma_wait3A_426 = arith.constant 0 : i32
    %dma_wait3A_427 = arith.constant 0 : i32
    %dma_wait3A_428 = tpu.memref_slice %arg6[%dma_wait3A_424, %dma_wait3A_426, %dma_wait3A_427] : memref<4x128x16xf32, #tpu.memory_space<vmem>> -> memref<1x128x16xf32, #tpu.memory_space<vmem>>
    %dma_wait3A_429 = tpu.memref_squeeze %dma_wait3A_428 : memref<1x128x16xf32, #tpu.memory_space<vmem>> -> memref<128x16xf32, #tpu.memory_space<vmem>>
    %dma_wait3A_430 = arith.constant 0 : i32
    %dma_wait3A_431 = tpu.memref_slice %arg5[%dma_wait3A_425, %dma_wait3A_430] : memref<80x128xi32, #tpu.memory_space<vmem>> -> memref<1x128xi32, #tpu.memory_space<vmem>>
    %dma_wait3A_432 = tpu.memref_squeeze %dma_wait3A_431 : memref<1x128xi32, #tpu.memory_space<vmem>> -> memref<128xi32, #tpu.memory_space<vmem>>
    %dma_wait3A_433 = arith.constant 0 : i32
    %dma_wait3A_434 = arith.constant 0 : i32
    %dma_wait3A_435 = tpu.memref_slice %arg8[%dma_wait3A_433, %dma_wait3A_434] : memref<10240x16xf32, #tpu.memory_space<vmem_shared>> -> memref<10240x16xf32, #tpu.memory_space<vmem_shared>>
    tpu.wait_indirect_dma semaphore(%arg13 : memref<!tpu.dma_semaphore, #tpu.memory_space<semaphore_mem>>) src(%dma_wait3A_429 : memref<128x16xf32, #tpu.memory_space<vmem>>) dst(%dma_wait3A_435 : memref<10240x16xf32, #tpu.memory_space<vmem_shared>>)
    %dma_start3A_436 = arith.constant 2 : i32
    %dma_start3A_437 = arith.constant 78 : i32
    %dma_start3A_438 = arith.constant 0 : i32
    %dma_start3A_439 = arith.constant 0 : i32
    %dma_start3A_440 = tpu.memref_slice %arg6[%dma_start3A_436, %dma_start3A_438, %dma_start3A_439] : memref<4x128x16xf32, #tpu.memory_space<vmem>> -> memref<1x128x16xf32, #tpu.memory_space<vmem>>
    %dma_start3A_441 = tpu.memref_squeeze %dma_start3A_440 : memref<1x128x16xf32, #tpu.memory_space<vmem>> -> memref<128x16xf32, #tpu.memory_space<vmem>>
    %dma_start3A_442 = arith.constant 0 : i32
    %dma_start3A_443 = tpu.memref_slice %arg5[%dma_start3A_437, %dma_start3A_442] : memref<80x128xi32, #tpu.memory_space<vmem>> -> memref<1x128xi32, #tpu.memory_space<vmem>>
    %dma_start3A_444 = tpu.memref_squeeze %dma_start3A_443 : memref<1x128xi32, #tpu.memory_space<vmem>> -> memref<128xi32, #tpu.memory_space<vmem>>
    %dma_start3A_445 = arith.constant 0 : i32
    %dma_start3A_446 = arith.constant 0 : i32
    %dma_start3A_447 = tpu.memref_slice %arg8[%dma_start3A_445, %dma_start3A_446] : memref<10240x16xf32, #tpu.memory_space<vmem_shared>> -> memref<10240x16xf32, #tpu.memory_space<vmem_shared>>
    tpu.enqueue_indirect_dma source(%dma_start3A_441 : memref<128x16xf32, #tpu.memory_space<vmem>>) target(%dma_start3A_447 : memref<10240x16xf32, #tpu.memory_space<vmem_shared>>) offsets(%dma_start3A_444 : memref<128xi32, #tpu.memory_space<vmem>>) semaphore(%arg13 : memref<!tpu.dma_semaphore, #tpu.memory_space<semaphore_mem>>) {add = true}
    %mul3A_448 = arith.constant 80 : i32
    %mul3A_449 = arith.muli %add3A, %mul3A_448 : i32
    %add3A_450 = arith.constant 79 : i32
    %add3A_451 = arith.addi %mul3A_449, %add3A_450 : i32
    %mul3A_452 = arith.constant 128 : i32
    %mul3A_453 = arith.muli %add3A_451, %mul3A_452 : i32
    %dma_wait3A_454 = arith.constant 3 : i32
    %dma_wait3A_455 = arith.constant 0 : i32
    %dma_wait3A_456 = arith.constant 0 : i32
    %dma_wait3A_457 = tpu.memref_slice %arg6[%dma_wait3A_454, %dma_wait3A_455, %dma_wait3A_456] : memref<4x128x16xf32, #tpu.memory_space<vmem>> -> memref<1x128x16xf32, #tpu.memory_space<vmem>>
    %dma_wait3A_458 = tpu.memref_squeeze %dma_wait3A_457 : memref<1x128x16xf32, #tpu.memory_space<vmem>> -> memref<128x16xf32, #tpu.memory_space<vmem>>
    %dma_wait3A_459 = arith.constant 0 : i32
    %dma_wait3A_460 = tpu.memref_slice %arg2[%mul3A_453, %dma_wait3A_459] : memref<327680x16xf32, #tpu.memory_space<hbm>> -> memref<128x16xf32, #tpu.memory_space<hbm>>
    %dma_wait3A_461 = arith.constant 0 : i32
    %dma_wait3A_462 = arith.constant 0 : i32
    %dma_wait3A_463 = tpu.memref_slice %arg6[%dma_wait3A_454, %dma_wait3A_461, %dma_wait3A_462] : memref<4x128x16xf32, #tpu.memory_space<vmem>> -> memref<1x128x16xf32, #tpu.memory_space<vmem>>
    %dma_wait3A_464 = tpu.memref_squeeze %dma_wait3A_463 : memref<1x128x16xf32, #tpu.memory_space<vmem>> -> memref<128x16xf32, #tpu.memory_space<vmem>>
    %dma_wait3A_465 = arith.constant 0 : i32
    %dma_wait3A_466 = tpu.memref_slice %arg2[%mul3A_453, %dma_wait3A_465] : memref<327680x16xf32, #tpu.memory_space<hbm>> -> memref<128x16xf32, #tpu.memory_space<hbm>>
    tpu.wait_dma2 semaphore(%arg12 : memref<!tpu.dma_semaphore, #tpu.memory_space<semaphore_mem>>) src(%dma_wait3A_466 : memref<128x16xf32, #tpu.memory_space<hbm>>) dst(%dma_wait3A_464 : memref<128x16xf32, #tpu.memory_space<vmem>>)
    %dma_wait3A_467 = arith.constant 1 : i32
    %dma_wait3A_468 = arith.constant 77 : i32
    %dma_wait3A_469 = arith.constant 0 : i32
    %dma_wait3A_470 = arith.constant 0 : i32
    %dma_wait3A_471 = tpu.memref_slice %arg6[%dma_wait3A_467, %dma_wait3A_469, %dma_wait3A_470] : memref<4x128x16xf32, #tpu.memory_space<vmem>> -> memref<1x128x16xf32, #tpu.memory_space<vmem>>
    %dma_wait3A_472 = tpu.memref_squeeze %dma_wait3A_471 : memref<1x128x16xf32, #tpu.memory_space<vmem>> -> memref<128x16xf32, #tpu.memory_space<vmem>>
    %dma_wait3A_473 = arith.constant 0 : i32
    %dma_wait3A_474 = tpu.memref_slice %arg5[%dma_wait3A_468, %dma_wait3A_473] : memref<80x128xi32, #tpu.memory_space<vmem>> -> memref<1x128xi32, #tpu.memory_space<vmem>>
    %dma_wait3A_475 = tpu.memref_squeeze %dma_wait3A_474 : memref<1x128xi32, #tpu.memory_space<vmem>> -> memref<128xi32, #tpu.memory_space<vmem>>
    %dma_wait3A_476 = arith.constant 0 : i32
    %dma_wait3A_477 = arith.constant 0 : i32
    %dma_wait3A_478 = tpu.memref_slice %arg8[%dma_wait3A_476, %dma_wait3A_477] : memref<10240x16xf32, #tpu.memory_space<vmem_shared>> -> memref<10240x16xf32, #tpu.memory_space<vmem_shared>>
    tpu.wait_indirect_dma semaphore(%arg14 : memref<!tpu.dma_semaphore, #tpu.memory_space<semaphore_mem>>) src(%dma_wait3A_472 : memref<128x16xf32, #tpu.memory_space<vmem>>) dst(%dma_wait3A_478 : memref<10240x16xf32, #tpu.memory_space<vmem_shared>>)
    %dma_start3A_479 = arith.constant 3 : i32
    %dma_start3A_480 = arith.constant 79 : i32
    %dma_start3A_481 = arith.constant 0 : i32
    %dma_start3A_482 = arith.constant 0 : i32
    %dma_start3A_483 = tpu.memref_slice %arg6[%dma_start3A_479, %dma_start3A_481, %dma_start3A_482] : memref<4x128x16xf32, #tpu.memory_space<vmem>> -> memref<1x128x16xf32, #tpu.memory_space<vmem>>
    %dma_start3A_484 = tpu.memref_squeeze %dma_start3A_483 : memref<1x128x16xf32, #tpu.memory_space<vmem>> -> memref<128x16xf32, #tpu.memory_space<vmem>>
    %dma_start3A_485 = arith.constant 0 : i32
    %dma_start3A_486 = tpu.memref_slice %arg5[%dma_start3A_480, %dma_start3A_485] : memref<80x128xi32, #tpu.memory_space<vmem>> -> memref<1x128xi32, #tpu.memory_space<vmem>>
    %dma_start3A_487 = tpu.memref_squeeze %dma_start3A_486 : memref<1x128xi32, #tpu.memory_space<vmem>> -> memref<128xi32, #tpu.memory_space<vmem>>
    %dma_start3A_488 = arith.constant 0 : i32
    %dma_start3A_489 = arith.constant 0 : i32
    %dma_start3A_490 = tpu.memref_slice %arg8[%dma_start3A_488, %dma_start3A_489] : memref<10240x16xf32, #tpu.memory_space<vmem_shared>> -> memref<10240x16xf32, #tpu.memory_space<vmem_shared>>
    tpu.enqueue_indirect_dma source(%dma_start3A_484 : memref<128x16xf32, #tpu.memory_space<vmem>>) target(%dma_start3A_490 : memref<10240x16xf32, #tpu.memory_space<vmem_shared>>) offsets(%dma_start3A_487 : memref<128xi32, #tpu.memory_space<vmem>>) semaphore(%arg14 : memref<!tpu.dma_semaphore, #tpu.memory_space<semaphore_mem>>) {add = true}
    %dma_wait3A_491 = arith.constant 2 : i32
    %dma_wait3A_492 = arith.constant 78 : i32
    %dma_wait3A_493 = arith.constant 0 : i32
    %dma_wait3A_494 = arith.constant 0 : i32
    %dma_wait3A_495 = tpu.memref_slice %arg6[%dma_wait3A_491, %dma_wait3A_493, %dma_wait3A_494] : memref<4x128x16xf32, #tpu.memory_space<vmem>> -> memref<1x128x16xf32, #tpu.memory_space<vmem>>
    %dma_wait3A_496 = tpu.memref_squeeze %dma_wait3A_495 : memref<1x128x16xf32, #tpu.memory_space<vmem>> -> memref<128x16xf32, #tpu.memory_space<vmem>>
    %dma_wait3A_497 = arith.constant 0 : i32
    %dma_wait3A_498 = tpu.memref_slice %arg5[%dma_wait3A_492, %dma_wait3A_497] : memref<80x128xi32, #tpu.memory_space<vmem>> -> memref<1x128xi32, #tpu.memory_space<vmem>>
    %dma_wait3A_499 = tpu.memref_squeeze %dma_wait3A_498 : memref<1x128xi32, #tpu.memory_space<vmem>> -> memref<128xi32, #tpu.memory_space<vmem>>
    %dma_wait3A_500 = arith.constant 0 : i32
    %dma_wait3A_501 = arith.constant 0 : i32
    %dma_wait3A_502 = tpu.memref_slice %arg8[%dma_wait3A_500, %dma_wait3A_501] : memref<10240x16xf32, #tpu.memory_space<vmem_shared>> -> memref<10240x16xf32, #tpu.memory_space<vmem_shared>>
    tpu.wait_indirect_dma semaphore(%arg13 : memref<!tpu.dma_semaphore, #tpu.memory_space<semaphore_mem>>) src(%dma_wait3A_496 : memref<128x16xf32, #tpu.memory_space<vmem>>) dst(%dma_wait3A_502 : memref<10240x16xf32, #tpu.memory_space<vmem_shared>>)
    %dma_wait3A_503 = arith.constant 3 : i32
    %dma_wait3A_504 = arith.constant 79 : i32
    %dma_wait3A_505 = arith.constant 0 : i32
    %dma_wait3A_506 = arith.constant 0 : i32
    %dma_wait3A_507 = tpu.memref_slice %arg6[%dma_wait3A_503, %dma_wait3A_505, %dma_wait3A_506] : memref<4x128x16xf32, #tpu.memory_space<vmem>> -> memref<1x128x16xf32, #tpu.memory_space<vmem>>
    %dma_wait3A_508 = tpu.memref_squeeze %dma_wait3A_507 : memref<1x128x16xf32, #tpu.memory_space<vmem>> -> memref<128x16xf32, #tpu.memory_space<vmem>>
    %dma_wait3A_509 = arith.constant 0 : i32
    %dma_wait3A_510 = tpu.memref_slice %arg5[%dma_wait3A_504, %dma_wait3A_509] : memref<80x128xi32, #tpu.memory_space<vmem>> -> memref<1x128xi32, #tpu.memory_space<vmem>>
    %dma_wait3A_511 = tpu.memref_squeeze %dma_wait3A_510 : memref<1x128xi32, #tpu.memory_space<vmem>> -> memref<128xi32, #tpu.memory_space<vmem>>
    %dma_wait3A_512 = arith.constant 0 : i32
    %dma_wait3A_513 = arith.constant 0 : i32
    %dma_wait3A_514 = tpu.memref_slice %arg8[%dma_wait3A_512, %dma_wait3A_513] : memref<10240x16xf32, #tpu.memory_space<vmem_shared>> -> memref<10240x16xf32, #tpu.memory_space<vmem_shared>>
    tpu.wait_indirect_dma semaphore(%arg14 : memref<!tpu.dma_semaphore, #tpu.memory_space<semaphore_mem>>) src(%dma_wait3A_508 : memref<128x16xf32, #tpu.memory_space<vmem>>) dst(%dma_wait3A_514 : memref<10240x16xf32, #tpu.memory_space<vmem_shared>>)
    %barrier3A_515 = arith.constant 0 : index
    tpu.barrier barrier_id(%barrier3A_515)
    %mul3A_516 = arith.constant 640 : i32
    %mul3A_517 = arith.muli %arg1, %mul3A_516 : i32
    %mul3A_518 = arith.constant 640 : i32
    %mul3A_519 = arith.muli %arg1, %mul3A_518 : i32
    "tpu.region"() ({
      %run_scoped3A_520 = tpu.sem_alloc : memref<!tpu.dma_semaphore, #tpu.memory_space<semaphore_mem>>
      %dma_start3A_521 = arith.constant 0 : i32
      %dma_start3A_522 = tpu.memref_slice %arg4[%arg0, %mul3A_519, %dma_start3A_521] : memref<2x10240x16xf32, #tpu.memory_space<hbm>> -> memref<1x640x16xf32, #tpu.memory_space<hbm>>
      %dma_start3A_523 = tpu.memref_squeeze %dma_start3A_522 : memref<1x640x16xf32, #tpu.memory_space<hbm>> -> memref<640x16xf32, #tpu.memory_space<hbm>>
      %dma_start3A_524 = arith.constant 0 : i32
      %dma_start3A_525 = tpu.memref_slice %arg8[%mul3A_517, %dma_start3A_524] : memref<10240x16xf32, #tpu.memory_space<vmem_shared>> -> memref<640x16xf32, #tpu.memory_space<vmem_shared>>
      tpu.enqueue_dma source(%dma_start3A_525 : memref<640x16xf32, #tpu.memory_space<vmem_shared>>) target(%dma_start3A_523 : memref<640x16xf32, #tpu.memory_space<hbm>>) target_semaphore(%run_scoped3A_520 : memref<!tpu.dma_semaphore, #tpu.memory_space<semaphore_mem>>)
      %dma_wait3A_526 = arith.constant 0 : i32
      %dma_wait3A_527 = tpu.memref_slice %arg4[%arg0, %mul3A_519, %dma_wait3A_526] : memref<2x10240x16xf32, #tpu.memory_space<hbm>> -> memref<1x640x16xf32, #tpu.memory_space<hbm>>
      %dma_wait3A_528 = tpu.memref_squeeze %dma_wait3A_527 : memref<1x640x16xf32, #tpu.memory_space<hbm>> -> memref<640x16xf32, #tpu.memory_space<hbm>>
      %dma_wait3A_529 = arith.constant 0 : i32
      %dma_wait3A_530 = tpu.memref_slice %arg8[%mul3A_517, %dma_wait3A_529] : memref<10240x16xf32, #tpu.memory_space<vmem_shared>> -> memref<640x16xf32, #tpu.memory_space<vmem_shared>>
      tpu.wait_dma2 semaphore(%run_scoped3A_520 : memref<!tpu.dma_semaphore, #tpu.memory_space<semaphore_mem>>) src(%dma_wait3A_530 : memref<640x16xf32, #tpu.memory_space<vmem_shared>>) dst(%dma_wait3A_528 : memref<640x16xf32, #tpu.memory_space<hbm>>)
      tpu.yield
    }) : () -> ()
    return
  }
}

#map = affine_map<(d0, d1) -> (0, 0)>
#map1 = affine_map<(d0, d1) -> (0, 0, 0, 0)>
#map2 = affine_map<(d0, d1) -> (0, 0, 0)>
module attributes {stable_mosaic.version = 14 : i64} {
  func.func @_seg_gather(%arg0: i32, %arg1: i32, %arg2: memref<10240x16xf32, #tpu.memory_space<hbm>>, %arg3: memref<2x32x80x128xi32, #tpu.memory_space<hbm>>, %arg4: memref<2x10240x16xf32, #tpu.memory_space<hbm>>, %arg5: memref<80x128xi32, #tpu.memory_space<vmem>>, %arg6: memref<80x128xi32, #tpu.memory_space<vmem>>, %arg7: memref<4x128x16xf32, #tpu.memory_space<vmem>>, %arg8: memref<64x16xf32, #tpu.memory_space<vmem>>, %arg9: memref<10240x16xf32, #tpu.memory_space<vmem_shared>>, %arg10: memref<!tpu.dma_semaphore, #tpu.memory_space<semaphore_mem>>, %arg11: memref<!tpu.dma_semaphore, #tpu.memory_space<semaphore_mem>>, %arg12: memref<!tpu.dma_semaphore, #tpu.memory_space<semaphore_mem>>, %arg13: memref<!tpu.dma_semaphore, #tpu.memory_space<semaphore_mem>>, %arg14: memref<!tpu.dma_semaphore, #tpu.memory_space<semaphore_mem>>, %arg15: memref<!tpu.dma_semaphore, #tpu.memory_space<semaphore_mem>>) attributes {dimension_semantics = [#tpu.dimension_semantics<core_parallel>, #tpu.dimension_semantics<subcore_parallel>], iteration_bounds = array<i64: 2, 16>, scalar_prefetch = 0 : i64, scratch_operands = 11 : i64, tpu.core_type = #tpu.core_type<sc_vector_subcore>, window_params = [{transform_indices = #map}, {transform_indices = #map1}, {transform_indices = #map2}]} {
    %mul3A = arith.constant 2 : i32
    %mul3A_0 = arith.muli %arg1, %mul3A : i32
    %add3A = arith.addi %mul3A_0, %arg0 : i32
    %scan3A = arith.constant 0 : i32
    %scan3A_1 = arith.constant 0 : i32
    %scan3A_2 = arith.constant 64 : i32
    %scan3A_3 = arith.addi %scan3A_1, %scan3A_2 : i32
    %scan3A_4 = arith.constant 1 : i32
    %scan3A_5 = scf.for %scan3A_409 = %scan3A_1 to %scan3A_3 step %scan3A_4 iter_args(%scan3A_410 = %scan3A) -> (i32)  : i32 {
      %broadcast_in_dim3A = arith.constant 0.000000e+00 : f32
      %broadcast_in_dim3A_411 = vector.broadcast %broadcast_in_dim3A : f32 to vector<16xf32>
      %swap3A = arith.index_cast %scan3A_409 : i32 to index
      %swap3A_412 = arith.constant 0 : index
      %swap3A_413 = tpu.vector_load %arg8[%swap3A, %swap3A_412] {strides = array<i32>} : memref<64x16xf32, #tpu.memory_space<vmem>>, vector<1x16xf32>,
      %swap3A_414 = vector.shape_cast %swap3A_413 : vector<1x16xf32> to vector<16xf32>
      %swap3A_415 = vector.shape_cast %broadcast_in_dim3A_411 : vector<16xf32> to vector<1x16xf32>
      tpu.vector_store %arg8[%swap3A, %swap3A_412], %swap3A_415 {strides = array<i32>} : memref<64x16xf32, #tpu.memory_space<vmem>>, vector<1x16xf32>,
      %scan3A_416 = arith.constant 0 : i32
      scf.yield %scan3A_416 : i32
    }
    %scan3A_6 = arith.constant 64 : i32
    %scan3A_7 = arith.constant 0 : i32
    %scan3A_8 = arith.constant 0 : i32
    %scan3A_9 = arith.constant 10 : i32
    %scan3A_10 = arith.addi %scan3A_8, %scan3A_9 : i32
    %scan3A_11 = arith.constant 1 : i32
    %scan3A_12 = scf.for %scan3A_409 = %scan3A_8 to %scan3A_10 step %scan3A_11 iter_args(%scan3A_410 = %scan3A_7) -> (i32)  : i32 {
      %mul3A_411 = arith.constant 640 : i32
      %mul3A_412 = arith.muli %arg1, %mul3A_411 : i32
      %mul3A_413 = arith.constant 64 : i32
      %mul3A_414 = arith.muli %scan3A_409, %mul3A_413 : i32
      %add3A_415 = arith.addi %mul3A_412, %mul3A_414 : i32
      "tpu.region"() ({
        %run_scoped3A_417 = tpu.sem_alloc : memref<!tpu.dma_semaphore, #tpu.memory_space<semaphore_mem>>
        %dma_start3A_418 = arith.constant 0 : i32
        %dma_start3A_419 = tpu.memref_slice %arg9[%add3A_415, %dma_start3A_418] : memref<10240x16xf32, #tpu.memory_space<vmem_shared>> -> memref<64x16xf32, #tpu.memory_space<vmem_shared>>
        %dma_start3A_420 = arith.constant 0 : i32
        %dma_start3A_421 = tpu.memref_slice %arg9[%add3A_415, %dma_start3A_420] : memref<10240x16xf32, #tpu.memory_space<vmem_shared>> -> memref<64x16xf32, #tpu.memory_space<vmem_shared>>
        tpu.enqueue_dma source(%arg8 : memref<64x16xf32, #tpu.memory_space<vmem>>) target(%dma_start3A_421 : memref<64x16xf32, #tpu.memory_space<vmem_shared>>) target_semaphore(%run_scoped3A_417 : memref<!tpu.dma_semaphore, #tpu.memory_space<semaphore_mem>>)
        %dma_wait3A_422 = arith.constant 0 : i32
        %dma_wait3A_423 = tpu.memref_slice %arg9[%add3A_415, %dma_wait3A_422] : memref<10240x16xf32, #tpu.memory_space<vmem_shared>> -> memref<64x16xf32, #tpu.memory_space<vmem_shared>>
        %dma_wait3A_424 = arith.constant 0 : i32
        %dma_wait3A_425 = tpu.memref_slice %arg9[%add3A_415, %dma_wait3A_424] : memref<10240x16xf32, #tpu.memory_space<vmem_shared>> -> memref<64x16xf32, #tpu.memory_space<vmem_shared>>
        tpu.wait_dma2 semaphore(%run_scoped3A_417 : memref<!tpu.dma_semaphore, #tpu.memory_space<semaphore_mem>>) src(%arg8 : memref<64x16xf32, #tpu.memory_space<vmem>>) dst(%dma_wait3A_425 : memref<64x16xf32, #tpu.memory_space<vmem_shared>>)
        tpu.yield
      }) : () -> ()
      %scan3A_416 = arith.constant 0 : i32
      scf.yield %scan3A_416 : i32
    }
    %scan3A_13 = arith.constant 10 : i32
    %run_scoped3A = arith.constant 0 : i32
    "tpu.region"() ({
      %run_scoped3A_409 = tpu.sem_alloc : memref<!tpu.dma_semaphore, #tpu.memory_space<semaphore_mem>>
      %dma_start3A_410 = arith.constant 0 : i32
      %dma_start3A_411 = arith.constant 0 : i32
      %dma_start3A_412 = tpu.memref_slice %arg3[%run_scoped3A, %add3A, %dma_start3A_410, %dma_start3A_411] : memref<2x32x80x128xi32, #tpu.memory_space<hbm>> -> memref<1x1x80x128xi32, #tpu.memory_space<hbm>>
      %dma_start3A_413 = tpu.memref_squeeze %dma_start3A_412 : memref<1x1x80x128xi32, #tpu.memory_space<hbm>> -> memref<80x128xi32, #tpu.memory_space<hbm>>
      %dma_start3A_414 = arith.constant 0 : i32
      %dma_start3A_415 = arith.constant 0 : i32
      %dma_start3A_416 = tpu.memref_slice %arg3[%run_scoped3A, %add3A, %dma_start3A_414, %dma_start3A_415] : memref<2x32x80x128xi32, #tpu.memory_space<hbm>> -> memref<1x1x80x128xi32, #tpu.memory_space<hbm>>
      %dma_start3A_417 = tpu.memref_squeeze %dma_start3A_416 : memref<1x1x80x128xi32, #tpu.memory_space<hbm>> -> memref<80x128xi32, #tpu.memory_space<hbm>>
      tpu.enqueue_dma source(%dma_start3A_417 : memref<80x128xi32, #tpu.memory_space<hbm>>) target(%arg5 : memref<80x128xi32, #tpu.memory_space<vmem>>) target_semaphore(%run_scoped3A_409 : memref<!tpu.dma_semaphore, #tpu.memory_space<semaphore_mem>>)
      %dma_wait3A_418 = arith.constant 0 : i32
      %dma_wait3A_419 = arith.constant 0 : i32
      %dma_wait3A_420 = tpu.memref_slice %arg3[%run_scoped3A, %add3A, %dma_wait3A_418, %dma_wait3A_419] : memref<2x32x80x128xi32, #tpu.memory_space<hbm>> -> memref<1x1x80x128xi32, #tpu.memory_space<hbm>>
      %dma_wait3A_421 = tpu.memref_squeeze %dma_wait3A_420 : memref<1x1x80x128xi32, #tpu.memory_space<hbm>> -> memref<80x128xi32, #tpu.memory_space<hbm>>
      %dma_wait3A_422 = arith.constant 0 : i32
      %dma_wait3A_423 = arith.constant 0 : i32
      %dma_wait3A_424 = tpu.memref_slice %arg3[%run_scoped3A, %add3A, %dma_wait3A_422, %dma_wait3A_423] : memref<2x32x80x128xi32, #tpu.memory_space<hbm>> -> memref<1x1x80x128xi32, #tpu.memory_space<hbm>>
      %dma_wait3A_425 = tpu.memref_squeeze %dma_wait3A_424 : memref<1x1x80x128xi32, #tpu.memory_space<hbm>> -> memref<80x128xi32, #tpu.memory_space<hbm>>
      tpu.wait_dma2 semaphore(%run_scoped3A_409 : memref<!tpu.dma_semaphore, #tpu.memory_space<semaphore_mem>>) src(%dma_wait3A_425 : memref<80x128xi32, #tpu.memory_space<hbm>>) dst(%arg5 : memref<80x128xi32, #tpu.memory_space<vmem>>)
      tpu.yield
    }) : () -> ()
    %run_scoped3A_14 = arith.constant 1 : i32
    "tpu.region"() ({
      %run_scoped3A_409 = tpu.sem_alloc : memref<!tpu.dma_semaphore, #tpu.memory_space<semaphore_mem>>
      %dma_start3A_410 = arith.constant 0 : i32
      %dma_start3A_411 = arith.constant 0 : i32
      %dma_start3A_412 = tpu.memref_slice %arg3[%run_scoped3A_14, %add3A, %dma_start3A_410, %dma_start3A_411] : memref<2x32x80x128xi32, #tpu.memory_space<hbm>> -> memref<1x1x80x128xi32, #tpu.memory_space<hbm>>
      %dma_start3A_413 = tpu.memref_squeeze %dma_start3A_412 : memref<1x1x80x128xi32, #tpu.memory_space<hbm>> -> memref<80x128xi32, #tpu.memory_space<hbm>>
      %dma_start3A_414 = arith.constant 0 : i32
      %dma_start3A_415 = arith.constant 0 : i32
      %dma_start3A_416 = tpu.memref_slice %arg3[%run_scoped3A_14, %add3A, %dma_start3A_414, %dma_start3A_415] : memref<2x32x80x128xi32, #tpu.memory_space<hbm>> -> memref<1x1x80x128xi32, #tpu.memory_space<hbm>>
      %dma_start3A_417 = tpu.memref_squeeze %dma_start3A_416 : memref<1x1x80x128xi32, #tpu.memory_space<hbm>> -> memref<80x128xi32, #tpu.memory_space<hbm>>
      tpu.enqueue_dma source(%dma_start3A_417 : memref<80x128xi32, #tpu.memory_space<hbm>>) target(%arg6 : memref<80x128xi32, #tpu.memory_space<vmem>>) target_semaphore(%run_scoped3A_409 : memref<!tpu.dma_semaphore, #tpu.memory_space<semaphore_mem>>)
      %dma_wait3A_418 = arith.constant 0 : i32
      %dma_wait3A_419 = arith.constant 0 : i32
      %dma_wait3A_420 = tpu.memref_slice %arg3[%run_scoped3A_14, %add3A, %dma_wait3A_418, %dma_wait3A_419] : memref<2x32x80x128xi32, #tpu.memory_space<hbm>> -> memref<1x1x80x128xi32, #tpu.memory_space<hbm>>
      %dma_wait3A_421 = tpu.memref_squeeze %dma_wait3A_420 : memref<1x1x80x128xi32, #tpu.memory_space<hbm>> -> memref<80x128xi32, #tpu.memory_space<hbm>>
      %dma_wait3A_422 = arith.constant 0 : i32
      %dma_wait3A_423 = arith.constant 0 : i32
      %dma_wait3A_424 = tpu.memref_slice %arg3[%run_scoped3A_14, %add3A, %dma_wait3A_422, %dma_wait3A_423] : memref<2x32x80x128xi32, #tpu.memory_space<hbm>> -> memref<1x1x80x128xi32, #tpu.memory_space<hbm>>
      %dma_wait3A_425 = tpu.memref_squeeze %dma_wait3A_424 : memref<1x1x80x128xi32, #tpu.memory_space<hbm>> -> memref<80x128xi32, #tpu.memory_space<hbm>>
      tpu.wait_dma2 semaphore(%run_scoped3A_409 : memref<!tpu.dma_semaphore, #tpu.memory_space<semaphore_mem>>) src(%dma_wait3A_425 : memref<80x128xi32, #tpu.memory_space<hbm>>) dst(%arg6 : memref<80x128xi32, #tpu.memory_space<vmem>>)
      tpu.yield
    }) : () -> ()
    %barrier3A = arith.constant 0 : index
    tpu.barrier barrier_id(%barrier3A)
    %dma_start3A = arith.constant 0 : i32
    %dma_start3A_15 = arith.constant 0 : i32
    %dma_start3A_16 = arith.constant 0 : i32
    %dma_start3A_17 = arith.constant 0 : i32
    %dma_start3A_18 = tpu.memref_slice %arg7[%dma_start3A_15, %dma_start3A_16, %dma_start3A_17] : memref<4x128x16xf32, #tpu.memory_space<vmem>> -> memref<1x128x16xf32, #tpu.memory_space<vmem>>
    %dma_start3A_19 = tpu.memref_squeeze %dma_start3A_18 : memref<1x128x16xf32, #tpu.memory_space<vmem>> -> memref<128x16xf32, #tpu.memory_space<vmem>>
    %dma_start3A_20 = arith.constant 0 : i32
    %dma_start3A_21 = tpu.memref_slice %arg5[%dma_start3A, %dma_start3A_20] : memref<80x128xi32, #tpu.memory_space<vmem>> -> memref<1x128xi32, #tpu.memory_space<vmem>>
    %dma_start3A_22 = tpu.memref_squeeze %dma_start3A_21 : memref<1x128xi32, #tpu.memory_space<vmem>> -> memref<128xi32, #tpu.memory_space<vmem>>
    %dma_start3A_23 = arith.constant 0 : i32
    %dma_start3A_24 = arith.constant 0 : i32
    %dma_start3A_25 = tpu.memref_slice %arg2[%dma_start3A_23, %dma_start3A_24] : memref<10240x16xf32, #tpu.memory_space<hbm>> -> memref<10240x16xf32, #tpu.memory_space<hbm>>
    tpu.enqueue_indirect_dma source(%dma_start3A_25 : memref<10240x16xf32, #tpu.memory_space<hbm>>) target(%dma_start3A_19 : memref<128x16xf32, #tpu.memory_space<vmem>>) offsets(%dma_start3A_22 : memref<128xi32, #tpu.memory_space<vmem>>) semaphore(%arg10 : memref<!tpu.dma_semaphore, #tpu.memory_space<semaphore_mem>>)
    %dma_start3A_26 = arith.constant 1 : i32
    %dma_start3A_27 = arith.constant 1 : i32
    %dma_start3A_28 = arith.constant 0 : i32
    %dma_start3A_29 = arith.constant 0 : i32
    %dma_start3A_30 = tpu.memref_slice %arg7[%dma_start3A_27, %dma_start3A_28, %dma_start3A_29] : memref<4x128x16xf32, #tpu.memory_space<vmem>> -> memref<1x128x16xf32, #tpu.memory_space<vmem>>
    %dma_start3A_31 = tpu.memref_squeeze %dma_start3A_30 : memref<1x128x16xf32, #tpu.memory_space<vmem>> -> memref<128x16xf32, #tpu.memory_space<vmem>>
    %dma_start3A_32 = arith.constant 0 : i32
    %dma_start3A_33 = tpu.memref_slice %arg5[%dma_start3A_26, %dma_start3A_32] : memref<80x128xi32, #tpu.memory_space<vmem>> -> memref<1x128xi32, #tpu.memory_space<vmem>>
    %dma_start3A_34 = tpu.memref_squeeze %dma_start3A_33 : memref<1x128xi32, #tpu.memory_space<vmem>> -> memref<128xi32, #tpu.memory_space<vmem>>
    %dma_start3A_35 = arith.constant 0 : i32
    %dma_start3A_36 = arith.constant 0 : i32
    %dma_start3A_37 = tpu.memref_slice %arg2[%dma_start3A_35, %dma_start3A_36] : memref<10240x16xf32, #tpu.memory_space<hbm>> -> memref<10240x16xf32, #tpu.memory_space<hbm>>
    tpu.enqueue_indirect_dma source(%dma_start3A_37 : memref<10240x16xf32, #tpu.memory_space<hbm>>) target(%dma_start3A_31 : memref<128x16xf32, #tpu.memory_space<vmem>>) offsets(%dma_start3A_34 : memref<128xi32, #tpu.memory_space<vmem>>) semaphore(%arg11 : memref<!tpu.dma_semaphore, #tpu.memory_space<semaphore_mem>>)
    %dma_wait3A = arith.constant 0 : i32
    %dma_wait3A_38 = arith.constant 0 : i32
    %dma_wait3A_39 = arith.constant 0 : i32
    %dma_wait3A_40 = arith.constant 0 : i32
    %dma_wait3A_41 = tpu.memref_slice %arg7[%dma_wait3A_38, %dma_wait3A_39, %dma_wait3A_40] : memref<4x128x16xf32, #tpu.memory_space<vmem>> -> memref<1x128x16xf32, #tpu.memory_space<vmem>>
    %dma_wait3A_42 = tpu.memref_squeeze %dma_wait3A_41 : memref<1x128x16xf32, #tpu.memory_space<vmem>> -> memref<128x16xf32, #tpu.memory_space<vmem>>
    %dma_wait3A_43 = arith.constant 0 : i32
    %dma_wait3A_44 = tpu.memref_slice %arg5[%dma_wait3A, %dma_wait3A_43] : memref<80x128xi32, #tpu.memory_space<vmem>> -> memref<1x128xi32, #tpu.memory_space<vmem>>
    %dma_wait3A_45 = tpu.memref_squeeze %dma_wait3A_44 : memref<1x128xi32, #tpu.memory_space<vmem>> -> memref<128xi32, #tpu.memory_space<vmem>>
    %dma_wait3A_46 = arith.constant 0 : i32
    %dma_wait3A_47 = arith.constant 0 : i32
    %dma_wait3A_48 = tpu.memref_slice %arg2[%dma_wait3A_46, %dma_wait3A_47] : memref<10240x16xf32, #tpu.memory_space<hbm>> -> memref<10240x16xf32, #tpu.memory_space<hbm>>
    tpu.wait_indirect_dma semaphore(%arg10 : memref<!tpu.dma_semaphore, #tpu.memory_space<semaphore_mem>>) src(%dma_wait3A_48 : memref<10240x16xf32, #tpu.memory_space<hbm>>) dst(%dma_wait3A_42 : memref<128x16xf32, #tpu.memory_space<vmem>>)
    %dma_start3A_49 = arith.constant 0 : i32
    %dma_start3A_50 = arith.constant 0 : i32
    %dma_start3A_51 = arith.constant 0 : i32
    %dma_start3A_52 = arith.constant 0 : i32
    %dma_start3A_53 = tpu.memref_slice %arg7[%dma_start3A_49, %dma_start3A_51, %dma_start3A_52] : memref<4x128x16xf32, #tpu.memory_space<vmem>> -> memref<1x128x16xf32, #tpu.memory_space<vmem>>
    %dma_start3A_54 = tpu.memref_squeeze %dma_start3A_53 : memref<1x128x16xf32, #tpu.memory_space<vmem>> -> memref<128x16xf32, #tpu.memory_space<vmem>>
    %dma_start3A_55 = arith.constant 0 : i32
    %dma_start3A_56 = tpu.memref_slice %arg6[%dma_start3A_50, %dma_start3A_55] : memref<80x128xi32, #tpu.memory_space<vmem>> -> memref<1x128xi32, #tpu.memory_space<vmem>>
    %dma_start3A_57 = tpu.memref_squeeze %dma_start3A_56 : memref<1x128xi32, #tpu.memory_space<vmem>> -> memref<128xi32, #tpu.memory_space<vmem>>
    %dma_start3A_58 = arith.constant 0 : i32
    %dma_start3A_59 = arith.constant 0 : i32
    %dma_start3A_60 = tpu.memref_slice %arg9[%dma_start3A_58, %dma_start3A_59] : memref<10240x16xf32, #tpu.memory_space<vmem_shared>> -> memref<10240x16xf32, #tpu.memory_space<vmem_shared>>
    tpu.enqueue_indirect_dma source(%dma_start3A_54 : memref<128x16xf32, #tpu.memory_space<vmem>>) target(%dma_start3A_60 : memref<10240x16xf32, #tpu.memory_space<vmem_shared>>) offsets(%dma_start3A_57 : memref<128xi32, #tpu.memory_space<vmem>>) semaphore(%arg14 : memref<!tpu.dma_semaphore, #tpu.memory_space<semaphore_mem>>) {add = true}
    %dma_start3A_61 = arith.constant 2 : i32
    %dma_start3A_62 = arith.constant 2 : i32
    %dma_start3A_63 = arith.constant 0 : i32
    %dma_start3A_64 = arith.constant 0 : i32
    %dma_start3A_65 = tpu.memref_slice %arg7[%dma_start3A_62, %dma_start3A_63, %dma_start3A_64] : memref<4x128x16xf32, #tpu.memory_space<vmem>> -> memref<1x128x16xf32, #tpu.memory_space<vmem>>
    %dma_start3A_66 = tpu.memref_squeeze %dma_start3A_65 : memref<1x128x16xf32, #tpu.memory_space<vmem>> -> memref<128x16xf32, #tpu.memory_space<vmem>>
    %dma_start3A_67 = arith.constant 0 : i32
    %dma_start3A_68 = tpu.memref_slice %arg5[%dma_start3A_61, %dma_start3A_67] : memref<80x128xi32, #tpu.memory_space<vmem>> -> memref<1x128xi32, #tpu.memory_space<vmem>>
    %dma_start3A_69 = tpu.memref_squeeze %dma_start3A_68 : memref<1x128xi32, #tpu.memory_space<vmem>> -> memref<128xi32, #tpu.memory_space<vmem>>
    %dma_start3A_70 = arith.constant 0 : i32
    %dma_start3A_71 = arith.constant 0 : i32
    %dma_start3A_72 = tpu.memref_slice %arg2[%dma_start3A_70, %dma_start3A_71] : memref<10240x16xf32, #tpu.memory_space<hbm>> -> memref<10240x16xf32, #tpu.memory_space<hbm>>
    tpu.enqueue_indirect_dma source(%dma_start3A_72 : memref<10240x16xf32, #tpu.memory_space<hbm>>) target(%dma_start3A_66 : memref<128x16xf32, #tpu.memory_space<vmem>>) offsets(%dma_start3A_69 : memref<128xi32, #tpu.memory_space<vmem>>) semaphore(%arg12 : memref<!tpu.dma_semaphore, #tpu.memory_space<semaphore_mem>>)
    %dma_wait3A_73 = arith.constant 1 : i32
    %dma_wait3A_74 = arith.constant 1 : i32
    %dma_wait3A_75 = arith.constant 0 : i32
    %dma_wait3A_76 = arith.constant 0 : i32
    %dma_wait3A_77 = tpu.memref_slice %arg7[%dma_wait3A_74, %dma_wait3A_75, %dma_wait3A_76] : memref<4x128x16xf32, #tpu.memory_space<vmem>> -> memref<1x128x16xf32, #tpu.memory_space<vmem>>
    %dma_wait3A_78 = tpu.memref_squeeze %dma_wait3A_77 : memref<1x128x16xf32, #tpu.memory_space<vmem>> -> memref<128x16xf32, #tpu.memory_space<vmem>>
    %dma_wait3A_79 = arith.constant 0 : i32
    %dma_wait3A_80 = tpu.memref_slice %arg5[%dma_wait3A_73, %dma_wait3A_79] : memref<80x128xi32, #tpu.memory_space<vmem>> -> memref<1x128xi32, #tpu.memory_space<vmem>>
    %dma_wait3A_81 = tpu.memref_squeeze %dma_wait3A_80 : memref<1x128xi32, #tpu.memory_space<vmem>> -> memref<128xi32, #tpu.memory_space<vmem>>
    %dma_wait3A_82 = arith.constant 0 : i32
    %dma_wait3A_83 = arith.constant 0 : i32
    %dma_wait3A_84 = tpu.memref_slice %arg2[%dma_wait3A_82, %dma_wait3A_83] : memref<10240x16xf32, #tpu.memory_space<hbm>> -> memref<10240x16xf32, #tpu.memory_space<hbm>>
    tpu.wait_indirect_dma semaphore(%arg11 : memref<!tpu.dma_semaphore, #tpu.memory_space<semaphore_mem>>) src(%dma_wait3A_84 : memref<10240x16xf32, #tpu.memory_space<hbm>>) dst(%dma_wait3A_78 : memref<128x16xf32, #tpu.memory_space<vmem>>)
    %dma_start3A_85 = arith.constant 1 : i32
    %dma_start3A_86 = arith.constant 1 : i32
    %dma_start3A_87 = arith.constant 0 : i32
    %dma_start3A_88 = arith.constant 0 : i32
    %dma_start3A_89 = tpu.memref_slice %arg7[%dma_start3A_85, %dma_start3A_87, %dma_start3A_88] : memref<4x128x16xf32, #tpu.memory_space<vmem>> -> memref<1x128x16xf32, #tpu.memory_space<vmem>>
    %dma_start3A_90 = tpu.memref_squeeze %dma_start3A_89 : memref<1x128x16xf32, #tpu.memory_space<vmem>> -> memref<128x16xf32, #tpu.memory_space<vmem>>
    %dma_start3A_91 = arith.constant 0 : i32
    %dma_start3A_92 = tpu.memref_slice %arg6[%dma_start3A_86, %dma_start3A_91] : memref<80x128xi32, #tpu.memory_space<vmem>> -> memref<1x128xi32, #tpu.memory_space<vmem>>
    %dma_start3A_93 = tpu.memref_squeeze %dma_start3A_92 : memref<1x128xi32, #tpu.memory_space<vmem>> -> memref<128xi32, #tpu.memory_space<vmem>>
    %dma_start3A_94 = arith.constant 0 : i32
    %dma_start3A_95 = arith.constant 0 : i32
    %dma_start3A_96 = tpu.memref_slice %arg9[%dma_start3A_94, %dma_start3A_95] : memref<10240x16xf32, #tpu.memory_space<vmem_shared>> -> memref<10240x16xf32, #tpu.memory_space<vmem_shared>>
    tpu.enqueue_indirect_dma source(%dma_start3A_90 : memref<128x16xf32, #tpu.memory_space<vmem>>) target(%dma_start3A_96 : memref<10240x16xf32, #tpu.memory_space<vmem_shared>>) offsets(%dma_start3A_93 : memref<128xi32, #tpu.memory_space<vmem>>) semaphore(%arg15 : memref<!tpu.dma_semaphore, #tpu.memory_space<semaphore_mem>>) {add = true}
    %dma_start3A_97 = arith.constant 3 : i32
    %dma_start3A_98 = arith.constant 3 : i32
    %dma_start3A_99 = arith.constant 0 : i32
    %dma_start3A_100 = arith.constant 0 : i32
    %dma_start3A_101 = tpu.memref_slice %arg7[%dma_start3A_98, %dma_start3A_99, %dma_start3A_100] : memref<4x128x16xf32, #tpu.memory_space<vmem>> -> memref<1x128x16xf32, #tpu.memory_space<vmem>>
    %dma_start3A_102 = tpu.memref_squeeze %dma_start3A_101 : memref<1x128x16xf32, #tpu.memory_space<vmem>> -> memref<128x16xf32, #tpu.memory_space<vmem>>
    %dma_start3A_103 = arith.constant 0 : i32
    %dma_start3A_104 = tpu.memref_slice %arg5[%dma_start3A_97, %dma_start3A_103] : memref<80x128xi32, #tpu.memory_space<vmem>> -> memref<1x128xi32, #tpu.memory_space<vmem>>
    %dma_start3A_105 = tpu.memref_squeeze %dma_start3A_104 : memref<1x128xi32, #tpu.memory_space<vmem>> -> memref<128xi32, #tpu.memory_space<vmem>>
    %dma_start3A_106 = arith.constant 0 : i32
    %dma_start3A_107 = arith.constant 0 : i32
    %dma_start3A_108 = tpu.memref_slice %arg2[%dma_start3A_106, %dma_start3A_107] : memref<10240x16xf32, #tpu.memory_space<hbm>> -> memref<10240x16xf32, #tpu.memory_space<hbm>>
    tpu.enqueue_indirect_dma source(%dma_start3A_108 : memref<10240x16xf32, #tpu.memory_space<hbm>>) target(%dma_start3A_102 : memref<128x16xf32, #tpu.memory_space<vmem>>) offsets(%dma_start3A_105 : memref<128xi32, #tpu.memory_space<vmem>>) semaphore(%arg13 : memref<!tpu.dma_semaphore, #tpu.memory_space<semaphore_mem>>)
    %dma_wait3A_109 = arith.constant 2 : i32
    %dma_wait3A_110 = arith.constant 2 : i32
    %dma_wait3A_111 = arith.constant 0 : i32
    %dma_wait3A_112 = arith.constant 0 : i32
    %dma_wait3A_113 = tpu.memref_slice %arg7[%dma_wait3A_110, %dma_wait3A_111, %dma_wait3A_112] : memref<4x128x16xf32, #tpu.memory_space<vmem>> -> memref<1x128x16xf32, #tpu.memory_space<vmem>>
    %dma_wait3A_114 = tpu.memref_squeeze %dma_wait3A_113 : memref<1x128x16xf32, #tpu.memory_space<vmem>> -> memref<128x16xf32, #tpu.memory_space<vmem>>
    %dma_wait3A_115 = arith.constant 0 : i32
    %dma_wait3A_116 = tpu.memref_slice %arg5[%dma_wait3A_109, %dma_wait3A_115] : memref<80x128xi32, #tpu.memory_space<vmem>> -> memref<1x128xi32, #tpu.memory_space<vmem>>
    %dma_wait3A_117 = tpu.memref_squeeze %dma_wait3A_116 : memref<1x128xi32, #tpu.memory_space<vmem>> -> memref<128xi32, #tpu.memory_space<vmem>>
    %dma_wait3A_118 = arith.constant 0 : i32
    %dma_wait3A_119 = arith.constant 0 : i32
    %dma_wait3A_120 = tpu.memref_slice %arg2[%dma_wait3A_118, %dma_wait3A_119] : memref<10240x16xf32, #tpu.memory_space<hbm>> -> memref<10240x16xf32, #tpu.memory_space<hbm>>
    tpu.wait_indirect_dma semaphore(%arg12 : memref<!tpu.dma_semaphore, #tpu.memory_space<semaphore_mem>>) src(%dma_wait3A_120 : memref<10240x16xf32, #tpu.memory_space<hbm>>) dst(%dma_wait3A_114 : memref<128x16xf32, #tpu.memory_space<vmem>>)
    %dma_wait3A_121 = arith.constant 0 : i32
    %dma_wait3A_122 = arith.constant 0 : i32
    %dma_wait3A_123 = arith.constant 0 : i32
    %dma_wait3A_124 = arith.constant 0 : i32
    %dma_wait3A_125 = tpu.memref_slice %arg7[%dma_wait3A_121, %dma_wait3A_123, %dma_wait3A_124] : memref<4x128x16xf32, #tpu.memory_space<vmem>> -> memref<1x128x16xf32, #tpu.memory_space<vmem>>
    %dma_wait3A_126 = tpu.memref_squeeze %dma_wait3A_125 : memref<1x128x16xf32, #tpu.memory_space<vmem>> -> memref<128x16xf32, #tpu.memory_space<vmem>>
    %dma_wait3A_127 = arith.constant 0 : i32
    %dma_wait3A_128 = tpu.memref_slice %arg6[%dma_wait3A_122, %dma_wait3A_127] : memref<80x128xi32, #tpu.memory_space<vmem>> -> memref<1x128xi32, #tpu.memory_space<vmem>>
    %dma_wait3A_129 = tpu.memref_squeeze %dma_wait3A_128 : memref<1x128xi32, #tpu.memory_space<vmem>> -> memref<128xi32, #tpu.memory_space<vmem>>
    %dma_wait3A_130 = arith.constant 0 : i32
    %dma_wait3A_131 = arith.constant 0 : i32
    %dma_wait3A_132 = tpu.memref_slice %arg9[%dma_wait3A_130, %dma_wait3A_131] : memref<10240x16xf32, #tpu.memory_space<vmem_shared>> -> memref<10240x16xf32, #tpu.memory_space<vmem_shared>>
    tpu.wait_indirect_dma semaphore(%arg14 : memref<!tpu.dma_semaphore, #tpu.memory_space<semaphore_mem>>) src(%dma_wait3A_126 : memref<128x16xf32, #tpu.memory_space<vmem>>) dst(%dma_wait3A_132 : memref<10240x16xf32, #tpu.memory_space<vmem_shared>>)
    %dma_start3A_133 = arith.constant 2 : i32
    %dma_start3A_134 = arith.constant 2 : i32
    %dma_start3A_135 = arith.constant 0 : i32
    %dma_start3A_136 = arith.constant 0 : i32
    %dma_start3A_137 = tpu.memref_slice %arg7[%dma_start3A_133, %dma_start3A_135, %dma_start3A_136] : memref<4x128x16xf32, #tpu.memory_space<vmem>> -> memref<1x128x16xf32, #tpu.memory_space<vmem>>
    %dma_start3A_138 = tpu.memref_squeeze %dma_start3A_137 : memref<1x128x16xf32, #tpu.memory_space<vmem>> -> memref<128x16xf32, #tpu.memory_space<vmem>>
    %dma_start3A_139 = arith.constant 0 : i32
    %dma_start3A_140 = tpu.memref_slice %arg6[%dma_start3A_134, %dma_start3A_139] : memref<80x128xi32, #tpu.memory_space<vmem>> -> memref<1x128xi32, #tpu.memory_space<vmem>>
    %dma_start3A_141 = tpu.memref_squeeze %dma_start3A_140 : memref<1x128xi32, #tpu.memory_space<vmem>> -> memref<128xi32, #tpu.memory_space<vmem>>
    %dma_start3A_142 = arith.constant 0 : i32
    %dma_start3A_143 = arith.constant 0 : i32
    %dma_start3A_144 = tpu.memref_slice %arg9[%dma_start3A_142, %dma_start3A_143] : memref<10240x16xf32, #tpu.memory_space<vmem_shared>> -> memref<10240x16xf32, #tpu.memory_space<vmem_shared>>
    tpu.enqueue_indirect_dma source(%dma_start3A_138 : memref<128x16xf32, #tpu.memory_space<vmem>>) target(%dma_start3A_144 : memref<10240x16xf32, #tpu.memory_space<vmem_shared>>) offsets(%dma_start3A_141 : memref<128xi32, #tpu.memory_space<vmem>>) semaphore(%arg14 : memref<!tpu.dma_semaphore, #tpu.memory_space<semaphore_mem>>) {add = true}
    %dma_start3A_145 = arith.constant 4 : i32
    %dma_start3A_146 = arith.constant 0 : i32
    %dma_start3A_147 = arith.constant 0 : i32
    %dma_start3A_148 = arith.constant 0 : i32
    %dma_start3A_149 = tpu.memref_slice %arg7[%dma_start3A_146, %dma_start3A_147, %dma_start3A_148] : memref<4x128x16xf32, #tpu.memory_space<vmem>> -> memref<1x128x16xf32, #tpu.memory_space<vmem>>
    %dma_start3A_150 = tpu.memref_squeeze %dma_start3A_149 : memref<1x128x16xf32, #tpu.memory_space<vmem>> -> memref<128x16xf32, #tpu.memory_space<vmem>>
    %dma_start3A_151 = arith.constant 0 : i32
    %dma_start3A_152 = tpu.memref_slice %arg5[%dma_start3A_145, %dma_start3A_151] : memref<80x128xi32, #tpu.memory_space<vmem>> -> memref<1x128xi32, #tpu.memory_space<vmem>>
    %dma_start3A_153 = tpu.memref_squeeze %dma_start3A_152 : memref<1x128xi32, #tpu.memory_space<vmem>> -> memref<128xi32, #tpu.memory_space<vmem>>
    %dma_start3A_154 = arith.constant 0 : i32
    %dma_start3A_155 = arith.constant 0 : i32
    %dma_start3A_156 = tpu.memref_slice %arg2[%dma_start3A_154, %dma_start3A_155] : memref<10240x16xf32, #tpu.memory_space<hbm>> -> memref<10240x16xf32, #tpu.memory_space<hbm>>
    tpu.enqueue_indirect_dma source(%dma_start3A_156 : memref<10240x16xf32, #tpu.memory_space<hbm>>) target(%dma_start3A_150 : memref<128x16xf32, #tpu.memory_space<vmem>>) offsets(%dma_start3A_153 : memref<128xi32, #tpu.memory_space<vmem>>) semaphore(%arg10 : memref<!tpu.dma_semaphore, #tpu.memory_space<semaphore_mem>>)
    %dma_wait3A_157 = arith.constant 3 : i32
    %dma_wait3A_158 = arith.constant 3 : i32
    %dma_wait3A_159 = arith.constant 0 : i32
    %dma_wait3A_160 = arith.constant 0 : i32
    %dma_wait3A_161 = tpu.memref_slice %arg7[%dma_wait3A_158, %dma_wait3A_159, %dma_wait3A_160] : memref<4x128x16xf32, #tpu.memory_space<vmem>> -> memref<1x128x16xf32, #tpu.memory_space<vmem>>
    %dma_wait3A_162 = tpu.memref_squeeze %dma_wait3A_161 : memref<1x128x16xf32, #tpu.memory_space<vmem>> -> memref<128x16xf32, #tpu.memory_space<vmem>>
    %dma_wait3A_163 = arith.constant 0 : i32
    %dma_wait3A_164 = tpu.memref_slice %arg5[%dma_wait3A_157, %dma_wait3A_163] : memref<80x128xi32, #tpu.memory_space<vmem>> -> memref<1x128xi32, #tpu.memory_space<vmem>>
    %dma_wait3A_165 = tpu.memref_squeeze %dma_wait3A_164 : memref<1x128xi32, #tpu.memory_space<vmem>> -> memref<128xi32, #tpu.memory_space<vmem>>
    %dma_wait3A_166 = arith.constant 0 : i32
    %dma_wait3A_167 = arith.constant 0 : i32
    %dma_wait3A_168 = tpu.memref_slice %arg2[%dma_wait3A_166, %dma_wait3A_167] : memref<10240x16xf32, #tpu.memory_space<hbm>> -> memref<10240x16xf32, #tpu.memory_space<hbm>>
    tpu.wait_indirect_dma semaphore(%arg13 : memref<!tpu.dma_semaphore, #tpu.memory_space<semaphore_mem>>) src(%dma_wait3A_168 : memref<10240x16xf32, #tpu.memory_space<hbm>>) dst(%dma_wait3A_162 : memref<128x16xf32, #tpu.memory_space<vmem>>)
    %dma_wait3A_169 = arith.constant 1 : i32
    %dma_wait3A_170 = arith.constant 1 : i32
    %dma_wait3A_171 = arith.constant 0 : i32
    %dma_wait3A_172 = arith.constant 0 : i32
    %dma_wait3A_173 = tpu.memref_slice %arg7[%dma_wait3A_169, %dma_wait3A_171, %dma_wait3A_172] : memref<4x128x16xf32, #tpu.memory_space<vmem>> -> memref<1x128x16xf32, #tpu.memory_space<vmem>>
    %dma_wait3A_174 = tpu.memref_squeeze %dma_wait3A_173 : memref<1x128x16xf32, #tpu.memory_space<vmem>> -> memref<128x16xf32, #tpu.memory_space<vmem>>
    %dma_wait3A_175 = arith.constant 0 : i32
    %dma_wait3A_176 = tpu.memref_slice %arg6[%dma_wait3A_170, %dma_wait3A_175] : memref<80x128xi32, #tpu.memory_space<vmem>> -> memref<1x128xi32, #tpu.memory_space<vmem>>
    %dma_wait3A_177 = tpu.memref_squeeze %dma_wait3A_176 : memref<1x128xi32, #tpu.memory_space<vmem>> -> memref<128xi32, #tpu.memory_space<vmem>>
    %dma_wait3A_178 = arith.constant 0 : i32
    %dma_wait3A_179 = arith.constant 0 : i32
    %dma_wait3A_180 = tpu.memref_slice %arg9[%dma_wait3A_178, %dma_wait3A_179] : memref<10240x16xf32, #tpu.memory_space<vmem_shared>> -> memref<10240x16xf32, #tpu.memory_space<vmem_shared>>
    tpu.wait_indirect_dma semaphore(%arg15 : memref<!tpu.dma_semaphore, #tpu.memory_space<semaphore_mem>>) src(%dma_wait3A_174 : memref<128x16xf32, #tpu.memory_space<vmem>>) dst(%dma_wait3A_180 : memref<10240x16xf32, #tpu.memory_space<vmem_shared>>)
    %dma_start3A_181 = arith.constant 3 : i32
    %dma_start3A_182 = arith.constant 3 : i32
    %dma_start3A_183 = arith.constant 0 : i32
    %dma_start3A_184 = arith.constant 0 : i32
    %dma_start3A_185 = tpu.memref_slice %arg7[%dma_start3A_181, %dma_start3A_183, %dma_start3A_184] : memref<4x128x16xf32, #tpu.memory_space<vmem>> -> memref<1x128x16xf32, #tpu.memory_space<vmem>>
    %dma_start3A_186 = tpu.memref_squeeze %dma_start3A_185 : memref<1x128x16xf32, #tpu.memory_space<vmem>> -> memref<128x16xf32, #tpu.memory_space<vmem>>
    %dma_start3A_187 = arith.constant 0 : i32
    %dma_start3A_188 = tpu.memref_slice %arg6[%dma_start3A_182, %dma_start3A_187] : memref<80x128xi32, #tpu.memory_space<vmem>> -> memref<1x128xi32, #tpu.memory_space<vmem>>
    %dma_start3A_189 = tpu.memref_squeeze %dma_start3A_188 : memref<1x128xi32, #tpu.memory_space<vmem>> -> memref<128xi32, #tpu.memory_space<vmem>>
    %dma_start3A_190 = arith.constant 0 : i32
    %dma_start3A_191 = arith.constant 0 : i32
    %dma_start3A_192 = tpu.memref_slice %arg9[%dma_start3A_190, %dma_start3A_191] : memref<10240x16xf32, #tpu.memory_space<vmem_shared>> -> memref<10240x16xf32, #tpu.memory_space<vmem_shared>>
    tpu.enqueue_indirect_dma source(%dma_start3A_186 : memref<128x16xf32, #tpu.memory_space<vmem>>) target(%dma_start3A_192 : memref<10240x16xf32, #tpu.memory_space<vmem_shared>>) offsets(%dma_start3A_189 : memref<128xi32, #tpu.memory_space<vmem>>) semaphore(%arg15 : memref<!tpu.dma_semaphore, #tpu.memory_space<semaphore_mem>>) {add = true}
    %dma_start3A_193 = arith.constant 5 : i32
    %dma_start3A_194 = arith.constant 1 : i32
    %dma_start3A_195 = arith.constant 0 : i32
    %dma_start3A_196 = arith.constant 0 : i32
    %dma_start3A_197 = tpu.memref_slice %arg7[%dma_start3A_194, %dma_start3A_195, %dma_start3A_196] : memref<4x128x16xf32, #tpu.memory_space<vmem>> -> memref<1x128x16xf32, #tpu.memory_space<vmem>>
    %dma_start3A_198 = tpu.memref_squeeze %dma_start3A_197 : memref<1x128x16xf32, #tpu.memory_space<vmem>> -> memref<128x16xf32, #tpu.memory_space<vmem>>
    %dma_start3A_199 = arith.constant 0 : i32
    %dma_start3A_200 = tpu.memref_slice %arg5[%dma_start3A_193, %dma_start3A_199] : memref<80x128xi32, #tpu.memory_space<vmem>> -> memref<1x128xi32, #tpu.memory_space<vmem>>
    %dma_start3A_201 = tpu.memref_squeeze %dma_start3A_200 : memref<1x128xi32, #tpu.memory_space<vmem>> -> memref<128xi32, #tpu.memory_space<vmem>>
    %dma_start3A_202 = arith.constant 0 : i32
    %dma_start3A_203 = arith.constant 0 : i32
    %dma_start3A_204 = tpu.memref_slice %arg2[%dma_start3A_202, %dma_start3A_203] : memref<10240x16xf32, #tpu.memory_space<hbm>> -> memref<10240x16xf32, #tpu.memory_space<hbm>>
    tpu.enqueue_indirect_dma source(%dma_start3A_204 : memref<10240x16xf32, #tpu.memory_space<hbm>>) target(%dma_start3A_198 : memref<128x16xf32, #tpu.memory_space<vmem>>) offsets(%dma_start3A_201 : memref<128xi32, #tpu.memory_space<vmem>>) semaphore(%arg11 : memref<!tpu.dma_semaphore, #tpu.memory_space<semaphore_mem>>)
    %scan3A_205 = arith.constant 0 : i32
    %scan3A_206 = arith.constant 1 : i32
    %scan3A_207 = arith.constant 18 : i32
    %scan3A_208 = arith.addi %scan3A_206, %scan3A_207 : i32
    %scan3A_209 = arith.constant 1 : i32
    %scan3A_210 = scf.for %scan3A_409 = %scan3A_206 to %scan3A_208 step %scan3A_209 iter_args(%scan3A_410 = %scan3A_205) -> (i32)  : i32 {
      %mul3A_411 = arith.constant 4 : i32
      %mul3A_412 = arith.muli %scan3A_409, %mul3A_411 : i32
      %add3A_413 = arith.constant 0 : i32
      %add3A_414 = arith.addi %mul3A_412, %add3A_413 : i32
      %dma_wait3A_415 = arith.constant 0 : i32
      %dma_wait3A_416 = arith.constant 0 : i32
      %dma_wait3A_417 = arith.constant 0 : i32
      %dma_wait3A_418 = tpu.memref_slice %arg7[%dma_wait3A_415, %dma_wait3A_416, %dma_wait3A_417] : memref<4x128x16xf32, #tpu.memory_space<vmem>> -> memref<1x128x16xf32, #tpu.memory_space<vmem>>
      %dma_wait3A_419 = tpu.memref_squeeze %dma_wait3A_418 : memref<1x128x16xf32, #tpu.memory_space<vmem>> -> memref<128x16xf32, #tpu.memory_space<vmem>>
      %dma_wait3A_420 = arith.constant 0 : i32
      %dma_wait3A_421 = tpu.memref_slice %arg5[%add3A_414, %dma_wait3A_420] : memref<80x128xi32, #tpu.memory_space<vmem>> -> memref<1x128xi32, #tpu.memory_space<vmem>>
      %dma_wait3A_422 = tpu.memref_squeeze %dma_wait3A_421 : memref<1x128xi32, #tpu.memory_space<vmem>> -> memref<128xi32, #tpu.memory_space<vmem>>
      %dma_wait3A_423 = arith.constant 0 : i32
      %dma_wait3A_424 = arith.constant 0 : i32
      %dma_wait3A_425 = tpu.memref_slice %arg2[%dma_wait3A_423, %dma_wait3A_424] : memref<10240x16xf32, #tpu.memory_space<hbm>> -> memref<10240x16xf32, #tpu.memory_space<hbm>>
      tpu.wait_indirect_dma semaphore(%arg10 : memref<!tpu.dma_semaphore, #tpu.memory_space<semaphore_mem>>) src(%dma_wait3A_425 : memref<10240x16xf32, #tpu.memory_space<hbm>>) dst(%dma_wait3A_419 : memref<128x16xf32, #tpu.memory_space<vmem>>)
      %sub3A = arith.constant 2 : i32
      %sub3A_426 = arith.subi %add3A_414, %sub3A : i32
      %dma_wait3A_427 = arith.constant 2 : i32
      %dma_wait3A_428 = arith.constant 0 : i32
      %dma_wait3A_429 = arith.constant 0 : i32
      %dma_wait3A_430 = tpu.memref_slice %arg7[%dma_wait3A_427, %dma_wait3A_428, %dma_wait3A_429] : memref<4x128x16xf32, #tpu.memory_space<vmem>> -> memref<1x128x16xf32, #tpu.memory_space<vmem>>
      %dma_wait3A_431 = tpu.memref_squeeze %dma_wait3A_430 : memref<1x128x16xf32, #tpu.memory_space<vmem>> -> memref<128x16xf32, #tpu.memory_space<vmem>>
      %dma_wait3A_432 = arith.constant 0 : i32
      %dma_wait3A_433 = tpu.memref_slice %arg6[%sub3A_426, %dma_wait3A_432] : memref<80x128xi32, #tpu.memory_space<vmem>> -> memref<1x128xi32, #tpu.memory_space<vmem>>
      %dma_wait3A_434 = tpu.memref_squeeze %dma_wait3A_433 : memref<1x128xi32, #tpu.memory_space<vmem>> -> memref<128xi32, #tpu.memory_space<vmem>>
      %dma_wait3A_435 = arith.constant 0 : i32
      %dma_wait3A_436 = arith.constant 0 : i32
      %dma_wait3A_437 = tpu.memref_slice %arg9[%dma_wait3A_435, %dma_wait3A_436] : memref<10240x16xf32, #tpu.memory_space<vmem_shared>> -> memref<10240x16xf32, #tpu.memory_space<vmem_shared>>
      tpu.wait_indirect_dma semaphore(%arg14 : memref<!tpu.dma_semaphore, #tpu.memory_space<semaphore_mem>>) src(%dma_wait3A_431 : memref<128x16xf32, #tpu.memory_space<vmem>>) dst(%dma_wait3A_437 : memref<10240x16xf32, #tpu.memory_space<vmem_shared>>)
      %dma_start3A_438 = arith.constant 0 : i32
      %dma_start3A_439 = arith.constant 0 : i32
      %dma_start3A_440 = arith.constant 0 : i32
      %dma_start3A_441 = tpu.memref_slice %arg7[%dma_start3A_438, %dma_start3A_439, %dma_start3A_440] : memref<4x128x16xf32, #tpu.memory_space<vmem>> -> memref<1x128x16xf32, #tpu.memory_space<vmem>>
      %dma_start3A_442 = tpu.memref_squeeze %dma_start3A_441 : memref<1x128x16xf32, #tpu.memory_space<vmem>> -> memref<128x16xf32, #tpu.memory_space<vmem>>
      %dma_start3A_443 = arith.constant 0 : i32
      %dma_start3A_444 = tpu.memref_slice %arg6[%add3A_414, %dma_start3A_443] : memref<80x128xi32, #tpu.memory_space<vmem>> -> memref<1x128xi32, #tpu.memory_space<vmem>>
      %dma_start3A_445 = tpu.memref_squeeze %dma_start3A_444 : memref<1x128xi32, #tpu.memory_space<vmem>> -> memref<128xi32, #tpu.memory_space<vmem>>
      %dma_start3A_446 = arith.constant 0 : i32
      %dma_start3A_447 = arith.constant 0 : i32
      %dma_start3A_448 = tpu.memref_slice %arg9[%dma_start3A_446, %dma_start3A_447] : memref<10240x16xf32, #tpu.memory_space<vmem_shared>> -> memref<10240x16xf32, #tpu.memory_space<vmem_shared>>
      tpu.enqueue_indirect_dma source(%dma_start3A_442 : memref<128x16xf32, #tpu.memory_space<vmem>>) target(%dma_start3A_448 : memref<10240x16xf32, #tpu.memory_space<vmem_shared>>) offsets(%dma_start3A_445 : memref<128xi32, #tpu.memory_space<vmem>>) semaphore(%arg14 : memref<!tpu.dma_semaphore, #tpu.memory_space<semaphore_mem>>) {add = true}
      %add3A_449 = arith.constant 2 : i32
      %add3A_450 = arith.addi %add3A_414, %add3A_449 : i32
      %dma_start3A_451 = arith.constant 2 : i32
      %dma_start3A_452 = arith.constant 0 : i32
      %dma_start3A_453 = arith.constant 0 : i32
      %dma_start3A_454 = tpu.memref_slice %arg7[%dma_start3A_451, %dma_start3A_452, %dma_start3A_453] : memref<4x128x16xf32, #tpu.memory_space<vmem>> -> memref<1x128x16xf32, #tpu.memory_space<vmem>>
      %dma_start3A_455 = tpu.memref_squeeze %dma_start3A_454 : memref<1x128x16xf32, #tpu.memory_space<vmem>> -> memref<128x16xf32, #tpu.memory_space<vmem>>
      %dma_start3A_456 = arith.constant 0 : i32
      %dma_start3A_457 = tpu.memref_slice %arg5[%add3A_450, %dma_start3A_456] : memref<80x128xi32, #tpu.memory_space<vmem>> -> memref<1x128xi32, #tpu.memory_space<vmem>>
      %dma_start3A_458 = tpu.memref_squeeze %dma_start3A_457 : memref<1x128xi32, #tpu.memory_space<vmem>> -> memref<128xi32, #tpu.memory_space<vmem>>
      %dma_start3A_459 = arith.constant 0 : i32
      %dma_start3A_460 = arith.constant 0 : i32
      %dma_start3A_461 = tpu.memref_slice %arg2[%dma_start3A_459, %dma_start3A_460] : memref<10240x16xf32, #tpu.memory_space<hbm>> -> memref<10240x16xf32, #tpu.memory_space<hbm>>
      tpu.enqueue_indirect_dma source(%dma_start3A_461 : memref<10240x16xf32, #tpu.memory_space<hbm>>) target(%dma_start3A_455 : memref<128x16xf32, #tpu.memory_space<vmem>>) offsets(%dma_start3A_458 : memref<128xi32, #tpu.memory_space<vmem>>) semaphore(%arg12 : memref<!tpu.dma_semaphore, #tpu.memory_space<semaphore_mem>>)
      %mul3A_462 = arith.constant 4 : i32
      %mul3A_463 = arith.muli %scan3A_409, %mul3A_462 : i32
      %add3A_464 = arith.constant 1 : i32
      %add3A_465 = arith.addi %mul3A_463, %add3A_464 : i32
      %dma_wait3A_466 = arith.constant 1 : i32
      %dma_wait3A_467 = arith.constant 0 : i32
      %dma_wait3A_468 = arith.constant 0 : i32
      %dma_wait3A_469 = tpu.memref_slice %arg7[%dma_wait3A_466, %dma_wait3A_467, %dma_wait3A_468] : memref<4x128x16xf32, #tpu.memory_space<vmem>> -> memref<1x128x16xf32, #tpu.memory_space<vmem>>
      %dma_wait3A_470 = tpu.memref_squeeze %dma_wait3A_469 : memref<1x128x16xf32, #tpu.memory_space<vmem>> -> memref<128x16xf32, #tpu.memory_space<vmem>>
      %dma_wait3A_471 = arith.constant 0 : i32
      %dma_wait3A_472 = tpu.memref_slice %arg5[%add3A_465, %dma_wait3A_471] : memref<80x128xi32, #tpu.memory_space<vmem>> -> memref<1x128xi32, #tpu.memory_space<vmem>>
      %dma_wait3A_473 = tpu.memref_squeeze %dma_wait3A_472 : memref<1x128xi32, #tpu.memory_space<vmem>> -> memref<128xi32, #tpu.memory_space<vmem>>
      %dma_wait3A_474 = arith.constant 0 : i32
      %dma_wait3A_475 = arith.constant 0 : i32
      %dma_wait3A_476 = tpu.memref_slice %arg2[%dma_wait3A_474, %dma_wait3A_475] : memref<10240x16xf32, #tpu.memory_space<hbm>> -> memref<10240x16xf32, #tpu.memory_space<hbm>>
      tpu.wait_indirect_dma semaphore(%arg11 : memref<!tpu.dma_semaphore, #tpu.memory_space<semaphore_mem>>) src(%dma_wait3A_476 : memref<10240x16xf32, #tpu.memory_space<hbm>>) dst(%dma_wait3A_470 : memref<128x16xf32, #tpu.memory_space<vmem>>)
      %sub3A_477 = arith.constant 2 : i32
      %sub3A_478 = arith.subi %add3A_465, %sub3A_477 : i32
      %dma_wait3A_479 = arith.constant 3 : i32
      %dma_wait3A_480 = arith.constant 0 : i32
      %dma_wait3A_481 = arith.constant 0 : i32
      %dma_wait3A_482 = tpu.memref_slice %arg7[%dma_wait3A_479, %dma_wait3A_480, %dma_wait3A_481] : memref<4x128x16xf32, #tpu.memory_space<vmem>> -> memref<1x128x16xf32, #tpu.memory_space<vmem>>
      %dma_wait3A_483 = tpu.memref_squeeze %dma_wait3A_482 : memref<1x128x16xf32, #tpu.memory_space<vmem>> -> memref<128x16xf32, #tpu.memory_space<vmem>>
      %dma_wait3A_484 = arith.constant 0 : i32
      %dma_wait3A_485 = tpu.memref_slice %arg6[%sub3A_478, %dma_wait3A_484] : memref<80x128xi32, #tpu.memory_space<vmem>> -> memref<1x128xi32, #tpu.memory_space<vmem>>
      %dma_wait3A_486 = tpu.memref_squeeze %dma_wait3A_485 : memref<1x128xi32, #tpu.memory_space<vmem>> -> memref<128xi32, #tpu.memory_space<vmem>>
      %dma_wait3A_487 = arith.constant 0 : i32
      %dma_wait3A_488 = arith.constant 0 : i32
      %dma_wait3A_489 = tpu.memref_slice %arg9[%dma_wait3A_487, %dma_wait3A_488] : memref<10240x16xf32, #tpu.memory_space<vmem_shared>> -> memref<10240x16xf32, #tpu.memory_space<vmem_shared>>
      tpu.wait_indirect_dma semaphore(%arg15 : memref<!tpu.dma_semaphore, #tpu.memory_space<semaphore_mem>>) src(%dma_wait3A_483 : memref<128x16xf32, #tpu.memory_space<vmem>>) dst(%dma_wait3A_489 : memref<10240x16xf32, #tpu.memory_space<vmem_shared>>)
      %dma_start3A_490 = arith.constant 1 : i32
      %dma_start3A_491 = arith.constant 0 : i32
      %dma_start3A_492 = arith.constant 0 : i32
      %dma_start3A_493 = tpu.memref_slice %arg7[%dma_start3A_490, %dma_start3A_491, %dma_start3A_492] : memref<4x128x16xf32, #tpu.memory_space<vmem>> -> memref<1x128x16xf32, #tpu.memory_space<vmem>>
      %dma_start3A_494 = tpu.memref_squeeze %dma_start3A_493 : memref<1x128x16xf32, #tpu.memory_space<vmem>> -> memref<128x16xf32, #tpu.memory_space<vmem>>
      %dma_start3A_495 = arith.constant 0 : i32
      %dma_start3A_496 = tpu.memref_slice %arg6[%add3A_465, %dma_start3A_495] : memref<80x128xi32, #tpu.memory_space<vmem>> -> memref<1x128xi32, #tpu.memory_space<vmem>>
      %dma_start3A_497 = tpu.memref_squeeze %dma_start3A_496 : memref<1x128xi32, #tpu.memory_space<vmem>> -> memref<128xi32, #tpu.memory_space<vmem>>
      %dma_start3A_498 = arith.constant 0 : i32
      %dma_start3A_499 = arith.constant 0 : i32
      %dma_start3A_500 = tpu.memref_slice %arg9[%dma_start3A_498, %dma_start3A_499] : memref<10240x16xf32, #tpu.memory_space<vmem_shared>> -> memref<10240x16xf32, #tpu.memory_space<vmem_shared>>
      tpu.enqueue_indirect_dma source(%dma_start3A_494 : memref<128x16xf32, #tpu.memory_space<vmem>>) target(%dma_start3A_500 : memref<10240x16xf32, #tpu.memory_space<vmem_shared>>) offsets(%dma_start3A_497 : memref<128xi32, #tpu.memory_space<vmem>>) semaphore(%arg15 : memref<!tpu.dma_semaphore, #tpu.memory_space<semaphore_mem>>) {add = true}
      %add3A_501 = arith.constant 2 : i32
      %add3A_502 = arith.addi %add3A_465, %add3A_501 : i32
      %dma_start3A_503 = arith.constant 3 : i32
      %dma_start3A_504 = arith.constant 0 : i32
      %dma_start3A_505 = arith.constant 0 : i32
      %dma_start3A_506 = tpu.memref_slice %arg7[%dma_start3A_503, %dma_start3A_504, %dma_start3A_505] : memref<4x128x16xf32, #tpu.memory_space<vmem>> -> memref<1x128x16xf32, #tpu.memory_space<vmem>>
      %dma_start3A_507 = tpu.memref_squeeze %dma_start3A_506 : memref<1x128x16xf32, #tpu.memory_space<vmem>> -> memref<128x16xf32, #tpu.memory_space<vmem>>
      %dma_start3A_508 = arith.constant 0 : i32
      %dma_start3A_509 = tpu.memref_slice %arg5[%add3A_502, %dma_start3A_508] : memref<80x128xi32, #tpu.memory_space<vmem>> -> memref<1x128xi32, #tpu.memory_space<vmem>>
      %dma_start3A_510 = tpu.memref_squeeze %dma_start3A_509 : memref<1x128xi32, #tpu.memory_space<vmem>> -> memref<128xi32, #tpu.memory_space<vmem>>
      %dma_start3A_511 = arith.constant 0 : i32
      %dma_start3A_512 = arith.constant 0 : i32
      %dma_start3A_513 = tpu.memref_slice %arg2[%dma_start3A_511, %dma_start3A_512] : memref<10240x16xf32, #tpu.memory_space<hbm>> -> memref<10240x16xf32, #tpu.memory_space<hbm>>
      tpu.enqueue_indirect_dma source(%dma_start3A_513 : memref<10240x16xf32, #tpu.memory_space<hbm>>) target(%dma_start3A_507 : memref<128x16xf32, #tpu.memory_space<vmem>>) offsets(%dma_start3A_510 : memref<128xi32, #tpu.memory_space<vmem>>) semaphore(%arg13 : memref<!tpu.dma_semaphore, #tpu.memory_space<semaphore_mem>>)
      %mul3A_514 = arith.constant 4 : i32
      %mul3A_515 = arith.muli %scan3A_409, %mul3A_514 : i32
      %add3A_516 = arith.constant 2 : i32
      %add3A_517 = arith.addi %mul3A_515, %add3A_516 : i32
      %dma_wait3A_518 = arith.constant 2 : i32
      %dma_wait3A_519 = arith.constant 0 : i32
      %dma_wait3A_520 = arith.constant 0 : i32
      %dma_wait3A_521 = tpu.memref_slice %arg7[%dma_wait3A_518, %dma_wait3A_519, %dma_wait3A_520] : memref<4x128x16xf32, #tpu.memory_space<vmem>> -> memref<1x128x16xf32, #tpu.memory_space<vmem>>
      %dma_wait3A_522 = tpu.memref_squeeze %dma_wait3A_521 : memref<1x128x16xf32, #tpu.memory_space<vmem>> -> memref<128x16xf32, #tpu.memory_space<vmem>>
      %dma_wait3A_523 = arith.constant 0 : i32
      %dma_wait3A_524 = tpu.memref_slice %arg5[%add3A_517, %dma_wait3A_523] : memref<80x128xi32, #tpu.memory_space<vmem>> -> memref<1x128xi32, #tpu.memory_space<vmem>>
      %dma_wait3A_525 = tpu.memref_squeeze %dma_wait3A_524 : memref<1x128xi32, #tpu.memory_space<vmem>> -> memref<128xi32, #tpu.memory_space<vmem>>
      %dma_wait3A_526 = arith.constant 0 : i32
      %dma_wait3A_527 = arith.constant 0 : i32
      %dma_wait3A_528 = tpu.memref_slice %arg2[%dma_wait3A_526, %dma_wait3A_527] : memref<10240x16xf32, #tpu.memory_space<hbm>> -> memref<10240x16xf32, #tpu.memory_space<hbm>>
      tpu.wait_indirect_dma semaphore(%arg12 : memref<!tpu.dma_semaphore, #tpu.memory_space<semaphore_mem>>) src(%dma_wait3A_528 : memref<10240x16xf32, #tpu.memory_space<hbm>>) dst(%dma_wait3A_522 : memref<128x16xf32, #tpu.memory_space<vmem>>)
      %sub3A_529 = arith.constant 2 : i32
      %sub3A_530 = arith.subi %add3A_517, %sub3A_529 : i32
      %dma_wait3A_531 = arith.constant 0 : i32
      %dma_wait3A_532 = arith.constant 0 : i32
      %dma_wait3A_533 = arith.constant 0 : i32
      %dma_wait3A_534 = tpu.memref_slice %arg7[%dma_wait3A_531, %dma_wait3A_532, %dma_wait3A_533] : memref<4x128x16xf32, #tpu.memory_space<vmem>> -> memref<1x128x16xf32, #tpu.memory_space<vmem>>
      %dma_wait3A_535 = tpu.memref_squeeze %dma_wait3A_534 : memref<1x128x16xf32, #tpu.memory_space<vmem>> -> memref<128x16xf32, #tpu.memory_space<vmem>>
      %dma_wait3A_536 = arith.constant 0 : i32
      %dma_wait3A_537 = tpu.memref_slice %arg6[%sub3A_530, %dma_wait3A_536] : memref<80x128xi32, #tpu.memory_space<vmem>> -> memref<1x128xi32, #tpu.memory_space<vmem>>
      %dma_wait3A_538 = tpu.memref_squeeze %dma_wait3A_537 : memref<1x128xi32, #tpu.memory_space<vmem>> -> memref<128xi32, #tpu.memory_space<vmem>>
      %dma_wait3A_539 = arith.constant 0 : i32
      %dma_wait3A_540 = arith.constant 0 : i32
      %dma_wait3A_541 = tpu.memref_slice %arg9[%dma_wait3A_539, %dma_wait3A_540] : memref<10240x16xf32, #tpu.memory_space<vmem_shared>> -> memref<10240x16xf32, #tpu.memory_space<vmem_shared>>
      tpu.wait_indirect_dma semaphore(%arg14 : memref<!tpu.dma_semaphore, #tpu.memory_space<semaphore_mem>>) src(%dma_wait3A_535 : memref<128x16xf32, #tpu.memory_space<vmem>>) dst(%dma_wait3A_541 : memref<10240x16xf32, #tpu.memory_space<vmem_shared>>)
      %dma_start3A_542 = arith.constant 2 : i32
      %dma_start3A_543 = arith.constant 0 : i32
      %dma_start3A_544 = arith.constant 0 : i32
      %dma_start3A_545 = tpu.memref_slice %arg7[%dma_start3A_542, %dma_start3A_543, %dma_start3A_544] : memref<4x128x16xf32, #tpu.memory_space<vmem>> -> memref<1x128x16xf32, #tpu.memory_space<vmem>>
      %dma_start3A_546 = tpu.memref_squeeze %dma_start3A_545 : memref<1x128x16xf32, #tpu.memory_space<vmem>> -> memref<128x16xf32, #tpu.memory_space<vmem>>
      %dma_start3A_547 = arith.constant 0 : i32
      %dma_start3A_548 = tpu.memref_slice %arg6[%add3A_517, %dma_start3A_547] : memref<80x128xi32, #tpu.memory_space<vmem>> -> memref<1x128xi32, #tpu.memory_space<vmem>>
      %dma_start3A_549 = tpu.memref_squeeze %dma_start3A_548 : memref<1x128xi32, #tpu.memory_space<vmem>> -> memref<128xi32, #tpu.memory_space<vmem>>
      %dma_start3A_550 = arith.constant 0 : i32
      %dma_start3A_551 = arith.constant 0 : i32
      %dma_start3A_552 = tpu.memref_slice %arg9[%dma_start3A_550, %dma_start3A_551] : memref<10240x16xf32, #tpu.memory_space<vmem_shared>> -> memref<10240x16xf32, #tpu.memory_space<vmem_shared>>
      tpu.enqueue_indirect_dma source(%dma_start3A_546 : memref<128x16xf32, #tpu.memory_space<vmem>>) target(%dma_start3A_552 : memref<10240x16xf32, #tpu.memory_space<vmem_shared>>) offsets(%dma_start3A_549 : memref<128xi32, #tpu.memory_space<vmem>>) semaphore(%arg14 : memref<!tpu.dma_semaphore, #tpu.memory_space<semaphore_mem>>) {add = true}
      %add3A_553 = arith.constant 2 : i32
      %add3A_554 = arith.addi %add3A_517, %add3A_553 : i32
      %dma_start3A_555 = arith.constant 0 : i32
      %dma_start3A_556 = arith.constant 0 : i32
      %dma_start3A_557 = arith.constant 0 : i32
      %dma_start3A_558 = tpu.memref_slice %arg7[%dma_start3A_555, %dma_start3A_556, %dma_start3A_557] : memref<4x128x16xf32, #tpu.memory_space<vmem>> -> memref<1x128x16xf32, #tpu.memory_space<vmem>>
      %dma_start3A_559 = tpu.memref_squeeze %dma_start3A_558 : memref<1x128x16xf32, #tpu.memory_space<vmem>> -> memref<128x16xf32, #tpu.memory_space<vmem>>
      %dma_start3A_560 = arith.constant 0 : i32
      %dma_start3A_561 = tpu.memref_slice %arg5[%add3A_554, %dma_start3A_560] : memref<80x128xi32, #tpu.memory_space<vmem>> -> memref<1x128xi32, #tpu.memory_space<vmem>>
      %dma_start3A_562 = tpu.memref_squeeze %dma_start3A_561 : memref<1x128xi32, #tpu.memory_space<vmem>> -> memref<128xi32, #tpu.memory_space<vmem>>
      %dma_start3A_563 = arith.constant 0 : i32
      %dma_start3A_564 = arith.constant 0 : i32
      %dma_start3A_565 = tpu.memref_slice %arg2[%dma_start3A_563, %dma_start3A_564] : memref<10240x16xf32, #tpu.memory_space<hbm>> -> memref<10240x16xf32, #tpu.memory_space<hbm>>
      tpu.enqueue_indirect_dma source(%dma_start3A_565 : memref<10240x16xf32, #tpu.memory_space<hbm>>) target(%dma_start3A_559 : memref<128x16xf32, #tpu.memory_space<vmem>>) offsets(%dma_start3A_562 : memref<128xi32, #tpu.memory_space<vmem>>) semaphore(%arg10 : memref<!tpu.dma_semaphore, #tpu.memory_space<semaphore_mem>>)
      %mul3A_566 = arith.constant 4 : i32
      %mul3A_567 = arith.muli %scan3A_409, %mul3A_566 : i32
      %add3A_568 = arith.constant 3 : i32
      %add3A_569 = arith.addi %mul3A_567, %add3A_568 : i32
      %dma_wait3A_570 = arith.constant 3 : i32
      %dma_wait3A_571 = arith.constant 0 : i32
      %dma_wait3A_572 = arith.constant 0 : i32
      %dma_wait3A_573 = tpu.memref_slice %arg7[%dma_wait3A_570, %dma_wait3A_571, %dma_wait3A_572] : memref<4x128x16xf32, #tpu.memory_space<vmem>> -> memref<1x128x16xf32, #tpu.memory_space<vmem>>
      %dma_wait3A_574 = tpu.memref_squeeze %dma_wait3A_573 : memref<1x128x16xf32, #tpu.memory_space<vmem>> -> memref<128x16xf32, #tpu.memory_space<vmem>>
      %dma_wait3A_575 = arith.constant 0 : i32
      %dma_wait3A_576 = tpu.memref_slice %arg5[%add3A_569, %dma_wait3A_575] : memref<80x128xi32, #tpu.memory_space<vmem>> -> memref<1x128xi32, #tpu.memory_space<vmem>>
      %dma_wait3A_577 = tpu.memref_squeeze %dma_wait3A_576 : memref<1x128xi32, #tpu.memory_space<vmem>> -> memref<128xi32, #tpu.memory_space<vmem>>
      %dma_wait3A_578 = arith.constant 0 : i32
      %dma_wait3A_579 = arith.constant 0 : i32
      %dma_wait3A_580 = tpu.memref_slice %arg2[%dma_wait3A_578, %dma_wait3A_579] : memref<10240x16xf32, #tpu.memory_space<hbm>> -> memref<10240x16xf32, #tpu.memory_space<hbm>>
      tpu.wait_indirect_dma semaphore(%arg13 : memref<!tpu.dma_semaphore, #tpu.memory_space<semaphore_mem>>) src(%dma_wait3A_580 : memref<10240x16xf32, #tpu.memory_space<hbm>>) dst(%dma_wait3A_574 : memref<128x16xf32, #tpu.memory_space<vmem>>)
      %sub3A_581 = arith.constant 2 : i32
      %sub3A_582 = arith.subi %add3A_569, %sub3A_581 : i32
      %dma_wait3A_583 = arith.constant 1 : i32
      %dma_wait3A_584 = arith.constant 0 : i32
      %dma_wait3A_585 = arith.constant 0 : i32
      %dma_wait3A_586 = tpu.memref_slice %arg7[%dma_wait3A_583, %dma_wait3A_584, %dma_wait3A_585] : memref<4x128x16xf32, #tpu.memory_space<vmem>> -> memref<1x128x16xf32, #tpu.memory_space<vmem>>
      %dma_wait3A_587 = tpu.memref_squeeze %dma_wait3A_586 : memref<1x128x16xf32, #tpu.memory_space<vmem>> -> memref<128x16xf32, #tpu.memory_space<vmem>>
      %dma_wait3A_588 = arith.constant 0 : i32
      %dma_wait3A_589 = tpu.memref_slice %arg6[%sub3A_582, %dma_wait3A_588] : memref<80x128xi32, #tpu.memory_space<vmem>> -> memref<1x128xi32, #tpu.memory_space<vmem>>
      %dma_wait3A_590 = tpu.memref_squeeze %dma_wait3A_589 : memref<1x128xi32, #tpu.memory_space<vmem>> -> memref<128xi32, #tpu.memory_space<vmem>>
      %dma_wait3A_591 = arith.constant 0 : i32
      %dma_wait3A_592 = arith.constant 0 : i32
      %dma_wait3A_593 = tpu.memref_slice %arg9[%dma_wait3A_591, %dma_wait3A_592] : memref<10240x16xf32, #tpu.memory_space<vmem_shared>> -> memref<10240x16xf32, #tpu.memory_space<vmem_shared>>
      tpu.wait_indirect_dma semaphore(%arg15 : memref<!tpu.dma_semaphore, #tpu.memory_space<semaphore_mem>>) src(%dma_wait3A_587 : memref<128x16xf32, #tpu.memory_space<vmem>>) dst(%dma_wait3A_593 : memref<10240x16xf32, #tpu.memory_space<vmem_shared>>)
      %dma_start3A_594 = arith.constant 3 : i32
      %dma_start3A_595 = arith.constant 0 : i32
      %dma_start3A_596 = arith.constant 0 : i32
      %dma_start3A_597 = tpu.memref_slice %arg7[%dma_start3A_594, %dma_start3A_595, %dma_start3A_596] : memref<4x128x16xf32, #tpu.memory_space<vmem>> -> memref<1x128x16xf32, #tpu.memory_space<vmem>>
      %dma_start3A_598 = tpu.memref_squeeze %dma_start3A_597 : memref<1x128x16xf32, #tpu.memory_space<vmem>> -> memref<128x16xf32, #tpu.memory_space<vmem>>
      %dma_start3A_599 = arith.constant 0 : i32
      %dma_start3A_600 = tpu.memref_slice %arg6[%add3A_569, %dma_start3A_599] : memref<80x128xi32, #tpu.memory_space<vmem>> -> memref<1x128xi32, #tpu.memory_space<vmem>>
      %dma_start3A_601 = tpu.memref_squeeze %dma_start3A_600 : memref<1x128xi32, #tpu.memory_space<vmem>> -> memref<128xi32, #tpu.memory_space<vmem>>
      %dma_start3A_602 = arith.constant 0 : i32
      %dma_start3A_603 = arith.constant 0 : i32
      %dma_start3A_604 = tpu.memref_slice %arg9[%dma_start3A_602, %dma_start3A_603] : memref<10240x16xf32, #tpu.memory_space<vmem_shared>> -> memref<10240x16xf32, #tpu.memory_space<vmem_shared>>
      tpu.enqueue_indirect_dma source(%dma_start3A_598 : memref<128x16xf32, #tpu.memory_space<vmem>>) target(%dma_start3A_604 : memref<10240x16xf32, #tpu.memory_space<vmem_shared>>) offsets(%dma_start3A_601 : memref<128xi32, #tpu.memory_space<vmem>>) semaphore(%arg15 : memref<!tpu.dma_semaphore, #tpu.memory_space<semaphore_mem>>) {add = true}
      %add3A_605 = arith.constant 2 : i32
      %add3A_606 = arith.addi %add3A_569, %add3A_605 : i32
      %dma_start3A_607 = arith.constant 1 : i32
      %dma_start3A_608 = arith.constant 0 : i32
      %dma_start3A_609 = arith.constant 0 : i32
      %dma_start3A_610 = tpu.memref_slice %arg7[%dma_start3A_607, %dma_start3A_608, %dma_start3A_609] : memref<4x128x16xf32, #tpu.memory_space<vmem>> -> memref<1x128x16xf32, #tpu.memory_space<vmem>>
      %dma_start3A_611 = tpu.memref_squeeze %dma_start3A_610 : memref<1x128x16xf32, #tpu.memory_space<vmem>> -> memref<128x16xf32, #tpu.memory_space<vmem>>
      %dma_start3A_612 = arith.constant 0 : i32
      %dma_start3A_613 = tpu.memref_slice %arg5[%add3A_606, %dma_start3A_612] : memref<80x128xi32, #tpu.memory_space<vmem>> -> memref<1x128xi32, #tpu.memory_space<vmem>>
      %dma_start3A_614 = tpu.memref_squeeze %dma_start3A_613 : memref<1x128xi32, #tpu.memory_space<vmem>> -> memref<128xi32, #tpu.memory_space<vmem>>
      %dma_start3A_615 = arith.constant 0 : i32
      %dma_start3A_616 = arith.constant 0 : i32
      %dma_start3A_617 = tpu.memref_slice %arg2[%dma_start3A_615, %dma_start3A_616] : memref<10240x16xf32, #tpu.memory_space<hbm>> -> memref<10240x16xf32, #tpu.memory_space<hbm>>
      tpu.enqueue_indirect_dma source(%dma_start3A_617 : memref<10240x16xf32, #tpu.memory_space<hbm>>) target(%dma_start3A_611 : memref<128x16xf32, #tpu.memory_space<vmem>>) offsets(%dma_start3A_614 : memref<128xi32, #tpu.memory_space<vmem>>) semaphore(%arg11 : memref<!tpu.dma_semaphore, #tpu.memory_space<semaphore_mem>>)
      %scan3A_618 = arith.constant 0 : i32
      scf.yield %scan3A_618 : i32
    }
    %scan3A_211 = arith.constant 18 : i32
    %dma_wait3A_212 = arith.constant 76 : i32
    %dma_wait3A_213 = arith.constant 0 : i32
    %dma_wait3A_214 = arith.constant 0 : i32
    %dma_wait3A_215 = arith.constant 0 : i32
    %dma_wait3A_216 = tpu.memref_slice %arg7[%dma_wait3A_213, %dma_wait3A_214, %dma_wait3A_215] : memref<4x128x16xf32, #tpu.memory_space<vmem>> -> memref<1x128x16xf32, #tpu.memory_space<vmem>>
    %dma_wait3A_217 = tpu.memref_squeeze %dma_wait3A_216 : memref<1x128x16xf32, #tpu.memory_space<vmem>> -> memref<128x16xf32, #tpu.memory_space<vmem>>
    %dma_wait3A_218 = arith.constant 0 : i32
    %dma_wait3A_219 = tpu.memref_slice %arg5[%dma_wait3A_212, %dma_wait3A_218] : memref<80x128xi32, #tpu.memory_space<vmem>> -> memref<1x128xi32, #tpu.memory_space<vmem>>
    %dma_wait3A_220 = tpu.memref_squeeze %dma_wait3A_219 : memref<1x128xi32, #tpu.memory_space<vmem>> -> memref<128xi32, #tpu.memory_space<vmem>>
    %dma_wait3A_221 = arith.constant 0 : i32
    %dma_wait3A_222 = arith.constant 0 : i32
    %dma_wait3A_223 = tpu.memref_slice %arg2[%dma_wait3A_221, %dma_wait3A_222] : memref<10240x16xf32, #tpu.memory_space<hbm>> -> memref<10240x16xf32, #tpu.memory_space<hbm>>
    tpu.wait_indirect_dma semaphore(%arg10 : memref<!tpu.dma_semaphore, #tpu.memory_space<semaphore_mem>>) src(%dma_wait3A_223 : memref<10240x16xf32, #tpu.memory_space<hbm>>) dst(%dma_wait3A_217 : memref<128x16xf32, #tpu.memory_space<vmem>>)
    %dma_wait3A_224 = arith.constant 2 : i32
    %dma_wait3A_225 = arith.constant 74 : i32
    %dma_wait3A_226 = arith.constant 0 : i32
    %dma_wait3A_227 = arith.constant 0 : i32
    %dma_wait3A_228 = tpu.memref_slice %arg7[%dma_wait3A_224, %dma_wait3A_226, %dma_wait3A_227] : memref<4x128x16xf32, #tpu.memory_space<vmem>> -> memref<1x128x16xf32, #tpu.memory_space<vmem>>
    %dma_wait3A_229 = tpu.memref_squeeze %dma_wait3A_228 : memref<1x128x16xf32, #tpu.memory_space<vmem>> -> memref<128x16xf32, #tpu.memory_space<vmem>>
    %dma_wait3A_230 = arith.constant 0 : i32
    %dma_wait3A_231 = tpu.memref_slice %arg6[%dma_wait3A_225, %dma_wait3A_230] : memref<80x128xi32, #tpu.memory_space<vmem>> -> memref<1x128xi32, #tpu.memory_space<vmem>>
    %dma_wait3A_232 = tpu.memref_squeeze %dma_wait3A_231 : memref<1x128xi32, #tpu.memory_space<vmem>> -> memref<128xi32, #tpu.memory_space<vmem>>
    %dma_wait3A_233 = arith.constant 0 : i32
    %dma_wait3A_234 = arith.constant 0 : i32
    %dma_wait3A_235 = tpu.memref_slice %arg9[%dma_wait3A_233, %dma_wait3A_234] : memref<10240x16xf32, #tpu.memory_space<vmem_shared>> -> memref<10240x16xf32, #tpu.memory_space<vmem_shared>>
    tpu.wait_indirect_dma semaphore(%arg14 : memref<!tpu.dma_semaphore, #tpu.memory_space<semaphore_mem>>) src(%dma_wait3A_229 : memref<128x16xf32, #tpu.memory_space<vmem>>) dst(%dma_wait3A_235 : memref<10240x16xf32, #tpu.memory_space<vmem_shared>>)
    %dma_start3A_236 = arith.constant 0 : i32
    %dma_start3A_237 = arith.constant 76 : i32
    %dma_start3A_238 = arith.constant 0 : i32
    %dma_start3A_239 = arith.constant 0 : i32
    %dma_start3A_240 = tpu.memref_slice %arg7[%dma_start3A_236, %dma_start3A_238, %dma_start3A_239] : memref<4x128x16xf32, #tpu.memory_space<vmem>> -> memref<1x128x16xf32, #tpu.memory_space<vmem>>
    %dma_start3A_241 = tpu.memref_squeeze %dma_start3A_240 : memref<1x128x16xf32, #tpu.memory_space<vmem>> -> memref<128x16xf32, #tpu.memory_space<vmem>>
    %dma_start3A_242 = arith.constant 0 : i32
    %dma_start3A_243 = tpu.memref_slice %arg6[%dma_start3A_237, %dma_start3A_242] : memref<80x128xi32, #tpu.memory_space<vmem>> -> memref<1x128xi32, #tpu.memory_space<vmem>>
    %dma_start3A_244 = tpu.memref_squeeze %dma_start3A_243 : memref<1x128xi32, #tpu.memory_space<vmem>> -> memref<128xi32, #tpu.memory_space<vmem>>
    %dma_start3A_245 = arith.constant 0 : i32
    %dma_start3A_246 = arith.constant 0 : i32
    %dma_start3A_247 = tpu.memref_slice %arg9[%dma_start3A_245, %dma_start3A_246] : memref<10240x16xf32, #tpu.memory_space<vmem_shared>> -> memref<10240x16xf32, #tpu.memory_space<vmem_shared>>
    tpu.enqueue_indirect_dma source(%dma_start3A_241 : memref<128x16xf32, #tpu.memory_space<vmem>>) target(%dma_start3A_247 : memref<10240x16xf32, #tpu.memory_space<vmem_shared>>) offsets(%dma_start3A_244 : memref<128xi32, #tpu.memory_space<vmem>>) semaphore(%arg14 : memref<!tpu.dma_semaphore, #tpu.memory_space<semaphore_mem>>) {add = true}
    %dma_start3A_248 = arith.constant 78 : i32
    %dma_start3A_249 = arith.constant 2 : i32
    %dma_start3A_250 = arith.constant 0 : i32
    %dma_start3A_251 = arith.constant 0 : i32
    %dma_start3A_252 = tpu.memref_slice %arg7[%dma_start3A_249, %dma_start3A_250, %dma_start3A_251] : memref<4x128x16xf32, #tpu.memory_space<vmem>> -> memref<1x128x16xf32, #tpu.memory_space<vmem>>
    %dma_start3A_253 = tpu.memref_squeeze %dma_start3A_252 : memref<1x128x16xf32, #tpu.memory_space<vmem>> -> memref<128x16xf32, #tpu.memory_space<vmem>>
    %dma_start3A_254 = arith.constant 0 : i32
    %dma_start3A_255 = tpu.memref_slice %arg5[%dma_start3A_248, %dma_start3A_254] : memref<80x128xi32, #tpu.memory_space<vmem>> -> memref<1x128xi32, #tpu.memory_space<vmem>>
    %dma_start3A_256 = tpu.memref_squeeze %dma_start3A_255 : memref<1x128xi32, #tpu.memory_space<vmem>> -> memref<128xi32, #tpu.memory_space<vmem>>
    %dma_start3A_257 = arith.constant 0 : i32
    %dma_start3A_258 = arith.constant 0 : i32
    %dma_start3A_259 = tpu.memref_slice %arg2[%dma_start3A_257, %dma_start3A_258] : memref<10240x16xf32, #tpu.memory_space<hbm>> -> memref<10240x16xf32, #tpu.memory_space<hbm>>
    tpu.enqueue_indirect_dma source(%dma_start3A_259 : memref<10240x16xf32, #tpu.memory_space<hbm>>) target(%dma_start3A_253 : memref<128x16xf32, #tpu.memory_space<vmem>>) offsets(%dma_start3A_256 : memref<128xi32, #tpu.memory_space<vmem>>) semaphore(%arg12 : memref<!tpu.dma_semaphore, #tpu.memory_space<semaphore_mem>>)
    %dma_wait3A_260 = arith.constant 77 : i32
    %dma_wait3A_261 = arith.constant 1 : i32
    %dma_wait3A_262 = arith.constant 0 : i32
    %dma_wait3A_263 = arith.constant 0 : i32
    %dma_wait3A_264 = tpu.memref_slice %arg7[%dma_wait3A_261, %dma_wait3A_262, %dma_wait3A_263] : memref<4x128x16xf32, #tpu.memory_space<vmem>> -> memref<1x128x16xf32, #tpu.memory_space<vmem>>
    %dma_wait3A_265 = tpu.memref_squeeze %dma_wait3A_264 : memref<1x128x16xf32, #tpu.memory_space<vmem>> -> memref<128x16xf32, #tpu.memory_space<vmem>>
    %dma_wait3A_266 = arith.constant 0 : i32
    %dma_wait3A_267 = tpu.memref_slice %arg5[%dma_wait3A_260, %dma_wait3A_266] : memref<80x128xi32, #tpu.memory_space<vmem>> -> memref<1x128xi32, #tpu.memory_space<vmem>>
    %dma_wait3A_268 = tpu.memref_squeeze %dma_wait3A_267 : memref<1x128xi32, #tpu.memory_space<vmem>> -> memref<128xi32, #tpu.memory_space<vmem>>
    %dma_wait3A_269 = arith.constant 0 : i32
    %dma_wait3A_270 = arith.constant 0 : i32
    %dma_wait3A_271 = tpu.memref_slice %arg2[%dma_wait3A_269, %dma_wait3A_270] : memref<10240x16xf32, #tpu.memory_space<hbm>> -> memref<10240x16xf32, #tpu.memory_space<hbm>>
    tpu.wait_indirect_dma semaphore(%arg11 : memref<!tpu.dma_semaphore, #tpu.memory_space<semaphore_mem>>) src(%dma_wait3A_271 : memref<10240x16xf32, #tpu.memory_space<hbm>>) dst(%dma_wait3A_265 : memref<128x16xf32, #tpu.memory_space<vmem>>)
    %dma_wait3A_272 = arith.constant 3 : i32
    %dma_wait3A_273 = arith.constant 75 : i32
    %dma_wait3A_274 = arith.constant 0 : i32
    %dma_wait3A_275 = arith.constant 0 : i32
    %dma_wait3A_276 = tpu.memref_slice %arg7[%dma_wait3A_272, %dma_wait3A_274, %dma_wait3A_275] : memref<4x128x16xf32, #tpu.memory_space<vmem>> -> memref<1x128x16xf32, #tpu.memory_space<vmem>>
    %dma_wait3A_277 = tpu.memref_squeeze %dma_wait3A_276 : memref<1x128x16xf32, #tpu.memory_space<vmem>> -> memref<128x16xf32, #tpu.memory_space<vmem>>
    %dma_wait3A_278 = arith.constant 0 : i32
    %dma_wait3A_279 = tpu.memref_slice %arg6[%dma_wait3A_273, %dma_wait3A_278] : memref<80x128xi32, #tpu.memory_space<vmem>> -> memref<1x128xi32, #tpu.memory_space<vmem>>
    %dma_wait3A_280 = tpu.memref_squeeze %dma_wait3A_279 : memref<1x128xi32, #tpu.memory_space<vmem>> -> memref<128xi32, #tpu.memory_space<vmem>>
    %dma_wait3A_281 = arith.constant 0 : i32
    %dma_wait3A_282 = arith.constant 0 : i32
    %dma_wait3A_283 = tpu.memref_slice %arg9[%dma_wait3A_281, %dma_wait3A_282] : memref<10240x16xf32, #tpu.memory_space<vmem_shared>> -> memref<10240x16xf32, #tpu.memory_space<vmem_shared>>
    tpu.wait_indirect_dma semaphore(%arg15 : memref<!tpu.dma_semaphore, #tpu.memory_space<semaphore_mem>>) src(%dma_wait3A_277 : memref<128x16xf32, #tpu.memory_space<vmem>>) dst(%dma_wait3A_283 : memref<10240x16xf32, #tpu.memory_space<vmem_shared>>)
    %dma_start3A_284 = arith.constant 1 : i32
    %dma_start3A_285 = arith.constant 77 : i32
    %dma_start3A_286 = arith.constant 0 : i32
    %dma_start3A_287 = arith.constant 0 : i32
    %dma_start3A_288 = tpu.memref_slice %arg7[%dma_start3A_284, %dma_start3A_286, %dma_start3A_287] : memref<4x128x16xf32, #tpu.memory_space<vmem>> -> memref<1x128x16xf32, #tpu.memory_space<vmem>>
    %dma_start3A_289 = tpu.memref_squeeze %dma_start3A_288 : memref<1x128x16xf32, #tpu.memory_space<vmem>> -> memref<128x16xf32, #tpu.memory_space<vmem>>
    %dma_start3A_290 = arith.constant 0 : i32
    %dma_start3A_291 = tpu.memref_slice %arg6[%dma_start3A_285, %dma_start3A_290] : memref<80x128xi32, #tpu.memory_space<vmem>> -> memref<1x128xi32, #tpu.memory_space<vmem>>
    %dma_start3A_292 = tpu.memref_squeeze %dma_start3A_291 : memref<1x128xi32, #tpu.memory_space<vmem>> -> memref<128xi32, #tpu.memory_space<vmem>>
    %dma_start3A_293 = arith.constant 0 : i32
    %dma_start3A_294 = arith.constant 0 : i32
    %dma_start3A_295 = tpu.memref_slice %arg9[%dma_start3A_293, %dma_start3A_294] : memref<10240x16xf32, #tpu.memory_space<vmem_shared>> -> memref<10240x16xf32, #tpu.memory_space<vmem_shared>>
    tpu.enqueue_indirect_dma source(%dma_start3A_289 : memref<128x16xf32, #tpu.memory_space<vmem>>) target(%dma_start3A_295 : memref<10240x16xf32, #tpu.memory_space<vmem_shared>>) offsets(%dma_start3A_292 : memref<128xi32, #tpu.memory_space<vmem>>) semaphore(%arg15 : memref<!tpu.dma_semaphore, #tpu.memory_space<semaphore_mem>>) {add = true}
    %dma_start3A_296 = arith.constant 79 : i32
    %dma_start3A_297 = arith.constant 3 : i32
    %dma_start3A_298 = arith.constant 0 : i32
    %dma_start3A_299 = arith.constant 0 : i32
    %dma_start3A_300 = tpu.memref_slice %arg7[%dma_start3A_297, %dma_start3A_298, %dma_start3A_299] : memref<4x128x16xf32, #tpu.memory_space<vmem>> -> memref<1x128x16xf32, #tpu.memory_space<vmem>>
    %dma_start3A_301 = tpu.memref_squeeze %dma_start3A_300 : memref<1x128x16xf32, #tpu.memory_space<vmem>> -> memref<128x16xf32, #tpu.memory_space<vmem>>
    %dma_start3A_302 = arith.constant 0 : i32
    %dma_start3A_303 = tpu.memref_slice %arg5[%dma_start3A_296, %dma_start3A_302] : memref<80x128xi32, #tpu.memory_space<vmem>> -> memref<1x128xi32, #tpu.memory_space<vmem>>
    %dma_start3A_304 = tpu.memref_squeeze %dma_start3A_303 : memref<1x128xi32, #tpu.memory_space<vmem>> -> memref<128xi32, #tpu.memory_space<vmem>>
    %dma_start3A_305 = arith.constant 0 : i32
    %dma_start3A_306 = arith.constant 0 : i32
    %dma_start3A_307 = tpu.memref_slice %arg2[%dma_start3A_305, %dma_start3A_306] : memref<10240x16xf32, #tpu.memory_space<hbm>> -> memref<10240x16xf32, #tpu.memory_space<hbm>>
    tpu.enqueue_indirect_dma source(%dma_start3A_307 : memref<10240x16xf32, #tpu.memory_space<hbm>>) target(%dma_start3A_301 : memref<128x16xf32, #tpu.memory_space<vmem>>) offsets(%dma_start3A_304 : memref<128xi32, #tpu.memory_space<vmem>>) semaphore(%arg13 : memref<!tpu.dma_semaphore, #tpu.memory_space<semaphore_mem>>)
    %dma_wait3A_308 = arith.constant 78 : i32
    %dma_wait3A_309 = arith.constant 2 : i32
    %dma_wait3A_310 = arith.constant 0 : i32
    %dma_wait3A_311 = arith.constant 0 : i32
    %dma_wait3A_312 = tpu.memref_slice %arg7[%dma_wait3A_309, %dma_wait3A_310, %dma_wait3A_311] : memref<4x128x16xf32, #tpu.memory_space<vmem>> -> memref<1x128x16xf32, #tpu.memory_space<vmem>>
    %dma_wait3A_313 = tpu.memref_squeeze %dma_wait3A_312 : memref<1x128x16xf32, #tpu.memory_space<vmem>> -> memref<128x16xf32, #tpu.memory_space<vmem>>
    %dma_wait3A_314 = arith.constant 0 : i32
    %dma_wait3A_315 = tpu.memref_slice %arg5[%dma_wait3A_308, %dma_wait3A_314] : memref<80x128xi32, #tpu.memory_space<vmem>> -> memref<1x128xi32, #tpu.memory_space<vmem>>
    %dma_wait3A_316 = tpu.memref_squeeze %dma_wait3A_315 : memref<1x128xi32, #tpu.memory_space<vmem>> -> memref<128xi32, #tpu.memory_space<vmem>>
    %dma_wait3A_317 = arith.constant 0 : i32
    %dma_wait3A_318 = arith.constant 0 : i32
    %dma_wait3A_319 = tpu.memref_slice %arg2[%dma_wait3A_317, %dma_wait3A_318] : memref<10240x16xf32, #tpu.memory_space<hbm>> -> memref<10240x16xf32, #tpu.memory_space<hbm>>
    tpu.wait_indirect_dma semaphore(%arg12 : memref<!tpu.dma_semaphore, #tpu.memory_space<semaphore_mem>>) src(%dma_wait3A_319 : memref<10240x16xf32, #tpu.memory_space<hbm>>) dst(%dma_wait3A_313 : memref<128x16xf32, #tpu.memory_space<vmem>>)
    %dma_wait3A_320 = arith.constant 0 : i32
    %dma_wait3A_321 = arith.constant 76 : i32
    %dma_wait3A_322 = arith.constant 0 : i32
    %dma_wait3A_323 = arith.constant 0 : i32
    %dma_wait3A_324 = tpu.memref_slice %arg7[%dma_wait3A_320, %dma_wait3A_322, %dma_wait3A_323] : memref<4x128x16xf32, #tpu.memory_space<vmem>> -> memref<1x128x16xf32, #tpu.memory_space<vmem>>
    %dma_wait3A_325 = tpu.memref_squeeze %dma_wait3A_324 : memref<1x128x16xf32, #tpu.memory_space<vmem>> -> memref<128x16xf32, #tpu.memory_space<vmem>>
    %dma_wait3A_326 = arith.constant 0 : i32
    %dma_wait3A_327 = tpu.memref_slice %arg6[%dma_wait3A_321, %dma_wait3A_326] : memref<80x128xi32, #tpu.memory_space<vmem>> -> memref<1x128xi32, #tpu.memory_space<vmem>>
    %dma_wait3A_328 = tpu.memref_squeeze %dma_wait3A_327 : memref<1x128xi32, #tpu.memory_space<vmem>> -> memref<128xi32, #tpu.memory_space<vmem>>
    %dma_wait3A_329 = arith.constant 0 : i32
    %dma_wait3A_330 = arith.constant 0 : i32
    %dma_wait3A_331 = tpu.memref_slice %arg9[%dma_wait3A_329, %dma_wait3A_330] : memref<10240x16xf32, #tpu.memory_space<vmem_shared>> -> memref<10240x16xf32, #tpu.memory_space<vmem_shared>>
    tpu.wait_indirect_dma semaphore(%arg14 : memref<!tpu.dma_semaphore, #tpu.memory_space<semaphore_mem>>) src(%dma_wait3A_325 : memref<128x16xf32, #tpu.memory_space<vmem>>) dst(%dma_wait3A_331 : memref<10240x16xf32, #tpu.memory_space<vmem_shared>>)
    %dma_start3A_332 = arith.constant 2 : i32
    %dma_start3A_333 = arith.constant 78 : i32
    %dma_start3A_334 = arith.constant 0 : i32
    %dma_start3A_335 = arith.constant 0 : i32
    %dma_start3A_336 = tpu.memref_slice %arg7[%dma_start3A_332, %dma_start3A_334, %dma_start3A_335] : memref<4x128x16xf32, #tpu.memory_space<vmem>> -> memref<1x128x16xf32, #tpu.memory_space<vmem>>
    %dma_start3A_337 = tpu.memref_squeeze %dma_start3A_336 : memref<1x128x16xf32, #tpu.memory_space<vmem>> -> memref<128x16xf32, #tpu.memory_space<vmem>>
    %dma_start3A_338 = arith.constant 0 : i32
    %dma_start3A_339 = tpu.memref_slice %arg6[%dma_start3A_333, %dma_start3A_338] : memref<80x128xi32, #tpu.memory_space<vmem>> -> memref<1x128xi32, #tpu.memory_space<vmem>>
    %dma_start3A_340 = tpu.memref_squeeze %dma_start3A_339 : memref<1x128xi32, #tpu.memory_space<vmem>> -> memref<128xi32, #tpu.memory_space<vmem>>
    %dma_start3A_341 = arith.constant 0 : i32
    %dma_start3A_342 = arith.constant 0 : i32
    %dma_start3A_343 = tpu.memref_slice %arg9[%dma_start3A_341, %dma_start3A_342] : memref<10240x16xf32, #tpu.memory_space<vmem_shared>> -> memref<10240x16xf32, #tpu.memory_space<vmem_shared>>
    tpu.enqueue_indirect_dma source(%dma_start3A_337 : memref<128x16xf32, #tpu.memory_space<vmem>>) target(%dma_start3A_343 : memref<10240x16xf32, #tpu.memory_space<vmem_shared>>) offsets(%dma_start3A_340 : memref<128xi32, #tpu.memory_space<vmem>>) semaphore(%arg14 : memref<!tpu.dma_semaphore, #tpu.memory_space<semaphore_mem>>) {add = true}
    %dma_wait3A_344 = arith.constant 79 : i32
    %dma_wait3A_345 = arith.constant 3 : i32
    %dma_wait3A_346 = arith.constant 0 : i32
    %dma_wait3A_347 = arith.constant 0 : i32
    %dma_wait3A_348 = tpu.memref_slice %arg7[%dma_wait3A_345, %dma_wait3A_346, %dma_wait3A_347] : memref<4x128x16xf32, #tpu.memory_space<vmem>> -> memref<1x128x16xf32, #tpu.memory_space<vmem>>
    %dma_wait3A_349 = tpu.memref_squeeze %dma_wait3A_348 : memref<1x128x16xf32, #tpu.memory_space<vmem>> -> memref<128x16xf32, #tpu.memory_space<vmem>>
    %dma_wait3A_350 = arith.constant 0 : i32
    %dma_wait3A_351 = tpu.memref_slice %arg5[%dma_wait3A_344, %dma_wait3A_350] : memref<80x128xi32, #tpu.memory_space<vmem>> -> memref<1x128xi32, #tpu.memory_space<vmem>>
    %dma_wait3A_352 = tpu.memref_squeeze %dma_wait3A_351 : memref<1x128xi32, #tpu.memory_space<vmem>> -> memref<128xi32, #tpu.memory_space<vmem>>
    %dma_wait3A_353 = arith.constant 0 : i32
    %dma_wait3A_354 = arith.constant 0 : i32
    %dma_wait3A_355 = tpu.memref_slice %arg2[%dma_wait3A_353, %dma_wait3A_354] : memref<10240x16xf32, #tpu.memory_space<hbm>> -> memref<10240x16xf32, #tpu.memory_space<hbm>>
    tpu.wait_indirect_dma semaphore(%arg13 : memref<!tpu.dma_semaphore, #tpu.memory_space<semaphore_mem>>) src(%dma_wait3A_355 : memref<10240x16xf32, #tpu.memory_space<hbm>>) dst(%dma_wait3A_349 : memref<128x16xf32, #tpu.memory_space<vmem>>)
    %dma_wait3A_356 = arith.constant 1 : i32
    %dma_wait3A_357 = arith.constant 77 : i32
    %dma_wait3A_358 = arith.constant 0 : i32
    %dma_wait3A_359 = arith.constant 0 : i32
    %dma_wait3A_360 = tpu.memref_slice %arg7[%dma_wait3A_356, %dma_wait3A_358, %dma_wait3A_359] : memref<4x128x16xf32, #tpu.memory_space<vmem>> -> memref<1x128x16xf32, #tpu.memory_space<vmem>>
    %dma_wait3A_361 = tpu.memref_squeeze %dma_wait3A_360 : memref<1x128x16xf32, #tpu.memory_space<vmem>> -> memref<128x16xf32, #tpu.memory_space<vmem>>
    %dma_wait3A_362 = arith.constant 0 : i32
    %dma_wait3A_363 = tpu.memref_slice %arg6[%dma_wait3A_357, %dma_wait3A_362] : memref<80x128xi32, #tpu.memory_space<vmem>> -> memref<1x128xi32, #tpu.memory_space<vmem>>
    %dma_wait3A_364 = tpu.memref_squeeze %dma_wait3A_363 : memref<1x128xi32, #tpu.memory_space<vmem>> -> memref<128xi32, #tpu.memory_space<vmem>>
    %dma_wait3A_365 = arith.constant 0 : i32
    %dma_wait3A_366 = arith.constant 0 : i32
    %dma_wait3A_367 = tpu.memref_slice %arg9[%dma_wait3A_365, %dma_wait3A_366] : memref<10240x16xf32, #tpu.memory_space<vmem_shared>> -> memref<10240x16xf32, #tpu.memory_space<vmem_shared>>
    tpu.wait_indirect_dma semaphore(%arg15 : memref<!tpu.dma_semaphore, #tpu.memory_space<semaphore_mem>>) src(%dma_wait3A_361 : memref<128x16xf32, #tpu.memory_space<vmem>>) dst(%dma_wait3A_367 : memref<10240x16xf32, #tpu.memory_space<vmem_shared>>)
    %dma_start3A_368 = arith.constant 3 : i32
    %dma_start3A_369 = arith.constant 79 : i32
    %dma_start3A_370 = arith.constant 0 : i32
    %dma_start3A_371 = arith.constant 0 : i32
    %dma_start3A_372 = tpu.memref_slice %arg7[%dma_start3A_368, %dma_start3A_370, %dma_start3A_371] : memref<4x128x16xf32, #tpu.memory_space<vmem>> -> memref<1x128x16xf32, #tpu.memory_space<vmem>>
    %dma_start3A_373 = tpu.memref_squeeze %dma_start3A_372 : memref<1x128x16xf32, #tpu.memory_space<vmem>> -> memref<128x16xf32, #tpu.memory_space<vmem>>
    %dma_start3A_374 = arith.constant 0 : i32
    %dma_start3A_375 = tpu.memref_slice %arg6[%dma_start3A_369, %dma_start3A_374] : memref<80x128xi32, #tpu.memory_space<vmem>> -> memref<1x128xi32, #tpu.memory_space<vmem>>
    %dma_start3A_376 = tpu.memref_squeeze %dma_start3A_375 : memref<1x128xi32, #tpu.memory_space<vmem>> -> memref<128xi32, #tpu.memory_space<vmem>>
    %dma_start3A_377 = arith.constant 0 : i32
    %dma_start3A_378 = arith.constant 0 : i32
    %dma_start3A_379 = tpu.memref_slice %arg9[%dma_start3A_377, %dma_start3A_378] : memref<10240x16xf32, #tpu.memory_space<vmem_shared>> -> memref<10240x16xf32, #tpu.memory_space<vmem_shared>>
    tpu.enqueue_indirect_dma source(%dma_start3A_373 : memref<128x16xf32, #tpu.memory_space<vmem>>) target(%dma_start3A_379 : memref<10240x16xf32, #tpu.memory_space<vmem_shared>>) offsets(%dma_start3A_376 : memref<128xi32, #tpu.memory_space<vmem>>) semaphore(%arg15 : memref<!tpu.dma_semaphore, #tpu.memory_space<semaphore_mem>>) {add = true}
    %dma_wait3A_380 = arith.constant 2 : i32
    %dma_wait3A_381 = arith.constant 78 : i32
    %dma_wait3A_382 = arith.constant 0 : i32
    %dma_wait3A_383 = arith.constant 0 : i32
    %dma_wait3A_384 = tpu.memref_slice %arg7[%dma_wait3A_380, %dma_wait3A_382, %dma_wait3A_383] : memref<4x128x16xf32, #tpu.memory_space<vmem>> -> memref<1x128x16xf32, #tpu.memory_space<vmem>>
    %dma_wait3A_385 = tpu.memref_squeeze %dma_wait3A_384 : memref<1x128x16xf32, #tpu.memory_space<vmem>> -> memref<128x16xf32, #tpu.memory_space<vmem>>
    %dma_wait3A_386 = arith.constant 0 : i32
    %dma_wait3A_387 = tpu.memref_slice %arg6[%dma_wait3A_381, %dma_wait3A_386] : memref<80x128xi32, #tpu.memory_space<vmem>> -> memref<1x128xi32, #tpu.memory_space<vmem>>
    %dma_wait3A_388 = tpu.memref_squeeze %dma_wait3A_387 : memref<1x128xi32, #tpu.memory_space<vmem>> -> memref<128xi32, #tpu.memory_space<vmem>>
    %dma_wait3A_389 = arith.constant 0 : i32
    %dma_wait3A_390 = arith.constant 0 : i32
    %dma_wait3A_391 = tpu.memref_slice %arg9[%dma_wait3A_389, %dma_wait3A_390] : memref<10240x16xf32, #tpu.memory_space<vmem_shared>> -> memref<10240x16xf32, #tpu.memory_space<vmem_shared>>
    tpu.wait_indirect_dma semaphore(%arg14 : memref<!tpu.dma_semaphore, #tpu.memory_space<semaphore_mem>>) src(%dma_wait3A_385 : memref<128x16xf32, #tpu.memory_space<vmem>>) dst(%dma_wait3A_391 : memref<10240x16xf32, #tpu.memory_space<vmem_shared>>)
    %dma_wait3A_392 = arith.constant 3 : i32
    %dma_wait3A_393 = arith.constant 79 : i32
    %dma_wait3A_394 = arith.constant 0 : i32
    %dma_wait3A_395 = arith.constant 0 : i32
    %dma_wait3A_396 = tpu.memref_slice %arg7[%dma_wait3A_392, %dma_wait3A_394, %dma_wait3A_395] : memref<4x128x16xf32, #tpu.memory_space<vmem>> -> memref<1x128x16xf32, #tpu.memory_space<vmem>>
    %dma_wait3A_397 = tpu.memref_squeeze %dma_wait3A_396 : memref<1x128x16xf32, #tpu.memory_space<vmem>> -> memref<128x16xf32, #tpu.memory_space<vmem>>
    %dma_wait3A_398 = arith.constant 0 : i32
    %dma_wait3A_399 = tpu.memref_slice %arg6[%dma_wait3A_393, %dma_wait3A_398] : memref<80x128xi32, #tpu.memory_space<vmem>> -> memref<1x128xi32, #tpu.memory_space<vmem>>
    %dma_wait3A_400 = tpu.memref_squeeze %dma_wait3A_399 : memref<1x128xi32, #tpu.memory_space<vmem>> -> memref<128xi32, #tpu.memory_space<vmem>>
    %dma_wait3A_401 = arith.constant 0 : i32
    %dma_wait3A_402 = arith.constant 0 : i32
    %dma_wait3A_403 = tpu.memref_slice %arg9[%dma_wait3A_401, %dma_wait3A_402] : memref<10240x16xf32, #tpu.memory_space<vmem_shared>> -> memref<10240x16xf32, #tpu.memory_space<vmem_shared>>
    tpu.wait_indirect_dma semaphore(%arg15 : memref<!tpu.dma_semaphore, #tpu.memory_space<semaphore_mem>>) src(%dma_wait3A_397 : memref<128x16xf32, #tpu.memory_space<vmem>>) dst(%dma_wait3A_403 : memref<10240x16xf32, #tpu.memory_space<vmem_shared>>)
    %barrier3A_404 = arith.constant 0 : index
    tpu.barrier barrier_id(%barrier3A_404)
    %mul3A_405 = arith.constant 640 : i32
    %mul3A_406 = arith.muli %arg1, %mul3A_405 : i32
    %mul3A_407 = arith.constant 640 : i32
    %mul3A_408 = arith.muli %arg1, %mul3A_407 : i32
    "tpu.region"() ({
      %run_scoped3A_409 = tpu.sem_alloc : memref<!tpu.dma_semaphore, #tpu.memory_space<semaphore_mem>>
      %dma_start3A_410 = arith.constant 0 : i32
      %dma_start3A_411 = tpu.memref_slice %arg4[%arg0, %mul3A_408, %dma_start3A_410] : memref<2x10240x16xf32, #tpu.memory_space<hbm>> -> memref<1x640x16xf32, #tpu.memory_space<hbm>>
      %dma_start3A_412 = tpu.memref_squeeze %dma_start3A_411 : memref<1x640x16xf32, #tpu.memory_space<hbm>> -> memref<640x16xf32, #tpu.memory_space<hbm>>
      %dma_start3A_413 = arith.constant 0 : i32
      %dma_start3A_414 = tpu.memref_slice %arg9[%mul3A_406, %dma_start3A_413] : memref<10240x16xf32, #tpu.memory_space<vmem_shared>> -> memref<640x16xf32, #tpu.memory_space<vmem_shared>>
      tpu.enqueue_dma source(%dma_start3A_414 : memref<640x16xf32, #tpu.memory_space<vmem_shared>>) target(%dma_start3A_412 : memref<640x16xf32, #tpu.memory_space<hbm>>) target_semaphore(%run_scoped3A_409 : memref<!tpu.dma_semaphore, #tpu.memory_space<semaphore_mem>>)
      %dma_wait3A_415 = arith.constant 0 : i32
      %dma_wait3A_416 = tpu.memref_slice %arg4[%arg0, %mul3A_408, %dma_wait3A_415] : memref<2x10240x16xf32, #tpu.memory_space<hbm>> -> memref<1x640x16xf32, #tpu.memory_space<hbm>>
      %dma_wait3A_417 = tpu.memref_squeeze %dma_wait3A_416 : memref<1x640x16xf32, #tpu.memory_space<hbm>> -> memref<640x16xf32, #tpu.memory_space<hbm>>
      %dma_wait3A_418 = arith.constant 0 : i32
      %dma_wait3A_419 = tpu.memref_slice %arg9[%mul3A_406, %dma_wait3A_418] : memref<10240x16xf32, #tpu.memory_space<vmem_shared>> -> memref<640x16xf32, #tpu.memory_space<vmem_shared>>
      tpu.wait_dma2 semaphore(%run_scoped3A_409 : memref<!tpu.dma_semaphore, #tpu.memory_space<semaphore_mem>>) src(%dma_wait3A_419 : memref<640x16xf32, #tpu.memory_space<vmem_shared>>) dst(%dma_wait3A_417 : memref<640x16xf32, #tpu.memory_space<hbm>>)
      tpu.yield
    }) : () -> ()
    return
  }
}

module attributes {stable_mosaic.version = 14 : i64} {
  func.func @_idx_body(%arg0: i32, %arg1: i32, %arg2: memref<1x256x128xi32, #tpu.memory_space<vmem>>, %arg3: memref<1x256x128xi32, #tpu.memory_space<vmem>>) attributes {dimension_semantics = [#tpu.dimension_semantics<arbitrary>, #tpu.dimension_semantics<arbitrary>], iteration_bounds = array<i64: 2, 10>, scalar_prefetch = 0 : i64, scratch_operands = 0 : i64, tpu.core_type = #tpu.core_type<tc>, window_params = [{transform_indices = @transform_0, window_bounds = array<i64: 1, 256, 128>}, {transform_indices = @transform_1, window_bounds = array<i64: 1, 256, 128>}]} {
    %mul3A = arith.constant 256 : i32
    %mul3A_0 = arith.muli %arg1, %mul3A : i32
    %iota3A = tpu.iota {dimensions = array<i32: 1>} : vector<1x256x1xi32>
    %add3A = vector.broadcast %mul3A_0 : i32 to vector<1x256x1xi32>
    %add3A_1 = arith.addi %add3A, %iota3A : vector<1x256x1xi32>
    %lt3A = arith.constant 2500 : i32
    %lt3A_2 = vector.broadcast %lt3A : i32 to vector<1x256x1xi32>
    %lt3A_3 = arith.cmpi slt, %add3A_1, %lt3A_2 : vector<1x256x1xi32>
    %get3A = arith.constant 0 : index
    %get3A_4 = arith.constant 0 : index
    %get3A_5 = arith.constant 0 : index
    %get3A_6 = vector.load %arg2[%get3A, %get3A_4, %get3A_5] : memref<1x256x128xi32, #tpu.memory_space<vmem>>, vector<1x256x128xi32>
    %jit3A = arith.constant 10000 : i32
    %broadcast_in_dim3A = vector.shape_cast %lt3A_3 : vector<1x256x1xi1> to vector<1x256x1xi1>
    %broadcast_in_dim3A_7 = vector.broadcast %broadcast_in_dim3A : vector<1x256x1xi1> to vector<1x256x128xi1>
    %broadcast_in_dim3A_8 = vector.broadcast %jit3A : i32 to vector<1x256x128xi32>
    %select_n3A = arith.select %broadcast_in_dim3A_7, %get3A_6, %broadcast_in_dim3A_8 : vector<1x256x128xi1>, vector<1x256x128xi32>
    %swap3A = arith.constant 0 : index
    %swap3A_9 = arith.constant 0 : index
    %swap3A_10 = arith.constant 0 : index
    %swap3A_11 = vector.load %arg3[%swap3A, %swap3A_9, %swap3A_10] : memref<1x256x128xi32, #tpu.memory_space<vmem>>, vector<1x256x128xi32>
    tpu.vector_store %arg3[%swap3A, %swap3A_9, %swap3A_10], %select_n3A {strides = array<i32>} : memref<1x256x128xi32, #tpu.memory_space<vmem>>, vector<1x256x128xi32>,
    return
  }
  func.func @transform_0(%arg0: i32, %arg1: i32) -> (i32, i32, i32) {
    %min3A = arith.constant 9 : i32
    %min3A_0 = arith.minsi %arg1, %min3A : i32
    %c0_i32 = arith.constant 0 : i32
    %c0_i32_1 = arith.constant 0 : i32
    return %arg0, %min3A_0, %c0_i32 : i32, i32, i32
  }
  func.func @transform_1(%arg0: i32, %arg1: i32) -> (i32, i32, i32) {
    %c0_i32 = arith.constant 0 : i32
    %c0_i32_0 = arith.constant 0 : i32
    return %arg0, %arg1, %c0_i32 : i32, i32, i32
  }
}

module attributes {stable_mosaic.version = 14 : i64} {
  func.func @_ew_body(%arg0: i32, %arg1: memref<2048x128xf32, #tpu.memory_space<vmem>>, %arg2: memref<128x128xf32, #tpu.memory_space<vmem>>, %arg3: memref<128x128xf32, #tpu.memory_space<vmem>>, %arg4: memref<1x128xf32, #tpu.memory_space<vmem>>, %arg5: memref<2048x128xf32, #tpu.memory_space<vmem>>) attributes {dimension_semantics = [#tpu.dimension_semantics<arbitrary>], iteration_bounds = array<i64: 20>, scalar_prefetch = 0 : i64, scratch_operands = 0 : i64, tpu.core_type = #tpu.core_type<tc>, window_params = [{transform_indices = @transform_0, window_bounds = array<i64: 2048, 128>}, {pipeline_mode = #tpu.pipeline_mode<synchronous>, transform_indices = @transform_1, window_bounds = array<i64: 128, 128>}, {pipeline_mode = #tpu.pipeline_mode<synchronous>, transform_indices = @transform_2, window_bounds = array<i64: 128, 128>}, {pipeline_mode = #tpu.pipeline_mode<synchronous>, transform_indices = @transform_3, window_bounds = array<i64: 1, 128>}, {transform_indices = @transform_4, window_bounds = array<i64: 2048, 128>}]} {
    %get3A = arith.constant 0 : index
    %get3A_0 = arith.constant 0 : index
    %get3A_1 = vector.load %arg1[%get3A, %get3A_0] : memref<2048x128xf32, #tpu.memory_space<vmem>>, vector<2048x128xf32>
    %get3A_2 = arith.constant 0 : index
    %get3A_3 = arith.constant 0 : index
    %get3A_4 = vector.load %arg2[%get3A_2, %get3A_3] : memref<128x128xf32, #tpu.memory_space<vmem>>, vector<128x128xf32>
    %dot_general3A = arith.constant dense<0.000000e+00> : vector<2048x128xf32>
    %dot_general3A_5 = tpu.matmul %get3A_1, %get3A_4, %dot_general3A {dimension_numbers = #tpu.dot_dimension_numbers<[1], [0], [0], [1], [0, 0, 1, 1], [], []>, transpose_lhs_hint = false} : vector<2048x128xf32>, vector<128x128xf32>, vector<2048x128xf32> -> vector<2048x128xf32>
    %max3A = arith.constant 0.000000e+00 : f32
    %max3A_6 = vector.broadcast %max3A : f32 to vector<2048x128xf32>
    %max3A_7 = arith.maximumf %dot_general3A_5, %max3A_6 : vector<2048x128xf32>
    %get3A_8 = arith.constant 0 : index
    %get3A_9 = arith.constant 0 : index
    %get3A_10 = vector.load %arg3[%get3A_8, %get3A_9] : memref<128x128xf32, #tpu.memory_space<vmem>>, vector<128x128xf32>
    %dot_general3A_11 = arith.constant dense<0.000000e+00> : vector<2048x128xf32>
    %dot_general3A_12 = tpu.matmul %max3A_7, %get3A_10, %dot_general3A_11 {dimension_numbers = #tpu.dot_dimension_numbers<[1], [0], [0], [1], [0, 0, 1, 1], [], []>, transpose_lhs_hint = false} : vector<2048x128xf32>, vector<128x128xf32>, vector<2048x128xf32> -> vector<2048x128xf32>
    %max3A_13 = arith.constant 0.000000e+00 : f32
    %max3A_14 = vector.broadcast %max3A_13 : f32 to vector<2048x128xf32>
    %max3A_15 = arith.maximumf %dot_general3A_12, %max3A_14 : vector<2048x128xf32>
    %mul3A = arith.constant 2048 : i32
    %mul3A_16 = arith.muli %arg0, %mul3A : i32
    %iota3A = tpu.iota {dimensions = array<i32: 0>} : vector<2048x1xi32>
    %add3A = vector.broadcast %mul3A_16 : i32 to vector<2048x1xi32>
    %add3A_17 = arith.addi %add3A, %iota3A : vector<2048x1xi32>
    %lt3A = arith.constant 40000 : i32
    %lt3A_18 = vector.broadcast %lt3A : i32 to vector<2048x1xi32>
    %lt3A_19 = arith.cmpi slt, %add3A_17, %lt3A_18 : vector<2048x1xi32>
    %get3A_20 = arith.constant 0 : index
    %get3A_21 = arith.constant 0 : index
    %get3A_22 = vector.load %arg4[%get3A_20, %get3A_21] : memref<1x128xf32, #tpu.memory_space<vmem>>, vector<1x128xf32>
    %add3A_23 = vector.broadcast %get3A_22 : vector<1x128xf32> to vector<2048x128xf32>
    %add3A_24 = arith.addf %max3A_15, %add3A_23 : vector<2048x128xf32>
    %jit3A = arith.constant 0.000000e+00 : f32
    %broadcast_in_dim3A = vector.shape_cast %lt3A_19 : vector<2048x1xi1> to vector<2048x1xi1>
    %broadcast_in_dim3A_25 = vector.broadcast %broadcast_in_dim3A : vector<2048x1xi1> to vector<2048x128xi1>
    %broadcast_in_dim3A_26 = vector.broadcast %jit3A : f32 to vector<2048x128xf32>
    %select_n3A = arith.select %broadcast_in_dim3A_25, %add3A_24, %broadcast_in_dim3A_26 : vector<2048x128xi1>, vector<2048x128xf32>
    %swap3A = arith.constant 0 : index
    %swap3A_27 = arith.constant 0 : index
    %swap3A_28 = vector.load %arg5[%swap3A, %swap3A_27] : memref<2048x128xf32, #tpu.memory_space<vmem>>, vector<2048x128xf32>
    tpu.vector_store %arg5[%swap3A, %swap3A_27], %select_n3A {strides = array<i32>} : memref<2048x128xf32, #tpu.memory_space<vmem>>, vector<2048x128xf32>,
    return
  }
  func.func @transform_0(%arg0: i32) -> (i32, i32) {
    %c0_i32 = arith.constant 0 : i32
    %c0_i32_0 = arith.constant 0 : i32
    return %arg0, %c0_i32 : i32, i32
  }
  func.func @transform_1(%arg0: i32) -> (i32, i32) {
    %c0_i32 = arith.constant 0 : i32
    %c0_i32_0 = arith.constant 0 : i32
    %c0_i32_1 = arith.constant 0 : i32
    return %c0_i32, %c0_i32_0 : i32, i32
  }
  func.func @transform_2(%arg0: i32) -> (i32, i32) {
    %c0_i32 = arith.constant 0 : i32
    %c0_i32_0 = arith.constant 0 : i32
    %c0_i32_1 = arith.constant 0 : i32
    return %c0_i32, %c0_i32_0 : i32, i32
  }
  func.func @transform_3(%arg0: i32) -> (i32, i32) {
    %c0_i32 = arith.constant 0 : i32
    %c0_i32_0 = arith.constant 0 : i32
    %c0_i32_1 = arith.constant 0 : i32
    return %c0_i32, %c0_i32_0 : i32, i32
  }
  func.func @transform_4(%arg0: i32) -> (i32, i32) {
    %c0_i32 = arith.constant 0 : i32
    %c0_i32_0 = arith.constant 0 : i32
    return %arg0, %c0_i32 : i32, i32
  }
}

module attributes {stable_mosaic.version = 14 : i64} {
  func.func @_x_body(%arg0: i32, %arg1: memref<256x1024xf32, #tpu.memory_space<vmem>>, %arg2: memref<1024x128xf32, #tpu.memory_space<vmem>>, %arg3: memref<1x128xf32, #tpu.memory_space<vmem>>, %arg4: memref<256x128xf32, #tpu.memory_space<vmem>>, %arg5: memref<256x128xf32, #tpu.memory_space<vmem>>) attributes {dimension_semantics = [#tpu.dimension_semantics<arbitrary>], iteration_bounds = array<i64: 5>, scalar_prefetch = 0 : i64, scratch_operands = 0 : i64, tpu.core_type = #tpu.core_type<tc>, window_params = [{transform_indices = @transform_0, window_bounds = array<i64: 256, 1024>}, {pipeline_mode = #tpu.pipeline_mode<synchronous>, transform_indices = @transform_1, window_bounds = array<i64: 1024, 128>}, {pipeline_mode = #tpu.pipeline_mode<synchronous>, transform_indices = @transform_2, window_bounds = array<i64: 1, 128>}, {transform_indices = @transform_3, window_bounds = array<i64: 256, 128>}, {transform_indices = @transform_4, window_bounds = array<i64: 256, 128>}]} {
    %get3A = arith.constant 0 : index
    %get3A_0 = arith.constant 0 : index
    %get3A_1 = vector.load %arg1[%get3A, %get3A_0] : memref<256x1024xf32, #tpu.memory_space<vmem>>, vector<256x1024xf32>
    %get3A_2 = arith.constant 0 : index
    %get3A_3 = arith.constant 0 : index
    %get3A_4 = vector.load %arg2[%get3A_2, %get3A_3] : memref<1024x128xf32, #tpu.memory_space<vmem>>, vector<1024x128xf32>
    %dot_general3A = arith.constant dense<0.000000e+00> : vector<256x128xf32>
    %dot_general3A_5 = tpu.matmul %get3A_1, %get3A_4, %dot_general3A {dimension_numbers = #tpu.dot_dimension_numbers<[1], [0], [0], [1], [0, 0, 1, 1], [], []>, transpose_lhs_hint = false} : vector<256x1024xf32>, vector<1024x128xf32>, vector<256x128xf32> -> vector<256x128xf32>
    %get3A_6 = arith.constant 0 : index
    %get3A_7 = arith.constant 0 : index
    %get3A_8 = vector.load %arg3[%get3A_6, %get3A_7] : memref<1x128xf32, #tpu.memory_space<vmem>>, vector<1x128xf32>
    %add3A = vector.broadcast %get3A_8 : vector<1x128xf32> to vector<256x128xf32>
    %add3A_9 = arith.addf %dot_general3A_5, %add3A : vector<256x128xf32>
    %mul3A = arith.constant 256 : i32
    %mul3A_10 = arith.muli %arg0, %mul3A : i32
    %iota3A = tpu.iota {dimensions = array<i32: 0>} : vector<256x1xi32>
    %add3A_11 = vector.broadcast %mul3A_10 : i32 to vector<256x1xi32>
    %add3A_12 = arith.addi %add3A_11, %iota3A : vector<256x1xi32>
    %lt3A = arith.constant 1250 : i32
    %lt3A_13 = vector.broadcast %lt3A : i32 to vector<256x1xi32>
    %lt3A_14 = arith.cmpi slt, %add3A_12, %lt3A_13 : vector<256x1xi32>
    %jit3A = arith.constant 0.000000e+00 : f32
    %broadcast_in_dim3A = vector.shape_cast %lt3A_14 : vector<256x1xi1> to vector<256x1xi1>
    %broadcast_in_dim3A_15 = vector.broadcast %broadcast_in_dim3A : vector<256x1xi1> to vector<256x128xi1>
    %broadcast_in_dim3A_16 = vector.broadcast %jit3A : f32 to vector<256x128xf32>
    %select_n3A = arith.select %broadcast_in_dim3A_15, %add3A_9, %broadcast_in_dim3A_16 : vector<256x128xi1>, vector<256x128xf32>
    %swap3A = arith.constant 0 : index
    %swap3A_17 = arith.constant 0 : index
    %swap3A_18 = vector.load %arg4[%swap3A, %swap3A_17] : memref<256x128xf32, #tpu.memory_space<vmem>>, vector<256x128xf32>
    tpu.vector_store %arg4[%swap3A, %swap3A_17], %select_n3A {strides = array<i32>} : memref<256x128xf32, #tpu.memory_space<vmem>>, vector<256x128xf32>,
    %max3A = arith.constant 0.000000e+00 : f32
    %max3A_19 = vector.broadcast %max3A : f32 to vector<256x128xf32>
    %max3A_20 = arith.maximumf %select_n3A, %max3A_19 : vector<256x128xf32>
    %swap3A_21 = arith.constant 0 : index
    %swap3A_22 = arith.constant 0 : index
    %swap3A_23 = vector.load %arg5[%swap3A_21, %swap3A_22] : memref<256x128xf32, #tpu.memory_space<vmem>>, vector<256x128xf32>
    tpu.vector_store %arg5[%swap3A_21, %swap3A_22], %max3A_20 {strides = array<i32>} : memref<256x128xf32, #tpu.memory_space<vmem>>, vector<256x128xf32>,
    return
  }
  func.func @transform_0(%arg0: i32) -> (i32, i32) {
    %c0_i32 = arith.constant 0 : i32
    %c0_i32_0 = arith.constant 0 : i32
    return %arg0, %c0_i32 : i32, i32
  }
  func.func @transform_1(%arg0: i32) -> (i32, i32) {
    %c0_i32 = arith.constant 0 : i32
    %c0_i32_0 = arith.constant 0 : i32
    %c0_i32_1 = arith.constant 0 : i32
    return %c0_i32, %c0_i32_0 : i32, i32
  }
  func.func @transform_2(%arg0: i32) -> (i32, i32) {
    %c0_i32 = arith.constant 0 : i32
    %c0_i32_0 = arith.constant 0 : i32
    %c0_i32_1 = arith.constant 0 : i32
    return %c0_i32, %c0_i32_0 : i32, i32
  }
  func.func @transform_3(%arg0: i32) -> (i32, i32) {
    %c0_i32 = arith.constant 0 : i32
    %c0_i32_0 = arith.constant 0 : i32
    return %arg0, %c0_i32 : i32, i32
  }
  func.func @transform_4(%arg0: i32) -> (i32, i32) {
    %c0_i32 = arith.constant 0 : i32
    %c0_i32_0 = arith.constant 0 : i32
    return %arg0, %c0_i32 : i32, i32
  }
}

module attributes {stable_mosaic.version = 14 : i64} {
  func.func @_combine_body(%arg0: i32, %arg1: memref<256x128xf32, #tpu.memory_space<vmem>>, %arg2: memref<256x128xf32, #tpu.memory_space<vmem>>, %arg3: memref<256x128xf32, #tpu.memory_space<vmem>>, %arg4: memref<256x128xf32, #tpu.memory_space<vmem>>, %arg5: memref<256x128xf32, #tpu.memory_space<vmem>>, %arg6: memref<256x128xf32, #tpu.memory_space<vmem>>, %arg7: memref<1x128xf32, #tpu.memory_space<vmem>>, %arg8: memref<1x128xf32, #tpu.memory_space<vmem>>, %arg9: memref<1x128xf32, #tpu.memory_space<vmem>>, %arg10: memref<1x128xf32, #tpu.memory_space<vmem>>, %arg11: memref<128x128xf32, #tpu.memory_space<vmem>>, %arg12: memref<128x128xf32, #tpu.memory_space<vmem>>, %arg13: memref<128x128xf32, #tpu.memory_space<vmem>>, %arg14: memref<256x128xf32, #tpu.memory_space<vmem>>) attributes {dimension_semantics = [#tpu.dimension_semantics<arbitrary>], iteration_bounds = array<i64: 5>, scalar_prefetch = 0 : i64, scratch_operands = 0 : i64, tpu.core_type = #tpu.core_type<tc>, window_params = [{transform_indices = @transform_0, window_bounds = array<i64: 256, 128>}, {transform_indices = @transform_1, window_bounds = array<i64: 256, 128>}, {transform_indices = @transform_2, window_bounds = array<i64: 256, 128>}, {transform_indices = @transform_3, window_bounds = array<i64: 256, 128>}, {transform_indices = @transform_4, window_bounds = array<i64: 256, 128>}, {transform_indices = @transform_5, window_bounds = array<i64: 256, 128>}, {pipeline_mode = #tpu.pipeline_mode<synchronous>, transform_indices = @transform_6, window_bounds = array<i64: 1, 128>}, {pipeline_mode = #tpu.pipeline_mode<synchronous>, transform_indices = @transform_7, window_bounds = array<i64: 1, 128>}, {pipeline_mode = #tpu.pipeline_mode<synchronous>, transform_indices = @transform_8, window_bounds = array<i64: 1, 128>}, {pipeline_mode = #tpu.pipeline_mode<synchronous>, transform_indices = @transform_9, window_bounds = array<i64: 1, 128>}, {pipeline_mode = #tpu.pipeline_mode<synchronous>, transform_indices = @transform_10, window_bounds = array<i64: 128, 128>}, {pipeline_mode = #tpu.pipeline_mode<synchronous>, transform_indices = @transform_11, window_bounds = array<i64: 128, 128>}, {pipeline_mode = #tpu.pipeline_mode<synchronous>, transform_indices = @transform_12, window_bounds = array<i64: 128, 128>}, {transform_indices = @transform_13, window_bounds = array<i64: 256, 128>}]} {
    %get3A = arith.constant 0 : index
    %get3A_0 = arith.constant 0 : index
    %get3A_1 = vector.load %arg1[%get3A, %get3A_0] : memref<256x128xf32, #tpu.memory_space<vmem>>, vector<256x128xf32>
    %get3A_2 = arith.constant 0 : index
    %get3A_3 = arith.constant 0 : index
    %get3A_4 = vector.load %arg2[%get3A_2, %get3A_3] : memref<256x128xf32, #tpu.memory_space<vmem>>, vector<256x128xf32>
    %add3A = arith.addf %get3A_1, %get3A_4 : vector<256x128xf32>
    %get3A_5 = arith.constant 0 : index
    %get3A_6 = arith.constant 0 : index
    %get3A_7 = vector.load %arg3[%get3A_5, %get3A_6] : memref<256x128xf32, #tpu.memory_space<vmem>>, vector<256x128xf32>
    %get3A_8 = arith.constant 0 : index
    %get3A_9 = arith.constant 0 : index
    %get3A_10 = vector.load %arg4[%get3A_8, %get3A_9] : memref<256x128xf32, #tpu.memory_space<vmem>>, vector<256x128xf32>
    %add3A_11 = arith.addf %get3A_7, %get3A_10 : vector<256x128xf32>
    %get3A_12 = arith.constant 0 : index
    %get3A_13 = arith.constant 0 : index
    %get3A_14 = vector.load %arg13[%get3A_12, %get3A_13] : memref<128x128xf32, #tpu.memory_space<vmem>>, vector<128x128xf32>
    %dot_general3A = arith.constant dense<0.000000e+00> : vector<256x128xf32>
    %dot_general3A_15 = tpu.matmul %add3A_11, %get3A_14, %dot_general3A {dimension_numbers = #tpu.dot_dimension_numbers<[1], [0], [0], [1], [0, 0, 1, 1], [], []>, transpose_lhs_hint = false} : vector<256x128xf32>, vector<128x128xf32>, vector<256x128xf32> -> vector<256x128xf32>
    %get3A_16 = arith.constant 0 : index
    %get3A_17 = arith.constant 0 : index
    %get3A_18 = vector.load %arg7[%get3A_16, %get3A_17] : memref<1x128xf32, #tpu.memory_space<vmem>>, vector<1x128xf32>
    %get3A_19 = arith.constant 0 : index
    %get3A_20 = arith.constant 0 : index
    %get3A_21 = vector.load %arg5[%get3A_19, %get3A_20] : memref<256x128xf32, #tpu.memory_space<vmem>>, vector<256x128xf32>
    %mul3A = vector.broadcast %get3A_18 : vector<1x128xf32> to vector<256x128xf32>
    %mul3A_22 = arith.mulf %mul3A, %get3A_21 : vector<256x128xf32>
    %mul3A_23 = arith.mulf %mul3A_22, %dot_general3A_15 : vector<256x128xf32>
    %get3A_24 = arith.constant 0 : index
    %get3A_25 = arith.constant 0 : index
    %get3A_26 = vector.load %arg8[%get3A_24, %get3A_25] : memref<1x128xf32, #tpu.memory_space<vmem>>, vector<1x128xf32>
    %mul3A_27 = vector.broadcast %get3A_26 : vector<1x128xf32> to vector<256x128xf32>
    %mul3A_28 = arith.mulf %mul3A_27, %add3A : vector<256x128xf32>
    %add3A_29 = arith.addf %mul3A_23, %mul3A_28 : vector<256x128xf32>
    %get3A_30 = arith.constant 0 : index
    %get3A_31 = arith.constant 0 : index
    %get3A_32 = vector.load %arg9[%get3A_30, %get3A_31] : memref<1x128xf32, #tpu.memory_space<vmem>>, vector<1x128xf32>
    %mul3A_33 = vector.broadcast %get3A_32 : vector<1x128xf32> to vector<256x128xf32>
    %mul3A_34 = arith.mulf %mul3A_33, %add3A_11 : vector<256x128xf32>
    %add3A_35 = arith.addf %add3A_29, %mul3A_34 : vector<256x128xf32>
    %get3A_36 = arith.constant 0 : index
    %get3A_37 = arith.constant 0 : index
    %get3A_38 = vector.load %arg10[%get3A_36, %get3A_37] : memref<1x128xf32, #tpu.memory_space<vmem>>, vector<1x128xf32>
    %mul3A_39 = vector.broadcast %get3A_38 : vector<1x128xf32> to vector<256x128xf32>
    %mul3A_40 = arith.mulf %add3A_35, %mul3A_39 : vector<256x128xf32>
    %get3A_41 = arith.constant 0 : index
    %get3A_42 = arith.constant 0 : index
    %get3A_43 = vector.load %arg6[%get3A_41, %get3A_42] : memref<256x128xf32, #tpu.memory_space<vmem>>, vector<256x128xf32>
    %get3A_44 = arith.constant 0 : index
    %get3A_45 = arith.constant 0 : index
    %get3A_46 = vector.load %arg11[%get3A_44, %get3A_45] : memref<128x128xf32, #tpu.memory_space<vmem>>, vector<128x128xf32>
    %dot_general3A_47 = arith.constant dense<0.000000e+00> : vector<256x128xf32>
    %dot_general3A_48 = tpu.matmul %get3A_43, %get3A_46, %dot_general3A_47 {dimension_numbers = #tpu.dot_dimension_numbers<[1], [0], [0], [1], [0, 0, 1, 1], [], []>, transpose_lhs_hint = false} : vector<256x128xf32>, vector<128x128xf32>, vector<256x128xf32> -> vector<256x128xf32>
    %get3A_49 = arith.constant 0 : index
    %get3A_50 = arith.constant 0 : index
    %get3A_51 = vector.load %arg12[%get3A_49, %get3A_50] : memref<128x128xf32, #tpu.memory_space<vmem>>, vector<128x128xf32>
    %dot_general3A_52 = arith.constant dense<0.000000e+00> : vector<256x128xf32>
    %dot_general3A_53 = tpu.matmul %mul3A_40, %get3A_51, %dot_general3A_52 {dimension_numbers = #tpu.dot_dimension_numbers<[1], [0], [0], [1], [0, 0, 1, 1], [], []>, transpose_lhs_hint = false} : vector<256x128xf32>, vector<128x128xf32>, vector<256x128xf32> -> vector<256x128xf32>
    %add3A_54 = arith.addf %dot_general3A_48, %dot_general3A_53 : vector<256x128xf32>
    %max3A = arith.constant 0.000000e+00 : f32
    %max3A_55 = vector.broadcast %max3A : f32 to vector<256x128xf32>
    %max3A_56 = arith.maximumf %add3A_54, %max3A_55 : vector<256x128xf32>
    %swap3A = arith.constant 0 : index
    %swap3A_57 = arith.constant 0 : index
    %swap3A_58 = vector.load %arg14[%swap3A, %swap3A_57] : memref<256x128xf32, #tpu.memory_space<vmem>>, vector<256x128xf32>
    tpu.vector_store %arg14[%swap3A, %swap3A_57], %max3A_56 {strides = array<i32>} : memref<256x128xf32, #tpu.memory_space<vmem>>, vector<256x128xf32>,
    return
  }
  func.func @transform_0(%arg0: i32) -> (i32, i32) {
    %c0_i32 = arith.constant 0 : i32
    %c0_i32_0 = arith.constant 0 : i32
    return %arg0, %c0_i32 : i32, i32
  }
  func.func @transform_1(%arg0: i32) -> (i32, i32) {
    %add3A = arith.constant 5 : i32
    %add3A_0 = arith.addi %arg0, %add3A : i32
    %c0_i32 = arith.constant 0 : i32
    %c0_i32_1 = arith.constant 0 : i32
    return %add3A_0, %c0_i32 : i32, i32
  }
  func.func @transform_2(%arg0: i32) -> (i32, i32) {
    %c0_i32 = arith.constant 0 : i32
    %c0_i32_0 = arith.constant 0 : i32
    return %arg0, %c0_i32 : i32, i32
  }
  func.func @transform_3(%arg0: i32) -> (i32, i32) {
    %add3A = arith.constant 5 : i32
    %add3A_0 = arith.addi %arg0, %add3A : i32
    %c0_i32 = arith.constant 0 : i32
    %c0_i32_1 = arith.constant 0 : i32
    return %add3A_0, %c0_i32 : i32, i32
  }
  func.func @transform_4(%arg0: i32) -> (i32, i32) {
    %c0_i32 = arith.constant 0 : i32
    %c0_i32_0 = arith.constant 0 : i32
    return %arg0, %c0_i32 : i32, i32
  }
  func.func @transform_5(%arg0: i32) -> (i32, i32) {
    %c0_i32 = arith.constant 0 : i32
    %c0_i32_0 = arith.constant 0 : i32
    return %arg0, %c0_i32 : i32, i32
  }
  func.func @transform_6(%arg0: i32) -> (i32, i32) {
    %c0_i32 = arith.constant 0 : i32
    %c0_i32_0 = arith.constant 0 : i32
    %c0_i32_1 = arith.constant 0 : i32
    return %c0_i32, %c0_i32_0 : i32, i32
  }
  func.func @transform_7(%arg0: i32) -> (i32, i32) {
    %c0_i32 = arith.constant 0 : i32
    %c0_i32_0 = arith.constant 0 : i32
    %c0_i32_1 = arith.constant 0 : i32
    return %c0_i32, %c0_i32_0 : i32, i32
  }
  func.func @transform_8(%arg0: i32) -> (i32, i32) {
    %c0_i32 = arith.constant 0 : i32
    %c0_i32_0 = arith.constant 0 : i32
    %c0_i32_1 = arith.constant 0 : i32
    return %c0_i32, %c0_i32_0 : i32, i32
  }
  func.func @transform_9(%arg0: i32) -> (i32, i32) {
    %c0_i32 = arith.constant 0 : i32
    %c0_i32_0 = arith.constant 0 : i32
    %c0_i32_1 = arith.constant 0 : i32
    return %c0_i32, %c0_i32_0 : i32, i32
  }
  func.func @transform_10(%arg0: i32) -> (i32, i32) {
    %c0_i32 = arith.constant 0 : i32
    %c0_i32_0 = arith.constant 0 : i32
    %c0_i32_1 = arith.constant 0 : i32
    return %c0_i32, %c0_i32_0 : i32, i32
  }
  func.func @transform_11(%arg0: i32) -> (i32, i32) {
    %c0_i32 = arith.constant 0 : i32
    %c0_i32_0 = arith.constant 0 : i32
    %c0_i32_1 = arith.constant 0 : i32
    return %c0_i32, %c0_i32_0 : i32, i32
  }
  func.func @transform_12(%arg0: i32) -> (i32, i32) {
    %c0_i32 = arith.constant 0 : i32
    %c0_i32_0 = arith.constant 0 : i32
    %c0_i32_1 = arith.constant 0 : i32
    return %c0_i32, %c0_i32_0 : i32, i32
  }
  func.func @transform_13(%arg0: i32) -> (i32, i32) {
    %c0_i32 = arith.constant 0 : i32
    %c0_i32_0 = arith.constant 0 : i32
    return %arg0, %c0_i32 : i32, i32
  }
}

module attributes {stable_mosaic.version = 14 : i64} {
  func.func @_final_body(%arg0: i32, %arg1: memref<256x128xf32, #tpu.memory_space<vmem>>, %arg2: memref<256x128xf32, #tpu.memory_space<vmem>>, %arg3: memref<256x128xf32, #tpu.memory_space<vmem>>, %arg4: memref<256x128xf32, #tpu.memory_space<vmem>>, %arg5: memref<256x128xf32, #tpu.memory_space<vmem>>, %arg6: memref<256x128xf32, #tpu.memory_space<vmem>>, %arg7: memref<1x128xf32, #tpu.memory_space<vmem>>, %arg8: memref<1x128xf32, #tpu.memory_space<vmem>>, %arg9: memref<1x128xf32, #tpu.memory_space<vmem>>, %arg10: memref<1x128xf32, #tpu.memory_space<vmem>>, %arg11: memref<128x128xf32, #tpu.memory_space<vmem>>, %arg12: memref<128x128xf32, #tpu.memory_space<vmem>>, %arg13: memref<128x128xf32, #tpu.memory_space<vmem>>, %arg14: memref<128x8xf32, #tpu.memory_space<vmem>>, %arg15: memref<128x8xf32, #tpu.memory_space<vmem>>, %arg16: memref<256x8xf32, #tpu.memory_space<vmem>>) attributes {dimension_semantics = [#tpu.dimension_semantics<arbitrary>], iteration_bounds = array<i64: 5>, scalar_prefetch = 0 : i64, scratch_operands = 0 : i64, tpu.core_type = #tpu.core_type<tc>, window_params = [{transform_indices = @transform_0, window_bounds = array<i64: 256, 128>}, {transform_indices = @transform_1, window_bounds = array<i64: 256, 128>}, {transform_indices = @transform_2, window_bounds = array<i64: 256, 128>}, {transform_indices = @transform_3, window_bounds = array<i64: 256, 128>}, {transform_indices = @transform_4, window_bounds = array<i64: 256, 128>}, {transform_indices = @transform_5, window_bounds = array<i64: 256, 128>}, {pipeline_mode = #tpu.pipeline_mode<synchronous>, transform_indices = @transform_6, window_bounds = array<i64: 1, 128>}, {pipeline_mode = #tpu.pipeline_mode<synchronous>, transform_indices = @transform_7, window_bounds = array<i64: 1, 128>}, {pipeline_mode = #tpu.pipeline_mode<synchronous>, transform_indices = @transform_8, window_bounds = array<i64: 1, 128>}, {pipeline_mode = #tpu.pipeline_mode<synchronous>, transform_indices = @transform_9, window_bounds = array<i64: 1, 128>}, {pipeline_mode = #tpu.pipeline_mode<synchronous>, transform_indices = @transform_10, window_bounds = array<i64: 128, 128>}, {pipeline_mode = #tpu.pipeline_mode<synchronous>, transform_indices = @transform_11, window_bounds = array<i64: 128, 128>}, {pipeline_mode = #tpu.pipeline_mode<synchronous>, transform_indices = @transform_12, window_bounds = array<i64: 128, 128>}, {pipeline_mode = #tpu.pipeline_mode<synchronous>, transform_indices = @transform_13, window_bounds = array<i64: 128, 8>}, {pipeline_mode = #tpu.pipeline_mode<synchronous>, transform_indices = @transform_14, window_bounds = array<i64: 128, 8>}, {transform_indices = @transform_15, window_bounds = array<i64: 256, 8>}]} {
    %get3A = arith.constant 0 : index
    %get3A_0 = arith.constant 0 : index
    %get3A_1 = vector.load %arg1[%get3A, %get3A_0] : memref<256x128xf32, #tpu.memory_space<vmem>>, vector<256x128xf32>
    %get3A_2 = arith.constant 0 : index
    %get3A_3 = arith.constant 0 : index
    %get3A_4 = vector.load %arg2[%get3A_2, %get3A_3] : memref<256x128xf32, #tpu.memory_space<vmem>>, vector<256x128xf32>
    %add3A = arith.addf %get3A_1, %get3A_4 : vector<256x128xf32>
    %get3A_5 = arith.constant 0 : index
    %get3A_6 = arith.constant 0 : index
    %get3A_7 = vector.load %arg3[%get3A_5, %get3A_6] : memref<256x128xf32, #tpu.memory_space<vmem>>, vector<256x128xf32>
    %get3A_8 = arith.constant 0 : index
    %get3A_9 = arith.constant 0 : index
    %get3A_10 = vector.load %arg4[%get3A_8, %get3A_9] : memref<256x128xf32, #tpu.memory_space<vmem>>, vector<256x128xf32>
    %add3A_11 = arith.addf %get3A_7, %get3A_10 : vector<256x128xf32>
    %get3A_12 = arith.constant 0 : index
    %get3A_13 = arith.constant 0 : index
    %get3A_14 = vector.load %arg13[%get3A_12, %get3A_13] : memref<128x128xf32, #tpu.memory_space<vmem>>, vector<128x128xf32>
    %dot_general3A = arith.constant dense<0.000000e+00> : vector<256x128xf32>
    %dot_general3A_15 = tpu.matmul %add3A_11, %get3A_14, %dot_general3A {dimension_numbers = #tpu.dot_dimension_numbers<[1], [0], [0], [1], [0, 0, 1, 1], [], []>, transpose_lhs_hint = false} : vector<256x128xf32>, vector<128x128xf32>, vector<256x128xf32> -> vector<256x128xf32>
    %get3A_16 = arith.constant 0 : index
    %get3A_17 = arith.constant 0 : index
    %get3A_18 = vector.load %arg7[%get3A_16, %get3A_17] : memref<1x128xf32, #tpu.memory_space<vmem>>, vector<1x128xf32>
    %get3A_19 = arith.constant 0 : index
    %get3A_20 = arith.constant 0 : index
    %get3A_21 = vector.load %arg5[%get3A_19, %get3A_20] : memref<256x128xf32, #tpu.memory_space<vmem>>, vector<256x128xf32>
    %mul3A = vector.broadcast %get3A_18 : vector<1x128xf32> to vector<256x128xf32>
    %mul3A_22 = arith.mulf %mul3A, %get3A_21 : vector<256x128xf32>
    %mul3A_23 = arith.mulf %mul3A_22, %dot_general3A_15 : vector<256x128xf32>
    %get3A_24 = arith.constant 0 : index
    %get3A_25 = arith.constant 0 : index
    %get3A_26 = vector.load %arg8[%get3A_24, %get3A_25] : memref<1x128xf32, #tpu.memory_space<vmem>>, vector<1x128xf32>
    %mul3A_27 = vector.broadcast %get3A_26 : vector<1x128xf32> to vector<256x128xf32>
    %mul3A_28 = arith.mulf %mul3A_27, %add3A : vector<256x128xf32>
    %add3A_29 = arith.addf %mul3A_23, %mul3A_28 : vector<256x128xf32>
    %get3A_30 = arith.constant 0 : index
    %get3A_31 = arith.constant 0 : index
    %get3A_32 = vector.load %arg9[%get3A_30, %get3A_31] : memref<1x128xf32, #tpu.memory_space<vmem>>, vector<1x128xf32>
    %mul3A_33 = vector.broadcast %get3A_32 : vector<1x128xf32> to vector<256x128xf32>
    %mul3A_34 = arith.mulf %mul3A_33, %add3A_11 : vector<256x128xf32>
    %add3A_35 = arith.addf %add3A_29, %mul3A_34 : vector<256x128xf32>
    %get3A_36 = arith.constant 0 : index
    %get3A_37 = arith.constant 0 : index
    %get3A_38 = vector.load %arg10[%get3A_36, %get3A_37] : memref<1x128xf32, #tpu.memory_space<vmem>>, vector<1x128xf32>
    %mul3A_39 = vector.broadcast %get3A_38 : vector<1x128xf32> to vector<256x128xf32>
    %mul3A_40 = arith.mulf %add3A_35, %mul3A_39 : vector<256x128xf32>
    %get3A_41 = arith.constant 0 : index
    %get3A_42 = arith.constant 0 : index
    %get3A_43 = vector.load %arg6[%get3A_41, %get3A_42] : memref<256x128xf32, #tpu.memory_space<vmem>>, vector<256x128xf32>
    %get3A_44 = arith.constant 0 : index
    %get3A_45 = arith.constant 0 : index
    %get3A_46 = vector.load %arg11[%get3A_44, %get3A_45] : memref<128x128xf32, #tpu.memory_space<vmem>>, vector<128x128xf32>
    %dot_general3A_47 = arith.constant dense<0.000000e+00> : vector<256x128xf32>
    %dot_general3A_48 = tpu.matmul %get3A_43, %get3A_46, %dot_general3A_47 {dimension_numbers = #tpu.dot_dimension_numbers<[1], [0], [0], [1], [0, 0, 1, 1], [], []>, transpose_lhs_hint = false} : vector<256x128xf32>, vector<128x128xf32>, vector<256x128xf32> -> vector<256x128xf32>
    %get3A_49 = arith.constant 0 : index
    %get3A_50 = arith.constant 0 : index
    %get3A_51 = vector.load %arg12[%get3A_49, %get3A_50] : memref<128x128xf32, #tpu.memory_space<vmem>>, vector<128x128xf32>
    %dot_general3A_52 = arith.constant dense<0.000000e+00> : vector<256x128xf32>
    %dot_general3A_53 = tpu.matmul %mul3A_40, %get3A_51, %dot_general3A_52 {dimension_numbers = #tpu.dot_dimension_numbers<[1], [0], [0], [1], [0, 0, 1, 1], [], []>, transpose_lhs_hint = false} : vector<256x128xf32>, vector<128x128xf32>, vector<256x128xf32> -> vector<256x128xf32>
    %add3A_54 = arith.addf %dot_general3A_48, %dot_general3A_53 : vector<256x128xf32>
    %max3A = arith.constant 0.000000e+00 : f32
    %max3A_55 = vector.broadcast %max3A : f32 to vector<256x128xf32>
    %max3A_56 = arith.maximumf %add3A_54, %max3A_55 : vector<256x128xf32>
    %get3A_57 = arith.constant 0 : index
    %get3A_58 = arith.constant 0 : index
    %get3A_59 = vector.load %arg6[%get3A_57, %get3A_58] : memref<256x128xf32, #tpu.memory_space<vmem>>, vector<256x128xf32>
    %get3A_60 = arith.constant 0 : index
    %get3A_61 = arith.constant 0 : index
    %get3A_62 = vector.load %arg14[%get3A_60, %get3A_61] : memref<128x8xf32, #tpu.memory_space<vmem>>, vector<128x8xf32>
    %dot_general3A_63 = arith.constant dense<0.000000e+00> : vector<256x8xf32>
    %dot_general3A_64 = tpu.matmul %get3A_59, %get3A_62, %dot_general3A_63 {dimension_numbers = #tpu.dot_dimension_numbers<[1], [0], [0], [1], [0, 0, 1, 1], [], []>, transpose_lhs_hint = false} : vector<256x128xf32>, vector<128x8xf32>, vector<256x8xf32> -> vector<256x8xf32>
    %get3A_65 = arith.constant 0 : index
    %get3A_66 = arith.constant 0 : index
    %get3A_67 = vector.load %arg15[%get3A_65, %get3A_66] : memref<128x8xf32, #tpu.memory_space<vmem>>, vector<128x8xf32>
    %dot_general3A_68 = arith.constant dense<0.000000e+00> : vector<256x8xf32>
    %dot_general3A_69 = tpu.matmul %max3A_56, %get3A_67, %dot_general3A_68 {dimension_numbers = #tpu.dot_dimension_numbers<[1], [0], [0], [1], [0, 0, 1, 1], [], []>, transpose_lhs_hint = false} : vector<256x128xf32>, vector<128x8xf32>, vector<256x8xf32> -> vector<256x8xf32>
    %add3A_70 = arith.addf %dot_general3A_64, %dot_general3A_69 : vector<256x8xf32>
    %swap3A = arith.constant 0 : index
    %swap3A_71 = arith.constant 0 : index
    %swap3A_72 = vector.load %arg16[%swap3A, %swap3A_71] : memref<256x8xf32, #tpu.memory_space<vmem>>, vector<256x8xf32>
    tpu.vector_store %arg16[%swap3A, %swap3A_71], %add3A_70 {strides = array<i32>} : memref<256x8xf32, #tpu.memory_space<vmem>>, vector<256x8xf32>,
    return
  }
  func.func @transform_0(%arg0: i32) -> (i32, i32) {
    %c0_i32 = arith.constant 0 : i32
    %c0_i32_0 = arith.constant 0 : i32
    return %arg0, %c0_i32 : i32, i32
  }
  func.func @transform_1(%arg0: i32) -> (i32, i32) {
    %add3A = arith.constant 5 : i32
    %add3A_0 = arith.addi %arg0, %add3A : i32
    %c0_i32 = arith.constant 0 : i32
    %c0_i32_1 = arith.constant 0 : i32
    return %add3A_0, %c0_i32 : i32, i32
  }
  func.func @transform_2(%arg0: i32) -> (i32, i32) {
    %c0_i32 = arith.constant 0 : i32
    %c0_i32_0 = arith.constant 0 : i32
    return %arg0, %c0_i32 : i32, i32
  }
  func.func @transform_3(%arg0: i32) -> (i32, i32) {
    %add3A = arith.constant 5 : i32
    %add3A_0 = arith.addi %arg0, %add3A : i32
    %c0_i32 = arith.constant 0 : i32
    %c0_i32_1 = arith.constant 0 : i32
    return %add3A_0, %c0_i32 : i32, i32
  }
  func.func @transform_4(%arg0: i32) -> (i32, i32) {
    %c0_i32 = arith.constant 0 : i32
    %c0_i32_0 = arith.constant 0 : i32
    return %arg0, %c0_i32 : i32, i32
  }
  func.func @transform_5(%arg0: i32) -> (i32, i32) {
    %c0_i32 = arith.constant 0 : i32
    %c0_i32_0 = arith.constant 0 : i32
    return %arg0, %c0_i32 : i32, i32
  }
  func.func @transform_6(%arg0: i32) -> (i32, i32) {
    %c0_i32 = arith.constant 0 : i32
    %c0_i32_0 = arith.constant 0 : i32
    %c0_i32_1 = arith.constant 0 : i32
    return %c0_i32, %c0_i32_0 : i32, i32
  }
  func.func @transform_7(%arg0: i32) -> (i32, i32) {
    %c0_i32 = arith.constant 0 : i32
    %c0_i32_0 = arith.constant 0 : i32
    %c0_i32_1 = arith.constant 0 : i32
    return %c0_i32, %c0_i32_0 : i32, i32
  }
  func.func @transform_8(%arg0: i32) -> (i32, i32) {
    %c0_i32 = arith.constant 0 : i32
    %c0_i32_0 = arith.constant 0 : i32
    %c0_i32_1 = arith.constant 0 : i32
    return %c0_i32, %c0_i32_0 : i32, i32
  }
  func.func @transform_9(%arg0: i32) -> (i32, i32) {
    %c0_i32 = arith.constant 0 : i32
    %c0_i32_0 = arith.constant 0 : i32
    %c0_i32_1 = arith.constant 0 : i32
    return %c0_i32, %c0_i32_0 : i32, i32
  }
  func.func @transform_10(%arg0: i32) -> (i32, i32) {
    %c0_i32 = arith.constant 0 : i32
    %c0_i32_0 = arith.constant 0 : i32
    %c0_i32_1 = arith.constant 0 : i32
    return %c0_i32, %c0_i32_0 : i32, i32
  }
  func.func @transform_11(%arg0: i32) -> (i32, i32) {
    %c0_i32 = arith.constant 0 : i32
    %c0_i32_0 = arith.constant 0 : i32
    %c0_i32_1 = arith.constant 0 : i32
    return %c0_i32, %c0_i32_0 : i32, i32
  }
  func.func @transform_12(%arg0: i32) -> (i32, i32) {
    %c0_i32 = arith.constant 0 : i32
    %c0_i32_0 = arith.constant 0 : i32
    %c0_i32_1 = arith.constant 0 : i32
    return %c0_i32, %c0_i32_0 : i32, i32
  }
  func.func @transform_13(%arg0: i32) -> (i32, i32) {
    %c0_i32 = arith.constant 0 : i32
    %c0_i32_0 = arith.constant 0 : i32
    %c0_i32_1 = arith.constant 0 : i32
    return %c0_i32, %c0_i32_0 : i32, i32
  }
  func.func @transform_14(%arg0: i32) -> (i32, i32) {
    %c0_i32 = arith.constant 0 : i32
    %c0_i32_0 = arith.constant 0 : i32
    %c0_i32_1 = arith.constant 0 : i32
    return %c0_i32, %c0_i32_0 : i32, i32
  }
  func.func @transform_15(%arg0: i32) -> (i32, i32) {
    %c0_i32 = arith.constant 0 : i32
    %c0_i32_0 = arith.constant 0 : i32
    return %arg0, %c0_i32 : i32, i32
  }
}

</mosaic_0001>

<sc_bundles>
// kernel: kernel.12.cloned.1.call-start
scs
__scs_entry_jumppad:
0x0: {  	(pc) =	sbr.rel $0x88, $3  }
0x1: {  	(tag) =	ssettag $0x0;
	lr =	simm.s32 $0x1  }
0x2: {  	[smem:$0x3F96] =	sst lr;
	_ =	strace $0xD0000000  }
0x3: {  	_ = 	snop  }
0x4: {  	_ = 	snop  }
0x5: {  	_ = 	snop  }
0x6: {  	_ = 	snop  }
0x7: {  	_ = 	snop  }
__scs_overlays_trampoline_lowered:
0x8: {  	[smem:$0x3FA5] =	sst s0  }
0x9: {  	[smem:$0x3FA6] =	sst s1  }
0xa: {  	[smem:$0x3FA7] =	sst s2  }
0xb: {  	[smem:$0x3FA8] =	sst s3  }
0xc: {  	[smem:$0x3FA9] =	sst s4  }
0xd: {  	[smem:$0x3FAA] =	sst s5  }
0xe: {  	[smem:$0x3FAB] =	sst s6  }
0xf: {  	[smem:$0x3FAC] =	sst s7  }
0x10: {  	[smem:$0x3FAD] =	sst s8  }
0x11: {  	[smem:$0x3FAE] =	sst s9;
	s0 =	simm.s32 @!p0 $0x0  }
0x12: {  	s1 =	sld [smem:$0x3F94];
	s0 =	simm.s32 @p0 $0x1  }
0x13: {  	[smem:$0x3FAF] =	sst s0;
	s0 =	simm.s32 @!p1 $0x0  }
0x14: {  	s2 =	sld [smem:$0x3F93];
	s0 =	simm.s32 @p1 $0x1  }
0x15: {  	[smem:$0x3FB0] =	sst s0;
	s0 =	simm.s32 @!p2 $0x0  }
0x16: {  	s3 =	sld [smem:$0x3FDB];
	s0 =	simm.s32 @p2 $0x1  }
0x17: {  	s4 =	simm.s32 $0x1BF5;
	[smem:$0x3FB2] =	sst s0  }
0x18: {  	s0 =	sld [smem:$0x3F95];
	_ =	swait.ge [sflag:s4], $0x0  }
0x19: {  	s7 =	sld [smem:$0x3F96]  }
0x1a: {  	s8 =	sadd.s32 $0xFFFFE003, lr  }
0x1b: {  	s9 =	sadd.s32 $0xFFFFFEF7, lr;
	s5 =	simm.s32 $0xFFFFFFFF;
	p2 =	slt.u32 s8, $0xFFFFF086  }
0x1c: {  	p1 =	slt.u32 s9, $0xF7A;
	s5 =	simm.s32 @!p2 $0x0  }
0x1d: {  	s5 =	simm.s32 @p1 $0x1;
	p0 =	seq.s32 s7, s2  }
0x1e: {  	s7 =	smul.u32 @!p0 $0xF7A, s2;
	p2 =	seq.s32 @!p0 s5, $0x0  }
0x1f: {  	s9 =	smul.u32 $0xF7A, s1;
	s8 =	simm.s32 @!p0 $0x1BF5;
	p2 =	por !p2, p0  }
0x20: {  	[sflag:s8] =	ssyncset.s32 @!p0 $0xFFFFF086;
	s6 =	sadd.s32 @!p0 s3, s7;
	s7 =	simm.s32 @!p0 $0x108  }
0x21: {  	s3 =	sadd.s32 s3, s9;
	s6 =	sadd.s32 @!p0 $0x88, s6;
	s7 =	simm.s32 @p2 $0x1082  }
0x22: {  	[simem:s7], [sflag:s8] =	dma.local @!p0 [hbm:s6], $0xF7A  }
0x23: {  	s9 =	sor.u32 $0xD0000000, s2;
	s6 =	simm.s32 $0x108;
	_ =	swait.ge @!p0 [sflag:s8], $0x0  }
0x24: {  	s3 =	sadd.s32 $0x88, s3;
	s6 =	simm.s32 @!p1 $0x1082;
	[sflag:s4] =	ssyncset.s32 $0xFFFFF086  }
0x25: {  	[simem:s6], [sflag:s4] =	dma.local [hbm:s3], $0xF7A  }
0x26: {  	[smem:$0x3F96] =	sst s1;
	(tag) =	ssettag s2;
	_ =	strace s9  }
0x27: {  	s1 =	sld [smem:$0x3FA6]  }
0x28: {  	s2 =	sld [smem:$0x3FA7]  }
0x29: {  	s4 =	sld [smem:$0x3FA9]  }
0x2a: {  	p0 =	seq.s32 s5, $0x0;
	s5 =	sld [smem:$0x3FAA]  }
0x2b: {  	s6 =	sld [smem:$0x3FAB]  }
0x2c: {  	s7 =	sld [smem:$0x3FAC]  }
0x2d: {  	s3 =	simm.s32 $0x108;
	s8 =	sld [smem:$0x3FAD]  }
0x2e: {  	s3 =	simm.s32 @!p0 $0x1082;
	s9 =	sld [smem:$0x3FAE]  }
0x2f: {  	lr =	sadd.s32 s0, s3;
	s0 =	sld [smem:$0x3FA5]  }
0x30: {  	s3 =	sld [smem:$0x3FA8]  }
0x31: {  	[smem:$0x3FB1] =	sst s10  }
0x32: {  	s10 =	sld [smem:$0x3FAF];
	_ =	sdelay $0x3  }
0x33: {  	p0 =	seq.s32 s10, $0x1;
	s10 =	sld [smem:$0x3FB1];
	_ =	sdelay $0x3  }
0x34: {  	[smem:$0x3FB1] =	sst s10  }
0x35: {  	s10 =	sld [smem:$0x3FB0];
	_ =	sdelay $0x3  }
0x36: {  	p1 =	seq.s32 s10, $0x1;
	s10 =	sld [smem:$0x3FB1];
	_ =	sdelay $0x3  }
0x37: {  	[smem:$0x3FB1] =	sst s10  }
0x38: {  	s10 =	sld [smem:$0x3FB2]  }
0x39: {  	_ = 	snop;
	(pc) =	sbr.ind lr, $3  }
0x3a: {  	_ = 	snop  }
0x3b: {  	_ = 	snop  }
0x3c: {  	p2 =	seq.s32 s10, $0x1;
	s10 =	sld [smem:$0x3FB1]  }
0x3d: {  	_ =	shalt  }
0x3e: {  	_ =	shalt  }
0x3f: {  	_ =	shalt  }
0x40: {  	_ =	shalt  }
0x41: {  	_ =	shalt  }
0x42: {  	_ =	shalt  }
0x43: {  	_ =	shalt  }
0x44: {  	_ =	shalt  }
0x45: {  	_ =	shalt  }
0x46: {  	_ =	shalt  }
0x47: {  	_ =	shalt  }
0x48: {  	_ =	shalt  }
0x49: {  	_ =	shalt  }
0x4a: {  	_ =	shalt  }
0x4b: {  	_ =	shalt  }
0x4c: {  	_ =	shalt  }
0x4d: {  	_ =	shalt  }
0x4e: {  	_ =	shalt  }
0x4f: {  	_ =	shalt  }
0x50: {  	_ =	shalt  }
0x51: {  	_ =	shalt  }
0x52: {  	_ =	shalt  }
0x53: {  	_ =	shalt  }
0x54: {  	_ =	shalt  }
0x55: {  	_ =	shalt  }
0x56: {  	_ =	shalt  }
0x57: {  	_ =	shalt  }
0x58: {  	_ =	shalt  }
0x59: {  	_ =	shalt  }
0x5a: {  	_ =	shalt  }
0x5b: {  	_ =	shalt  }
0x5c: {  	_ =	shalt  }
0x5d: {  	_ =	shalt  }
0x5e: {  	_ =	shalt  }
0x5f: {  	_ =	shalt  }
0x60: {  	_ =	shalt  }
0x61: {  	_ =	shalt  }
0x62: {  	_ =	shalt  }
0x63: {  	_ =	shalt  }
0x64: {  	_ =	shalt  }
0x65: {  	_ =	shalt  }
0x66: {  	_ =	shalt  }
0x67: {  	_ =	shalt  }
0x68: {  	_ =	shalt  }
0x69: {  	_ =	shalt  }
0x6a: {  	_ =	shalt  }
0x6b: {  	_ =	shalt  }
0x6c: {  	_ =	shalt  }
0x6d: {  	_ =	shalt  }
0x6e: {  	_ =	shalt  }
0x6f: {  	_ =	shalt  }
0x70: {  	_ =	shalt  }
0x71: {  	_ =	shalt  }
0x72: {  	_ =	shalt  }
0x73: {  	_ =	shalt  }
0x74: {  	_ =	shalt  }
0x75: {  	_ =	shalt  }
0x76: {  	_ =	shalt  }
0x77: {  	_ =	shalt  }
0x78: {  	_ =	shalt  }
0x79: {  	_ =	shalt  }
0x7a: {  	_ =	shalt  }
0x7b: {  	_ =	shalt  }
0x7c: {  	_ =	shalt  }
0x7d: {  	_ =	shalt  }
0x7e: {  	_ =	shalt  }
0x7f: {  	_ =	shalt  }
0x80: {  	_ =	shalt  }
0x81: {  	_ =	shalt  }
0x82: {  	_ =	shalt  }
0x83: {  	_ =	shalt  }
0x84: {  	_ =	shalt  }
0x85: {  	_ =	shalt  }
0x86: {  	_ =	shalt  }
0x87: {  	_ =	shalt  }
.Lfunc_end0:
.L_simem_size_0:
called_computation_lowered:
.L_overlay_start_0:
0x88: {  	s2 =	sld [smem:$0x3FD9]  }
0x89: {  	s3 =	sld [smem:$0x3FFE];
	_ =	sdelay $0x1  }
0x8a: {  	s1 =	srdreg.scid  }
0x8b: {  	s0 =	sand.u32 $0x1, s1  }
0x8c: {  	s16 =	sshll.u32 s0, $0xA;
	s2 =	sadd.s32 s3, s2  }
0x8d: {  	s2 =	sadd.s32 s2, s16  }
0x8e: {  	[smem:$0x3FBD] =	sst s2  }
0x8f: {  	_ = 	snop  }
0x90: {  	(tm) =	ssettm $0x1  }
0x91: {  	s17 =	sld [smem:$0x3FFB];
	_ =	sdelay $0x3  }
0x92: {  	_ =	strace s17  }
0x93: {  	s2 =	sld [smem:$0x3FFC];
	_ =	sdelay $0x3  }
0x94: {  	_ =	strace s2  }
0x95: {  	s2 =	sld [smem:$0x3FFD];
	_ =	sdelay $0x3  }
0x96: {  	_ =	strace s2  }
0x97: {  	_ =	strace $0x8FFFFFFF  }
0x98: {  	s18 =	sld [smem:$0x3FDB];
	_ =	sdelay $0x1  }
0x99: {  	s19 =	simm.s32 $_scs_section_size  }
0x9a: {  	s4 =	simm.s32 $_size__tile_overlayer_lowered;
	s5 =	simm.s32 $_tile_overlayer_lowered  }
0x9b: {  	s22 =	simm.s32 $0x1BFF;
	s21 =	sshll.u32 s5, $0x1;
	s2 =	sadd.s32 s19, s18  }
0x9c: {  	s6 =	simm.s32 $0x0;
	s20 =	sshll.u32 s4, $0x1;
	s4 =	sadd.s32 s21, s2  }
0x9d: {  	[timem:s6], [sflag:s22] =	dma.local [hbm:s4], s20  }
0x9e: {  	_ =	swait.ge [sflag:s22], s20  }
0x9f: {  	s3 =	ssub.s32 $0x0, s20;
	[sflag:s22] =	ssyncset.done $0x0  }
0xa0: {  	[sflag:s22] =	ssyncadd.s32 s3;
	_ =	sdelay $0x1  }
0xa1: {  	s23 =	simm.s32 $0x1B8B  }
0xa2: {  	_ =	swait.ge [sflag:s23], $0x1  }
0xa3: {  	[sflag:s23] =	ssyncset.done $0x0  }
0xa4: {  	s25 =	simm.s32 $0x1B8E;
	s24 =	sld [smem:$0x3FFE];
	[sflag:s23] =	ssyncadd.s32 $0xFFFFFFFF  }
0xa5: {  	s26 =	simm.s32 $execute0_lowered;
	[smem:$0x3FD2] =	sst s25  }
0xa6: {  	s4 =	sshll.u32 s26, $0x1;
	_ =	strace $0x80000046;
	[dreg:$0x1] =	wrdreg $0xFFFFFFFF  }
0xa7: {  	s28 =	simm.s32 $_size_execute0_lowered;
	s2 =	sadd.s32 s2, s4;
	[dreg:$0x0] =	wrdreg $0x0  }
0xa8: {  	s4 =	sshll.u32 s28, $0x1;
	[dreg:$0x2] =	wrdreg s2  }
0xa9: {  	[dreg:$0x3] =	wrdreg s4  }
0xaa: {  	[dreg:$0x4] =	wrdreg $0xC0  }
0xab: {  	_ =	task [dreg:s6], $0x5FFFF  }
0xac: {  	[dreg:$0x1] =	wrdreg $0xFFFFFFFF  }
0xad: {  	[dreg:$0x0] =	wrdreg $0x60  }
0xae: {  	[dreg:$0x2] =	wrdreg s24  }
0xaf: {  	[dreg:$0x3] =	wrdreg $0x4C000  }
0xb0: {  	[dreg:$0x4] =	wrdreg $0x9  }
0xb1: {  	_ =	task.clear_ibuf [dreg:s6], $0x5FFFF;
	_ =	strace $0x90000046  }
0xb2: {  	s29 =	simm.s32 $0x9;
	_ =	strace $0x80000048  }
0xb3: {  	_ =	swait.ge [sflag:s29], $0x1  }
0xb4: {  	[sflag:s29] =	ssyncadd.s32 $0xFFFFFFFF  }
0xb5: {  	_ =	strace $0x90000048  }
0xb6: {  	_ =	sfence  }
0xb7: {  	s30 =	sld [smem:$0x0];
	_ =	sdelay $0x2  }
0xb8: {  	s31 =	sshll.u32 s1, $0xD;
	s1 =	sshrl.u32 s1, $0x2  }
0xb9: {  	s3 =	sand.u32 $0x4000, s31;
	s1 =	sadd.s32 s1, s30  }
0xba: {  	s0 =	sor.u32 s3, s0;
	s1 =	sshll.u32 s1, $0x11  }
0xbb: {  	s0 =	sor.u32 s1, s0  }
0xbc: {  	s0 =	sadd.s32 $0x8F2B, s0  }
0xbd: {  	[sflag:s0] =	ssyncadd.remote.s32 $0x1  }
0xbe: {  	_ =	sfence.sel $0xFFFF  }
0xbf: {  	[dreg:$0x0] =	wrdreg $0xFFFFFFFF;
	(pc) =	sbr.abs _section_cstart, $3  }
0xc0: {  	[dreg:$0x1] =	wrdreg $0xFFFFFFFF  }
0xc1: {  	_ =	task.clear_ibuf [dreg:s6], $0x2FFFF;
	_ =	strace $0x9FFFFFFF  }
0xc2: {  	(tm) =	ssettm $0x7FFFFFFF  }
0xc3: {  	_ =	shalt  }
tec
execute0_lowered:
.L_overlay_start_1:
0x0: {  	(tag) =	ssettag $0x1  }
0x1: {  	s0 =	rddreg [dreg:$0x0]  }
0x2: {  	s1 =	rddreg [dreg:$0x1];
	s2 =	srdreg.scid  }
0x3: {  	s3 =	simm.s32 $0x0;
	s13 =	stileid.u32;
	s30 =	simm.s32 $0x4800  }
0x4: {  	s31 =	simm.s32 $0x7;
	s2 =	sand.u32 $0x1, s2;
	s6 =	smul.u32 $0x2800, s13  }
0x5: {  	[smem:$0x7FF] =	sst s3;
	s7 =	sadd.s32 $0x29A00, s0;
	s20 =	smul.u32 $0xA000, s13  }
0x6: {  	s5 =	sshll.u32 s13, $0x1;
	s14 =	smul.u32 $0xA0, s13;
	s13 =	simm.s32 $0x4  }
0x7: {  	s4 =	smul.u32 $0x28000, s2;
	_ =	strace $0x80000047;
	s8 =	sor.u32 s2, s5  }
0x8: {  	s21 =	ssub.s32 $0x2, s2;
	s16 =	smul.u32 $0x50, s2;
	s2 =	simm.s32 $0x3000  }
0x9: {  	s10 =	smul.u32 $0x2800, s8;
	s11 =	sshrl.u32 s21, $0x1;
	s5 =	sshrl.u32 s20, $0x2  }
0xa: {  	s12 =	smul.u32 $0x5000, s8;
	s4 =	sadd.s32 s6, s4;
	s11 =	ssub.s32 s21, s11  }
0xb: {  	s4 =	sshrl.u32 s4, $0x3;
	s22 =	sshrl.u32 s10, $0x3;
	s19 =	smax.u32 s11, $0x1  }
0xc: {  	s9 =	sadd.s32 s4, s0;
	s4 =	sadd.s32 s5, s1;
	s0 =	sadd.s32 s0, s22  }
0xd: {  	s5 =	sadd.s32 s7, s12;
	[dreg:$0xc] =	wrdreg s19;
	s0 =	sadd.s32 $0x1FA00, s0  }
0xe: {  	s8 =	smul.u32 $0x28000, s8;
	s23 =	sadd.s32 $0x100, s5;
	[dreg:$0x3] =	wrdreg s0  }
0xf: {  	s18 =	sadd.s32 s6, s1;
	s24 =	sadd.s32 $0x200, s5;
	[dreg:$0x4] =	wrdreg s23  }
0x10: {  	s6 =	simm.s32 $0x1;
	s25 =	sadd.s32 $0x300, s5;
	[dreg:$0x5] =	wrdreg s24  }
0x11: {  	s10 =	sshrl.u32 s8, $0x3;
	s26 =	sadd.s32 $0x400, s5;
	[dreg:$0x6] =	wrdreg s25  }
0x12: {  	s8 =	simm.s32 $0x3800;
	s12 =	sadd.s32 $0x500, s5;
	[dreg:$0x7] =	wrdreg s26  }
0x13: {  	s11 =	simm.s32 $0x3;
	s17 =	sadd.s32 $0xC9A00, s9;
	[dreg:$0x8] =	wrdreg s12  }
0x14: {  	s20 =	sadd.s32 $0x400, s4;
	s21 =	sadd.s32 $0x800, s4;
	[dreg:$0xb] =	wrdreg s17  }
0x15: {  	s22 =	sadd.s32 $0xC00, s4;
	s28 =	sadd.s32 $0x2000, s4;
	[dreg:$0xd] =	wrdreg s20  }
0x16: {  	s29 =	sadd.s32 $0x2400, s4;
	s9 =	simm.s32 $0x2;
	[dreg:$0xe] =	wrdreg s21  }
0x17: {  	s0 =	sadd.s32 s7, s10;
	[dreg:$0xf] =	wrdreg s22;
	s23 =	sadd.s32 $0x1000, s4  }
0x18: {  	s24 =	sadd.s32 $0x1400, s4;
	s25 =	sadd.s32 $0x1800, s4;
	[dreg:$0x10] =	wrdreg s23  }
0x19: {  	s26 =	sshrl.u32 s18, $0x3;
	s10 =	simm.s32 $0x4000;
	[dreg:$0x11] =	wrdreg s24  }
0x1a: {  	s15 =	sadd.s32 $0x4E00, s0;
	s0 =	sadd.s32 $0x4F00, s0;
	[dreg:$0x12] =	wrdreg s25  }
0x1b: {  	s12 =	simm.s32 $0x5;
	[dreg:$0xa] =	wrdreg s0;
	s0 =	sadd.s32 s16, s14  }
0x1c: {  	[dreg:$0x13] =	wrdreg s26;
	s26 =	sadd.s32 $0x1C00, s4;
	s0 =	sshll.u32 s0, $0x8  }
0x1d: {  	[dreg:$0x9] =	wrdreg s15;
	s14 =	simm.s32 $0x6;
	s0 =	sadd.s32 s0, s7  }
0x1e: {  	s15 =	simm.s32 $0x0;
	s7 =	simm.s32 $0x80;
	s20 =	sadd.s32 $0x900, s0  }
0x1f: {  	v0 =	vimm.f32 $0.0e+00;
	s23 =	sadd.s32 $0x800, s0;
	s24 =	sadd.s32 $0x600, s0;
	s0 =	simm.s32 $0x2800  }
.LBB2_1:
0x20: {  	s16 =	simm.s32 $0x40;
	s17 =	simm.s32 $0x0  }
.LBB2_2:
0x21: {  	p0 =	sne.s32 s16, $0xFC0;
	[tilespmem:s17+$0x4800] =	vst v0;
	s17 =	smov.u32 s16;
	s16 =	sadd.s32 $0x40, s16  }
.Ltmp0:
0x22: {  	(pc) =	sbr.rel @p0 .LBB2_2-.Ltmp0, $2  }
0x23: {  	_ =	sdelay $0x2  }
0x24: {  	s17 =	sshra.s32 s17, $0x2  }
0x25: {  	[tilespmem:s17+$0x4800] =	vst v0  }
0x26: {  	[spmem:s4] =	stream.linear.scatter [tilespmem:s30], [sflag:$0x7], $0x400, $0x38;
	[tilespmem:$0x7400] =	vst v63  }
0x27: {  	_ =	swait.ge [sflag:s31], $0x400  }
0x28: {  	[sflag:s31] =	ssyncset.done $0x0  }
0x29: {  	s16 =	rddreg [dreg:$0xd];
	[sflag:s31] =	ssyncadd.s32 $0xFFFFFC00  }
0x2a: {  	[spmem:s16] =	stream.linear.scatter [tilespmem:s30], [sflag:$0x7], $0x400, $0x38;
	[tilespmem:$0x7400] =	vst v63  }
0x2b: {  	_ =	swait.ge [sflag:s31], $0x400  }
0x2c: {  	[sflag:s31] =	ssyncset.done $0x0  }
0x2d: {  	s22 =	rddreg [dreg:$0xe];
	[sflag:s31] =	ssyncadd.s32 $0xFFFFFC00  }
0x2e: {  	[spmem:s22] =	stream.linear.scatter [tilespmem:s30], [sflag:$0x7], $0x400, $0x38;
	[tilespmem:$0x7400] =	vst v63  }
0x2f: {  	_ =	swait.ge [sflag:s31], $0x400  }
0x30: {  	[sflag:s31] =	ssyncset.done $0x0  }
0x31: {  	s25 =	rddreg [dreg:$0xf];
	[sflag:s31] =	ssyncadd.s32 $0xFFFFFC00  }
0x32: {  	[spmem:s25] =	stream.linear.scatter [tilespmem:s30], [sflag:$0x7], $0x400, $0x38;
	[tilespmem:$0x7400] =	vst v63  }
0x33: {  	_ =	swait.ge [sflag:s31], $0x400  }
0x34: {  	[sflag:s31] =	ssyncset.done $0x0  }
0x35: {  	s17 =	rddreg [dreg:$0x10];
	[sflag:s31] =	ssyncadd.s32 $0xFFFFFC00  }
0x36: {  	[spmem:s17] =	stream.linear.scatter [tilespmem:s30], [sflag:$0x7], $0x400, $0x38;
	[tilespmem:$0x7400] =	vst v63  }
0x37: {  	_ =	swait.ge [sflag:s31], $0x400  }
0x38: {  	[sflag:s31] =	ssyncset.done $0x0  }
0x39: {  	s18 =	rddreg [dreg:$0x11];
	[sflag:s31] =	ssyncadd.s32 $0xFFFFFC00  }
0x3a: {  	[spmem:s18] =	stream.linear.scatter [tilespmem:s30], [sflag:$0x7], $0x400, $0x38;
	[tilespmem:$0x7400] =	vst v63  }
0x3b: {  	_ =	swait.ge [sflag:s31], $0x400  }
0x3c: {  	[sflag:s31] =	ssyncset.done $0x0  }
0x3d: {  	s19 =	rddreg [dreg:$0x12];
	[sflag:s31] =	ssyncadd.s32 $0xFFFFFC00  }
0x3e: {  	[spmem:s19] =	stream.linear.scatter [tilespmem:s30], [sflag:$0x7], $0x400, $0x38;
	[tilespmem:$0x7400] =	vst v63  }
0x3f: {  	_ =	swait.ge [sflag:s31], $0x400  }
0x40: {  	[sflag:s31] =	ssyncset.done $0x0  }
0x41: {  	[sflag:s31] =	ssyncadd.s32 $0xFFFFFC00  }
0x42: {  	[spmem:s26] =	stream.linear.scatter [tilespmem:s30], [sflag:$0x7], $0x400, $0x38;
	[tilespmem:$0x7400] =	vst v63  }
0x43: {  	_ =	swait.ge [sflag:s31], $0x400  }
0x44: {  	[sflag:s31] =	ssyncset.done $0x0  }
0x45: {  	[sflag:s31] =	ssyncadd.s32 $0xFFFFFC00  }
0x46: {  	[spmem:s28] =	stream.linear.scatter [tilespmem:s30], [sflag:$0x7], $0x400, $0x38;
	[tilespmem:$0x7400] =	vst v63  }
0x47: {  	_ =	swait.ge [sflag:s31], $0x400  }
0x48: {  	[sflag:s31] =	ssyncset.done $0x0  }
0x49: {  	[sflag:s31] =	ssyncadd.s32 $0xFFFFFC00  }
0x4a: {  	[spmem:s29] =	stream.linear.scatter [tilespmem:s30], [sflag:$0x7], $0x400, $0x38;
	[tilespmem:$0x7400] =	vst v63  }
0x4b: {  	_ =	swait.ge [sflag:s31], $0x400  }
0x4c: {  	[sflag:s31] =	ssyncset.done $0x0  }
0x4d: {  	s16 =	simm.s32 $0x0;
	s21 =	rddreg [dreg:$0x3];
	[sflag:s31] =	ssyncadd.s32 $0xFFFFFC00  }
0x4e: {  	[tilespmem:s16], [sflag:$0x7] =	stream.linear.gather [hbm4b:s21+s16], $0x2800, $0x38;
	[tilespmem:$0x7400] =	vst v63  }
0x4f: {  	_ =	swait.ge [sflag:s31], $0x2800  }
0x50: {  	[sflag:s31] =	ssyncset.done $0x0  }
0x51: {  	[sflag:s31] =	ssyncadd.s32 $0xFFFFD800  }
0x52: {  	[bflag:$0x0] =	sbarrier.arrive $0xFFFF  }
0x53: {  	[tilespmem:s0], [sflag:$0x1] =	stream.linear.gather [hbm4b:s5+s16], $0x800, $0x38;
	[tilespmem:$0x7400] =	vst v63  }
0x54: {  	s22 =	rddreg [dreg:$0x4]  }
0x55: {  	[tilespmem:s2], [sflag:$0x2] =	stream.linear.gather [hbm4b:s22+s16], $0x800, $0x38;
	[tilespmem:$0x7400] =	vst v63  }
0x56: {  	_ =	swait.ge [sflag:s6], $0x800  }
0x57: {  	[sflag:s6] =	ssyncset.done $0x0  }
0x58: {  	[sflag:s6] =	ssyncadd.s32 $0xFFFFF800  }
0x59: {  	[spmem:s1] =	stream.indirect.scatter.add.f32 [tilespmem:s0], [sflag:$0x5], $0x10, s16, s7, $0xb8;
	[tilespmem:$0x7400] =	vst v63  }
0x5a: {  	s25 =	rddreg [dreg:$0x5]  }
0x5b: {  	[tilespmem:s8], [sflag:$0x3] =	stream.linear.gather [hbm4b:s25+s16], $0x800, $0x38;
	[tilespmem:$0x7400] =	vst v63  }
0x5c: {  	_ =	swait.ge [sflag:s9], $0x800  }
0x5d: {  	[sflag:s9] =	ssyncset.done $0x0  }
0x5e: {  	[sflag:s9] =	ssyncadd.s32 $0xFFFFF800  }
0x5f: {  	[spmem:s1] =	stream.indirect.scatter.add.f32 [tilespmem:s2], [sflag:$0x6], $0x10, s7, s7, $0xb8;
	[tilespmem:$0x7400] =	vst v63  }
0x60: {  	s18 =	rddreg [dreg:$0x6]  }
0x61: {  	[tilespmem:s10], [sflag:$0x4] =	stream.linear.gather [hbm4b:s18+s16], $0x800, $0x38;
	[tilespmem:$0x7400] =	vst v63  }
0x62: {  	_ =	swait.ge [sflag:s11], $0x800  }
0x63: {  	[sflag:s11] =	ssyncset.done $0x0  }
0x64: {  	[sflag:s11] =	ssyncadd.s32 $0xFFFFF800  }
0x65: {  	_ =	swait.ge [sflag:s12], $0x800  }
0x66: {  	[sflag:s12] =	ssyncset.done $0x0  }
0x67: {  	s19 =	simm.s32 $0x100;
	[sflag:s12] =	ssyncadd.s32 $0xFFFFF800  }
0x68: {  	[spmem:s1] =	stream.indirect.scatter.add.f32 [tilespmem:s8], [sflag:$0x5], $0x10, s19, s7, $0xb8;
	[tilespmem:$0x7400] =	vst v63  }
0x69: {  	s21 =	rddreg [dreg:$0x7]  }
0x6a: {  	[tilespmem:s0], [sflag:$0x1] =	stream.linear.gather [hbm4b:s21+s16], $0x800, $0x38;
	[tilespmem:$0x7400] =	vst v63  }
0x6b: {  	_ =	swait.ge [sflag:s13], $0x800  }
0x6c: {  	[sflag:s13] =	ssyncset.done $0x0  }
0x6d: {  	[sflag:s13] =	ssyncadd.s32 $0xFFFFF800  }
0x6e: {  	_ =	swait.ge [sflag:s14], $0x800  }
0x6f: {  	[sflag:s14] =	ssyncset.done $0x0  }
0x70: {  	s22 =	simm.s32 $0x180;
	[sflag:s14] =	ssyncadd.s32 $0xFFFFF800  }
0x71: {  	[spmem:s1] =	stream.indirect.scatter.add.f32 [tilespmem:s10], [sflag:$0x6], $0x10, s22, s7, $0xb8;
	[tilespmem:$0x7400] =	vst v63  }
0x72: {  	s25 =	rddreg [dreg:$0x8]  }
0x73: {  	[tilespmem:s2], [sflag:$0x2] =	stream.linear.gather [hbm4b:s25+s16], $0x800, $0x38;
	[tilespmem:$0x7400] =	vst v63  }
0x74: {  	_ =	swait.ge [sflag:s6], $0x800  }
0x75: {  	[sflag:s6] =	ssyncset.done $0x0  }
0x76: {  	[sflag:s6] =	ssyncadd.s32 $0xFFFFF800  }
0x77: {  	_ =	swait.ge [sflag:s12], $0x800  }
0x78: {  	[sflag:s12] =	ssyncset.done $0x0  }
0x79: {  	s18 =	simm.s32 $0x200;
	[sflag:s12] =	ssyncadd.s32 $0xFFFFF800  }
0x7a: {  	[spmem:s1] =	stream.indirect.scatter.add.f32 [tilespmem:s0], [sflag:$0x5], $0x10, s18, s7, $0xb8;
	[tilespmem:$0x7400] =	vst v63  }
0x7b: {  	_ = 	snop  }
0x7c: {  	[tilespmem:s8], [sflag:$0x3] =	stream.linear.gather [hbm4b:s24+s3], $0x800, $0x38;
	[tilespmem:$0x7400] =	vst v63  }
0x7d: {  	_ =	swait.ge [sflag:s9], $0x800  }
0x7e: {  	[sflag:s9] =	ssyncset.done $0x0  }
0x7f: {  	[sflag:s9] =	ssyncadd.s32 $0xFFFFF800  }
0x80: {  	_ =	swait.ge [sflag:s14], $0x800  }
0x81: {  	[sflag:s14] =	ssyncset.done $0x0  }
0x82: {  	s19 =	simm.s32 $0x280;
	[sflag:s14] =	ssyncadd.s32 $0xFFFFF800  }
0x83: {  	[spmem:s1] =	stream.indirect.scatter.add.f32 [tilespmem:s2], [sflag:$0x6], $0x10, s19, s7, $0xb8;
	[tilespmem:$0x7400] =	vst v63  }
0x84: {  	s21 =	sadd.s32 $0xFFFFFE00, s20  }
0x85: {  	[tilespmem:s10], [sflag:$0x4] =	stream.linear.gather [hbm4b:s21+s3], $0x800, $0x38;
	[tilespmem:$0x7400] =	vst v63  }
0x86: {  	_ =	swait.ge [sflag:s11], $0x800  }
0x87: {  	[sflag:s11] =	ssyncset.done $0x0  }
0x88: {  	[sflag:s11] =	ssyncadd.s32 $0xFFFFF800  }
0x89: {  	_ =	swait.ge [sflag:s12], $0x800  }
0x8a: {  	[sflag:s12] =	ssyncset.done $0x0  }
0x8b: {  	s22 =	simm.s32 $0x300;
	[sflag:s12] =	ssyncadd.s32 $0xFFFFF800  }
0x8c: {  	[spmem:s1] =	stream.indirect.scatter.add.f32 [tilespmem:s8], [sflag:$0x5], $0x10, s22, s7, $0xb8;
	[tilespmem:$0x7400] =	vst v63  }
0x8d: {  	_ = 	snop  }
0x8e: {  	[tilespmem:s0], [sflag:$0x1] =	stream.linear.gather [hbm4b:s23+s3], $0x800, $0x38;
	[tilespmem:$0x7400] =	vst v63  }
0x8f: {  	_ =	swait.ge [sflag:s13], $0x800  }
0x90: {  	[sflag:s13] =	ssyncset.done $0x0  }
0x91: {  	[sflag:s13] =	ssyncadd.s32 $0xFFFFF800  }
0x92: {  	s17 =	sadd.s32 $0x400, s20;
	s25 =	simm.s32 $0x380;
	_ =	swait.ge [sflag:s14], $0x800  }
0x93: {  	s16 =	simm.s32 $0x800;
	s18 =	sadd.s32 $0x400, s23;
	[sflag:s14] =	ssyncset.done $0x0  }
0x94: {  	s19 =	sadd.s32 $0x400, s24;
	s22 =	smov.u32 s20;
	[sflag:s14] =	ssyncadd.s32 $0xFFFFF800  }
0x95: {  	[spmem:s1] =	stream.indirect.scatter.add.f32 [tilespmem:s10], [sflag:$0x6], $0x10, s25, s7, $0xb8;
	[tilespmem:$0x7400] =	vst v63  }
.LBB2_4:
0x96: {  	[tilespmem:s2], [sflag:$0x2] =	stream.linear.gather [hbm4b:s22+s3], $0x800, $0x38;
	[tilespmem:$0x7400] =	vst v63  }
0x97: {  	s21 =	smov.u32 s16;
	s22 =	smov.u32 s17  }
0x98: {  	p0 =	sne.s32 s16, $0x8800;
	s16 =	sadd.s32 $0x800, s16;
	_ =	swait.ge [sflag:s6], $0x800  }
0x99: {  	[sflag:s6] =	ssyncset.done $0x0  }
0x9a: {  	[sflag:s6] =	ssyncadd.s32 $0xFFFFF800  }
0x9b: {  	_ =	swait.ge [sflag:s12], $0x800  }
0x9c: {  	s21 =	sshra.s32 s21, $0x2;
	[sflag:s12] =	ssyncset.done $0x0  }
0x9d: {  	s25 =	sadd.s32 $0x200, s21;
	[sflag:s12] =	ssyncadd.s32 $0xFFFFF800  }
0x9e: {  	[spmem:s1] =	stream.indirect.scatter.add.f32 [tilespmem:s0], [sflag:$0x5], $0x10, s25, s7, $0xb8;
	[tilespmem:$0x7400] =	vst v63  }
0x9f: {  	_ = 	snop  }
0xa0: {  	[tilespmem:s8], [sflag:$0x3] =	stream.linear.gather [hbm4b:s19+s3], $0x800, $0x38;
	[tilespmem:$0x7400] =	vst v63  }
0xa1: {  	_ =	swait.ge [sflag:s9], $0x800  }
0xa2: {  	[sflag:s9] =	ssyncset.done $0x0  }
0xa3: {  	[sflag:s9] =	ssyncadd.s32 $0xFFFFF800  }
0xa4: {  	_ =	swait.ge [sflag:s14], $0x800  }
0xa5: {  	[sflag:s14] =	ssyncset.done $0x0  }
0xa6: {  	s25 =	sadd.s32 $0x280, s21;
	[sflag:s14] =	ssyncadd.s32 $0xFFFFF800  }
0xa7: {  	[spmem:s1] =	stream.indirect.scatter.add.f32 [tilespmem:s2], [sflag:$0x6], $0x10, s25, s7, $0xb8;
	[tilespmem:$0x7400] =	vst v63  }
0xa8: {  	s25 =	sadd.s32 $0xFFFFFE00, s17  }
0xa9: {  	[tilespmem:s10], [sflag:$0x4] =	stream.linear.gather [hbm4b:s25+s3], $0x800, $0x38;
	[tilespmem:$0x7400] =	vst v63  }
0xaa: {  	_ =	swait.ge [sflag:s11], $0x800  }
0xab: {  	[sflag:s11] =	ssyncset.done $0x0  }
0xac: {  	[sflag:s11] =	ssyncadd.s32 $0xFFFFF800  }
0xad: {  	_ =	swait.ge [sflag:s12], $0x800  }
0xae: {  	[sflag:s12] =	ssyncset.done $0x0  }
0xaf: {  	s25 =	sadd.s32 $0x300, s21;
	[sflag:s12] =	ssyncadd.s32 $0xFFFFF800  }
0xb0: {  	[spmem:s1] =	stream.indirect.scatter.add.f32 [tilespmem:s8], [sflag:$0x5], $0x10, s25, s7, $0xb8;
	[tilespmem:$0x7400] =	vst v63  }
0xb1: {  	_ = 	snop  }
0xb2: {  	[tilespmem:s0], [sflag:$0x1] =	stream.linear.gather [hbm4b:s18+s3], $0x800, $0x38;
	[tilespmem:$0x7400] =	vst v63  }
0xb3: {  	_ =	swait.ge [sflag:s13], $0x800  }
0xb4: {  	[sflag:s13] =	ssyncset.done $0x0  }
0xb5: {  	[sflag:s13] =	ssyncadd.s32 $0xFFFFF800  }
.Ltmp1:
0xb6: {  	_ =	swait.ge [sflag:s14], $0x800;
	(pc) =	sbr.rel @p0 .LBB2_4-.Ltmp1, $4  }
0xb7: {  	[sflag:s14] =	ssyncset.done $0x0  }
0xb8: {  	s21 =	sadd.s32 $0x380, s21;
	[sflag:s14] =	ssyncadd.s32 $0xFFFFF800  }
0xb9: {  	[spmem:s1] =	stream.indirect.scatter.add.f32 [tilespmem:s10], [sflag:$0x6], $0x10, s21, s7, $0xb8;
	[tilespmem:$0x7400] =	vst v63  }
0xba: {  	s19 =	sadd.s32 $0x400, s19;
	s17 =	sadd.s32 $0x400, s17;
	s18 =	sadd.s32 $0x400, s18  }
0xbb: {  	[tilespmem:s2], [sflag:$0x2] =	stream.linear.gather [hbm4b:s22+s3], $0x800, $0x38;
	[tilespmem:$0x7400] =	vst v63  }
0xbc: {  	_ =	swait.ge [sflag:s6], $0x800  }
0xbd: {  	[sflag:s6] =	ssyncset.done $0x0  }
0xbe: {  	[sflag:s6] =	ssyncadd.s32 $0xFFFFF800  }
0xbf: {  	_ =	swait.ge [sflag:s12], $0x800  }
0xc0: {  	[sflag:s12] =	ssyncset.done $0x0  }
0xc1: {  	s16 =	simm.s32 $0x2600;
	[sflag:s12] =	ssyncadd.s32 $0xFFFFF800  }
0xc2: {  	[spmem:s1] =	stream.indirect.scatter.add.f32 [tilespmem:s0], [sflag:$0x5], $0x10, s16, s7, $0xb8;
	[tilespmem:$0x7400] =	vst v63  }
0xc3: {  	s25 =	rddreg [dreg:$0x9]  }
0xc4: {  	[tilespmem:s8], [sflag:$0x3] =	stream.linear.gather [hbm4b:s25+s3], $0x800, $0x38;
	[tilespmem:$0x7400] =	vst v63  }
0xc5: {  	_ =	swait.ge [sflag:s9], $0x800  }
0xc6: {  	[sflag:s9] =	ssyncset.done $0x0  }
0xc7: {  	[sflag:s9] =	ssyncadd.s32 $0xFFFFF800  }
0xc8: {  	_ =	swait.ge [sflag:s14], $0x800  }
0xc9: {  	[sflag:s14] =	ssyncset.done $0x0  }
0xca: {  	s17 =	simm.s32 $0x2680;
	[sflag:s14] =	ssyncadd.s32 $0xFFFFF800  }
0xcb: {  	[spmem:s1] =	stream.indirect.scatter.add.f32 [tilespmem:s2], [sflag:$0x6], $0x10, s17, s7, $0xb8;
	[tilespmem:$0x7400] =	vst v63  }
0xcc: {  	s18 =	rddreg [dreg:$0xa]  }
0xcd: {  	[tilespmem:s10], [sflag:$0x4] =	stream.linear.gather [hbm4b:s18+s3], $0x800, $0x38;
	[tilespmem:$0x7400] =	vst v63  }
0xce: {  	_ =	swait.ge [sflag:s11], $0x800  }
0xcf: {  	[sflag:s11] =	ssyncset.done $0x0  }
0xd0: {  	[sflag:s11] =	ssyncadd.s32 $0xFFFFF800  }
0xd1: {  	_ =	swait.ge [sflag:s12], $0x800  }
0xd2: {  	[sflag:s12] =	ssyncset.done $0x0  }
0xd3: {  	s19 =	simm.s32 $0x2700;
	[sflag:s12] =	ssyncadd.s32 $0xFFFFF800  }
0xd4: {  	[spmem:s1] =	stream.indirect.scatter.add.f32 [tilespmem:s8], [sflag:$0x5], $0x10, s19, s7, $0xb8;
	[tilespmem:$0x7400] =	vst v63  }
0xd5: {  	_ =	swait.ge [sflag:s13], $0x800  }
0xd6: {  	[sflag:s13] =	ssyncset.done $0x0  }
0xd7: {  	[sflag:s13] =	ssyncadd.s32 $0xFFFFF800  }
0xd8: {  	_ =	swait.ge [sflag:s14], $0x800  }
0xd9: {  	[sflag:s14] =	ssyncset.done $0x0  }
0xda: {  	s21 =	simm.s32 $0x2780;
	[sflag:s14] =	ssyncadd.s32 $0xFFFFF800  }
0xdb: {  	[spmem:s1] =	stream.indirect.scatter.add.f32 [tilespmem:s10], [sflag:$0x6], $0x10, s21, s7, $0xb8;
	[tilespmem:$0x7400] =	vst v63  }
0xdc: {  	_ =	swait.ge [sflag:s12], $0x800  }
0xdd: {  	[sflag:s12] =	ssyncset.done $0x0  }
0xde: {  	[sflag:s12] =	ssyncadd.s32 $0xFFFFF800  }
0xdf: {  	_ =	swait.ge [sflag:s14], $0x800  }
0xe0: {  	[sflag:s14] =	ssyncset.done $0x0  }
0xe1: {  	[sflag:s14] =	ssyncadd.s32 $0xFFFFF800  }
0xe2: {  	s22 =	stileid.u32;
	[bflag:$0x0] =	sbarrier.arrive $0xFFFF  }
0xe3: {  	s16 =	sshll.u32 s22, $0x6;
	s17 =	rddreg [dreg:$0xb]  }
0xe4: {  	s16 =	sor.u32 $0x1C07, s16;
	s18 =	rddreg [dreg:$0x13]  }
0xe5: {  	[hbm:s17], [sflag:s16] =	dma.local [spmem:s18], $0x500  }
0xe6: {  	_ =	swait.ge [sflag:s31], $0x500  }
0xe7: {  	s15 =	sadd.s32 $0x1, s15;
	s25 =	rddreg [dreg:$0xc]  }
0xe8: {  	p0 =	sne.s32 s15, s25  }
.Ltmp2:
0xe9: {  	_ = 	snop;
	(pc) =	sbr.rel @p0 .LBB2_1-.Ltmp2, $3  }
0xea: {  	_ =	sdelay $0x1  }
0xeb: {  	[sflag:s31] =	ssyncset.done $0x0  }
0xec: {  	[sflag:s31] =	ssyncadd.s32 $0xFFFFFB00  }
0xed: {  	_ =	sfence.sel $0x180000  }
0xee: {  	[bflag:$0x0] =	sbarrier.arrive $0xFFFF  }
0xef: {  	_ =	strace $0x90000047  }
0xf0: {  	s0 =	stileid.u32;
	[bflag:$0x2] =	sbarrier.arrive $0xFFFF  }
0xf1: {  	p0 =	sne.s32 s0, $0x0;
	s0 =	rddreg [dreg:$0x2]  }
0xf2: {  	s0 =	sadd.s32 @!p0 $0x100000, s0  }
0xf3: {  	[sflag:s0] =	ssyncadd.tile.s32 @!p0 $0x1;
	_ =	shalt  }
.Lfunc_end2:
_tile_overlayer_lowered:
.L_overlay_start_2:
0xf4: {  	(tag) =	ssettag $0x2  }
0xf5: {  	s0 =	rddreg [dreg:$0x0];
	s2 =	stileid.u32  }
0xf6: {  	s1 =	rddreg [dreg:$0x1];
	p0 =	sne.s32 s2, $0x0  }
0xf7: {  	s3 =	rddreg [dreg:$0x2];
	[bflag:$0x3] =	sbarrier.arrive $0xFFFF;
	s2 =	simm.s32 @!p0 $0x1C07  }
0xf8: {  	[timem:s3], [sflag:s2] =	dma.local @!p0 [hbm:s0], s1  }
0xf9: {  	s0 =	simm.s32 @!p0 $0x7  }
0xfa: {  	_ =	swait.ge @!p0 [sflag:s0], s1  }
0xfb: {  	s1 =	ssub.s32 @!p0 $0x0, s1;
	[sflag:s0] =	ssyncset.done @!p0 $0x0  }
0xfc: {  	[sflag:s0] =	ssyncadd.s32 @!p0 s1  }
0xfd: {  	[bflag:$0x3] =	sbarrier.arrive $0xFFFF  }
0xfe: {  	_ =	shalt  }

// kernel: kernel.15.cloned.1.call-start
scs
__scs_entry_jumppad:
0x0: {  	(pc) =	sbr.rel $0x88, $3  }
0x1: {  	(tag) =	ssettag $0x0;
	lr =	simm.s32 $0x1  }
0x2: {  	[smem:$0x3F96] =	sst lr;
	_ =	strace $0xD0000000  }
0x3: {  	_ = 	snop  }
0x4: {  	_ = 	snop  }
0x5: {  	_ = 	snop  }
0x6: {  	_ = 	snop  }
0x7: {  	_ = 	snop  }
__scs_overlays_trampoline_lowered:
0x8: {  	[smem:$0x3FA5] =	sst s0  }
0x9: {  	[smem:$0x3FA6] =	sst s1  }
0xa: {  	[smem:$0x3FA7] =	sst s2  }
0xb: {  	[smem:$0x3FA8] =	sst s3  }
0xc: {  	[smem:$0x3FA9] =	sst s4  }
0xd: {  	[smem:$0x3FAA] =	sst s5  }
0xe: {  	[smem:$0x3FAB] =	sst s6  }
0xf: {  	[smem:$0x3FAC] =	sst s7  }
0x10: {  	[smem:$0x3FAD] =	sst s8  }
0x11: {  	[smem:$0x3FAE] =	sst s9;
	s0 =	simm.s32 @!p0 $0x0  }
0x12: {  	s1 =	sld [smem:$0x3F94];
	s0 =	simm.s32 @p0 $0x1  }
0x13: {  	[smem:$0x3FAF] =	sst s0;
	s0 =	simm.s32 @!p1 $0x0  }
0x14: {  	s2 =	sld [smem:$0x3F93];
	s0 =	simm.s32 @p1 $0x1  }
0x15: {  	[smem:$0x3FB0] =	sst s0;
	s0 =	simm.s32 @!p2 $0x0  }
0x16: {  	s3 =	sld [smem:$0x3FDB];
	s0 =	simm.s32 @p2 $0x1  }
0x17: {  	s4 =	simm.s32 $0x1BF5;
	[smem:$0x3FB2] =	sst s0  }
0x18: {  	s0 =	sld [smem:$0x3F95];
	_ =	swait.ge [sflag:s4], $0x0  }
0x19: {  	s7 =	sld [smem:$0x3F96]  }
0x1a: {  	s8 =	sadd.s32 $0xFFFFE003, lr  }
0x1b: {  	s9 =	sadd.s32 $0xFFFFFEF7, lr;
	s5 =	simm.s32 $0xFFFFFFFF;
	p2 =	slt.u32 s8, $0xFFFFF086  }
0x1c: {  	p1 =	slt.u32 s9, $0xF7A;
	s5 =	simm.s32 @!p2 $0x0  }
0x1d: {  	s5 =	simm.s32 @p1 $0x1;
	p0 =	seq.s32 s7, s2  }
0x1e: {  	s7 =	smul.u32 @!p0 $0xF7A, s2;
	p2 =	seq.s32 @!p0 s5, $0x0  }
0x1f: {  	s9 =	smul.u32 $0xF7A, s1;
	s8 =	simm.s32 @!p0 $0x1BF5;
	p2 =	por !p2, p0  }
0x20: {  	[sflag:s8] =	ssyncset.s32 @!p0 $0xFFFFF086;
	s6 =	sadd.s32 @!p0 s3, s7;
	s7 =	simm.s32 @!p0 $0x108  }
0x21: {  	s3 =	sadd.s32 s3, s9;
	s6 =	sadd.s32 @!p0 $0x88, s6;
	s7 =	simm.s32 @p2 $0x1082  }
0x22: {  	[simem:s7], [sflag:s8] =	dma.local @!p0 [hbm:s6], $0xF7A  }
0x23: {  	s9 =	sor.u32 $0xD0000000, s2;
	s6 =	simm.s32 $0x108;
	_ =	swait.ge @!p0 [sflag:s8], $0x0  }
0x24: {  	s3 =	sadd.s32 $0x88, s3;
	s6 =	simm.s32 @!p1 $0x1082;
	[sflag:s4] =	ssyncset.s32 $0xFFFFF086  }
0x25: {  	[simem:s6], [sflag:s4] =	dma.local [hbm:s3], $0xF7A  }
0x26: {  	[smem:$0x3F96] =	sst s1;
	(tag) =	ssettag s2;
	_ =	strace s9  }
0x27: {  	s1 =	sld [smem:$0x3FA6]  }
0x28: {  	s2 =	sld [smem:$0x3FA7]  }
0x29: {  	s4 =	sld [smem:$0x3FA9]  }
0x2a: {  	p0 =	seq.s32 s5, $0x0;
	s5 =	sld [smem:$0x3FAA]  }
0x2b: {  	s6 =	sld [smem:$0x3FAB]  }
0x2c: {  	s7 =	sld [smem:$0x3FAC]  }
0x2d: {  	s3 =	simm.s32 $0x108;
	s8 =	sld [smem:$0x3FAD]  }
0x2e: {  	s3 =	simm.s32 @!p0 $0x1082;
	s9 =	sld [smem:$0x3FAE]  }
0x2f: {  	lr =	sadd.s32 s0, s3;
	s0 =	sld [smem:$0x3FA5]  }
0x30: {  	s3 =	sld [smem:$0x3FA8]  }
0x31: {  	[smem:$0x3FB1] =	sst s10  }
0x32: {  	s10 =	sld [smem:$0x3FAF];
	_ =	sdelay $0x3  }
0x33: {  	p0 =	seq.s32 s10, $0x1;
	s10 =	sld [smem:$0x3FB1];
	_ =	sdelay $0x3  }
0x34: {  	[smem:$0x3FB1] =	sst s10  }
0x35: {  	s10 =	sld [smem:$0x3FB0];
	_ =	sdelay $0x3  }
0x36: {  	p1 =	seq.s32 s10, $0x1;
	s10 =	sld [smem:$0x3FB1];
	_ =	sdelay $0x3  }
0x37: {  	[smem:$0x3FB1] =	sst s10  }
0x38: {  	s10 =	sld [smem:$0x3FB2]  }
0x39: {  	_ = 	snop;
	(pc) =	sbr.ind lr, $3  }
0x3a: {  	_ = 	snop  }
0x3b: {  	_ = 	snop  }
0x3c: {  	p2 =	seq.s32 s10, $0x1;
	s10 =	sld [smem:$0x3FB1]  }
0x3d: {  	_ =	shalt  }
0x3e: {  	_ =	shalt  }
0x3f: {  	_ =	shalt  }
0x40: {  	_ =	shalt  }
0x41: {  	_ =	shalt  }
0x42: {  	_ =	shalt  }
0x43: {  	_ =	shalt  }
0x44: {  	_ =	shalt  }
0x45: {  	_ =	shalt  }
0x46: {  	_ =	shalt  }
0x47: {  	_ =	shalt  }
0x48: {  	_ =	shalt  }
0x49: {  	_ =	shalt  }
0x4a: {  	_ =	shalt  }
0x4b: {  	_ =	shalt  }
0x4c: {  	_ =	shalt  }
0x4d: {  	_ =	shalt  }
0x4e: {  	_ =	shalt  }
0x4f: {  	_ =	shalt  }
0x50: {  	_ =	shalt  }
0x51: {  	_ =	shalt  }
0x52: {  	_ =	shalt  }
0x53: {  	_ =	shalt  }
0x54: {  	_ =	shalt  }
0x55: {  	_ =	shalt  }
0x56: {  	_ =	shalt  }
0x57: {  	_ =	shalt  }
0x58: {  	_ =	shalt  }
0x59: {  	_ =	shalt  }
0x5a: {  	_ =	shalt  }
0x5b: {  	_ =	shalt  }
0x5c: {  	_ =	shalt  }
0x5d: {  	_ =	shalt  }
0x5e: {  	_ =	shalt  }
0x5f: {  	_ =	shalt  }
0x60: {  	_ =	shalt  }
0x61: {  	_ =	shalt  }
0x62: {  	_ =	shalt  }
0x63: {  	_ =	shalt  }
0x64: {  	_ =	shalt  }
0x65: {  	_ =	shalt  }
0x66: {  	_ =	shalt  }
0x67: {  	_ =	shalt  }
0x68: {  	_ =	shalt  }
0x69: {  	_ =	shalt  }
0x6a: {  	_ =	shalt  }
0x6b: {  	_ =	shalt  }
0x6c: {  	_ =	shalt  }
0x6d: {  	_ =	shalt  }
0x6e: {  	_ =	shalt  }
0x6f: {  	_ =	shalt  }
0x70: {  	_ =	shalt  }
0x71: {  	_ =	shalt  }
0x72: {  	_ =	shalt  }
0x73: {  	_ =	shalt  }
0x74: {  	_ =	shalt  }
0x75: {  	_ =	shalt  }
0x76: {  	_ =	shalt  }
0x77: {  	_ =	shalt  }
0x78: {  	_ =	shalt  }
0x79: {  	_ =	shalt  }
0x7a: {  	_ =	shalt  }
0x7b: {  	_ =	shalt  }
0x7c: {  	_ =	shalt  }
0x7d: {  	_ =	shalt  }
0x7e: {  	_ =	shalt  }
0x7f: {  	_ =	shalt  }
0x80: {  	_ =	shalt  }
0x81: {  	_ =	shalt  }
0x82: {  	_ =	shalt  }
0x83: {  	_ =	shalt  }
0x84: {  	_ =	shalt  }
0x85: {  	_ =	shalt  }
0x86: {  	_ =	shalt  }
0x87: {  	_ =	shalt  }
.Lfunc_end0:
.L_simem_size_0:
called_computation.1_lowered:
.L_overlay_start_0:
0x88: {  	s2 =	sld [smem:$0x3FD9]  }
0x89: {  	s3 =	sld [smem:$0x3FFE];
	_ =	sdelay $0x1  }
0x8a: {  	s1 =	srdreg.scid  }
0x8b: {  	s0 =	sand.u32 $0x1, s1  }
0x8c: {  	s17 =	sshll.u32 s0, $0xA;
	s2 =	sadd.s32 s3, s2  }
0x8d: {  	s2 =	sadd.s32 s2, s17  }
0x8e: {  	[smem:$0x3FBD] =	sst s2  }
0x8f: {  	_ = 	snop  }
0x90: {  	(tm) =	ssettm $0x1  }
0x91: {  	s18 =	sld [smem:$0x3FFB];
	_ =	sdelay $0x3  }
0x92: {  	_ =	strace s18  }
0x93: {  	s2 =	sld [smem:$0x3FFC];
	_ =	sdelay $0x3  }
0x94: {  	_ =	strace s2  }
0x95: {  	s2 =	sld [smem:$0x3FFD];
	_ =	sdelay $0x3  }
0x96: {  	_ =	strace s2  }
0x97: {  	_ =	strace $0x8FFFFFFF  }
0x98: {  	s19 =	sld [smem:$0x3FDB];
	_ =	sdelay $0x1  }
0x99: {  	s20 =	simm.s32 $_scs_section_size  }
0x9a: {  	s4 =	simm.s32 $_size__tile_overlayer_lowered;
	s5 =	simm.s32 $_tile_overlayer_lowered  }
0x9b: {  	s6 =	simm.s32 $0x1BFF;
	s21 =	sshll.u32 s5, $0x1;
	s3 =	sadd.s32 s20, s19  }
0x9c: {  	s22 =	simm.s32 $0x0;
	s4 =	sshll.u32 s4, $0x1;
	s5 =	sadd.s32 s21, s3  }
0x9d: {  	[timem:s22], [sflag:s6] =	dma.local [hbm:s5], s4  }
0x9e: {  	_ =	swait.ge [sflag:s6], s4  }
0x9f: {  	s4 =	ssub.s32 $0x0, s4;
	[sflag:s6] =	ssyncset.done $0x0  }
0xa0: {  	[sflag:s6] =	ssyncadd.s32 s4;
	_ =	sdelay $0x1  }
0xa1: {  	s23 =	simm.s32 $0x1B8B  }
0xa2: {  	_ =	swait.ge [sflag:s23], $0x1  }
0xa3: {  	[sflag:s23] =	ssyncset.done $0x0  }
0xa4: {  	[sflag:s23] =	ssyncadd.s32 $0xFFFFFFFF  }
0xa5: {  	s4 =	sld [smem:$0x0]  }
0xa6: {  	s5 =	sand.u32 $0xFFFFFFFE, s1  }
0xa7: {  	p0 =	sne.s32 s1, s5  }
0xa8: {  	s5 =	sshll.u32 @p0 s5, $0xE  }
0xa9: {  	s5 =	sadd.s32 @p0 $0x11B8D, s5;
	s6 =	sshll.u32 @p0 s4, $0x11  }
0xaa: {  	s5 =	sor.u32 @p0 s6, s5  }
0xab: {  	[sflag:s5] =	ssyncadd.remote.s32 @p0 $0x1;
	_ =	sdelay $0x1  }
0xac: {  	s5 =	simm.s32 @p0 $0x1B8D  }
0xad: {  	_ =	swait.eq @p0 [sflag:s5], $0x1  }
0xae: {  	[sflag:s5] =	ssyncadd.s32 @p0 $0xFFFFFFFF  }
0xaf: {  	s6 =	sshll.u32 @!p0 s1, $0xE  }
0xb0: {  	s6 =	sor.u32 @!p0 $0x4000, s6;
	s5 =	simm.s32 @!p0 $0x1B8D  }
0xb1: {  	s4 =	sshll.u32 @!p0 s4, $0x11;
	s6 =	sadd.s32 @!p0 $0x11B8D, s6;
	_ =	swait.eq @!p0 [sflag:s5], $0x1  }
0xb2: {  	s4 =	sor.u32 @!p0 s4, s6;
	[sflag:s5] =	ssyncadd.s32 @!p0 $0xFFFFFFFF  }
0xb3: {  	s25 =	simm.s32 $0x1B8E;
	s24 =	sld [smem:$0x3FFE];
	[sflag:s4] =	ssyncadd.remote.s32 @!p0 $0x1  }
0xb4: {  	s26 =	simm.s32 $execute0_lowered;
	[smem:$0x3FD2] =	sst s25  }
0xb5: {  	s5 =	sshll.u32 s26, $0x1;
	_ =	strace $0x80000049;
	[dreg:$0x1] =	wrdreg $0xFFFFFFFF  }
0xb6: {  	s28 =	simm.s32 $_size_execute0_lowered;
	s3 =	sadd.s32 s3, s5;
	[dreg:$0x0] =	wrdreg $0x0  }
0xb7: {  	s5 =	sshll.u32 s28, $0x1;
	[dreg:$0x2] =	wrdreg s3  }
0xb8: {  	[dreg:$0x3] =	wrdreg s5  }
0xb9: {  	[dreg:$0x4] =	wrdreg $0xC0  }
0xba: {  	_ =	task [dreg:s22], $0x5FFFF  }
0xbb: {  	[dreg:$0x1] =	wrdreg $0xFFFFFFFF  }
0xbc: {  	[dreg:$0x0] =	wrdreg $0x60  }
0xbd: {  	[dreg:$0x2] =	wrdreg s24  }
0xbe: {  	[dreg:$0x3] =	wrdreg $0x74000  }
0xbf: {  	[dreg:$0x4] =	wrdreg $0xA  }
0xc0: {  	_ =	task.clear_ibuf [dreg:s22], $0x5FFFF;
	_ =	strace $0x90000049  }
0xc1: {  	s29 =	simm.s32 $0xA;
	_ =	strace $0x8000004B  }
0xc2: {  	_ =	swait.ge [sflag:s29], $0x1  }
0xc3: {  	[sflag:s29] =	ssyncadd.s32 $0xFFFFFFFF  }
0xc4: {  	_ =	strace $0x9000004B  }
0xc5: {  	_ =	sfence  }
0xc6: {  	s30 =	sld [smem:$0x0];
	_ =	sdelay $0x2  }
0xc7: {  	s31 =	sshll.u32 s1, $0xD;
	s1 =	sshrl.u32 s1, $0x2  }
0xc8: {  	s4 =	sand.u32 $0x4000, s31;
	s1 =	sadd.s32 s1, s30  }
0xc9: {  	s0 =	sor.u32 s4, s0;
	s1 =	sshll.u32 s1, $0x11  }
0xca: {  	s0 =	sor.u32 s1, s0  }
0xcb: {  	s0 =	sadd.s32 $0x8F2B, s0  }
0xcc: {  	[sflag:s0] =	ssyncadd.remote.s32 $0x1  }
0xcd: {  	_ =	sfence.sel $0xFFFF  }
0xce: {  	[dreg:$0x0] =	wrdreg $0xFFFFFFFF;
	(pc) =	sbr.abs _section_cstart, $3  }
0xcf: {  	[dreg:$0x1] =	wrdreg $0xFFFFFFFF  }
0xd0: {  	_ =	task.clear_ibuf [dreg:s22], $0x2FFFF;
	_ =	strace $0x9FFFFFFF  }
0xd1: {  	(tm) =	ssettm $0x7FFFFFFF  }
tec
execute0_lowered:
.L_overlay_start_1:
0x0: {  	(tag) =	ssettag $0x1  }
0x1: {  	s0 =	srdreg.scid;
	s1 =	rddreg [dreg:$0x0]  }
0x2: {  	s8 =	stileid.u32;
	s2 =	rddreg [dreg:$0x1]  }
0x3: {  	s19 =	simm.s32 $0x7000;
	s20 =	simm.s32 $0x7;
	s21 =	simm.s32 $0x2800  }
0x4: {  	s29 =	simm.s32 $0x6000;
	s30 =	simm.s32 $0x2;
	s28 =	simm.s32 $0x3  }
0x5: {  	s0 =	sand.u32 $0x1, s0;
	s3 =	sshll.u32 s8, $0x1;
	s7 =	smul.u32 $0x2800, s8  }
0x6: {  	s31 =	simm.s32 $0x5;
	s8 =	smul.u32 $0xA000, s8;
	s4 =	sor.u32 s0, s3  }
0x7: {  	s3 =	simm.s32 $0x0;
	s6 =	smul.u32 $0x28000, s0;
	s0 =	ssub.s32 $0x2, s0  }
0x8: {  	s5 =	smul.u32 $0x2800, s4;
	[smem:$0x7FF] =	sst s3;
	s4 =	sadd.s32 $0xD3A00, s1  }
0x9: {  	s23 =	sshrl.u32 s0, $0x1;
	s8 =	sshrl.u32 s8, $0x2;
	s26 =	sadd.s32 s7, s2  }
0xa: {  	_ =	strace $0x8000004A;
	s22 =	sadd.s32 s7, s6;
	s0 =	ssub.s32 s0, s23  }
0xb: {  	s23 =	simm.s32 $0x5000;
	s6 =	simm.s32 $0x6;
	s5 =	sshrl.u32 s5, $0x3  }
0xc: {  	s0 =	smax.u32 s0, $0x1;
	s9 =	sadd.s32 s5, s1;
	s5 =	sshrl.u32 s22, $0x3  }
0xd: {  	[dreg:$0x6] =	wrdreg s0;
	s22 =	simm.s32 $0x80;
	s24 =	sadd.s32 $0x15A00, s9  }
0xe: {  	s0 =	simm.s32 $0x6800;
	s25 =	sadd.s32 $0x1FA00, s9;
	[dreg:$0x3] =	wrdreg s24  }
0xf: {  	s1 =	sadd.s32 s5, s1;
	s5 =	sadd.s32 s8, s2;
	[dreg:$0x4] =	wrdreg s25  }
0x10: {  	s1 =	sadd.s32 $0xD8A00, s1;
	s10 =	sadd.s32 $0x400, s5;
	s11 =	sadd.s32 $0x800, s5  }
0x11: {  	s12 =	sadd.s32 $0xC00, s5;
	s13 =	sadd.s32 $0x1000, s5;
	s14 =	sadd.s32 $0x1400, s5  }
0x12: {  	s15 =	sadd.s32 $0x1800, s5;
	s16 =	sadd.s32 $0x1C00, s5;
	s17 =	sadd.s32 $0x2000, s5  }
0x13: {  	s18 =	sadd.s32 $0x2400, s5;
	s24 =	simm.s32 $0x5800;
	s25 =	sshrl.u32 s26, $0x3  }
0x14: {  	v0 =	vimm.f32 $0.0e+00;
	s26 =	simm.s32 $0x1;
	[dreg:$0x5] =	wrdreg s1;
	s1 =	simm.s32 $0x4  }
.LBB2_1:
0x15: {  	s7 =	simm.s32 $0x40;
	s8 =	simm.s32 $0x0  }
.LBB2_2:
0x16: {  	p0 =	sne.s32 s7, $0xFC0;
	[tilespmem:s8+$0x7000] =	vst v0;
	s8 =	smov.u32 s7;
	s7 =	sadd.s32 $0x40, s7  }
.Ltmp0:
0x17: {  	(pc) =	sbr.rel @p0 .LBB2_2-.Ltmp0, $2  }
0x18: {  	_ =	sdelay $0x2  }
0x19: {  	s8 =	sshra.s32 s8, $0x2  }
0x1a: {  	[tilespmem:s8+$0x7000] =	vst v0  }
0x1b: {  	[spmem:s5] =	stream.linear.scatter [tilespmem:s19], [sflag:$0x7], $0x400, $0x38;
	[tilespmem:$0x9C00] =	vst v63  }
0x1c: {  	_ =	swait.ge [sflag:s20], $0x400  }
0x1d: {  	[sflag:s20] =	ssyncset.done $0x0  }
0x1e: {  	[sflag:s20] =	ssyncadd.s32 $0xFFFFFC00  }
0x1f: {  	[spmem:s10] =	stream.linear.scatter [tilespmem:s19], [sflag:$0x7], $0x400, $0x38;
	[tilespmem:$0x9C00] =	vst v63  }
0x20: {  	_ =	swait.ge [sflag:s20], $0x400  }
0x21: {  	[sflag:s20] =	ssyncset.done $0x0  }
0x22: {  	[sflag:s20] =	ssyncadd.s32 $0xFFFFFC00  }
0x23: {  	[spmem:s11] =	stream.linear.scatter [tilespmem:s19], [sflag:$0x7], $0x400, $0x38;
	[tilespmem:$0x9C00] =	vst v63  }
0x24: {  	_ =	swait.ge [sflag:s20], $0x400  }
0x25: {  	[sflag:s20] =	ssyncset.done $0x0  }
0x26: {  	[sflag:s20] =	ssyncadd.s32 $0xFFFFFC00  }
0x27: {  	[spmem:s12] =	stream.linear.scatter [tilespmem:s19], [sflag:$0x7], $0x400, $0x38;
	[tilespmem:$0x9C00] =	vst v63  }
0x28: {  	_ =	swait.ge [sflag:s20], $0x400  }
0x29: {  	[sflag:s20] =	ssyncset.done $0x0  }
0x2a: {  	[sflag:s20] =	ssyncadd.s32 $0xFFFFFC00  }
0x2b: {  	[spmem:s13] =	stream.linear.scatter [tilespmem:s19], [sflag:$0x7], $0x400, $0x38;
	[tilespmem:$0x9C00] =	vst v63  }
0x2c: {  	_ =	swait.ge [sflag:s20], $0x400  }
0x2d: {  	[sflag:s20] =	ssyncset.done $0x0  }
0x2e: {  	[sflag:s20] =	ssyncadd.s32 $0xFFFFFC00  }
0x2f: {  	[spmem:s14] =	stream.linear.scatter [tilespmem:s19], [sflag:$0x7], $0x400, $0x38;
	[tilespmem:$0x9C00] =	vst v63  }
0x30: {  	_ =	swait.ge [sflag:s20], $0x400  }
0x31: {  	[sflag:s20] =	ssyncset.done $0x0  }
0x32: {  	[sflag:s20] =	ssyncadd.s32 $0xFFFFFC00  }
0x33: {  	[spmem:s15] =	stream.linear.scatter [tilespmem:s19], [sflag:$0x7], $0x400, $0x38;
	[tilespmem:$0x9C00] =	vst v63  }
0x34: {  	_ =	swait.ge [sflag:s20], $0x400  }
0x35: {  	[sflag:s20] =	ssyncset.done $0x0  }
0x36: {  	[sflag:s20] =	ssyncadd.s32 $0xFFFFFC00  }
0x37: {  	[spmem:s16] =	stream.linear.scatter [tilespmem:s19], [sflag:$0x7], $0x400, $0x38;
	[tilespmem:$0x9C00] =	vst v63  }
0x38: {  	_ =	swait.ge [sflag:s20], $0x400  }
0x39: {  	[sflag:s20] =	ssyncset.done $0x0  }
0x3a: {  	[sflag:s20] =	ssyncadd.s32 $0xFFFFFC00  }
0x3b: {  	[spmem:s17] =	stream.linear.scatter [tilespmem:s19], [sflag:$0x7], $0x400, $0x38;
	[tilespmem:$0x9C00] =	vst v63  }
0x3c: {  	_ =	swait.ge [sflag:s20], $0x400  }
0x3d: {  	[sflag:s20] =	ssyncset.done $0x0  }
0x3e: {  	[sflag:s20] =	ssyncadd.s32 $0xFFFFFC00  }
0x3f: {  	[spmem:s18] =	stream.linear.scatter [tilespmem:s19], [sflag:$0x7], $0x400, $0x38;
	[tilespmem:$0x9C00] =	vst v63  }
0x40: {  	_ =	swait.ge [sflag:s20], $0x400  }
0x41: {  	[sflag:s20] =	ssyncset.done $0x0  }
0x42: {  	s7 =	simm.s32 $0x0;
	s9 =	rddreg [dreg:$0x3];
	[sflag:s20] =	ssyncadd.s32 $0xFFFFFC00  }
0x43: {  	[tilespmem:s7], [sflag:$0x7] =	stream.linear.gather [hbm4b:s9+s7], $0x2800, $0x38;
	[tilespmem:$0x9C00] =	vst v63  }
0x44: {  	_ =	swait.ge [sflag:s20], $0x2800  }
0x45: {  	[sflag:s20] =	ssyncset.done $0x0  }
0x46: {  	s9 =	rddreg [dreg:$0x4];
	[sflag:s20] =	ssyncadd.s32 $0xFFFFD800  }
0x47: {  	[tilespmem:s21], [sflag:$0x7] =	stream.linear.gather [hbm4b:s9+s7], $0x2800, $0x38;
	[tilespmem:$0x9C00] =	vst v63  }
0x48: {  	_ =	swait.ge [sflag:s20], $0x2800  }
0x49: {  	[sflag:s20] =	ssyncset.done $0x0  }
0x4a: {  	[sflag:s20] =	ssyncadd.s32 $0xFFFFD800  }
0x4b: {  	[bflag:$0x0] =	sbarrier.arrive $0xFFFF  }
0x4c: {  	[tilespmem:s23], [sflag:$0x1] =	stream.indirect.gather [hbm4b:s4+s22], $0x10, s7, s22, $0xb8;
	[tilespmem:$0x9C00] =	vst v63  }
0x4d: {  	_ = 	snop  }
0x4e: {  	[tilespmem:s24], [sflag:$0x2] =	stream.indirect.gather [hbm4b:s4+s22], $0x10, s22, s22, $0xb8;
	[tilespmem:$0x9C00] =	vst v63  }
0x4f: {  	_ =	swait.ge [sflag:s26], $0x800  }
0x50: {  	[sflag:s26] =	ssyncset.done $0x0  }
0x51: {  	[sflag:s26] =	ssyncadd.s32 $0xFFFFF800  }
0x52: {  	[spmem:s2] =	stream.indirect.scatter.add.f32 [tilespmem:s23], [sflag:$0x5], $0x10, s21, s22, $0xb8;
	[tilespmem:$0x9C00] =	vst v63  }
0x53: {  	s8 =	simm.s32 $0x100  }
0x54: {  	[tilespmem:s29], [sflag:$0x3] =	stream.indirect.gather [hbm4b:s4+s22], $0x10, s8, s22, $0xb8;
	[tilespmem:$0x9C00] =	vst v63  }
0x55: {  	_ =	swait.ge [sflag:s30], $0x800  }
0x56: {  	[sflag:s30] =	ssyncset.done $0x0  }
0x57: {  	s9 =	simm.s32 $0x2880;
	[sflag:s30] =	ssyncadd.s32 $0xFFFFF800  }
0x58: {  	[spmem:s2] =	stream.indirect.scatter.add.f32 [tilespmem:s24], [sflag:$0x6], $0x10, s9, s22, $0xb8;
	[tilespmem:$0x9C00] =	vst v63  }
0x59: {  	s8 =	simm.s32 $0x180  }
0x5a: {  	[tilespmem:s0], [sflag:$0x4] =	stream.indirect.gather [hbm4b:s4+s22], $0x10, s8, s22, $0xb8;
	[tilespmem:$0x9C00] =	vst v63  }
0x5b: {  	_ =	swait.ge [sflag:s28], $0x800  }
0x5c: {  	[sflag:s28] =	ssyncset.done $0x0  }
0x5d: {  	[sflag:s28] =	ssyncadd.s32 $0xFFFFF800  }
0x5e: {  	_ =	swait.ge [sflag:s31], $0x800  }
0x5f: {  	[sflag:s31] =	ssyncset.done $0x0  }
0x60: {  	s9 =	simm.s32 $0x2900;
	[sflag:s31] =	ssyncadd.s32 $0xFFFFF800  }
0x61: {  	[spmem:s2] =	stream.indirect.scatter.add.f32 [tilespmem:s29], [sflag:$0x5], $0x10, s9, s22, $0xb8;
	[tilespmem:$0x9C00] =	vst v63  }
0x62: {  	s8 =	simm.s32 $0x200  }
0x63: {  	[tilespmem:s23], [sflag:$0x1] =	stream.indirect.gather [hbm4b:s4+s22], $0x10, s8, s22, $0xb8;
	[tilespmem:$0x9C00] =	vst v63  }
0x64: {  	_ =	swait.ge [sflag:s1], $0x800  }
0x65: {  	[sflag:s1] =	ssyncset.done $0x0  }
0x66: {  	[sflag:s1] =	ssyncadd.s32 $0xFFFFF800  }
0x67: {  	_ =	swait.ge [sflag:s6], $0x800  }
0x68: {  	[sflag:s6] =	ssyncset.done $0x0  }
0x69: {  	s9 =	simm.s32 $0x2980;
	[sflag:s6] =	ssyncadd.s32 $0xFFFFF800  }
0x6a: {  	[spmem:s2] =	stream.indirect.scatter.add.f32 [tilespmem:s0], [sflag:$0x6], $0x10, s9, s22, $0xb8;
	[tilespmem:$0x9C00] =	vst v63  }
0x6b: {  	s8 =	simm.s32 $0x280  }
0x6c: {  	[tilespmem:s24], [sflag:$0x2] =	stream.indirect.gather [hbm4b:s4+s22], $0x10, s8, s22, $0xb8;
	[tilespmem:$0x9C00] =	vst v63  }
0x6d: {  	_ =	swait.ge [sflag:s26], $0x800  }
0x6e: {  	[sflag:s26] =	ssyncset.done $0x0  }
0x6f: {  	[sflag:s26] =	ssyncadd.s32 $0xFFFFF800  }
0x70: {  	_ =	swait.ge [sflag:s31], $0x800  }
0x71: {  	[sflag:s31] =	ssyncset.done $0x0  }
0x72: {  	s9 =	simm.s32 $0x2A00;
	[sflag:s31] =	ssyncadd.s32 $0xFFFFF800  }
0x73: {  	[spmem:s2] =	stream.indirect.scatter.add.f32 [tilespmem:s23], [sflag:$0x5], $0x10, s9, s22, $0xb8;
	[tilespmem:$0x9C00] =	vst v63  }
0x74: {  	s8 =	simm.s32 $0x300  }
0x75: {  	[tilespmem:s29], [sflag:$0x3] =	stream.indirect.gather [hbm4b:s4+s22], $0x10, s8, s22, $0xb8;
	[tilespmem:$0x9C00] =	vst v63  }
0x76: {  	_ =	swait.ge [sflag:s30], $0x800  }
0x77: {  	[sflag:s30] =	ssyncset.done $0x0  }
0x78: {  	[sflag:s30] =	ssyncadd.s32 $0xFFFFF800  }
0x79: {  	_ =	swait.ge [sflag:s6], $0x800  }
0x7a: {  	[sflag:s6] =	ssyncset.done $0x0  }
0x7b: {  	s9 =	simm.s32 $0x2A80;
	[sflag:s6] =	ssyncadd.s32 $0xFFFFF800  }
0x7c: {  	[spmem:s2] =	stream.indirect.scatter.add.f32 [tilespmem:s24], [sflag:$0x6], $0x10, s9, s22, $0xb8;
	[tilespmem:$0x9C00] =	vst v63  }
0x7d: {  	s8 =	simm.s32 $0x380  }
0x7e: {  	[tilespmem:s0], [sflag:$0x4] =	stream.indirect.gather [hbm4b:s4+s22], $0x10, s8, s22, $0xb8;
	[tilespmem:$0x9C00] =	vst v63  }
0x7f: {  	_ =	swait.ge [sflag:s28], $0x800  }
0x80: {  	[sflag:s28] =	ssyncset.done $0x0  }
0x81: {  	[sflag:s28] =	ssyncadd.s32 $0xFFFFF800  }
0x82: {  	_ =	swait.ge [sflag:s31], $0x800  }
0x83: {  	[sflag:s31] =	ssyncset.done $0x0  }
0x84: {  	s9 =	simm.s32 $0x2B00;
	[sflag:s31] =	ssyncadd.s32 $0xFFFFF800  }
0x85: {  	[spmem:s2] =	stream.indirect.scatter.add.f32 [tilespmem:s29], [sflag:$0x5], $0x10, s9, s22, $0xb8;
	[tilespmem:$0x9C00] =	vst v63  }
0x86: {  	s8 =	simm.s32 $0x400  }
0x87: {  	[tilespmem:s23], [sflag:$0x1] =	stream.indirect.gather [hbm4b:s4+s22], $0x10, s8, s22, $0xb8;
	[tilespmem:$0x9C00] =	vst v63  }
0x88: {  	_ =	swait.ge [sflag:s1], $0x800  }
0x89: {  	[sflag:s1] =	ssyncset.done $0x0  }
0x8a: {  	[sflag:s1] =	ssyncadd.s32 $0xFFFFF800  }
0x8b: {  	_ =	swait.ge [sflag:s6], $0x800  }
0x8c: {  	s7 =	simm.s32 $0x800;
	[sflag:s6] =	ssyncset.done $0x0  }
0x8d: {  	s9 =	simm.s32 $0x2B80;
	s8 =	simm.s32 $0x480;
	[sflag:s6] =	ssyncadd.s32 $0xFFFFF800  }
0x8e: {  	[spmem:s2] =	stream.indirect.scatter.add.f32 [tilespmem:s0], [sflag:$0x6], $0x10, s9, s22, $0xb8;
	[tilespmem:$0x9C00] =	vst v63  }
.LBB2_4:
0x8f: {  	[tilespmem:s24], [sflag:$0x2] =	stream.indirect.gather [hbm4b:s4+s22], $0x10, s8, s22, $0xb8;
	[tilespmem:$0x9C00] =	vst v63  }
0x90: {  	s8 =	smov.u32 s7  }
0x91: {  	p0 =	sne.s32 s7, $0x8800;
	s7 =	sadd.s32 $0x800, s7;
	_ =	swait.ge [sflag:s26], $0x800  }
0x92: {  	[sflag:s26] =	ssyncset.done $0x0  }
0x93: {  	[sflag:s26] =	ssyncadd.s32 $0xFFFFF800  }
0x94: {  	_ =	swait.ge [sflag:s31], $0x800  }
0x95: {  	s8 =	sshra.s32 s8, $0x2;
	[sflag:s31] =	ssyncset.done $0x0  }
0x96: {  	s9 =	sadd.s32 $0x2A00, s8;
	[sflag:s31] =	ssyncadd.s32 $0xFFFFF800  }
0x97: {  	[spmem:s2] =	stream.indirect.scatter.add.f32 [tilespmem:s23], [sflag:$0x5], $0x10, s9, s22, $0xb8;
	[tilespmem:$0x9C00] =	vst v63  }
0x98: {  	s9 =	sadd.s32 $0x300, s8  }
0x99: {  	[tilespmem:s29], [sflag:$0x3] =	stream.indirect.gather [hbm4b:s4+s22], $0x10, s9, s22, $0xb8;
	[tilespmem:$0x9C00] =	vst v63  }
0x9a: {  	_ =	swait.ge [sflag:s30], $0x800  }
0x9b: {  	[sflag:s30] =	ssyncset.done $0x0  }
0x9c: {  	[sflag:s30] =	ssyncadd.s32 $0xFFFFF800  }
0x9d: {  	_ =	swait.ge [sflag:s6], $0x800  }
0x9e: {  	[sflag:s6] =	ssyncset.done $0x0  }
0x9f: {  	s9 =	sadd.s32 $0x2A80, s8;
	[sflag:s6] =	ssyncadd.s32 $0xFFFFF800  }
0xa0: {  	[spmem:s2] =	stream.indirect.scatter.add.f32 [tilespmem:s24], [sflag:$0x6], $0x10, s9, s22, $0xb8;
	[tilespmem:$0x9C00] =	vst v63  }
0xa1: {  	s9 =	sadd.s32 $0x380, s8  }
0xa2: {  	[tilespmem:s0], [sflag:$0x4] =	stream.indirect.gather [hbm4b:s4+s22], $0x10, s9, s22, $0xb8;
	[tilespmem:$0x9C00] =	vst v63  }
0xa3: {  	_ =	swait.ge [sflag:s28], $0x800  }
0xa4: {  	[sflag:s28] =	ssyncset.done $0x0  }
0xa5: {  	[sflag:s28] =	ssyncadd.s32 $0xFFFFF800  }
0xa6: {  	_ =	swait.ge [sflag:s31], $0x800  }
0xa7: {  	[sflag:s31] =	ssyncset.done $0x0  }
0xa8: {  	s9 =	sadd.s32 $0x2B00, s8;
	[sflag:s31] =	ssyncadd.s32 $0xFFFFF800  }
0xa9: {  	[spmem:s2] =	stream.indirect.scatter.add.f32 [tilespmem:s29], [sflag:$0x5], $0x10, s9, s22, $0xb8;
	[tilespmem:$0x9C00] =	vst v63  }
0xaa: {  	s9 =	sadd.s32 $0x400, s8  }
0xab: {  	[tilespmem:s23], [sflag:$0x1] =	stream.indirect.gather [hbm4b:s4+s22], $0x10, s9, s22, $0xb8;
	[tilespmem:$0x9C00] =	vst v63  }
0xac: {  	_ =	swait.ge [sflag:s1], $0x800  }
0xad: {  	[sflag:s1] =	ssyncset.done $0x0  }
0xae: {  	[sflag:s1] =	ssyncadd.s32 $0xFFFFF800  }
.Ltmp1:
0xaf: {  	_ =	swait.ge [sflag:s6], $0x800;
	(pc) =	sbr.rel @p0 .LBB2_4-.Ltmp1, $4  }
0xb0: {  	[sflag:s6] =	ssyncset.done $0x0  }
0xb1: {  	s9 =	sadd.s32 $0x2B80, s8;
	[sflag:s6] =	ssyncadd.s32 $0xFFFFF800  }
0xb2: {  	[spmem:s2] =	stream.indirect.scatter.add.f32 [tilespmem:s0], [sflag:$0x6], $0x10, s9, s22, $0xb8;
	[tilespmem:$0x9C00] =	vst v63  }
0xb3: {  	s8 =	sadd.s32 $0x480, s8  }
0xb4: {  	[tilespmem:s24], [sflag:$0x2] =	stream.indirect.gather [hbm4b:s4+s22], $0x10, s8, s22, $0xb8;
	[tilespmem:$0x9C00] =	vst v63  }
0xb5: {  	_ =	swait.ge [sflag:s26], $0x800  }
0xb6: {  	[sflag:s26] =	ssyncset.done $0x0  }
0xb7: {  	[sflag:s26] =	ssyncadd.s32 $0xFFFFF800  }
0xb8: {  	_ =	swait.ge [sflag:s31], $0x800  }
0xb9: {  	[sflag:s31] =	ssyncset.done $0x0  }
0xba: {  	s7 =	simm.s32 $0x4E00;
	[sflag:s31] =	ssyncadd.s32 $0xFFFFF800  }
0xbb: {  	[spmem:s2] =	stream.indirect.scatter.add.f32 [tilespmem:s23], [sflag:$0x5], $0x10, s7, s22, $0xb8;
	[tilespmem:$0x9C00] =	vst v63  }
0xbc: {  	s9 =	simm.s32 $0x2700  }
0xbd: {  	[tilespmem:s29], [sflag:$0x3] =	stream.indirect.gather [hbm4b:s4+s22], $0x10, s9, s22, $0xb8;
	[tilespmem:$0x9C00] =	vst v63  }
0xbe: {  	_ =	swait.ge [sflag:s30], $0x800  }
0xbf: {  	[sflag:s30] =	ssyncset.done $0x0  }
0xc0: {  	[sflag:s30] =	ssyncadd.s32 $0xFFFFF800  }
0xc1: {  	_ =	swait.ge [sflag:s6], $0x800  }
0xc2: {  	[sflag:s6] =	ssyncset.done $0x0  }
0xc3: {  	s8 =	simm.s32 $0x4E80;
	[sflag:s6] =	ssyncadd.s32 $0xFFFFF800  }
0xc4: {  	[spmem:s2] =	stream.indirect.scatter.add.f32 [tilespmem:s24], [sflag:$0x6], $0x10, s8, s22, $0xb8;
	[tilespmem:$0x9C00] =	vst v63  }
0xc5: {  	s9 =	simm.s32 $0x2780  }
0xc6: {  	[tilespmem:s0], [sflag:$0x4] =	stream.indirect.gather [hbm4b:s4+s22], $0x10, s9, s22, $0xb8;
	[tilespmem:$0x9C00] =	vst v63  }
0xc7: {  	_ =	swait.ge [sflag:s28], $0x800  }
0xc8: {  	[sflag:s28] =	ssyncset.done $0x0  }
0xc9: {  	[sflag:s28] =	ssyncadd.s32 $0xFFFFF800  }
0xca: {  	_ =	swait.ge [sflag:s31], $0x800  }
0xcb: {  	[sflag:s31] =	ssyncset.done $0x0  }
0xcc: {  	s8 =	simm.s32 $0x4F00;
	[sflag:s31] =	ssyncadd.s32 $0xFFFFF800  }
0xcd: {  	[spmem:s2] =	stream.indirect.scatter.add.f32 [tilespmem:s29], [sflag:$0x5], $0x10, s8, s22, $0xb8;
	[tilespmem:$0x9C00] =	vst v63  }
0xce: {  	_ =	swait.ge [sflag:s1], $0x800  }
0xcf: {  	[sflag:s1] =	ssyncset.done $0x0  }
0xd0: {  	[sflag:s1] =	ssyncadd.s32 $0xFFFFF800  }
0xd1: {  	_ =	swait.ge [sflag:s6], $0x800  }
0xd2: {  	[sflag:s6] =	ssyncset.done $0x0  }
0xd3: {  	s9 =	simm.s32 $0x4F80;
	[sflag:s6] =	ssyncadd.s32 $0xFFFFF800  }
0xd4: {  	[spmem:s2] =	stream.indirect.scatter.add.f32 [tilespmem:s0], [sflag:$0x6], $0x10, s9, s22, $0xb8;
	[tilespmem:$0x9C00] =	vst v63  }
0xd5: {  	_ =	swait.ge [sflag:s31], $0x800  }
0xd6: {  	[sflag:s31] =	ssyncset.done $0x0  }
0xd7: {  	[sflag:s31] =	ssyncadd.s32 $0xFFFFF800  }
0xd8: {  	_ =	swait.ge [sflag:s6], $0x800  }
0xd9: {  	[sflag:s6] =	ssyncset.done $0x0  }
0xda: {  	s8 =	stileid.u32;
	[sflag:s6] =	ssyncadd.s32 $0xFFFFF800  }
0xdb: {  	s7 =	sshll.u32 s8, $0x6;
	[bflag:$0x0] =	sbarrier.arrive $0xFFFF  }
0xdc: {  	s7 =	sor.u32 $0x1C07, s7;
	s9 =	rddreg [dreg:$0x5]  }
0xdd: {  	[hbm:s9], [sflag:s7] =	dma.local [spmem:s25], $0x500  }
0xde: {  	_ =	swait.ge [sflag:s20], $0x500  }
0xdf: {  	s3 =	sadd.s32 $0x1, s3;
	s9 =	rddreg [dreg:$0x6]  }
0xe0: {  	p0 =	sne.s32 s3, s9  }
.Ltmp2:
0xe1: {  	_ = 	snop;
	(pc) =	sbr.rel @p0 .LBB2_1-.Ltmp2, $3  }
0xe2: {  	_ =	sdelay $0x1  }
0xe3: {  	[sflag:s20] =	ssyncset.done $0x0  }
0xe4: {  	[sflag:s20] =	ssyncadd.s32 $0xFFFFFB00  }
0xe5: {  	_ =	sfence.sel $0x180000  }
0xe6: {  	[bflag:$0x0] =	sbarrier.arrive $0xFFFF  }
0xe7: {  	_ =	strace $0x9000004A  }
0xe8: {  	s0 =	stileid.u32;
	[bflag:$0x2] =	sbarrier.arrive $0xFFFF  }
0xe9: {  	p0 =	sne.s32 s0, $0x0;
	s0 =	rddreg [dreg:$0x2]  }
0xea: {  	s0 =	sadd.s32 @!p0 $0x100000, s0  }
0xeb: {  	[sflag:s0] =	ssyncadd.tile.s32 @!p0 $0x1;
	_ =	shalt  }
.Lfunc_end2:
_tile_overlayer_lowered:
.L_overlay_start_2:
0xec: {  	(tag) =	ssettag $0x2  }
0xed: {  	s0 =	rddreg [dreg:$0x0];
	s2 =	stileid.u32  }
0xee: {  	s1 =	rddreg [dreg:$0x1];
	p0 =	sne.s32 s2, $0x0  }
0xef: {  	s3 =	rddreg [dreg:$0x2];
	[bflag:$0x3] =	sbarrier.arrive $0xFFFF;
	s2 =	simm.s32 @!p0 $0x1C07  }
0xf0: {  	[timem:s3], [sflag:s2] =	dma.local @!p0 [hbm:s0], s1  }
0xf1: {  	s0 =	simm.s32 @!p0 $0x7  }
0xf2: {  	_ =	swait.ge @!p0 [sflag:s0], s1  }
0xf3: {  	s1 =	ssub.s32 @!p0 $0x0, s1;
	[sflag:s0] =	ssyncset.done @!p0 $0x0  }
0xf4: {  	[sflag:s0] =	ssyncadd.s32 @!p0 s1  }
0xf5: {  	[bflag:$0x3] =	sbarrier.arrive $0xFFFF  }
0xf6: {  	_ =	shalt  }

// kernel: kernel.18.cloned.1.call-start
scs
__scs_entry_jumppad:
0x0: {  	(pc) =	sbr.rel $0x88, $3  }
0x1: {  	(tag) =	ssettag $0x0;
	lr =	simm.s32 $0x1  }
0x2: {  	[smem:$0x3F96] =	sst lr;
	_ =	strace $0xD0000000  }
0x3: {  	_ = 	snop  }
0x4: {  	_ = 	snop  }
0x5: {  	_ = 	snop  }
0x6: {  	_ = 	snop  }
0x7: {  	_ = 	snop  }
__scs_overlays_trampoline_lowered:
0x8: {  	[smem:$0x3FA5] =	sst s0  }
0x9: {  	[smem:$0x3FA6] =	sst s1  }
0xa: {  	[smem:$0x3FA7] =	sst s2  }
0xb: {  	[smem:$0x3FA8] =	sst s3  }
0xc: {  	[smem:$0x3FA9] =	sst s4  }
0xd: {  	[smem:$0x3FAA] =	sst s5  }
0xe: {  	[smem:$0x3FAB] =	sst s6  }
0xf: {  	[smem:$0x3FAC] =	sst s7  }
0x10: {  	[smem:$0x3FAD] =	sst s8  }
0x11: {  	[smem:$0x3FAE] =	sst s9;
	s0 =	simm.s32 @!p0 $0x0  }
0x12: {  	s1 =	sld [smem:$0x3F94];
	s0 =	simm.s32 @p0 $0x1  }
0x13: {  	[smem:$0x3FAF] =	sst s0;
	s0 =	simm.s32 @!p1 $0x0  }
0x14: {  	s2 =	sld [smem:$0x3F93];
	s0 =	simm.s32 @p1 $0x1  }
0x15: {  	[smem:$0x3FB0] =	sst s0;
	s0 =	simm.s32 @!p2 $0x0  }
0x16: {  	s3 =	sld [smem:$0x3FDB];
	s0 =	simm.s32 @p2 $0x1  }
0x17: {  	s4 =	simm.s32 $0x1BF5;
	[smem:$0x3FB2] =	sst s0  }
0x18: {  	s0 =	sld [smem:$0x3F95];
	_ =	swait.ge [sflag:s4], $0x0  }
0x19: {  	s7 =	sld [smem:$0x3F96]  }
0x1a: {  	s8 =	sadd.s32 $0xFFFFE003, lr  }
0x1b: {  	s9 =	sadd.s32 $0xFFFFFEF7, lr;
	s5 =	simm.s32 $0xFFFFFFFF;
	p2 =	slt.u32 s8, $0xFFFFF086  }
0x1c: {  	p1 =	slt.u32 s9, $0xF7A;
	s5 =	simm.s32 @!p2 $0x0  }
0x1d: {  	s5 =	simm.s32 @p1 $0x1;
	p0 =	seq.s32 s7, s2  }
0x1e: {  	s7 =	smul.u32 @!p0 $0xF7A, s2;
	p2 =	seq.s32 @!p0 s5, $0x0  }
0x1f: {  	s9 =	smul.u32 $0xF7A, s1;
	s8 =	simm.s32 @!p0 $0x1BF5;
	p2 =	por !p2, p0  }
0x20: {  	[sflag:s8] =	ssyncset.s32 @!p0 $0xFFFFF086;
	s6 =	sadd.s32 @!p0 s3, s7;
	s7 =	simm.s32 @!p0 $0x108  }
0x21: {  	s3 =	sadd.s32 s3, s9;
	s6 =	sadd.s32 @!p0 $0x88, s6;
	s7 =	simm.s32 @p2 $0x1082  }
0x22: {  	[simem:s7], [sflag:s8] =	dma.local @!p0 [hbm:s6], $0xF7A  }
0x23: {  	s9 =	sor.u32 $0xD0000000, s2;
	s6 =	simm.s32 $0x108;
	_ =	swait.ge @!p0 [sflag:s8], $0x0  }
0x24: {  	s3 =	sadd.s32 $0x88, s3;
	s6 =	simm.s32 @!p1 $0x1082;
	[sflag:s4] =	ssyncset.s32 $0xFFFFF086  }
0x25: {  	[simem:s6], [sflag:s4] =	dma.local [hbm:s3], $0xF7A  }
0x26: {  	[smem:$0x3F96] =	sst s1;
	(tag) =	ssettag s2;
	_ =	strace s9  }
0x27: {  	s1 =	sld [smem:$0x3FA6]  }
0x28: {  	s2 =	sld [smem:$0x3FA7]  }
0x29: {  	s4 =	sld [smem:$0x3FA9]  }
0x2a: {  	p0 =	seq.s32 s5, $0x0;
	s5 =	sld [smem:$0x3FAA]  }
0x2b: {  	s6 =	sld [smem:$0x3FAB]  }
0x2c: {  	s7 =	sld [smem:$0x3FAC]  }
0x2d: {  	s3 =	simm.s32 $0x108;
	s8 =	sld [smem:$0x3FAD]  }
0x2e: {  	s3 =	simm.s32 @!p0 $0x1082;
	s9 =	sld [smem:$0x3FAE]  }
0x2f: {  	lr =	sadd.s32 s0, s3;
	s0 =	sld [smem:$0x3FA5]  }
0x30: {  	s3 =	sld [smem:$0x3FA8]  }
0x31: {  	[smem:$0x3FB1] =	sst s10  }
0x32: {  	s10 =	sld [smem:$0x3FAF];
	_ =	sdelay $0x3  }
0x33: {  	p0 =	seq.s32 s10, $0x1;
	s10 =	sld [smem:$0x3FB1];
	_ =	sdelay $0x3  }
0x34: {  	[smem:$0x3FB1] =	sst s10  }
0x35: {  	s10 =	sld [smem:$0x3FB0];
	_ =	sdelay $0x3  }
0x36: {  	p1 =	seq.s32 s10, $0x1;
	s10 =	sld [smem:$0x3FB1];
	_ =	sdelay $0x3  }
0x37: {  	[smem:$0x3FB1] =	sst s10  }
0x38: {  	s10 =	sld [smem:$0x3FB2]  }
0x39: {  	_ = 	snop;
	(pc) =	sbr.ind lr, $3  }
0x3a: {  	_ = 	snop  }
0x3b: {  	_ = 	snop  }
0x3c: {  	p2 =	seq.s32 s10, $0x1;
	s10 =	sld [smem:$0x3FB1]  }
0x3d: {  	_ =	shalt  }
0x3e: {  	_ =	shalt  }
0x3f: {  	_ =	shalt  }
0x40: {  	_ =	shalt  }
0x41: {  	_ =	shalt  }
0x42: {  	_ =	shalt  }
0x43: {  	_ =	shalt  }
0x44: {  	_ =	shalt  }
0x45: {  	_ =	shalt  }
0x46: {  	_ =	shalt  }
0x47: {  	_ =	shalt  }
0x48: {  	_ =	shalt  }
0x49: {  	_ =	shalt  }
0x4a: {  	_ =	shalt  }
0x4b: {  	_ =	shalt  }
0x4c: {  	_ =	shalt  }
0x4d: {  	_ =	shalt  }
0x4e: {  	_ =	shalt  }
0x4f: {  	_ =	shalt  }
0x50: {  	_ =	shalt  }
0x51: {  	_ =	shalt  }
0x52: {  	_ =	shalt  }
0x53: {  	_ =	shalt  }
0x54: {  	_ =	shalt  }
0x55: {  	_ =	shalt  }
0x56: {  	_ =	shalt  }
0x57: {  	_ =	shalt  }
0x58: {  	_ =	shalt  }
0x59: {  	_ =	shalt  }
0x5a: {  	_ =	shalt  }
0x5b: {  	_ =	shalt  }
0x5c: {  	_ =	shalt  }
0x5d: {  	_ =	shalt  }
0x5e: {  	_ =	shalt  }
0x5f: {  	_ =	shalt  }
0x60: {  	_ =	shalt  }
0x61: {  	_ =	shalt  }
0x62: {  	_ =	shalt  }
0x63: {  	_ =	shalt  }
0x64: {  	_ =	shalt  }
0x65: {  	_ =	shalt  }
0x66: {  	_ =	shalt  }
0x67: {  	_ =	shalt  }
0x68: {  	_ =	shalt  }
0x69: {  	_ =	shalt  }
0x6a: {  	_ =	shalt  }
0x6b: {  	_ =	shalt  }
0x6c: {  	_ =	shalt  }
0x6d: {  	_ =	shalt  }
0x6e: {  	_ =	shalt  }
0x6f: {  	_ =	shalt  }
0x70: {  	_ =	shalt  }
0x71: {  	_ =	shalt  }
0x72: {  	_ =	shalt  }
0x73: {  	_ =	shalt  }
0x74: {  	_ =	shalt  }
0x75: {  	_ =	shalt  }
0x76: {  	_ =	shalt  }
0x77: {  	_ =	shalt  }
0x78: {  	_ =	shalt  }
0x79: {  	_ =	shalt  }
0x7a: {  	_ =	shalt  }
0x7b: {  	_ =	shalt  }
0x7c: {  	_ =	shalt  }
0x7d: {  	_ =	shalt  }
0x7e: {  	_ =	shalt  }
0x7f: {  	_ =	shalt  }
0x80: {  	_ =	shalt  }
0x81: {  	_ =	shalt  }
0x82: {  	_ =	shalt  }
0x83: {  	_ =	shalt  }
0x84: {  	_ =	shalt  }
0x85: {  	_ =	shalt  }
0x86: {  	_ =	shalt  }
0x87: {  	_ =	shalt  }
.Lfunc_end0:
.L_simem_size_0:
called_computation.2_lowered:
.L_overlay_start_0:
0x88: {  	s2 =	sld [smem:$0x3FD9]  }
0x89: {  	s3 =	sld [smem:$0x3FFE];
	_ =	sdelay $0x1  }
0x8a: {  	s1 =	srdreg.scid  }
0x8b: {  	s0 =	sand.u32 $0x1, s1  }
0x8c: {  	s16 =	sshll.u32 s0, $0xA;
	s2 =	sadd.s32 s3, s2  }
0x8d: {  	s2 =	sadd.s32 s2, s16  }
0x8e: {  	[smem:$0x3FBD] =	sst s2  }
0x8f: {  	_ = 	snop  }
0x90: {  	(tm) =	ssettm $0x1  }
0x91: {  	s17 =	sld [smem:$0x3FFB];
	_ =	sdelay $0x3  }
0x92: {  	_ =	strace s17  }
0x93: {  	s2 =	sld [smem:$0x3FFC];
	_ =	sdelay $0x3  }
0x94: {  	_ =	strace s2  }
0x95: {  	s2 =	sld [smem:$0x3FFD];
	_ =	sdelay $0x3  }
0x96: {  	_ =	strace s2  }
0x97: {  	_ =	strace $0x8FFFFFFF  }
0x98: {  	s18 =	sld [smem:$0x3FDB];
	_ =	sdelay $0x1  }
0x99: {  	s19 =	simm.s32 $_scs_section_size  }
0x9a: {  	s4 =	simm.s32 $_size__tile_overlayer_lowered;
	s5 =	simm.s32 $_tile_overlayer_lowered  }
0x9b: {  	s22 =	simm.s32 $0x1BFF;
	s21 =	sshll.u32 s5, $0x1;
	s2 =	sadd.s32 s19, s18  }
0x9c: {  	s6 =	simm.s32 $0x0;
	s20 =	sshll.u32 s4, $0x1;
	s4 =	sadd.s32 s21, s2  }
0x9d: {  	[timem:s6], [sflag:s22] =	dma.local [hbm:s4], s20  }
0x9e: {  	_ =	swait.ge [sflag:s22], s20  }
0x9f: {  	s3 =	ssub.s32 $0x0, s20;
	[sflag:s22] =	ssyncset.done $0x0  }
0xa0: {  	[sflag:s22] =	ssyncadd.s32 s3;
	_ =	sdelay $0x1  }
0xa1: {  	s23 =	simm.s32 $0x1B8B  }
0xa2: {  	_ =	swait.ge [sflag:s23], $0x1  }
0xa3: {  	[sflag:s23] =	ssyncset.done $0x0  }
0xa4: {  	s25 =	simm.s32 $0x1B8E;
	s24 =	sld [smem:$0x3FFE];
	[sflag:s23] =	ssyncadd.s32 $0xFFFFFFFF  }
0xa5: {  	s26 =	simm.s32 $execute0_lowered;
	[smem:$0x3FD2] =	sst s25  }
0xa6: {  	s4 =	sshll.u32 s26, $0x1;
	_ =	strace $0x8000004C;
	[dreg:$0x1] =	wrdreg $0xFFFFFFFF  }
0xa7: {  	s28 =	simm.s32 $_size_execute0_lowered;
	s2 =	sadd.s32 s2, s4;
	[dreg:$0x0] =	wrdreg $0x0  }
0xa8: {  	s4 =	sshll.u32 s28, $0x1;
	[dreg:$0x2] =	wrdreg s2  }
0xa9: {  	[dreg:$0x3] =	wrdreg s4  }
0xaa: {  	[dreg:$0x4] =	wrdreg $0xC0  }
0xab: {  	_ =	task [dreg:s6], $0x5FFFF  }
0xac: {  	[dreg:$0x1] =	wrdreg $0xFFFFFFFF  }
0xad: {  	[dreg:$0x0] =	wrdreg $0x60  }
0xae: {  	[dreg:$0x2] =	wrdreg s24  }
0xaf: {  	[dreg:$0x3] =	wrdreg $0x74000  }
0xb0: {  	[dreg:$0x4] =	wrdreg $0x9  }
0xb1: {  	_ =	task.clear_ibuf [dreg:s6], $0x5FFFF;
	_ =	strace $0x9000004C  }
0xb2: {  	s29 =	simm.s32 $0x9;
	_ =	strace $0x8000004E  }
0xb3: {  	_ =	swait.ge [sflag:s29], $0x1  }
0xb4: {  	[sflag:s29] =	ssyncadd.s32 $0xFFFFFFFF  }
0xb5: {  	_ =	strace $0x9000004E  }
0xb6: {  	_ =	sfence  }
0xb7: {  	s30 =	sld [smem:$0x0];
	_ =	sdelay $0x2  }
0xb8: {  	s31 =	sshll.u32 s1, $0xD;
	s1 =	sshrl.u32 s1, $0x2  }
0xb9: {  	s3 =	sand.u32 $0x4000, s31;
	s1 =	sadd.s32 s1, s30  }
0xba: {  	s0 =	sor.u32 s3, s0;
	s1 =	sshll.u32 s1, $0x11  }
0xbb: {  	s0 =	sor.u32 s1, s0  }
0xbc: {  	s0 =	sadd.s32 $0x8F2B, s0  }
0xbd: {  	[sflag:s0] =	ssyncadd.remote.s32 $0x1  }
0xbe: {  	_ =	sfence.sel $0xFFFF  }
0xbf: {  	[dreg:$0x0] =	wrdreg $0xFFFFFFFF;
	(pc) =	sbr.abs _section_cstart, $3  }
0xc0: {  	[dreg:$0x1] =	wrdreg $0xFFFFFFFF  }
0xc1: {  	_ =	task.clear_ibuf [dreg:s6], $0x2FFFF;
	_ =	strace $0x9FFFFFFF  }
0xc2: {  	(tm) =	ssettm $0x7FFFFFFF  }
0xc3: {  	_ =	shalt  }
tec
execute0_lowered:
.L_overlay_start_1:
0x0: {  	(tag) =	ssettag $0x1  }
0x1: {  	s0 =	srdreg.scid;
	s1 =	rddreg [dreg:$0x0]  }
0x2: {  	s8 =	stileid.u32;
	s2 =	rddreg [dreg:$0x1]  }
0x3: {  	s19 =	simm.s32 $0x7000;
	s20 =	simm.s32 $0x7;
	s21 =	simm.s32 $0x2800  }
0x4: {  	s29 =	simm.s32 $0x6000;
	s30 =	simm.s32 $0x2;
	s28 =	simm.s32 $0x3  }
0x5: {  	s0 =	sand.u32 $0x1, s0;
	s3 =	sshll.u32 s8, $0x1;
	s7 =	smul.u32 $0x2800, s8  }
0x6: {  	s31 =	simm.s32 $0x5;
	s8 =	smul.u32 $0xA000, s8;
	s4 =	sor.u32 s0, s3  }
0x7: {  	s3 =	simm.s32 $0x0;
	s6 =	smul.u32 $0x28000, s0;
	s0 =	ssub.s32 $0x2, s0  }
0x8: {  	s5 =	smul.u32 $0x2800, s4;
	[smem:$0x7FF] =	sst s3;
	s4 =	sadd.s32 $0x29A00, s1  }
0x9: {  	s23 =	sshrl.u32 s0, $0x1;
	s8 =	sshrl.u32 s8, $0x2;
	s26 =	sadd.s32 s7, s2  }
0xa: {  	_ =	strace $0x8000004D;
	s22 =	sadd.s32 s7, s6;
	s0 =	ssub.s32 s0, s23  }
0xb: {  	s23 =	simm.s32 $0x5000;
	s6 =	simm.s32 $0x6;
	s5 =	sshrl.u32 s5, $0x3  }
0xc: {  	s0 =	smax.u32 s0, $0x1;
	s9 =	sadd.s32 s5, s1;
	s5 =	sshrl.u32 s22, $0x3  }
0xd: {  	[dreg:$0x6] =	wrdreg s0;
	s22 =	simm.s32 $0x80;
	s24 =	sadd.s32 $0x15A00, s9  }
0xe: {  	s0 =	simm.s32 $0x6800;
	s25 =	sadd.s32 $0x1FA00, s9;
	[dreg:$0x3] =	wrdreg s24  }
0xf: {  	s1 =	sadd.s32 s5, s1;
	s5 =	sadd.s32 s8, s2;
	[dreg:$0x4] =	wrdreg s25  }
0x10: {  	s1 =	sadd.s32 $0x2EA00, s1;
	s10 =	sadd.s32 $0x400, s5;
	s11 =	sadd.s32 $0x800, s5  }
0x11: {  	s12 =	sadd.s32 $0xC00, s5;
	s13 =	sadd.s32 $0x1000, s5;
	s14 =	sadd.s32 $0x1400, s5  }
0x12: {  	s15 =	sadd.s32 $0x1800, s5;
	s16 =	sadd.s32 $0x1C00, s5;
	s17 =	sadd.s32 $0x2000, s5  }
0x13: {  	s18 =	sadd.s32 $0x2400, s5;
	s24 =	simm.s32 $0x5800;
	s25 =	sshrl.u32 s26, $0x3  }
0x14: {  	v0 =	vimm.f32 $0.0e+00;
	s26 =	simm.s32 $0x1;
	[dreg:$0x5] =	wrdreg s1;
	s1 =	simm.s32 $0x4  }
.LBB2_1:
0x15: {  	s7 =	simm.s32 $0x40;
	s8 =	simm.s32 $0x0  }
.LBB2_2:
0x16: {  	p0 =	sne.s32 s7, $0xFC0;
	[tilespmem:s8+$0x7000] =	vst v0;
	s8 =	smov.u32 s7;
	s7 =	sadd.s32 $0x40, s7  }
.Ltmp0:
0x17: {  	(pc) =	sbr.rel @p0 .LBB2_2-.Ltmp0, $2  }
0x18: {  	_ =	sdelay $0x2  }
0x19: {  	s8 =	sshra.s32 s8, $0x2  }
0x1a: {  	[tilespmem:s8+$0x7000] =	vst v0  }
0x1b: {  	[spmem:s5] =	stream.linear.scatter [tilespmem:s19], [sflag:$0x7], $0x400, $0x38;
	[tilespmem:$0x9C00] =	vst v63  }
0x1c: {  	_ =	swait.ge [sflag:s20], $0x400  }
0x1d: {  	[sflag:s20] =	ssyncset.done $0x0  }
0x1e: {  	[sflag:s20] =	ssyncadd.s32 $0xFFFFFC00  }
0x1f: {  	[spmem:s10] =	stream.linear.scatter [tilespmem:s19], [sflag:$0x7], $0x400, $0x38;
	[tilespmem:$0x9C00] =	vst v63  }
0x20: {  	_ =	swait.ge [sflag:s20], $0x400  }
0x21: {  	[sflag:s20] =	ssyncset.done $0x0  }
0x22: {  	[sflag:s20] =	ssyncadd.s32 $0xFFFFFC00  }
0x23: {  	[spmem:s11] =	stream.linear.scatter [tilespmem:s19], [sflag:$0x7], $0x400, $0x38;
	[tilespmem:$0x9C00] =	vst v63  }
0x24: {  	_ =	swait.ge [sflag:s20], $0x400  }
0x25: {  	[sflag:s20] =	ssyncset.done $0x0  }
0x26: {  	[sflag:s20] =	ssyncadd.s32 $0xFFFFFC00  }
0x27: {  	[spmem:s12] =	stream.linear.scatter [tilespmem:s19], [sflag:$0x7], $0x400, $0x38;
	[tilespmem:$0x9C00] =	vst v63  }
0x28: {  	_ =	swait.ge [sflag:s20], $0x400  }
0x29: {  	[sflag:s20] =	ssyncset.done $0x0  }
0x2a: {  	[sflag:s20] =	ssyncadd.s32 $0xFFFFFC00  }
0x2b: {  	[spmem:s13] =	stream.linear.scatter [tilespmem:s19], [sflag:$0x7], $0x400, $0x38;
	[tilespmem:$0x9C00] =	vst v63  }
0x2c: {  	_ =	swait.ge [sflag:s20], $0x400  }
0x2d: {  	[sflag:s20] =	ssyncset.done $0x0  }
0x2e: {  	[sflag:s20] =	ssyncadd.s32 $0xFFFFFC00  }
0x2f: {  	[spmem:s14] =	stream.linear.scatter [tilespmem:s19], [sflag:$0x7], $0x400, $0x38;
	[tilespmem:$0x9C00] =	vst v63  }
0x30: {  	_ =	swait.ge [sflag:s20], $0x400  }
0x31: {  	[sflag:s20] =	ssyncset.done $0x0  }
0x32: {  	[sflag:s20] =	ssyncadd.s32 $0xFFFFFC00  }
0x33: {  	[spmem:s15] =	stream.linear.scatter [tilespmem:s19], [sflag:$0x7], $0x400, $0x38;
	[tilespmem:$0x9C00] =	vst v63  }
0x34: {  	_ =	swait.ge [sflag:s20], $0x400  }
0x35: {  	[sflag:s20] =	ssyncset.done $0x0  }
0x36: {  	[sflag:s20] =	ssyncadd.s32 $0xFFFFFC00  }
0x37: {  	[spmem:s16] =	stream.linear.scatter [tilespmem:s19], [sflag:$0x7], $0x400, $0x38;
	[tilespmem:$0x9C00] =	vst v63  }
0x38: {  	_ =	swait.ge [sflag:s20], $0x400  }
0x39: {  	[sflag:s20] =	ssyncset.done $0x0  }
0x3a: {  	[sflag:s20] =	ssyncadd.s32 $0xFFFFFC00  }
0x3b: {  	[spmem:s17] =	stream.linear.scatter [tilespmem:s19], [sflag:$0x7], $0x400, $0x38;
	[tilespmem:$0x9C00] =	vst v63  }
0x3c: {  	_ =	swait.ge [sflag:s20], $0x400  }
0x3d: {  	[sflag:s20] =	ssyncset.done $0x0  }
0x3e: {  	[sflag:s20] =	ssyncadd.s32 $0xFFFFFC00  }
0x3f: {  	[spmem:s18] =	stream.linear.scatter [tilespmem:s19], [sflag:$0x7], $0x400, $0x38;
	[tilespmem:$0x9C00] =	vst v63  }
0x40: {  	_ =	swait.ge [sflag:s20], $0x400  }
0x41: {  	[sflag:s20] =	ssyncset.done $0x0  }
0x42: {  	s7 =	simm.s32 $0x0;
	s9 =	rddreg [dreg:$0x3];
	[sflag:s20] =	ssyncadd.s32 $0xFFFFFC00  }
0x43: {  	[tilespmem:s7], [sflag:$0x7] =	stream.linear.gather [hbm4b:s9+s7], $0x2800, $0x38;
	[tilespmem:$0x9C00] =	vst v63  }
0x44: {  	_ =	swait.ge [sflag:s20], $0x2800  }
0x45: {  	[sflag:s20] =	ssyncset.done $0x0  }
0x46: {  	s9 =	rddreg [dreg:$0x4];
	[sflag:s20] =	ssyncadd.s32 $0xFFFFD800  }
0x47: {  	[tilespmem:s21], [sflag:$0x7] =	stream.linear.gather [hbm4b:s9+s7], $0x2800, $0x38;
	[tilespmem:$0x9C00] =	vst v63  }
0x48: {  	_ =	swait.ge [sflag:s20], $0x2800  }
0x49: {  	[sflag:s20] =	ssyncset.done $0x0  }
0x4a: {  	[sflag:s20] =	ssyncadd.s32 $0xFFFFD800  }
0x4b: {  	[bflag:$0x0] =	sbarrier.arrive $0xFFFF  }
0x4c: {  	[tilespmem:s23], [sflag:$0x1] =	stream.indirect.gather [hbm4b:s4+s22], $0x10, s7, s22, $0xb8;
	[tilespmem:$0x9C00] =	vst v63  }
0x4d: {  	_ = 	snop  }
0x4e: {  	[tilespmem:s24], [sflag:$0x2] =	stream.indirect.gather [hbm4b:s4+s22], $0x10, s22, s22, $0xb8;
	[tilespmem:$0x9C00] =	vst v63  }
0x4f: {  	_ =	swait.ge [sflag:s26], $0x800  }
0x50: {  	[sflag:s26] =	ssyncset.done $0x0  }
0x51: {  	[sflag:s26] =	ssyncadd.s32 $0xFFFFF800  }
0x52: {  	[spmem:s2] =	stream.indirect.scatter.add.f32 [tilespmem:s23], [sflag:$0x5], $0x10, s21, s22, $0xb8;
	[tilespmem:$0x9C00] =	vst v63  }
0x53: {  	s8 =	simm.s32 $0x100  }
0x54: {  	[tilespmem:s29], [sflag:$0x3] =	stream.indirect.gather [hbm4b:s4+s22], $0x10, s8, s22, $0xb8;
	[tilespmem:$0x9C00] =	vst v63  }
0x55: {  	_ =	swait.ge [sflag:s30], $0x800  }
0x56: {  	[sflag:s30] =	ssyncset.done $0x0  }
0x57: {  	s9 =	simm.s32 $0x2880;
	[sflag:s30] =	ssyncadd.s32 $0xFFFFF800  }
0x58: {  	[spmem:s2] =	stream.indirect.scatter.add.f32 [tilespmem:s24], [sflag:$0x6], $0x10, s9, s22, $0xb8;
	[tilespmem:$0x9C00] =	vst v63  }
0x59: {  	s8 =	simm.s32 $0x180  }
0x5a: {  	[tilespmem:s0], [sflag:$0x4] =	stream.indirect.gather [hbm4b:s4+s22], $0x10, s8, s22, $0xb8;
	[tilespmem:$0x9C00] =	vst v63  }
0x5b: {  	_ =	swait.ge [sflag:s28], $0x800  }
0x5c: {  	[sflag:s28] =	ssyncset.done $0x0  }
0x5d: {  	[sflag:s28] =	ssyncadd.s32 $0xFFFFF800  }
0x5e: {  	_ =	swait.ge [sflag:s31], $0x800  }
0x5f: {  	[sflag:s31] =	ssyncset.done $0x0  }
0x60: {  	s9 =	simm.s32 $0x2900;
	[sflag:s31] =	ssyncadd.s32 $0xFFFFF800  }
0x61: {  	[spmem:s2] =	stream.indirect.scatter.add.f32 [tilespmem:s29], [sflag:$0x5], $0x10, s9, s22, $0xb8;
	[tilespmem:$0x9C00] =	vst v63  }
0x62: {  	s8 =	simm.s32 $0x200  }
0x63: {  	[tilespmem:s23], [sflag:$0x1] =	stream.indirect.gather [hbm4b:s4+s22], $0x10, s8, s22, $0xb8;
	[tilespmem:$0x9C00] =	vst v63  }
0x64: {  	_ =	swait.ge [sflag:s1], $0x800  }
0x65: {  	[sflag:s1] =	ssyncset.done $0x0  }
0x66: {  	[sflag:s1] =	ssyncadd.s32 $0xFFFFF800  }
0x67: {  	_ =	swait.ge [sflag:s6], $0x800  }
0x68: {  	[sflag:s6] =	ssyncset.done $0x0  }
0x69: {  	s9 =	simm.s32 $0x2980;
	[sflag:s6] =	ssyncadd.s32 $0xFFFFF800  }
0x6a: {  	[spmem:s2] =	stream.indirect.scatter.add.f32 [tilespmem:s0], [sflag:$0x6], $0x10, s9, s22, $0xb8;
	[tilespmem:$0x9C00] =	vst v63  }
0x6b: {  	s8 =	simm.s32 $0x280  }
0x6c: {  	[tilespmem:s24], [sflag:$0x2] =	stream.indirect.gather [hbm4b:s4+s22], $0x10, s8, s22, $0xb8;
	[tilespmem:$0x9C00] =	vst v63  }
0x6d: {  	_ =	swait.ge [sflag:s26], $0x800  }
0x6e: {  	[sflag:s26] =	ssyncset.done $0x0  }
0x6f: {  	[sflag:s26] =	ssyncadd.s32 $0xFFFFF800  }
0x70: {  	_ =	swait.ge [sflag:s31], $0x800  }
0x71: {  	[sflag:s31] =	ssyncset.done $0x0  }
0x72: {  	s9 =	simm.s32 $0x2A00;
	[sflag:s31] =	ssyncadd.s32 $0xFFFFF800  }
0x73: {  	[spmem:s2] =	stream.indirect.scatter.add.f32 [tilespmem:s23], [sflag:$0x5], $0x10, s9, s22, $0xb8;
	[tilespmem:$0x9C00] =	vst v63  }
0x74: {  	s8 =	simm.s32 $0x300  }
0x75: {  	[tilespmem:s29], [sflag:$0x3] =	stream.indirect.gather [hbm4b:s4+s22], $0x10, s8, s22, $0xb8;
	[tilespmem:$0x9C00] =	vst v63  }
0x76: {  	_ =	swait.ge [sflag:s30], $0x800  }
0x77: {  	[sflag:s30] =	ssyncset.done $0x0  }
0x78: {  	[sflag:s30] =	ssyncadd.s32 $0xFFFFF800  }
0x79: {  	_ =	swait.ge [sflag:s6], $0x800  }
0x7a: {  	[sflag:s6] =	ssyncset.done $0x0  }
0x7b: {  	s9 =	simm.s32 $0x2A80;
	[sflag:s6] =	ssyncadd.s32 $0xFFFFF800  }
0x7c: {  	[spmem:s2] =	stream.indirect.scatter.add.f32 [tilespmem:s24], [sflag:$0x6], $0x10, s9, s22, $0xb8;
	[tilespmem:$0x9C00] =	vst v63  }
0x7d: {  	s8 =	simm.s32 $0x380  }
0x7e: {  	[tilespmem:s0], [sflag:$0x4] =	stream.indirect.gather [hbm4b:s4+s22], $0x10, s8, s22, $0xb8;
	[tilespmem:$0x9C00] =	vst v63  }
0x7f: {  	_ =	swait.ge [sflag:s28], $0x800  }
0x80: {  	[sflag:s28] =	ssyncset.done $0x0  }
0x81: {  	[sflag:s28] =	ssyncadd.s32 $0xFFFFF800  }
0x82: {  	_ =	swait.ge [sflag:s31], $0x800  }
0x83: {  	[sflag:s31] =	ssyncset.done $0x0  }
0x84: {  	s9 =	simm.s32 $0x2B00;
	[sflag:s31] =	ssyncadd.s32 $0xFFFFF800  }
0x85: {  	[spmem:s2] =	stream.indirect.scatter.add.f32 [tilespmem:s29], [sflag:$0x5], $0x10, s9, s22, $0xb8;
	[tilespmem:$0x9C00] =	vst v63  }
0x86: {  	s8 =	simm.s32 $0x400  }
0x87: {  	[tilespmem:s23], [sflag:$0x1] =	stream.indirect.gather [hbm4b:s4+s22], $0x10, s8, s22, $0xb8;
	[tilespmem:$0x9C00] =	vst v63  }
0x88: {  	_ =	swait.ge [sflag:s1], $0x800  }
0x89: {  	[sflag:s1] =	ssyncset.done $0x0  }
0x8a: {  	[sflag:s1] =	ssyncadd.s32 $0xFFFFF800  }
0x8b: {  	_ =	swait.ge [sflag:s6], $0x800  }
0x8c: {  	s7 =	simm.s32 $0x800;
	[sflag:s6] =	ssyncset.done $0x0  }
0x8d: {  	s9 =	simm.s32 $0x2B80;
	s8 =	simm.s32 $0x480;
	[sflag:s6] =	ssyncadd.s32 $0xFFFFF800  }
0x8e: {  	[spmem:s2] =	stream.indirect.scatter.add.f32 [tilespmem:s0], [sflag:$0x6], $0x10, s9, s22, $0xb8;
	[tilespmem:$0x9C00] =	vst v63  }
.LBB2_4:
0x8f: {  	[tilespmem:s24], [sflag:$0x2] =	stream.indirect.gather [hbm4b:s4+s22], $0x10, s8, s22, $0xb8;
	[tilespmem:$0x9C00] =	vst v63  }
0x90: {  	s8 =	smov.u32 s7  }
0x91: {  	p0 =	sne.s32 s7, $0x8800;
	s7 =	sadd.s32 $0x800, s7;
	_ =	swait.ge [sflag:s26], $0x800  }
0x92: {  	[sflag:s26] =	ssyncset.done $0x0  }
0x93: {  	[sflag:s26] =	ssyncadd.s32 $0xFFFFF800  }
0x94: {  	_ =	swait.ge [sflag:s31], $0x800  }
0x95: {  	s8 =	sshra.s32 s8, $0x2;
	[sflag:s31] =	ssyncset.done $0x0  }
0x96: {  	s9 =	sadd.s32 $0x2A00, s8;
	[sflag:s31] =	ssyncadd.s32 $0xFFFFF800  }
0x97: {  	[spmem:s2] =	stream.indirect.scatter.add.f32 [tilespmem:s23], [sflag:$0x5], $0x10, s9, s22, $0xb8;
	[tilespmem:$0x9C00] =	vst v63  }
0x98: {  	s9 =	sadd.s32 $0x300, s8  }
0x99: {  	[tilespmem:s29], [sflag:$0x3] =	stream.indirect.gather [hbm4b:s4+s22], $0x10, s9, s22, $0xb8;
	[tilespmem:$0x9C00] =	vst v63  }
0x9a: {  	_ =	swait.ge [sflag:s30], $0x800  }
0x9b: {  	[sflag:s30] =	ssyncset.done $0x0  }
0x9c: {  	[sflag:s30] =	ssyncadd.s32 $0xFFFFF800  }
0x9d: {  	_ =	swait.ge [sflag:s6], $0x800  }
0x9e: {  	[sflag:s6] =	ssyncset.done $0x0  }
0x9f: {  	s9 =	sadd.s32 $0x2A80, s8;
	[sflag:s6] =	ssyncadd.s32 $0xFFFFF800  }
0xa0: {  	[spmem:s2] =	stream.indirect.scatter.add.f32 [tilespmem:s24], [sflag:$0x6], $0x10, s9, s22, $0xb8;
	[tilespmem:$0x9C00] =	vst v63  }
0xa1: {  	s9 =	sadd.s32 $0x380, s8  }
0xa2: {  	[tilespmem:s0], [sflag:$0x4] =	stream.indirect.gather [hbm4b:s4+s22], $0x10, s9, s22, $0xb8;
	[tilespmem:$0x9C00] =	vst v63  }
0xa3: {  	_ =	swait.ge [sflag:s28], $0x800  }
0xa4: {  	[sflag:s28] =	ssyncset.done $0x0  }
0xa5: {  	[sflag:s28] =	ssyncadd.s32 $0xFFFFF800  }
0xa6: {  	_ =	swait.ge [sflag:s31], $0x800  }
0xa7: {  	[sflag:s31] =	ssyncset.done $0x0  }
0xa8: {  	s9 =	sadd.s32 $0x2B00, s8;
	[sflag:s31] =	ssyncadd.s32 $0xFFFFF800  }
0xa9: {  	[spmem:s2] =	stream.indirect.scatter.add.f32 [tilespmem:s29], [sflag:$0x5], $0x10, s9, s22, $0xb8;
	[tilespmem:$0x9C00] =	vst v63  }
0xaa: {  	s9 =	sadd.s32 $0x400, s8  }
0xab: {  	[tilespmem:s23], [sflag:$0x1] =	stream.indirect.gather [hbm4b:s4+s22], $0x10, s9, s22, $0xb8;
	[tilespmem:$0x9C00] =	vst v63  }
0xac: {  	_ =	swait.ge [sflag:s1], $0x800  }
0xad: {  	[sflag:s1] =	ssyncset.done $0x0  }
0xae: {  	[sflag:s1] =	ssyncadd.s32 $0xFFFFF800  }
.Ltmp1:
0xaf: {  	_ =	swait.ge [sflag:s6], $0x800;
	(pc) =	sbr.rel @p0 .LBB2_4-.Ltmp1, $4  }
0xb0: {  	[sflag:s6] =	ssyncset.done $0x0  }
0xb1: {  	s9 =	sadd.s32 $0x2B80, s8;
	[sflag:s6] =	ssyncadd.s32 $0xFFFFF800  }
0xb2: {  	[spmem:s2] =	stream.indirect.scatter.add.f32 [tilespmem:s0], [sflag:$0x6], $0x10, s9, s22, $0xb8;
	[tilespmem:$0x9C00] =	vst v63  }
0xb3: {  	s8 =	sadd.s32 $0x480, s8  }
0xb4: {  	[tilespmem:s24], [sflag:$0x2] =	stream.indirect.gather [hbm4b:s4+s22], $0x10, s8, s22, $0xb8;
	[tilespmem:$0x9C00] =	vst v63  }
0xb5: {  	_ =	swait.ge [sflag:s26], $0x800  }
0xb6: {  	[sflag:s26] =	ssyncset.done $0x0  }
0xb7: {  	[sflag:s26] =	ssyncadd.s32 $0xFFFFF800  }
0xb8: {  	_ =	swait.ge [sflag:s31], $0x800  }
0xb9: {  	[sflag:s31] =	ssyncset.done $0x0  }
0xba: {  	s7 =	simm.s32 $0x4E00;
	[sflag:s31] =	ssyncadd.s32 $0xFFFFF800  }
0xbb: {  	[spmem:s2] =	stream.indirect.scatter.add.f32 [tilespmem:s23], [sflag:$0x5], $0x10, s7, s22, $0xb8;
	[tilespmem:$0x9C00] =	vst v63  }
0xbc: {  	s9 =	simm.s32 $0x2700  }
0xbd: {  	[tilespmem:s29], [sflag:$0x3] =	stream.indirect.gather [hbm4b:s4+s22], $0x10, s9, s22, $0xb8;
	[tilespmem:$0x9C00] =	vst v63  }
0xbe: {  	_ =	swait.ge [sflag:s30], $0x800  }
0xbf: {  	[sflag:s30] =	ssyncset.done $0x0  }
0xc0: {  	[sflag:s30] =	ssyncadd.s32 $0xFFFFF800  }
0xc1: {  	_ =	swait.ge [sflag:s6], $0x800  }
0xc2: {  	[sflag:s6] =	ssyncset.done $0x0  }
0xc3: {  	s8 =	simm.s32 $0x4E80;
	[sflag:s6] =	ssyncadd.s32 $0xFFFFF800  }
0xc4: {  	[spmem:s2] =	stream.indirect.scatter.add.f32 [tilespmem:s24], [sflag:$0x6], $0x10, s8, s22, $0xb8;
	[tilespmem:$0x9C00] =	vst v63  }
0xc5: {  	s9 =	simm.s32 $0x2780  }
0xc6: {  	[tilespmem:s0], [sflag:$0x4] =	stream.indirect.gather [hbm4b:s4+s22], $0x10, s9, s22, $0xb8;
	[tilespmem:$0x9C00] =	vst v63  }
0xc7: {  	_ =	swait.ge [sflag:s28], $0x800  }
0xc8: {  	[sflag:s28] =	ssyncset.done $0x0  }
0xc9: {  	[sflag:s28] =	ssyncadd.s32 $0xFFFFF800  }
0xca: {  	_ =	swait.ge [sflag:s31], $0x800  }
0xcb: {  	[sflag:s31] =	ssyncset.done $0x0  }
0xcc: {  	s8 =	simm.s32 $0x4F00;
	[sflag:s31] =	ssyncadd.s32 $0xFFFFF800  }
0xcd: {  	[spmem:s2] =	stream.indirect.scatter.add.f32 [tilespmem:s29], [sflag:$0x5], $0x10, s8, s22, $0xb8;
	[tilespmem:$0x9C00] =	vst v63  }
0xce: {  	_ =	swait.ge [sflag:s1], $0x800  }
0xcf: {  	[sflag:s1] =	ssyncset.done $0x0  }
0xd0: {  	[sflag:s1] =	ssyncadd.s32 $0xFFFFF800  }
0xd1: {  	_ =	swait.ge [sflag:s6], $0x800  }
0xd2: {  	[sflag:s6] =	ssyncset.done $0x0  }
0xd3: {  	s9 =	simm.s32 $0x4F80;
	[sflag:s6] =	ssyncadd.s32 $0xFFFFF800  }
0xd4: {  	[spmem:s2] =	stream.indirect.scatter.add.f32 [tilespmem:s0], [sflag:$0x6], $0x10, s9, s22, $0xb8;
	[tilespmem:$0x9C00] =	vst v63  }
0xd5: {  	_ =	swait.ge [sflag:s31], $0x800  }
0xd6: {  	[sflag:s31] =	ssyncset.done $0x0  }
0xd7: {  	[sflag:s31] =	ssyncadd.s32 $0xFFFFF800  }
0xd8: {  	_ =	swait.ge [sflag:s6], $0x800  }
0xd9: {  	[sflag:s6] =	ssyncset.done $0x0  }
0xda: {  	s8 =	stileid.u32;
	[sflag:s6] =	ssyncadd.s32 $0xFFFFF800  }
0xdb: {  	s7 =	sshll.u32 s8, $0x6;
	[bflag:$0x0] =	sbarrier.arrive $0xFFFF  }
0xdc: {  	s7 =	sor.u32 $0x1C07, s7;
	s9 =	rddreg [dreg:$0x5]  }
0xdd: {  	[hbm:s9], [sflag:s7] =	dma.local [spmem:s25], $0x500  }
0xde: {  	_ =	swait.ge [sflag:s20], $0x500  }
0xdf: {  	s3 =	sadd.s32 $0x1, s3;
	s9 =	rddreg [dreg:$0x6]  }
0xe0: {  	p0 =	sne.s32 s3, s9  }
.Ltmp2:
0xe1: {  	_ = 	snop;
	(pc) =	sbr.rel @p0 .LBB2_1-.Ltmp2, $3  }
0xe2: {  	_ =	sdelay $0x1  }
0xe3: {  	[sflag:s20] =	ssyncset.done $0x0  }
0xe4: {  	[sflag:s20] =	ssyncadd.s32 $0xFFFFFB00  }
0xe5: {  	_ =	sfence.sel $0x180000  }
0xe6: {  	[bflag:$0x0] =	sbarrier.arrive $0xFFFF  }
0xe7: {  	_ =	strace $0x9000004D  }
0xe8: {  	s0 =	stileid.u32;
	[bflag:$0x2] =	sbarrier.arrive $0xFFFF  }
0xe9: {  	p0 =	sne.s32 s0, $0x0;
	s0 =	rddreg [dreg:$0x2]  }
0xea: {  	s0 =	sadd.s32 @!p0 $0x100000, s0  }
0xeb: {  	[sflag:s0] =	ssyncadd.tile.s32 @!p0 $0x1;
	_ =	shalt  }
.Lfunc_end2:
_tile_overlayer_lowered:
.L_overlay_start_2:
0xec: {  	(tag) =	ssettag $0x2  }
0xed: {  	s0 =	rddreg [dreg:$0x0];
	s2 =	stileid.u32  }
0xee: {  	s1 =	rddreg [dreg:$0x1];
	p0 =	sne.s32 s2, $0x0  }
0xef: {  	s3 =	rddreg [dreg:$0x2];
	[bflag:$0x3] =	sbarrier.arrive $0xFFFF;
	s2 =	simm.s32 @!p0 $0x1C07  }
0xf0: {  	[timem:s3], [sflag:s2] =	dma.local @!p0 [hbm:s0], s1  }
0xf1: {  	s0 =	simm.s32 @!p0 $0x7  }
0xf2: {  	_ =	swait.ge @!p0 [sflag:s0], s1  }
0xf3: {  	s1 =	ssub.s32 @!p0 $0x0, s1;
	[sflag:s0] =	ssyncset.done @!p0 $0x0  }
0xf4: {  	[sflag:s0] =	ssyncadd.s32 @!p0 s1  }
0xf5: {  	[bflag:$0x3] =	sbarrier.arrive $0xFFFF  }
0xf6: {  	_ =	shalt  }

// kernel: kernel.21.cloned.1.call-start
scs
__scs_entry_jumppad:
0x0: {  	(pc) =	sbr.rel $0x88, $3  }
0x1: {  	(tag) =	ssettag $0x0;
	lr =	simm.s32 $0x1  }
0x2: {  	[smem:$0x3F96] =	sst lr;
	_ =	strace $0xD0000000  }
0x3: {  	_ = 	snop  }
0x4: {  	_ = 	snop  }
0x5: {  	_ = 	snop  }
0x6: {  	_ = 	snop  }
0x7: {  	_ = 	snop  }
__scs_overlays_trampoline_lowered:
0x8: {  	[smem:$0x3FA5] =	sst s0  }
0x9: {  	[smem:$0x3FA6] =	sst s1  }
0xa: {  	[smem:$0x3FA7] =	sst s2  }
0xb: {  	[smem:$0x3FA8] =	sst s3  }
0xc: {  	[smem:$0x3FA9] =	sst s4  }
0xd: {  	[smem:$0x3FAA] =	sst s5  }
0xe: {  	[smem:$0x3FAB] =	sst s6  }
0xf: {  	[smem:$0x3FAC] =	sst s7  }
0x10: {  	[smem:$0x3FAD] =	sst s8  }
0x11: {  	[smem:$0x3FAE] =	sst s9;
	s0 =	simm.s32 @!p0 $0x0  }
0x12: {  	s1 =	sld [smem:$0x3F94];
	s0 =	simm.s32 @p0 $0x1  }
0x13: {  	[smem:$0x3FAF] =	sst s0;
	s0 =	simm.s32 @!p1 $0x0  }
0x14: {  	s2 =	sld [smem:$0x3F93];
	s0 =	simm.s32 @p1 $0x1  }
0x15: {  	[smem:$0x3FB0] =	sst s0;
	s0 =	simm.s32 @!p2 $0x0  }
0x16: {  	s3 =	sld [smem:$0x3FDB];
	s0 =	simm.s32 @p2 $0x1  }
0x17: {  	s4 =	simm.s32 $0x1BF5;
	[smem:$0x3FB2] =	sst s0  }
0x18: {  	s0 =	sld [smem:$0x3F95];
	_ =	swait.ge [sflag:s4], $0x0  }
0x19: {  	s7 =	sld [smem:$0x3F96]  }
0x1a: {  	s8 =	sadd.s32 $0xFFFFE003, lr  }
0x1b: {  	s9 =	sadd.s32 $0xFFFFFEF7, lr;
	s5 =	simm.s32 $0xFFFFFFFF;
	p2 =	slt.u32 s8, $0xFFFFF086  }
0x1c: {  	p1 =	slt.u32 s9, $0xF7A;
	s5 =	simm.s32 @!p2 $0x0  }
0x1d: {  	s5 =	simm.s32 @p1 $0x1;
	p0 =	seq.s32 s7, s2  }
0x1e: {  	s7 =	smul.u32 @!p0 $0xF7A, s2;
	p2 =	seq.s32 @!p0 s5, $0x0  }
0x1f: {  	s9 =	smul.u32 $0xF7A, s1;
	s8 =	simm.s32 @!p0 $0x1BF5;
	p2 =	por !p2, p0  }
0x20: {  	[sflag:s8] =	ssyncset.s32 @!p0 $0xFFFFF086;
	s6 =	sadd.s32 @!p0 s3, s7;
	s7 =	simm.s32 @!p0 $0x108  }
0x21: {  	s3 =	sadd.s32 s3, s9;
	s6 =	sadd.s32 @!p0 $0x88, s6;
	s7 =	simm.s32 @p2 $0x1082  }
0x22: {  	[simem:s7], [sflag:s8] =	dma.local @!p0 [hbm:s6], $0xF7A  }
0x23: {  	s9 =	sor.u32 $0xD0000000, s2;
	s6 =	simm.s32 $0x108;
	_ =	swait.ge @!p0 [sflag:s8], $0x0  }
0x24: {  	s3 =	sadd.s32 $0x88, s3;
	s6 =	simm.s32 @!p1 $0x1082;
	[sflag:s4] =	ssyncset.s32 $0xFFFFF086  }
0x25: {  	[simem:s6], [sflag:s4] =	dma.local [hbm:s3], $0xF7A  }
0x26: {  	[smem:$0x3F96] =	sst s1;
	(tag) =	ssettag s2;
	_ =	strace s9  }
0x27: {  	s1 =	sld [smem:$0x3FA6]  }
0x28: {  	s2 =	sld [smem:$0x3FA7]  }
0x29: {  	s4 =	sld [smem:$0x3FA9]  }
0x2a: {  	p0 =	seq.s32 s5, $0x0;
	s5 =	sld [smem:$0x3FAA]  }
0x2b: {  	s6 =	sld [smem:$0x3FAB]  }
0x2c: {  	s7 =	sld [smem:$0x3FAC]  }
0x2d: {  	s3 =	simm.s32 $0x108;
	s8 =	sld [smem:$0x3FAD]  }
0x2e: {  	s3 =	simm.s32 @!p0 $0x1082;
	s9 =	sld [smem:$0x3FAE]  }
0x2f: {  	lr =	sadd.s32 s0, s3;
	s0 =	sld [smem:$0x3FA5]  }
0x30: {  	s3 =	sld [smem:$0x3FA8]  }
0x31: {  	[smem:$0x3FB1] =	sst s10  }
0x32: {  	s10 =	sld [smem:$0x3FAF];
	_ =	sdelay $0x3  }
0x33: {  	p0 =	seq.s32 s10, $0x1;
	s10 =	sld [smem:$0x3FB1];
	_ =	sdelay $0x3  }
0x34: {  	[smem:$0x3FB1] =	sst s10  }
0x35: {  	s10 =	sld [smem:$0x3FB0];
	_ =	sdelay $0x3  }
0x36: {  	p1 =	seq.s32 s10, $0x1;
	s10 =	sld [smem:$0x3FB1];
	_ =	sdelay $0x3  }
0x37: {  	[smem:$0x3FB1] =	sst s10  }
0x38: {  	s10 =	sld [smem:$0x3FB2]  }
0x39: {  	_ = 	snop;
	(pc) =	sbr.ind lr, $3  }
0x3a: {  	_ = 	snop  }
0x3b: {  	_ = 	snop  }
0x3c: {  	p2 =	seq.s32 s10, $0x1;
	s10 =	sld [smem:$0x3FB1]  }
0x3d: {  	_ =	shalt  }
0x3e: {  	_ =	shalt  }
0x3f: {  	_ =	shalt  }
0x40: {  	_ =	shalt  }
0x41: {  	_ =	shalt  }
0x42: {  	_ =	shalt  }
0x43: {  	_ =	shalt  }
0x44: {  	_ =	shalt  }
0x45: {  	_ =	shalt  }
0x46: {  	_ =	shalt  }
0x47: {  	_ =	shalt  }
0x48: {  	_ =	shalt  }
0x49: {  	_ =	shalt  }
0x4a: {  	_ =	shalt  }
0x4b: {  	_ =	shalt  }
0x4c: {  	_ =	shalt  }
0x4d: {  	_ =	shalt  }
0x4e: {  	_ =	shalt  }
0x4f: {  	_ =	shalt  }
0x50: {  	_ =	shalt  }
0x51: {  	_ =	shalt  }
0x52: {  	_ =	shalt  }
0x53: {  	_ =	shalt  }
0x54: {  	_ =	shalt  }
0x55: {  	_ =	shalt  }
0x56: {  	_ =	shalt  }
0x57: {  	_ =	shalt  }
0x58: {  	_ =	shalt  }
0x59: {  	_ =	shalt  }
0x5a: {  	_ =	shalt  }
0x5b: {  	_ =	shalt  }
0x5c: {  	_ =	shalt  }
0x5d: {  	_ =	shalt  }
0x5e: {  	_ =	shalt  }
0x5f: {  	_ =	shalt  }
0x60: {  	_ =	shalt  }
0x61: {  	_ =	shalt  }
0x62: {  	_ =	shalt  }
0x63: {  	_ =	shalt  }
0x64: {  	_ =	shalt  }
0x65: {  	_ =	shalt  }
0x66: {  	_ =	shalt  }
0x67: {  	_ =	shalt  }
0x68: {  	_ =	shalt  }
0x69: {  	_ =	shalt  }
0x6a: {  	_ =	shalt  }
0x6b: {  	_ =	shalt  }
0x6c: {  	_ =	shalt  }
0x6d: {  	_ =	shalt  }
0x6e: {  	_ =	shalt  }
0x6f: {  	_ =	shalt  }
0x70: {  	_ =	shalt  }
0x71: {  	_ =	shalt  }
0x72: {  	_ =	shalt  }
0x73: {  	_ =	shalt  }
0x74: {  	_ =	shalt  }
0x75: {  	_ =	shalt  }
0x76: {  	_ =	shalt  }
0x77: {  	_ =	shalt  }
0x78: {  	_ =	shalt  }
0x79: {  	_ =	shalt  }
0x7a: {  	_ =	shalt  }
0x7b: {  	_ =	shalt  }
0x7c: {  	_ =	shalt  }
0x7d: {  	_ =	shalt  }
0x7e: {  	_ =	shalt  }
0x7f: {  	_ =	shalt  }
0x80: {  	_ =	shalt  }
0x81: {  	_ =	shalt  }
0x82: {  	_ =	shalt  }
0x83: {  	_ =	shalt  }
0x84: {  	_ =	shalt  }
0x85: {  	_ =	shalt  }
0x86: {  	_ =	shalt  }
0x87: {  	_ =	shalt  }
.Lfunc_end0:
.L_simem_size_0:
called_computation.3_lowered:
.L_overlay_start_0:
0x88: {  	s2 =	sld [smem:$0x3FD9]  }
0x89: {  	s3 =	sld [smem:$0x3FFE];
	_ =	sdelay $0x1  }
0x8a: {  	s1 =	srdreg.scid  }
0x8b: {  	s0 =	sand.u32 $0x1, s1  }
0x8c: {  	s16 =	sshll.u32 s0, $0xA;
	s2 =	sadd.s32 s3, s2  }
0x8d: {  	s2 =	sadd.s32 s2, s16  }
0x8e: {  	[smem:$0x3FBD] =	sst s2  }
0x8f: {  	_ = 	snop  }
0x90: {  	(tm) =	ssettm $0x1  }
0x91: {  	s17 =	sld [smem:$0x3FFB];
	_ =	sdelay $0x3  }
0x92: {  	_ =	strace s17  }
0x93: {  	s2 =	sld [smem:$0x3FFC];
	_ =	sdelay $0x3  }
0x94: {  	_ =	strace s2  }
0x95: {  	s2 =	sld [smem:$0x3FFD];
	_ =	sdelay $0x3  }
0x96: {  	_ =	strace s2  }
0x97: {  	_ =	strace $0x8FFFFFFF  }
0x98: {  	s18 =	sld [smem:$0x3FDB];
	_ =	sdelay $0x1  }
0x99: {  	s19 =	simm.s32 $_scs_section_size  }
0x9a: {  	s4 =	simm.s32 $_size__tile_overlayer_lowered;
	s5 =	simm.s32 $_tile_overlayer_lowered  }
0x9b: {  	s22 =	simm.s32 $0x1BFF;
	s21 =	sshll.u32 s5, $0x1;
	s2 =	sadd.s32 s19, s18  }
0x9c: {  	s6 =	simm.s32 $0x0;
	s20 =	sshll.u32 s4, $0x1;
	s4 =	sadd.s32 s21, s2  }
0x9d: {  	[timem:s6], [sflag:s22] =	dma.local [hbm:s4], s20  }
0x9e: {  	_ =	swait.ge [sflag:s22], s20  }
0x9f: {  	s3 =	ssub.s32 $0x0, s20;
	[sflag:s22] =	ssyncset.done $0x0  }
0xa0: {  	[sflag:s22] =	ssyncadd.s32 s3;
	_ =	sdelay $0x1  }
0xa1: {  	s23 =	simm.s32 $0x1B8B  }
0xa2: {  	_ =	swait.ge [sflag:s23], $0x1  }
0xa3: {  	[sflag:s23] =	ssyncset.done $0x0  }
0xa4: {  	s25 =	simm.s32 $0x1B8E;
	s24 =	sld [smem:$0x3FFE];
	[sflag:s23] =	ssyncadd.s32 $0xFFFFFFFF  }
0xa5: {  	s26 =	simm.s32 $execute0_lowered;
	[smem:$0x3FD2] =	sst s25  }
0xa6: {  	s4 =	sshll.u32 s26, $0x1;
	_ =	strace $0x8000004F;
	[dreg:$0x1] =	wrdreg $0xFFFFFFFF  }
0xa7: {  	s28 =	simm.s32 $_size_execute0_lowered;
	s2 =	sadd.s32 s2, s4;
	[dreg:$0x0] =	wrdreg $0x0  }
0xa8: {  	s4 =	sshll.u32 s28, $0x1;
	[dreg:$0x2] =	wrdreg s2  }
0xa9: {  	[dreg:$0x3] =	wrdreg s4  }
0xaa: {  	[dreg:$0x4] =	wrdreg $0xC0  }
0xab: {  	_ =	task [dreg:s6], $0x5FFFF  }
0xac: {  	[dreg:$0x1] =	wrdreg $0xFFFFFFFF  }
0xad: {  	[dreg:$0x0] =	wrdreg $0x60  }
0xae: {  	[dreg:$0x2] =	wrdreg s24  }
0xaf: {  	[dreg:$0x3] =	wrdreg $0x74000  }
0xb0: {  	[dreg:$0x4] =	wrdreg $0x9  }
0xb1: {  	_ =	task.clear_ibuf [dreg:s6], $0x5FFFF;
	_ =	strace $0x9000004F  }
0xb2: {  	s29 =	simm.s32 $0x9;
	_ =	strace $0x80000051  }
0xb3: {  	_ =	swait.ge [sflag:s29], $0x1  }
0xb4: {  	[sflag:s29] =	ssyncadd.s32 $0xFFFFFFFF  }
0xb5: {  	_ =	strace $0x90000051  }
0xb6: {  	_ =	sfence  }
0xb7: {  	s30 =	sld [smem:$0x0];
	_ =	sdelay $0x2  }
0xb8: {  	s31 =	sshll.u32 s1, $0xD;
	s1 =	sshrl.u32 s1, $0x2  }
0xb9: {  	s3 =	sand.u32 $0x4000, s31;
	s1 =	sadd.s32 s1, s30  }
0xba: {  	s0 =	sor.u32 s3, s0;
	s1 =	sshll.u32 s1, $0x11  }
0xbb: {  	s0 =	sor.u32 s1, s0  }
0xbc: {  	s0 =	sadd.s32 $0x8F2B, s0  }
0xbd: {  	[sflag:s0] =	ssyncadd.remote.s32 $0x1  }
0xbe: {  	_ =	sfence.sel $0xFFFF  }
0xbf: {  	[dreg:$0x0] =	wrdreg $0xFFFFFFFF;
	(pc) =	sbr.abs _section_cstart, $3  }
0xc0: {  	[dreg:$0x1] =	wrdreg $0xFFFFFFFF  }
0xc1: {  	_ =	task.clear_ibuf [dreg:s6], $0x2FFFF;
	_ =	strace $0x9FFFFFFF  }
0xc2: {  	(tm) =	ssettm $0x7FFFFFFF  }
0xc3: {  	_ =	shalt  }
tec
execute0_lowered:
.L_overlay_start_1:
0x0: {  	(tag) =	ssettag $0x1  }
0x1: {  	s0 =	srdreg.scid;
	s1 =	rddreg [dreg:$0x0]  }
0x2: {  	s8 =	stileid.u32;
	s2 =	rddreg [dreg:$0x1]  }
0x3: {  	s19 =	simm.s32 $0x7000;
	s20 =	simm.s32 $0x7;
	s21 =	simm.s32 $0x2800  }
0x4: {  	s29 =	simm.s32 $0x6000;
	s30 =	simm.s32 $0x2;
	s28 =	simm.s32 $0x3  }
0x5: {  	s0 =	sand.u32 $0x1, s0;
	s3 =	sshll.u32 s8, $0x1;
	s7 =	smul.u32 $0x2800, s8  }
0x6: {  	s31 =	simm.s32 $0x5;
	s8 =	smul.u32 $0xA000, s8;
	s4 =	sor.u32 s0, s3  }
0x7: {  	s3 =	simm.s32 $0x0;
	s6 =	smul.u32 $0x28000, s0;
	s0 =	ssub.s32 $0x2, s0  }
0x8: {  	s5 =	smul.u32 $0x2800, s4;
	[smem:$0x7FF] =	sst s3;
	s4 =	sadd.s32 $0x5600, s1  }
0x9: {  	s23 =	sshrl.u32 s0, $0x1;
	s8 =	sshrl.u32 s8, $0x2;
	s26 =	sadd.s32 s7, s2  }
0xa: {  	_ =	strace $0x80000050;
	s22 =	sadd.s32 s7, s6;
	s0 =	ssub.s32 s0, s23  }
0xb: {  	s23 =	simm.s32 $0x5000;
	s6 =	simm.s32 $0x6;
	s5 =	sshrl.u32 s5, $0x3  }
0xc: {  	s0 =	smax.u32 s0, $0x1;
	s9 =	sadd.s32 s5, s1;
	s5 =	sshrl.u32 s22, $0x3  }
0xd: {  	[dreg:$0x6] =	wrdreg s0;
	s22 =	simm.s32 $0x80;
	s24 =	sadd.s32 $0x15A00, s9  }
0xe: {  	s0 =	simm.s32 $0x6800;
	s25 =	sadd.s32 $0x1FA00, s9;
	[dreg:$0x3] =	wrdreg s24  }
0xf: {  	s1 =	sadd.s32 s5, s1;
	s5 =	sadd.s32 s8, s2;
	[dreg:$0x4] =	wrdreg s25  }
0x10: {  	s1 =	sadd.s32 $0x29A00, s1;
	s10 =	sadd.s32 $0x400, s5;
	s11 =	sadd.s32 $0x800, s5  }
0x11: {  	s12 =	sadd.s32 $0xC00, s5;
	s13 =	sadd.s32 $0x1000, s5;
	s14 =	sadd.s32 $0x1400, s5  }
0x12: {  	s15 =	sadd.s32 $0x1800, s5;
	s16 =	sadd.s32 $0x1C00, s5;
	s17 =	sadd.s32 $0x2000, s5  }
0x13: {  	s18 =	sadd.s32 $0x2400, s5;
	s24 =	simm.s32 $0x5800;
	s25 =	sshrl.u32 s26, $0x3  }
0x14: {  	v0 =	vimm.f32 $0.0e+00;
	s26 =	simm.s32 $0x1;
	[dreg:$0x5] =	wrdreg s1;
	s1 =	simm.s32 $0x4  }
.LBB2_1:
0x15: {  	s7 =	simm.s32 $0x40;
	s8 =	simm.s32 $0x0  }
.LBB2_2:
0x16: {  	p0 =	sne.s32 s7, $0xFC0;
	[tilespmem:s8+$0x7000] =	vst v0;
	s8 =	smov.u32 s7;
	s7 =	sadd.s32 $0x40, s7  }
.Ltmp0:
0x17: {  	(pc) =	sbr.rel @p0 .LBB2_2-.Ltmp0, $2  }
0x18: {  	_ =	sdelay $0x2  }
0x19: {  	s8 =	sshra.s32 s8, $0x2  }
0x1a: {  	[tilespmem:s8+$0x7000] =	vst v0  }
0x1b: {  	[spmem:s5] =	stream.linear.scatter [tilespmem:s19], [sflag:$0x7], $0x400, $0x38;
	[tilespmem:$0x9C00] =	vst v63  }
0x1c: {  	_ =	swait.ge [sflag:s20], $0x400  }
0x1d: {  	[sflag:s20] =	ssyncset.done $0x0  }
0x1e: {  	[sflag:s20] =	ssyncadd.s32 $0xFFFFFC00  }
0x1f: {  	[spmem:s10] =	stream.linear.scatter [tilespmem:s19], [sflag:$0x7], $0x400, $0x38;
	[tilespmem:$0x9C00] =	vst v63  }
0x20: {  	_ =	swait.ge [sflag:s20], $0x400  }
0x21: {  	[sflag:s20] =	ssyncset.done $0x0  }
0x22: {  	[sflag:s20] =	ssyncadd.s32 $0xFFFFFC00  }
0x23: {  	[spmem:s11] =	stream.linear.scatter [tilespmem:s19], [sflag:$0x7], $0x400, $0x38;
	[tilespmem:$0x9C00] =	vst v63  }
0x24: {  	_ =	swait.ge [sflag:s20], $0x400  }
0x25: {  	[sflag:s20] =	ssyncset.done $0x0  }
0x26: {  	[sflag:s20] =	ssyncadd.s32 $0xFFFFFC00  }
0x27: {  	[spmem:s12] =	stream.linear.scatter [tilespmem:s19], [sflag:$0x7], $0x400, $0x38;
	[tilespmem:$0x9C00] =	vst v63  }
0x28: {  	_ =	swait.ge [sflag:s20], $0x400  }
0x29: {  	[sflag:s20] =	ssyncset.done $0x0  }
0x2a: {  	[sflag:s20] =	ssyncadd.s32 $0xFFFFFC00  }
0x2b: {  	[spmem:s13] =	stream.linear.scatter [tilespmem:s19], [sflag:$0x7], $0x400, $0x38;
	[tilespmem:$0x9C00] =	vst v63  }
0x2c: {  	_ =	swait.ge [sflag:s20], $0x400  }
0x2d: {  	[sflag:s20] =	ssyncset.done $0x0  }
0x2e: {  	[sflag:s20] =	ssyncadd.s32 $0xFFFFFC00  }
0x2f: {  	[spmem:s14] =	stream.linear.scatter [tilespmem:s19], [sflag:$0x7], $0x400, $0x38;
	[tilespmem:$0x9C00] =	vst v63  }
0x30: {  	_ =	swait.ge [sflag:s20], $0x400  }
0x31: {  	[sflag:s20] =	ssyncset.done $0x0  }
0x32: {  	[sflag:s20] =	ssyncadd.s32 $0xFFFFFC00  }
0x33: {  	[spmem:s15] =	stream.linear.scatter [tilespmem:s19], [sflag:$0x7], $0x400, $0x38;
	[tilespmem:$0x9C00] =	vst v63  }
0x34: {  	_ =	swait.ge [sflag:s20], $0x400  }
0x35: {  	[sflag:s20] =	ssyncset.done $0x0  }
0x36: {  	[sflag:s20] =	ssyncadd.s32 $0xFFFFFC00  }
0x37: {  	[spmem:s16] =	stream.linear.scatter [tilespmem:s19], [sflag:$0x7], $0x400, $0x38;
	[tilespmem:$0x9C00] =	vst v63  }
0x38: {  	_ =	swait.ge [sflag:s20], $0x400  }
0x39: {  	[sflag:s20] =	ssyncset.done $0x0  }
0x3a: {  	[sflag:s20] =	ssyncadd.s32 $0xFFFFFC00  }
0x3b: {  	[spmem:s17] =	stream.linear.scatter [tilespmem:s19], [sflag:$0x7], $0x400, $0x38;
	[tilespmem:$0x9C00] =	vst v63  }
0x3c: {  	_ =	swait.ge [sflag:s20], $0x400  }
0x3d: {  	[sflag:s20] =	ssyncset.done $0x0  }
0x3e: {  	[sflag:s20] =	ssyncadd.s32 $0xFFFFFC00  }
0x3f: {  	[spmem:s18] =	stream.linear.scatter [tilespmem:s19], [sflag:$0x7], $0x400, $0x38;
	[tilespmem:$0x9C00] =	vst v63  }
0x40: {  	_ =	swait.ge [sflag:s20], $0x400  }
0x41: {  	[sflag:s20] =	ssyncset.done $0x0  }
0x42: {  	s7 =	simm.s32 $0x0;
	s9 =	rddreg [dreg:$0x3];
	[sflag:s20] =	ssyncadd.s32 $0xFFFFFC00  }
0x43: {  	[tilespmem:s7], [sflag:$0x7] =	stream.linear.gather [hbm4b:s9+s7], $0x2800, $0x38;
	[tilespmem:$0x9C00] =	vst v63  }
0x44: {  	_ =	swait.ge [sflag:s20], $0x2800  }
0x45: {  	[sflag:s20] =	ssyncset.done $0x0  }
0x46: {  	s9 =	rddreg [dreg:$0x4];
	[sflag:s20] =	ssyncadd.s32 $0xFFFFD800  }
0x47: {  	[tilespmem:s21], [sflag:$0x7] =	stream.linear.gather [hbm4b:s9+s7], $0x2800, $0x38;
	[tilespmem:$0x9C00] =	vst v63  }
0x48: {  	_ =	swait.ge [sflag:s20], $0x2800  }
0x49: {  	[sflag:s20] =	ssyncset.done $0x0  }
0x4a: {  	[sflag:s20] =	ssyncadd.s32 $0xFFFFD800  }
0x4b: {  	[bflag:$0x0] =	sbarrier.arrive $0xFFFF  }
0x4c: {  	[tilespmem:s23], [sflag:$0x1] =	stream.indirect.gather [hbm4b:s4+s22], $0x10, s7, s22, $0xb8;
	[tilespmem:$0x9C00] =	vst v63  }
0x4d: {  	_ = 	snop  }
0x4e: {  	[tilespmem:s24], [sflag:$0x2] =	stream.indirect.gather [hbm4b:s4+s22], $0x10, s22, s22, $0xb8;
	[tilespmem:$0x9C00] =	vst v63  }
0x4f: {  	_ =	swait.ge [sflag:s26], $0x800  }
0x50: {  	[sflag:s26] =	ssyncset.done $0x0  }
0x51: {  	[sflag:s26] =	ssyncadd.s32 $0xFFFFF800  }
0x52: {  	[spmem:s2] =	stream.indirect.scatter.add.f32 [tilespmem:s23], [sflag:$0x5], $0x10, s21, s22, $0xb8;
	[tilespmem:$0x9C00] =	vst v63  }
0x53: {  	s8 =	simm.s32 $0x100  }
0x54: {  	[tilespmem:s29], [sflag:$0x3] =	stream.indirect.gather [hbm4b:s4+s22], $0x10, s8, s22, $0xb8;
	[tilespmem:$0x9C00] =	vst v63  }
0x55: {  	_ =	swait.ge [sflag:s30], $0x800  }
0x56: {  	[sflag:s30] =	ssyncset.done $0x0  }
0x57: {  	s9 =	simm.s32 $0x2880;
	[sflag:s30] =	ssyncadd.s32 $0xFFFFF800  }
0x58: {  	[spmem:s2] =	stream.indirect.scatter.add.f32 [tilespmem:s24], [sflag:$0x6], $0x10, s9, s22, $0xb8;
	[tilespmem:$0x9C00] =	vst v63  }
0x59: {  	s8 =	simm.s32 $0x180  }
0x5a: {  	[tilespmem:s0], [sflag:$0x4] =	stream.indirect.gather [hbm4b:s4+s22], $0x10, s8, s22, $0xb8;
	[tilespmem:$0x9C00] =	vst v63  }
0x5b: {  	_ =	swait.ge [sflag:s28], $0x800  }
0x5c: {  	[sflag:s28] =	ssyncset.done $0x0  }
0x5d: {  	[sflag:s28] =	ssyncadd.s32 $0xFFFFF800  }
0x5e: {  	_ =	swait.ge [sflag:s31], $0x800  }
0x5f: {  	[sflag:s31] =	ssyncset.done $0x0  }
0x60: {  	s9 =	simm.s32 $0x2900;
	[sflag:s31] =	ssyncadd.s32 $0xFFFFF800  }
0x61: {  	[spmem:s2] =	stream.indirect.scatter.add.f32 [tilespmem:s29], [sflag:$0x5], $0x10, s9, s22, $0xb8;
	[tilespmem:$0x9C00] =	vst v63  }
0x62: {  	s8 =	simm.s32 $0x200  }
0x63: {  	[tilespmem:s23], [sflag:$0x1] =	stream.indirect.gather [hbm4b:s4+s22], $0x10, s8, s22, $0xb8;
	[tilespmem:$0x9C00] =	vst v63  }
0x64: {  	_ =	swait.ge [sflag:s1], $0x800  }
0x65: {  	[sflag:s1] =	ssyncset.done $0x0  }
0x66: {  	[sflag:s1] =	ssyncadd.s32 $0xFFFFF800  }
0x67: {  	_ =	swait.ge [sflag:s6], $0x800  }
0x68: {  	[sflag:s6] =	ssyncset.done $0x0  }
0x69: {  	s9 =	simm.s32 $0x2980;
	[sflag:s6] =	ssyncadd.s32 $0xFFFFF800  }
0x6a: {  	[spmem:s2] =	stream.indirect.scatter.add.f32 [tilespmem:s0], [sflag:$0x6], $0x10, s9, s22, $0xb8;
	[tilespmem:$0x9C00] =	vst v63  }
0x6b: {  	s8 =	simm.s32 $0x280  }
0x6c: {  	[tilespmem:s24], [sflag:$0x2] =	stream.indirect.gather [hbm4b:s4+s22], $0x10, s8, s22, $0xb8;
	[tilespmem:$0x9C00] =	vst v63  }
0x6d: {  	_ =	swait.ge [sflag:s26], $0x800  }
0x6e: {  	[sflag:s26] =	ssyncset.done $0x0  }
0x6f: {  	[sflag:s26] =	ssyncadd.s32 $0xFFFFF800  }
0x70: {  	_ =	swait.ge [sflag:s31], $0x800  }
0x71: {  	[sflag:s31] =	ssyncset.done $0x0  }
0x72: {  	s9 =	simm.s32 $0x2A00;
	[sflag:s31] =	ssyncadd.s32 $0xFFFFF800  }
0x73: {  	[spmem:s2] =	stream.indirect.scatter.add.f32 [tilespmem:s23], [sflag:$0x5], $0x10, s9, s22, $0xb8;
	[tilespmem:$0x9C00] =	vst v63  }
0x74: {  	s8 =	simm.s32 $0x300  }
0x75: {  	[tilespmem:s29], [sflag:$0x3] =	stream.indirect.gather [hbm4b:s4+s22], $0x10, s8, s22, $0xb8;
	[tilespmem:$0x9C00] =	vst v63  }
0x76: {  	_ =	swait.ge [sflag:s30], $0x800  }
0x77: {  	[sflag:s30] =	ssyncset.done $0x0  }
0x78: {  	[sflag:s30] =	ssyncadd.s32 $0xFFFFF800  }
0x79: {  	_ =	swait.ge [sflag:s6], $0x800  }
0x7a: {  	[sflag:s6] =	ssyncset.done $0x0  }
0x7b: {  	s9 =	simm.s32 $0x2A80;
	[sflag:s6] =	ssyncadd.s32 $0xFFFFF800  }
0x7c: {  	[spmem:s2] =	stream.indirect.scatter.add.f32 [tilespmem:s24], [sflag:$0x6], $0x10, s9, s22, $0xb8;
	[tilespmem:$0x9C00] =	vst v63  }
0x7d: {  	s8 =	simm.s32 $0x380  }
0x7e: {  	[tilespmem:s0], [sflag:$0x4] =	stream.indirect.gather [hbm4b:s4+s22], $0x10, s8, s22, $0xb8;
	[tilespmem:$0x9C00] =	vst v63  }
0x7f: {  	_ =	swait.ge [sflag:s28], $0x800  }
0x80: {  	[sflag:s28] =	ssyncset.done $0x0  }
0x81: {  	[sflag:s28] =	ssyncadd.s32 $0xFFFFF800  }
0x82: {  	_ =	swait.ge [sflag:s31], $0x800  }
0x83: {  	[sflag:s31] =	ssyncset.done $0x0  }
0x84: {  	s9 =	simm.s32 $0x2B00;
	[sflag:s31] =	ssyncadd.s32 $0xFFFFF800  }
0x85: {  	[spmem:s2] =	stream.indirect.scatter.add.f32 [tilespmem:s29], [sflag:$0x5], $0x10, s9, s22, $0xb8;
	[tilespmem:$0x9C00] =	vst v63  }
0x86: {  	s8 =	simm.s32 $0x400  }
0x87: {  	[tilespmem:s23], [sflag:$0x1] =	stream.indirect.gather [hbm4b:s4+s22], $0x10, s8, s22, $0xb8;
	[tilespmem:$0x9C00] =	vst v63  }
0x88: {  	_ =	swait.ge [sflag:s1], $0x800  }
0x89: {  	[sflag:s1] =	ssyncset.done $0x0  }
0x8a: {  	[sflag:s1] =	ssyncadd.s32 $0xFFFFF800  }
0x8b: {  	_ =	swait.ge [sflag:s6], $0x800  }
0x8c: {  	s7 =	simm.s32 $0x800;
	[sflag:s6] =	ssyncset.done $0x0  }
0x8d: {  	s9 =	simm.s32 $0x2B80;
	s8 =	simm.s32 $0x480;
	[sflag:s6] =	ssyncadd.s32 $0xFFFFF800  }
0x8e: {  	[spmem:s2] =	stream.indirect.scatter.add.f32 [tilespmem:s0], [sflag:$0x6], $0x10, s9, s22, $0xb8;
	[tilespmem:$0x9C00] =	vst v63  }
.LBB2_4:
0x8f: {  	[tilespmem:s24], [sflag:$0x2] =	stream.indirect.gather [hbm4b:s4+s22], $0x10, s8, s22, $0xb8;
	[tilespmem:$0x9C00] =	vst v63  }
0x90: {  	s8 =	smov.u32 s7  }
0x91: {  	p0 =	sne.s32 s7, $0x8800;
	s7 =	sadd.s32 $0x800, s7;
	_ =	swait.ge [sflag:s26], $0x800  }
0x92: {  	[sflag:s26] =	ssyncset.done $0x0  }
0x93: {  	[sflag:s26] =	ssyncadd.s32 $0xFFFFF800  }
0x94: {  	_ =	swait.ge [sflag:s31], $0x800  }
0x95: {  	s8 =	sshra.s32 s8, $0x2;
	[sflag:s31] =	ssyncset.done $0x0  }
0x96: {  	s9 =	sadd.s32 $0x2A00, s8;
	[sflag:s31] =	ssyncadd.s32 $0xFFFFF800  }
0x97: {  	[spmem:s2] =	stream.indirect.scatter.add.f32 [tilespmem:s23], [sflag:$0x5], $0x10, s9, s22, $0xb8;
	[tilespmem:$0x9C00] =	vst v63  }
0x98: {  	s9 =	sadd.s32 $0x300, s8  }
0x99: {  	[tilespmem:s29], [sflag:$0x3] =	stream.indirect.gather [hbm4b:s4+s22], $0x10, s9, s22, $0xb8;
	[tilespmem:$0x9C00] =	vst v63  }
0x9a: {  	_ =	swait.ge [sflag:s30], $0x800  }
0x9b: {  	[sflag:s30] =	ssyncset.done $0x0  }
0x9c: {  	[sflag:s30] =	ssyncadd.s32 $0xFFFFF800  }
0x9d: {  	_ =	swait.ge [sflag:s6], $0x800  }
0x9e: {  	[sflag:s6] =	ssyncset.done $0x0  }
0x9f: {  	s9 =	sadd.s32 $0x2A80, s8;
	[sflag:s6] =	ssyncadd.s32 $0xFFFFF800  }
0xa0: {  	[spmem:s2] =	stream.indirect.scatter.add.f32 [tilespmem:s24], [sflag:$0x6], $0x10, s9, s22, $0xb8;
	[tilespmem:$0x9C00] =	vst v63  }
0xa1: {  	s9 =	sadd.s32 $0x380, s8  }
0xa2: {  	[tilespmem:s0], [sflag:$0x4] =	stream.indirect.gather [hbm4b:s4+s22], $0x10, s9, s22, $0xb8;
	[tilespmem:$0x9C00] =	vst v63  }
0xa3: {  	_ =	swait.ge [sflag:s28], $0x800  }
0xa4: {  	[sflag:s28] =	ssyncset.done $0x0  }
0xa5: {  	[sflag:s28] =	ssyncadd.s32 $0xFFFFF800  }
0xa6: {  	_ =	swait.ge [sflag:s31], $0x800  }
0xa7: {  	[sflag:s31] =	ssyncset.done $0x0  }
0xa8: {  	s9 =	sadd.s32 $0x2B00, s8;
	[sflag:s31] =	ssyncadd.s32 $0xFFFFF800  }
0xa9: {  	[spmem:s2] =	stream.indirect.scatter.add.f32 [tilespmem:s29], [sflag:$0x5], $0x10, s9, s22, $0xb8;
	[tilespmem:$0x9C00] =	vst v63  }
0xaa: {  	s9 =	sadd.s32 $0x400, s8  }
0xab: {  	[tilespmem:s23], [sflag:$0x1] =	stream.indirect.gather [hbm4b:s4+s22], $0x10, s9, s22, $0xb8;
	[tilespmem:$0x9C00] =	vst v63  }
0xac: {  	_ =	swait.ge [sflag:s1], $0x800  }
0xad: {  	[sflag:s1] =	ssyncset.done $0x0  }
0xae: {  	[sflag:s1] =	ssyncadd.s32 $0xFFFFF800  }
.Ltmp1:
0xaf: {  	_ =	swait.ge [sflag:s6], $0x800;
	(pc) =	sbr.rel @p0 .LBB2_4-.Ltmp1, $4  }
0xb0: {  	[sflag:s6] =	ssyncset.done $0x0  }
0xb1: {  	s9 =	sadd.s32 $0x2B80, s8;
	[sflag:s6] =	ssyncadd.s32 $0xFFFFF800  }
0xb2: {  	[spmem:s2] =	stream.indirect.scatter.add.f32 [tilespmem:s0], [sflag:$0x6], $0x10, s9, s22, $0xb8;
	[tilespmem:$0x9C00] =	vst v63  }
0xb3: {  	s8 =	sadd.s32 $0x480, s8  }
0xb4: {  	[tilespmem:s24], [sflag:$0x2] =	stream.indirect.gather [hbm4b:s4+s22], $0x10, s8, s22, $0xb8;
	[tilespmem:$0x9C00] =	vst v63  }
0xb5: {  	_ =	swait.ge [sflag:s26], $0x800  }
0xb6: {  	[sflag:s26] =	ssyncset.done $0x0  }
0xb7: {  	[sflag:s26] =	ssyncadd.s32 $0xFFFFF800  }
0xb8: {  	_ =	swait.ge [sflag:s31], $0x800  }
0xb9: {  	[sflag:s31] =	ssyncset.done $0x0  }
0xba: {  	s7 =	simm.s32 $0x4E00;
	[sflag:s31] =	ssyncadd.s32 $0xFFFFF800  }
0xbb: {  	[spmem:s2] =	stream.indirect.scatter.add.f32 [tilespmem:s23], [sflag:$0x5], $0x10, s7, s22, $0xb8;
	[tilespmem:$0x9C00] =	vst v63  }
0xbc: {  	s9 =	simm.s32 $0x2700  }
0xbd: {  	[tilespmem:s29], [sflag:$0x3] =	stream.indirect.gather [hbm4b:s4+s22], $0x10, s9, s22, $0xb8;
	[tilespmem:$0x9C00] =	vst v63  }
0xbe: {  	_ =	swait.ge [sflag:s30], $0x800  }
0xbf: {  	[sflag:s30] =	ssyncset.done $0x0  }
0xc0: {  	[sflag:s30] =	ssyncadd.s32 $0xFFFFF800  }
0xc1: {  	_ =	swait.ge [sflag:s6], $0x800  }
0xc2: {  	[sflag:s6] =	ssyncset.done $0x0  }
0xc3: {  	s8 =	simm.s32 $0x4E80;
	[sflag:s6] =	ssyncadd.s32 $0xFFFFF800  }
0xc4: {  	[spmem:s2] =	stream.indirect.scatter.add.f32 [tilespmem:s24], [sflag:$0x6], $0x10, s8, s22, $0xb8;
	[tilespmem:$0x9C00] =	vst v63  }
0xc5: {  	s9 =	simm.s32 $0x2780  }
0xc6: {  	[tilespmem:s0], [sflag:$0x4] =	stream.indirect.gather [hbm4b:s4+s22], $0x10, s9, s22, $0xb8;
	[tilespmem:$0x9C00] =	vst v63  }
0xc7: {  	_ =	swait.ge [sflag:s28], $0x800  }
0xc8: {  	[sflag:s28] =	ssyncset.done $0x0  }
0xc9: {  	[sflag:s28] =	ssyncadd.s32 $0xFFFFF800  }
0xca: {  	_ =	swait.ge [sflag:s31], $0x800  }
0xcb: {  	[sflag:s31] =	ssyncset.done $0x0  }
0xcc: {  	s8 =	simm.s32 $0x4F00;
	[sflag:s31] =	ssyncadd.s32 $0xFFFFF800  }
0xcd: {  	[spmem:s2] =	stream.indirect.scatter.add.f32 [tilespmem:s29], [sflag:$0x5], $0x10, s8, s22, $0xb8;
	[tilespmem:$0x9C00] =	vst v63  }
0xce: {  	_ =	swait.ge [sflag:s1], $0x800  }
0xcf: {  	[sflag:s1] =	ssyncset.done $0x0  }
0xd0: {  	[sflag:s1] =	ssyncadd.s32 $0xFFFFF800  }
0xd1: {  	_ =	swait.ge [sflag:s6], $0x800  }
0xd2: {  	[sflag:s6] =	ssyncset.done $0x0  }
0xd3: {  	s9 =	simm.s32 $0x4F80;
	[sflag:s6] =	ssyncadd.s32 $0xFFFFF800  }
0xd4: {  	[spmem:s2] =	stream.indirect.scatter.add.f32 [tilespmem:s0], [sflag:$0x6], $0x10, s9, s22, $0xb8;
	[tilespmem:$0x9C00] =	vst v63  }
0xd5: {  	_ =	swait.ge [sflag:s31], $0x800  }
0xd6: {  	[sflag:s31] =	ssyncset.done $0x0  }
0xd7: {  	[sflag:s31] =	ssyncadd.s32 $0xFFFFF800  }
0xd8: {  	_ =	swait.ge [sflag:s6], $0x800  }
0xd9: {  	[sflag:s6] =	ssyncset.done $0x0  }
0xda: {  	s8 =	stileid.u32;
	[sflag:s6] =	ssyncadd.s32 $0xFFFFF800  }
0xdb: {  	s7 =	sshll.u32 s8, $0x6;
	[bflag:$0x0] =	sbarrier.arrive $0xFFFF  }
0xdc: {  	s7 =	sor.u32 $0x1C07, s7;
	s9 =	rddreg [dreg:$0x5]  }
0xdd: {  	[hbm:s9], [sflag:s7] =	dma.local [spmem:s25], $0x500  }
0xde: {  	_ =	swait.ge [sflag:s20], $0x500  }
0xdf: {  	s3 =	sadd.s32 $0x1, s3;
	s9 =	rddreg [dreg:$0x6]  }
0xe0: {  	p0 =	sne.s32 s3, s9  }
.Ltmp2:
0xe1: {  	_ = 	snop;
	(pc) =	sbr.rel @p0 .LBB2_1-.Ltmp2, $3  }
0xe2: {  	_ =	sdelay $0x1  }
0xe3: {  	[sflag:s20] =	ssyncset.done $0x0  }
0xe4: {  	[sflag:s20] =	ssyncadd.s32 $0xFFFFFB00  }
0xe5: {  	_ =	sfence.sel $0x180000  }
0xe6: {  	[bflag:$0x0] =	sbarrier.arrive $0xFFFF  }
0xe7: {  	_ =	strace $0x90000050  }
0xe8: {  	s0 =	stileid.u32;
	[bflag:$0x2] =	sbarrier.arrive $0xFFFF  }
0xe9: {  	p0 =	sne.s32 s0, $0x0;
	s0 =	rddreg [dreg:$0x2]  }
0xea: {  	s0 =	sadd.s32 @!p0 $0x100000, s0  }
0xeb: {  	[sflag:s0] =	ssyncadd.tile.s32 @!p0 $0x1;
	_ =	shalt  }
.Lfunc_end2:
_tile_overlayer_lowered:
.L_overlay_start_2:
0xec: {  	(tag) =	ssettag $0x2  }
0xed: {  	s0 =	rddreg [dreg:$0x0];
	s2 =	stileid.u32  }
0xee: {  	s1 =	rddreg [dreg:$0x1];
	p0 =	sne.s32 s2, $0x0  }
0xef: {  	s3 =	rddreg [dreg:$0x2];
	[bflag:$0x3] =	sbarrier.arrive $0xFFFF;
	s2 =	simm.s32 @!p0 $0x1C07  }
0xf0: {  	[timem:s3], [sflag:s2] =	dma.local @!p0 [hbm:s0], s1  }
0xf1: {  	s0 =	simm.s32 @!p0 $0x7  }
0xf2: {  	_ =	swait.ge @!p0 [sflag:s0], s1  }
0xf3: {  	s1 =	ssub.s32 @!p0 $0x0, s1;
	[sflag:s0] =	ssyncset.done @!p0 $0x0  }
0xf4: {  	[sflag:s0] =	ssyncadd.s32 @!p0 s1  }
0xf5: {  	[bflag:$0x3] =	sbarrier.arrive $0xFFFF  }
0xf6: {  	_ =	shalt  }

</sc_bundles>
